<compile_context>
chip_gen: v7x
topology: tpu7x:2x2x1
jax: 0.10.2.dev20260603
libtpu: 0.0.44.dev20260713+nightly
codegen_flags: <defaults>
</compile_context>

<pallas_src>
import jax
import jax.numpy as jnp
from jax import lax
from jax.experimental import pallas as pl
from jax.experimental.pallas import tpu as pltpu
from jax.experimental.pallas import tpu_sc as plsc

N = 10000
D = 128
T = 8
E = 320000

NC, NS = 2, 16
NW = NC * NS
CHUNK = 64
N_P = 10112
ROWS_PER_TILE = N_P // NS
BAND = 320
E_P = NS * BAND * CHUNK
SLAB = 32
PAIRS = SLAB // 2
CH0 = 224
CH1 = BAND - CH0
DW = 128

_mesh = plsc.VectorSubcoreMesh(core_axis_name="c", subcore_axis_name="s")

_pieces = []
_off = 0
while _off < ROWS_PER_TILE:
    _sz = min(CHUNK, ROWS_PER_TILE - _off)
    _pieces.append((_off, _sz))
    _off += _sz


def _sc_shell(body_mid):

    def body(acc_sh, buf_a, buf_b, sem_a, sem_b, zacc_hbm, acc_out, c, s):
        base = s * ROWS_PER_TILE
        pltpu.sync_copy(zacc_hbm, buf_a)
        for o, z in _pieces:
            pltpu.async_copy(buf_a.at[pl.ds(0, z), :],
                             acc_sh.at[pl.ds(base + o, z), :], sem_a)
        for o, z in _pieces:
            pltpu.make_async_copy(buf_a.at[pl.ds(0, z), :],
                                  acc_sh.at[pl.ds(base + o, z), :],
                                  sem_a).wait()
        plsc.subcore_barrier()
        body_mid()
        plsc.subcore_barrier()
        np_ = len(_pieces)
        for i, (o, z) in enumerate(_pieces):
            buf, sem = (buf_a, sem_a) if i % 2 == 0 else (buf_b, sem_b)
            if i >= 2:
                po, pz = _pieces[i - 2]
                pltpu.make_async_copy(
                    buf.at[pl.ds(0, pz), :],
                    acc_out.at[c, pl.ds(base + po, pz), :], sem).wait()
            pltpu.sync_copy(acc_sh.at[pl.ds(base + o, z), :],
                            buf.at[pl.ds(0, z), :])
            pltpu.async_copy(buf.at[pl.ds(0, z), :],
                             acc_out.at[c, pl.ds(base + o, z), :], sem)
        for i in (np_ - 2, np_ - 1):
            o, z = _pieces[i]
            buf, sem = (buf_a, sem_a) if i % 2 == 0 else (buf_b, sem_b)
            pltpu.make_async_copy(buf.at[pl.ds(0, z), :],
                                  acc_out.at[c, pl.ds(base + o, z), :],
                                  sem).wait()

    return body


def _make_sc_agg():
    scratch = [
        pltpu.VMEM((SLAB, CHUNK), jnp.int32),
        pltpu.VMEM((SLAB, CHUNK), jnp.int32),
        pltpu.VMEM((CHUNK, D), jnp.float32),
        pltpu.VMEM((CHUNK, D), jnp.float32),
        pltpu.VMEM_SHARED((N_P, D), jnp.float32),
        pltpu.SemaphoreType.DMA,
        pltpu.SemaphoreType.DMA,
        pltpu.SemaphoreType.DMA,
        pltpu.SemaphoreType.DMA,
    ]

    def body(x_hbm, srcs_hbm, dsts_hbm, zacc_hbm, acc_out,
             src_v, dst_v, rows0, rows1, acc_sh, sg0, sg1, ss0, ss1):
        c = lax.axis_index("c")
        s = lax.axis_index("s")

        def wait_gather(buf, sem):
            pltpu.make_async_copy(x_hbm.at[src_v.at[0]], buf, sem).wait()

        def wait_scatter(buf, sem):
            pltpu.make_async_copy(buf, acc_sh.at[dst_v.at[0]], sem).wait()

        def run_chunks(start, n_chunks):
            def pair_step(t, carry):
                a = 2 * t
                b = a + 1

                @pl.when(t > 0)
                def _():
                    wait_scatter(rows1, ss1)

                wait_gather(rows0, sg0)
                pltpu.async_copy(x_hbm.at[src_v.at[b]], rows1, sg1)
                pltpu.async_copy(rows0, acc_sh.at[dst_v.at[a]], ss0, add=True)
                wait_gather(rows1, sg1)
                wait_scatter(rows0, ss0)

                @pl.when(t < PAIRS - 1)
                def _():
                    pltpu.async_copy(x_hbm.at[src_v.at[a + 2]], rows0, sg0)

                pltpu.async_copy(rows1, acc_sh.at[dst_v.at[b]], ss1, add=True)
                return carry

            def slab_step(g, carry):
                off = start + g * SLAB
                pltpu.sync_copy(srcs_hbm.at[s, pl.ds(off, SLAB), :], src_v)
                pltpu.sync_copy(dsts_hbm.at[s, pl.ds(off, SLAB), :], dst_v)
                pltpu.async_copy(x_hbm.at[src_v.at[0]], rows0, sg0)
                lax.fori_loop(0, PAIRS, pair_step, 0)
                wait_scatter(rows1, ss1)
                return carry

            lax.fori_loop(0, n_chunks // SLAB, slab_step, 0)

        def mid():
            @pl.when(c == 0)
            def _():
                run_chunks(0, CH0)

            @pl.when(c == 1)
            def _():
                run_chunks(CH0, CH1)

        _sc_shell(mid)(acc_sh, rows0, rows1, sg0, sg1, zacc_hbm, acc_out, c, s)

    return pl.kernel(body,
                     out_type=jax.ShapeDtypeStruct((NC, N_P, D), jnp.float32),
                     mesh=_mesh, scratch_types=scratch)


def _make_sc_deg():
    GRP = 8
    scratch = [
        pltpu.VMEM((SLAB, CHUNK), jnp.int32),
        pltpu.VMEM((CHUNK, DW), jnp.float32),
        pltpu.VMEM((CHUNK, DW), jnp.float32),
        pltpu.VMEM_SHARED((N_P, DW), jnp.float32),
        pltpu.SemaphoreType.DMA,
        pltpu.SemaphoreType.DMA,
    ]

    def body(dsts_hbm, zacc_hbm, ones_hbm, acc_out,
             dst_v, ones_v, buf_b, acc_sh, sem, sem_b):
        c = lax.axis_index("c")
        s = lax.axis_index("s")

        def mid():
            pltpu.sync_copy(ones_hbm, ones_v)

            def grp_step(q, carry):
                for j in range(GRP):
                    pltpu.async_copy(ones_v, acc_sh.at[dst_v.at[q * GRP + j]],
                                     sem, add=True)
                for j in range(GRP):
                    pltpu.make_async_copy(ones_v, acc_sh.at[dst_v.at[0]],
                                          sem).wait()
                return carry

            def slab_step(g, carry):
                off = c * (BAND // 2) + g * SLAB
                pltpu.sync_copy(dsts_hbm.at[s, pl.ds(off, SLAB), :], dst_v)
                lax.fori_loop(0, SLAB // GRP, grp_step, 0)
                return carry

            lax.fori_loop(0, (BAND // 2) // SLAB, slab_step, 0)

        _sc_shell(mid)(acc_sh, ones_v, buf_b, sem, sem_b, zacc_hbm, acc_out, c, s)

    return pl.kernel(body,
                     out_type=jax.ShapeDtypeStruct((NC, N_P, DW), jnp.float32),
                     mesh=_mesh, scratch_types=scratch)


_sc_agg = _make_sc_agg()
_sc_deg = _make_sc_deg()

_B = 2528


def _make_tc_linear(relu):
    def body(p0_ref, p1_ref, d0_ref, d1_ref, tp_ref, w_ref, b_ref, o_ref):
        deg = d0_ref[:, 0:1] + d1_ref[:, 0:1]
        deg = jnp.maximum(deg, 1.0)
        agg = (p0_ref[...] + p1_ref[...]) / deg
        t = tp_ref[...]
        acc = jnp.zeros((_B, D), jnp.float32)
        for k in range(T):
            h = jnp.dot(agg, w_ref[k], preferred_element_type=jnp.float32)
            h = h + b_ref[k][None, :]
            acc = jnp.where(t == k, h, acc)
        if relu:
            acc = jnp.maximum(acc, 0.0)
        o_ref[...] = acc

    return pl.pallas_call(
        body,
        grid=(N_P // _B,),
        in_specs=[
            pl.BlockSpec((_B, D), lambda i: (i, 0)),
            pl.BlockSpec((_B, D), lambda i: (i, 0)),
            pl.BlockSpec((_B, DW), lambda i: (i, 0)),
            pl.BlockSpec((_B, DW), lambda i: (i, 0)),
            pl.BlockSpec((_B, 1), lambda i: (i, 0)),
            pl.BlockSpec((T, D, D), lambda i: (0, 0, 0)),
            pl.BlockSpec((T, D), lambda i: (0, 0)),
        ],
        out_specs=pl.BlockSpec((_B, D), lambda i: (i, 0)),
        out_shape=jax.ShapeDtypeStruct((N_P, D), jnp.float32),
    )


_tc_linear_relu = _make_tc_linear(True)
_tc_linear = _make_tc_linear(False)


def kernel(features, edge_index, node_types, W1, b1, W2, b2):
    x = jnp.pad(features.astype(jnp.float32), ((0, N_P - N), (0, 0)))
    src = jnp.pad(edge_index[0].astype(jnp.int32), (0, E_P - E))
    dst = jnp.pad(edge_index[1].astype(jnp.int32), (0, E_P - E),
                  constant_values=N)
    srcs = src.reshape(NS, BAND, CHUNK)
    dsts = dst.reshape(NS, BAND, CHUNK)
    tp = jnp.pad(node_types.astype(jnp.int32), (0, N_P - N)).reshape(N_P, 1)
    zacc = jnp.zeros((CHUNK, D), jnp.float32)
    zacc64 = jnp.zeros((CHUNK, DW), jnp.float32)
    ones64 = jnp.ones((CHUNK, DW), jnp.float32)

    dpart = _sc_deg(dsts, zacc64, ones64)
    acc1 = _sc_agg(x, srcs, dsts, zacc)
    h1 = _tc_linear_relu(acc1[0], acc1[1], dpart[0], dpart[1], tp, W1, b1)
    acc2 = _sc_agg(h1, srcs, dsts, zacc)
    h2 = _tc_linear(acc2[0], acc2[1], dpart[0], dpart[1], tp, W2, b2)
    return h2[:N]

# --- scband reference (transcript-rebuilt; emitter-appended) ---
"""Pipeline reference for scband-func-gcn-81106162417983 (READ-ONLY COPY).

The authoritative reference and input builder live on the scoring server;
editing this copy changes nothing except your own understanding.
"""

import jax, jax.numpy as jnp
import numpy as np

N = 10000   # n_nodes
E = 320000  # n_edges (avg_degree=32)
D = 128     # in_dim
H = 128     # hidden_dim == out_dim
T = 8       # ntypes (gate/function types)


def setup_inputs(seed: int = 0) -> dict:
    key = jax.random.key(seed)
    k1, k2, k3, k4, k5 = jax.random.split(key, 5)
    features = jax.random.normal(k1, (N, D), dtype=jnp.float32)
    edge_index = jax.random.randint(k2, (2, E), 0, N)
    node_types = jax.random.randint(k3, (N,), 0, T)
    W1 = jax.random.normal(k4, (T, D, H), dtype=jnp.float32) * 0.05
    b1 = jnp.zeros((T, H), dtype=jnp.float32)
    W2 = jax.random.normal(k5, (T, H, H), dtype=jnp.float32) * 0.05
    b2 = jnp.zeros((T, H), dtype=jnp.float32)
    return {"features": features, "edge_index": edge_index, "node_types": node_types,
            "W1": W1, "b1": b1, "W2": W2, "b2": b2}


def _function_conv(x, edge_index, node_types, W, b, act_flag):
    # FunctionConv: mean-aggregate neighbor messages, then apply a per-node-type
    # (per-gate-function) linear transform, optional activation (relu).
    src = edge_index[0]
    dst = edge_index[1]
    msg = jnp.take(x, src, axis=0)                                  # gather  [E, D]
    agg = jax.ops.segment_sum(msg, dst, num_segments=N)             # scatter-add [N, D]
    deg = jax.ops.segment_sum(jnp.ones((E,), dtype=x.dtype), dst, num_segments=N)
    agg = agg / jnp.clip(deg, 1.0)[:, None]                         # mean aggregation
    # per-type linear: compute for all T types, then select by node type
    h_all = jnp.einsum('nd,tdh->tnh', agg, W) + b[:, None, :]       # [T, N, H]
    h = jnp.take_along_axis(h_all, node_types[None, :, None], axis=0)[0]  # [N, H]
    if act_flag:
        h = jax.nn.relu(h)
    return h


def reference(features, edge_index, node_types, W1, b1, W2, b2):
    # depth = len(blocks) = 2; dropout p=0.0 is identity between layers.
    # Layer 0: act_flag = True (not last); Layer 1: act_flag = False.
    h = _function_conv(features, edge_index, node_types, W1, b1, True)
    # dropout(p=0.0) -> identity
    h = _function_conv(h, edge_index, node_types, W2, b2, False)
    # hidden_dim == out_dim, so fc_out is skipped; h.squeeze(1) is a no-op for [N, 128]
    return h


if False:  # reference __main__ guard neutralized (emitter)
    out = reference(**setup_inputs())
    print(out.shape, out.dtype)

if __name__ == "__main__":
    import jax
    _d = setup_inputs()
    print(jax.jit(kernel)(*tuple(_d.values())))

</pallas_src>

<mosaic_0001>
#map = affine_map<(d0, d1) -> (0, 0)>
#map1 = affine_map<(d0, d1) -> (0, 0, 0)>
module attributes {stable_mosaic.version = 14 : i64} {
  func.func @body(%arg0: i32, %arg1: i32, %arg2: memref<10112x128xf32, #tpu.memory_space<hbm>>, %arg3: memref<16x320x64xi32, #tpu.memory_space<hbm>>, %arg4: memref<16x320x64xi32, #tpu.memory_space<hbm>>, %arg5: memref<64x128xf32, #tpu.memory_space<hbm>>, %arg6: memref<2x10112x128xf32, #tpu.memory_space<hbm>>, %arg7: memref<32x64xi32, #tpu.memory_space<vmem>>, %arg8: memref<32x64xi32, #tpu.memory_space<vmem>>, %arg9: memref<64x128xf32, #tpu.memory_space<vmem>>, %arg10: memref<64x128xf32, #tpu.memory_space<vmem>>, %arg11: memref<10112x128xf32, #tpu.memory_space<vmem_shared>>, %arg12: memref<!tpu.dma_semaphore, #tpu.memory_space<semaphore_mem>>, %arg13: memref<!tpu.dma_semaphore, #tpu.memory_space<semaphore_mem>>, %arg14: memref<!tpu.dma_semaphore, #tpu.memory_space<semaphore_mem>>, %arg15: memref<!tpu.dma_semaphore, #tpu.memory_space<semaphore_mem>>) attributes {dimension_semantics = [#tpu.dimension_semantics<core_parallel>, #tpu.dimension_semantics<subcore_parallel>], iteration_bounds = array<i64: 2, 16>, scalar_prefetch = 0 : i64, scratch_operands = 9 : i64, tpu.core_type = #tpu.core_type<sc_vector_subcore>, window_params = [{transform_indices = #map}, {transform_indices = #map1}, {transform_indices = #map1}, {transform_indices = #map}, {transform_indices = #map1}]} {
    %mul3A = arith.constant 632 : i32
    %mul3A_0 = arith.muli %arg1, %mul3A : i32
    "tpu.region"() ({
      %run_scoped3A = tpu.sem_alloc : memref<!tpu.dma_semaphore, #tpu.memory_space<semaphore_mem>>
      tpu.enqueue_dma source(%arg5 : memref<64x128xf32, #tpu.memory_space<hbm>>) target(%arg9 : memref<64x128xf32, #tpu.memory_space<vmem>>) target_semaphore(%run_scoped3A : memref<!tpu.dma_semaphore, #tpu.memory_space<semaphore_mem>>)
      tpu.wait_dma2 semaphore(%run_scoped3A : memref<!tpu.dma_semaphore, #tpu.memory_space<semaphore_mem>>) src(%arg5 : memref<64x128xf32, #tpu.memory_space<hbm>>) dst(%arg9 : memref<64x128xf32, #tpu.memory_space<vmem>>)
      tpu.yield
    }) : () -> ()
    %add3A = arith.constant 0 : i32
    %add3A_1 = arith.addi %mul3A_0, %add3A : i32
    %dma_start3A = arith.constant 0 : i32
    %dma_start3A_2 = arith.constant 0 : i32
    %dma_start3A_3 = tpu.memref_slice %arg9[%dma_start3A, %dma_start3A_2] : memref<64x128xf32, #tpu.memory_space<vmem>> -> memref<64x128xf32, #tpu.memory_space<vmem>>
    %dma_start3A_4 = arith.constant 0 : i32
    %dma_start3A_5 = tpu.memref_slice %arg11[%add3A_1, %dma_start3A_4] : memref<10112x128xf32, #tpu.memory_space<vmem_shared>> -> memref<64x128xf32, #tpu.memory_space<vmem_shared>>
    %dma_start3A_6 = arith.constant 0 : i32
    %dma_start3A_7 = tpu.memref_slice %arg11[%add3A_1, %dma_start3A_6] : memref<10112x128xf32, #tpu.memory_space<vmem_shared>> -> memref<64x128xf32, #tpu.memory_space<vmem_shared>>
    %dma_start3A_8 = arith.constant 0 : i32
    %dma_start3A_9 = arith.constant 0 : i32
    %dma_start3A_10 = tpu.memref_slice %arg9[%dma_start3A_8, %dma_start3A_9] : memref<64x128xf32, #tpu.memory_space<vmem>> -> memref<64x128xf32, #tpu.memory_space<vmem>>
    tpu.enqueue_dma source(%dma_start3A_10 : memref<64x128xf32, #tpu.memory_space<vmem>>) target(%dma_start3A_7 : memref<64x128xf32, #tpu.memory_space<vmem_shared>>) target_semaphore(%arg12 : memref<!tpu.dma_semaphore, #tpu.memory_space<semaphore_mem>>)
    %add3A_11 = arith.constant 64 : i32
    %add3A_12 = arith.addi %mul3A_0, %add3A_11 : i32
    %dma_start3A_13 = arith.constant 0 : i32
    %dma_start3A_14 = arith.constant 0 : i32
    %dma_start3A_15 = tpu.memref_slice %arg9[%dma_start3A_13, %dma_start3A_14] : memref<64x128xf32, #tpu.memory_space<vmem>> -> memref<64x128xf32, #tpu.memory_space<vmem>>
    %dma_start3A_16 = arith.constant 0 : i32
    %dma_start3A_17 = tpu.memref_slice %arg11[%add3A_12, %dma_start3A_16] : memref<10112x128xf32, #tpu.memory_space<vmem_shared>> -> memref<64x128xf32, #tpu.memory_space<vmem_shared>>
    %dma_start3A_18 = arith.constant 0 : i32
    %dma_start3A_19 = tpu.memref_slice %arg11[%add3A_12, %dma_start3A_18] : memref<10112x128xf32, #tpu.memory_space<vmem_shared>> -> memref<64x128xf32, #tpu.memory_space<vmem_shared>>
    %dma_start3A_20 = arith.constant 0 : i32
    %dma_start3A_21 = arith.constant 0 : i32
    %dma_start3A_22 = tpu.memref_slice %arg9[%dma_start3A_20, %dma_start3A_21] : memref<64x128xf32, #tpu.memory_space<vmem>> -> memref<64x128xf32, #tpu.memory_space<vmem>>
    tpu.enqueue_dma source(%dma_start3A_22 : memref<64x128xf32, #tpu.memory_space<vmem>>) target(%dma_start3A_19 : memref<64x128xf32, #tpu.memory_space<vmem_shared>>) target_semaphore(%arg12 : memref<!tpu.dma_semaphore, #tpu.memory_space<semaphore_mem>>)
    %add3A_23 = arith.constant 128 : i32
    %add3A_24 = arith.addi %mul3A_0, %add3A_23 : i32
    %dma_start3A_25 = arith.constant 0 : i32
    %dma_start3A_26 = arith.constant 0 : i32
    %dma_start3A_27 = tpu.memref_slice %arg9[%dma_start3A_25, %dma_start3A_26] : memref<64x128xf32, #tpu.memory_space<vmem>> -> memref<64x128xf32, #tpu.memory_space<vmem>>
    %dma_start3A_28 = arith.constant 0 : i32
    %dma_start3A_29 = tpu.memref_slice %arg11[%add3A_24, %dma_start3A_28] : memref<10112x128xf32, #tpu.memory_space<vmem_shared>> -> memref<64x128xf32, #tpu.memory_space<vmem_shared>>
    %dma_start3A_30 = arith.constant 0 : i32
    %dma_start3A_31 = tpu.memref_slice %arg11[%add3A_24, %dma_start3A_30] : memref<10112x128xf32, #tpu.memory_space<vmem_shared>> -> memref<64x128xf32, #tpu.memory_space<vmem_shared>>
    %dma_start3A_32 = arith.constant 0 : i32
    %dma_start3A_33 = arith.constant 0 : i32
    %dma_start3A_34 = tpu.memref_slice %arg9[%dma_start3A_32, %dma_start3A_33] : memref<64x128xf32, #tpu.memory_space<vmem>> -> memref<64x128xf32, #tpu.memory_space<vmem>>
    tpu.enqueue_dma source(%dma_start3A_34 : memref<64x128xf32, #tpu.memory_space<vmem>>) target(%dma_start3A_31 : memref<64x128xf32, #tpu.memory_space<vmem_shared>>) target_semaphore(%arg12 : memref<!tpu.dma_semaphore, #tpu.memory_space<semaphore_mem>>)
    %add3A_35 = arith.constant 192 : i32
    %add3A_36 = arith.addi %mul3A_0, %add3A_35 : i32
    %dma_start3A_37 = arith.constant 0 : i32
    %dma_start3A_38 = arith.constant 0 : i32
    %dma_start3A_39 = tpu.memref_slice %arg9[%dma_start3A_37, %dma_start3A_38] : memref<64x128xf32, #tpu.memory_space<vmem>> -> memref<64x128xf32, #tpu.memory_space<vmem>>
    %dma_start3A_40 = arith.constant 0 : i32
    %dma_start3A_41 = tpu.memref_slice %arg11[%add3A_36, %dma_start3A_40] : memref<10112x128xf32, #tpu.memory_space<vmem_shared>> -> memref<64x128xf32, #tpu.memory_space<vmem_shared>>
    %dma_start3A_42 = arith.constant 0 : i32
    %dma_start3A_43 = tpu.memref_slice %arg11[%add3A_36, %dma_start3A_42] : memref<10112x128xf32, #tpu.memory_space<vmem_shared>> -> memref<64x128xf32, #tpu.memory_space<vmem_shared>>
    %dma_start3A_44 = arith.constant 0 : i32
    %dma_start3A_45 = arith.constant 0 : i32
    %dma_start3A_46 = tpu.memref_slice %arg9[%dma_start3A_44, %dma_start3A_45] : memref<64x128xf32, #tpu.memory_space<vmem>> -> memref<64x128xf32, #tpu.memory_space<vmem>>
    tpu.enqueue_dma source(%dma_start3A_46 : memref<64x128xf32, #tpu.memory_space<vmem>>) target(%dma_start3A_43 : memref<64x128xf32, #tpu.memory_space<vmem_shared>>) target_semaphore(%arg12 : memref<!tpu.dma_semaphore, #tpu.memory_space<semaphore_mem>>)
    %add3A_47 = arith.constant 256 : i32
    %add3A_48 = arith.addi %mul3A_0, %add3A_47 : i32
    %dma_start3A_49 = arith.constant 0 : i32
    %dma_start3A_50 = arith.constant 0 : i32
    %dma_start3A_51 = tpu.memref_slice %arg9[%dma_start3A_49, %dma_start3A_50] : memref<64x128xf32, #tpu.memory_space<vmem>> -> memref<64x128xf32, #tpu.memory_space<vmem>>
    %dma_start3A_52 = arith.constant 0 : i32
    %dma_start3A_53 = tpu.memref_slice %arg11[%add3A_48, %dma_start3A_52] : memref<10112x128xf32, #tpu.memory_space<vmem_shared>> -> memref<64x128xf32, #tpu.memory_space<vmem_shared>>
    %dma_start3A_54 = arith.constant 0 : i32
    %dma_start3A_55 = tpu.memref_slice %arg11[%add3A_48, %dma_start3A_54] : memref<10112x128xf32, #tpu.memory_space<vmem_shared>> -> memref<64x128xf32, #tpu.memory_space<vmem_shared>>
    %dma_start3A_56 = arith.constant 0 : i32
    %dma_start3A_57 = arith.constant 0 : i32
    %dma_start3A_58 = tpu.memref_slice %arg9[%dma_start3A_56, %dma_start3A_57] : memref<64x128xf32, #tpu.memory_space<vmem>> -> memref<64x128xf32, #tpu.memory_space<vmem>>
    tpu.enqueue_dma source(%dma_start3A_58 : memref<64x128xf32, #tpu.memory_space<vmem>>) target(%dma_start3A_55 : memref<64x128xf32, #tpu.memory_space<vmem_shared>>) target_semaphore(%arg12 : memref<!tpu.dma_semaphore, #tpu.memory_space<semaphore_mem>>)
    %add3A_59 = arith.constant 320 : i32
    %add3A_60 = arith.addi %mul3A_0, %add3A_59 : i32
    %dma_start3A_61 = arith.constant 0 : i32
    %dma_start3A_62 = arith.constant 0 : i32
    %dma_start3A_63 = tpu.memref_slice %arg9[%dma_start3A_61, %dma_start3A_62] : memref<64x128xf32, #tpu.memory_space<vmem>> -> memref<64x128xf32, #tpu.memory_space<vmem>>
    %dma_start3A_64 = arith.constant 0 : i32
    %dma_start3A_65 = tpu.memref_slice %arg11[%add3A_60, %dma_start3A_64] : memref<10112x128xf32, #tpu.memory_space<vmem_shared>> -> memref<64x128xf32, #tpu.memory_space<vmem_shared>>
    %dma_start3A_66 = arith.constant 0 : i32
    %dma_start3A_67 = tpu.memref_slice %arg11[%add3A_60, %dma_start3A_66] : memref<10112x128xf32, #tpu.memory_space<vmem_shared>> -> memref<64x128xf32, #tpu.memory_space<vmem_shared>>
    %dma_start3A_68 = arith.constant 0 : i32
    %dma_start3A_69 = arith.constant 0 : i32
    %dma_start3A_70 = tpu.memref_slice %arg9[%dma_start3A_68, %dma_start3A_69] : memref<64x128xf32, #tpu.memory_space<vmem>> -> memref<64x128xf32, #tpu.memory_space<vmem>>
    tpu.enqueue_dma source(%dma_start3A_70 : memref<64x128xf32, #tpu.memory_space<vmem>>) target(%dma_start3A_67 : memref<64x128xf32, #tpu.memory_space<vmem_shared>>) target_semaphore(%arg12 : memref<!tpu.dma_semaphore, #tpu.memory_space<semaphore_mem>>)
    %add3A_71 = arith.constant 384 : i32
    %add3A_72 = arith.addi %mul3A_0, %add3A_71 : i32
    %dma_start3A_73 = arith.constant 0 : i32
    %dma_start3A_74 = arith.constant 0 : i32
    %dma_start3A_75 = tpu.memref_slice %arg9[%dma_start3A_73, %dma_start3A_74] : memref<64x128xf32, #tpu.memory_space<vmem>> -> memref<64x128xf32, #tpu.memory_space<vmem>>
    %dma_start3A_76 = arith.constant 0 : i32
    %dma_start3A_77 = tpu.memref_slice %arg11[%add3A_72, %dma_start3A_76] : memref<10112x128xf32, #tpu.memory_space<vmem_shared>> -> memref<64x128xf32, #tpu.memory_space<vmem_shared>>
    %dma_start3A_78 = arith.constant 0 : i32
    %dma_start3A_79 = tpu.memref_slice %arg11[%add3A_72, %dma_start3A_78] : memref<10112x128xf32, #tpu.memory_space<vmem_shared>> -> memref<64x128xf32, #tpu.memory_space<vmem_shared>>
    %dma_start3A_80 = arith.constant 0 : i32
    %dma_start3A_81 = arith.constant 0 : i32
    %dma_start3A_82 = tpu.memref_slice %arg9[%dma_start3A_80, %dma_start3A_81] : memref<64x128xf32, #tpu.memory_space<vmem>> -> memref<64x128xf32, #tpu.memory_space<vmem>>
    tpu.enqueue_dma source(%dma_start3A_82 : memref<64x128xf32, #tpu.memory_space<vmem>>) target(%dma_start3A_79 : memref<64x128xf32, #tpu.memory_space<vmem_shared>>) target_semaphore(%arg12 : memref<!tpu.dma_semaphore, #tpu.memory_space<semaphore_mem>>)
    %add3A_83 = arith.constant 448 : i32
    %add3A_84 = arith.addi %mul3A_0, %add3A_83 : i32
    %dma_start3A_85 = arith.constant 0 : i32
    %dma_start3A_86 = arith.constant 0 : i32
    %dma_start3A_87 = tpu.memref_slice %arg9[%dma_start3A_85, %dma_start3A_86] : memref<64x128xf32, #tpu.memory_space<vmem>> -> memref<64x128xf32, #tpu.memory_space<vmem>>
    %dma_start3A_88 = arith.constant 0 : i32
    %dma_start3A_89 = tpu.memref_slice %arg11[%add3A_84, %dma_start3A_88] : memref<10112x128xf32, #tpu.memory_space<vmem_shared>> -> memref<64x128xf32, #tpu.memory_space<vmem_shared>>
    %dma_start3A_90 = arith.constant 0 : i32
    %dma_start3A_91 = tpu.memref_slice %arg11[%add3A_84, %dma_start3A_90] : memref<10112x128xf32, #tpu.memory_space<vmem_shared>> -> memref<64x128xf32, #tpu.memory_space<vmem_shared>>
    %dma_start3A_92 = arith.constant 0 : i32
    %dma_start3A_93 = arith.constant 0 : i32
    %dma_start3A_94 = tpu.memref_slice %arg9[%dma_start3A_92, %dma_start3A_93] : memref<64x128xf32, #tpu.memory_space<vmem>> -> memref<64x128xf32, #tpu.memory_space<vmem>>
    tpu.enqueue_dma source(%dma_start3A_94 : memref<64x128xf32, #tpu.memory_space<vmem>>) target(%dma_start3A_91 : memref<64x128xf32, #tpu.memory_space<vmem_shared>>) target_semaphore(%arg12 : memref<!tpu.dma_semaphore, #tpu.memory_space<semaphore_mem>>)
    %add3A_95 = arith.constant 512 : i32
    %add3A_96 = arith.addi %mul3A_0, %add3A_95 : i32
    %dma_start3A_97 = arith.constant 0 : i32
    %dma_start3A_98 = arith.constant 0 : i32
    %dma_start3A_99 = tpu.memref_slice %arg9[%dma_start3A_97, %dma_start3A_98] : memref<64x128xf32, #tpu.memory_space<vmem>> -> memref<64x128xf32, #tpu.memory_space<vmem>>
    %dma_start3A_100 = arith.constant 0 : i32
    %dma_start3A_101 = tpu.memref_slice %arg11[%add3A_96, %dma_start3A_100] : memref<10112x128xf32, #tpu.memory_space<vmem_shared>> -> memref<64x128xf32, #tpu.memory_space<vmem_shared>>
    %dma_start3A_102 = arith.constant 0 : i32
    %dma_start3A_103 = tpu.memref_slice %arg11[%add3A_96, %dma_start3A_102] : memref<10112x128xf32, #tpu.memory_space<vmem_shared>> -> memref<64x128xf32, #tpu.memory_space<vmem_shared>>
    %dma_start3A_104 = arith.constant 0 : i32
    %dma_start3A_105 = arith.constant 0 : i32
    %dma_start3A_106 = tpu.memref_slice %arg9[%dma_start3A_104, %dma_start3A_105] : memref<64x128xf32, #tpu.memory_space<vmem>> -> memref<64x128xf32, #tpu.memory_space<vmem>>
    tpu.enqueue_dma source(%dma_start3A_106 : memref<64x128xf32, #tpu.memory_space<vmem>>) target(%dma_start3A_103 : memref<64x128xf32, #tpu.memory_space<vmem_shared>>) target_semaphore(%arg12 : memref<!tpu.dma_semaphore, #tpu.memory_space<semaphore_mem>>)
    %add3A_107 = arith.constant 576 : i32
    %add3A_108 = arith.addi %mul3A_0, %add3A_107 : i32
    %dma_start3A_109 = arith.constant 0 : i32
    %dma_start3A_110 = arith.constant 0 : i32
    %dma_start3A_111 = tpu.memref_slice %arg9[%dma_start3A_109, %dma_start3A_110] : memref<64x128xf32, #tpu.memory_space<vmem>> -> memref<56x128xf32, #tpu.memory_space<vmem>>
    %dma_start3A_112 = arith.constant 0 : i32
    %dma_start3A_113 = tpu.memref_slice %arg11[%add3A_108, %dma_start3A_112] : memref<10112x128xf32, #tpu.memory_space<vmem_shared>> -> memref<56x128xf32, #tpu.memory_space<vmem_shared>>
    %dma_start3A_114 = arith.constant 0 : i32
    %dma_start3A_115 = tpu.memref_slice %arg11[%add3A_108, %dma_start3A_114] : memref<10112x128xf32, #tpu.memory_space<vmem_shared>> -> memref<56x128xf32, #tpu.memory_space<vmem_shared>>
    %dma_start3A_116 = arith.constant 0 : i32
    %dma_start3A_117 = arith.constant 0 : i32
    %dma_start3A_118 = tpu.memref_slice %arg9[%dma_start3A_116, %dma_start3A_117] : memref<64x128xf32, #tpu.memory_space<vmem>> -> memref<56x128xf32, #tpu.memory_space<vmem>>
    tpu.enqueue_dma source(%dma_start3A_118 : memref<56x128xf32, #tpu.memory_space<vmem>>) target(%dma_start3A_115 : memref<56x128xf32, #tpu.memory_space<vmem_shared>>) target_semaphore(%arg12 : memref<!tpu.dma_semaphore, #tpu.memory_space<semaphore_mem>>)
    %add3A_119 = arith.constant 0 : i32
    %add3A_120 = arith.addi %mul3A_0, %add3A_119 : i32
    %dma_wait3A = arith.constant 0 : i32
    %dma_wait3A_121 = arith.constant 0 : i32
    %dma_wait3A_122 = tpu.memref_slice %arg9[%dma_wait3A, %dma_wait3A_121] : memref<64x128xf32, #tpu.memory_space<vmem>> -> memref<64x128xf32, #tpu.memory_space<vmem>>
    %dma_wait3A_123 = arith.constant 0 : i32
    %dma_wait3A_124 = tpu.memref_slice %arg11[%add3A_120, %dma_wait3A_123] : memref<10112x128xf32, #tpu.memory_space<vmem_shared>> -> memref<64x128xf32, #tpu.memory_space<vmem_shared>>
    %dma_wait3A_125 = arith.constant 0 : i32
    %dma_wait3A_126 = tpu.memref_slice %arg11[%add3A_120, %dma_wait3A_125] : memref<10112x128xf32, #tpu.memory_space<vmem_shared>> -> memref<64x128xf32, #tpu.memory_space<vmem_shared>>
    %dma_wait3A_127 = arith.constant 0 : i32
    %dma_wait3A_128 = arith.constant 0 : i32
    %dma_wait3A_129 = tpu.memref_slice %arg9[%dma_wait3A_127, %dma_wait3A_128] : memref<64x128xf32, #tpu.memory_space<vmem>> -> memref<64x128xf32, #tpu.memory_space<vmem>>
    tpu.wait_dma2 semaphore(%arg12 : memref<!tpu.dma_semaphore, #tpu.memory_space<semaphore_mem>>) src(%dma_wait3A_129 : memref<64x128xf32, #tpu.memory_space<vmem>>) dst(%dma_wait3A_126 : memref<64x128xf32, #tpu.memory_space<vmem_shared>>)
    %add3A_130 = arith.constant 64 : i32
    %add3A_131 = arith.addi %mul3A_0, %add3A_130 : i32
    %dma_wait3A_132 = arith.constant 0 : i32
    %dma_wait3A_133 = arith.constant 0 : i32
    %dma_wait3A_134 = tpu.memref_slice %arg9[%dma_wait3A_132, %dma_wait3A_133] : memref<64x128xf32, #tpu.memory_space<vmem>> -> memref<64x128xf32, #tpu.memory_space<vmem>>
    %dma_wait3A_135 = arith.constant 0 : i32
    %dma_wait3A_136 = tpu.memref_slice %arg11[%add3A_131, %dma_wait3A_135] : memref<10112x128xf32, #tpu.memory_space<vmem_shared>> -> memref<64x128xf32, #tpu.memory_space<vmem_shared>>
    %dma_wait3A_137 = arith.constant 0 : i32
    %dma_wait3A_138 = tpu.memref_slice %arg11[%add3A_131, %dma_wait3A_137] : memref<10112x128xf32, #tpu.memory_space<vmem_shared>> -> memref<64x128xf32, #tpu.memory_space<vmem_shared>>
    %dma_wait3A_139 = arith.constant 0 : i32
    %dma_wait3A_140 = arith.constant 0 : i32
    %dma_wait3A_141 = tpu.memref_slice %arg9[%dma_wait3A_139, %dma_wait3A_140] : memref<64x128xf32, #tpu.memory_space<vmem>> -> memref<64x128xf32, #tpu.memory_space<vmem>>
    tpu.wait_dma2 semaphore(%arg12 : memref<!tpu.dma_semaphore, #tpu.memory_space<semaphore_mem>>) src(%dma_wait3A_141 : memref<64x128xf32, #tpu.memory_space<vmem>>) dst(%dma_wait3A_138 : memref<64x128xf32, #tpu.memory_space<vmem_shared>>)
    %add3A_142 = arith.constant 128 : i32
    %add3A_143 = arith.addi %mul3A_0, %add3A_142 : i32
    %dma_wait3A_144 = arith.constant 0 : i32
    %dma_wait3A_145 = arith.constant 0 : i32
    %dma_wait3A_146 = tpu.memref_slice %arg9[%dma_wait3A_144, %dma_wait3A_145] : memref<64x128xf32, #tpu.memory_space<vmem>> -> memref<64x128xf32, #tpu.memory_space<vmem>>
    %dma_wait3A_147 = arith.constant 0 : i32
    %dma_wait3A_148 = tpu.memref_slice %arg11[%add3A_143, %dma_wait3A_147] : memref<10112x128xf32, #tpu.memory_space<vmem_shared>> -> memref<64x128xf32, #tpu.memory_space<vmem_shared>>
    %dma_wait3A_149 = arith.constant 0 : i32
    %dma_wait3A_150 = tpu.memref_slice %arg11[%add3A_143, %dma_wait3A_149] : memref<10112x128xf32, #tpu.memory_space<vmem_shared>> -> memref<64x128xf32, #tpu.memory_space<vmem_shared>>
    %dma_wait3A_151 = arith.constant 0 : i32
    %dma_wait3A_152 = arith.constant 0 : i32
    %dma_wait3A_153 = tpu.memref_slice %arg9[%dma_wait3A_151, %dma_wait3A_152] : memref<64x128xf32, #tpu.memory_space<vmem>> -> memref<64x128xf32, #tpu.memory_space<vmem>>
    tpu.wait_dma2 semaphore(%arg12 : memref<!tpu.dma_semaphore, #tpu.memory_space<semaphore_mem>>) src(%dma_wait3A_153 : memref<64x128xf32, #tpu.memory_space<vmem>>) dst(%dma_wait3A_150 : memref<64x128xf32, #tpu.memory_space<vmem_shared>>)
    %add3A_154 = arith.constant 192 : i32
    %add3A_155 = arith.addi %mul3A_0, %add3A_154 : i32
    %dma_wait3A_156 = arith.constant 0 : i32
    %dma_wait3A_157 = arith.constant 0 : i32
    %dma_wait3A_158 = tpu.memref_slice %arg9[%dma_wait3A_156, %dma_wait3A_157] : memref<64x128xf32, #tpu.memory_space<vmem>> -> memref<64x128xf32, #tpu.memory_space<vmem>>
    %dma_wait3A_159 = arith.constant 0 : i32
    %dma_wait3A_160 = tpu.memref_slice %arg11[%add3A_155, %dma_wait3A_159] : memref<10112x128xf32, #tpu.memory_space<vmem_shared>> -> memref<64x128xf32, #tpu.memory_space<vmem_shared>>
    %dma_wait3A_161 = arith.constant 0 : i32
    %dma_wait3A_162 = tpu.memref_slice %arg11[%add3A_155, %dma_wait3A_161] : memref<10112x128xf32, #tpu.memory_space<vmem_shared>> -> memref<64x128xf32, #tpu.memory_space<vmem_shared>>
    %dma_wait3A_163 = arith.constant 0 : i32
    %dma_wait3A_164 = arith.constant 0 : i32
    %dma_wait3A_165 = tpu.memref_slice %arg9[%dma_wait3A_163, %dma_wait3A_164] : memref<64x128xf32, #tpu.memory_space<vmem>> -> memref<64x128xf32, #tpu.memory_space<vmem>>
    tpu.wait_dma2 semaphore(%arg12 : memref<!tpu.dma_semaphore, #tpu.memory_space<semaphore_mem>>) src(%dma_wait3A_165 : memref<64x128xf32, #tpu.memory_space<vmem>>) dst(%dma_wait3A_162 : memref<64x128xf32, #tpu.memory_space<vmem_shared>>)
    %add3A_166 = arith.constant 256 : i32
    %add3A_167 = arith.addi %mul3A_0, %add3A_166 : i32
    %dma_wait3A_168 = arith.constant 0 : i32
    %dma_wait3A_169 = arith.constant 0 : i32
    %dma_wait3A_170 = tpu.memref_slice %arg9[%dma_wait3A_168, %dma_wait3A_169] : memref<64x128xf32, #tpu.memory_space<vmem>> -> memref<64x128xf32, #tpu.memory_space<vmem>>
    %dma_wait3A_171 = arith.constant 0 : i32
    %dma_wait3A_172 = tpu.memref_slice %arg11[%add3A_167, %dma_wait3A_171] : memref<10112x128xf32, #tpu.memory_space<vmem_shared>> -> memref<64x128xf32, #tpu.memory_space<vmem_shared>>
    %dma_wait3A_173 = arith.constant 0 : i32
    %dma_wait3A_174 = tpu.memref_slice %arg11[%add3A_167, %dma_wait3A_173] : memref<10112x128xf32, #tpu.memory_space<vmem_shared>> -> memref<64x128xf32, #tpu.memory_space<vmem_shared>>
    %dma_wait3A_175 = arith.constant 0 : i32
    %dma_wait3A_176 = arith.constant 0 : i32
    %dma_wait3A_177 = tpu.memref_slice %arg9[%dma_wait3A_175, %dma_wait3A_176] : memref<64x128xf32, #tpu.memory_space<vmem>> -> memref<64x128xf32, #tpu.memory_space<vmem>>
    tpu.wait_dma2 semaphore(%arg12 : memref<!tpu.dma_semaphore, #tpu.memory_space<semaphore_mem>>) src(%dma_wait3A_177 : memref<64x128xf32, #tpu.memory_space<vmem>>) dst(%dma_wait3A_174 : memref<64x128xf32, #tpu.memory_space<vmem_shared>>)
    %add3A_178 = arith.constant 320 : i32
    %add3A_179 = arith.addi %mul3A_0, %add3A_178 : i32
    %dma_wait3A_180 = arith.constant 0 : i32
    %dma_wait3A_181 = arith.constant 0 : i32
    %dma_wait3A_182 = tpu.memref_slice %arg9[%dma_wait3A_180, %dma_wait3A_181] : memref<64x128xf32, #tpu.memory_space<vmem>> -> memref<64x128xf32, #tpu.memory_space<vmem>>
    %dma_wait3A_183 = arith.constant 0 : i32
    %dma_wait3A_184 = tpu.memref_slice %arg11[%add3A_179, %dma_wait3A_183] : memref<10112x128xf32, #tpu.memory_space<vmem_shared>> -> memref<64x128xf32, #tpu.memory_space<vmem_shared>>
    %dma_wait3A_185 = arith.constant 0 : i32
    %dma_wait3A_186 = tpu.memref_slice %arg11[%add3A_179, %dma_wait3A_185] : memref<10112x128xf32, #tpu.memory_space<vmem_shared>> -> memref<64x128xf32, #tpu.memory_space<vmem_shared>>
    %dma_wait3A_187 = arith.constant 0 : i32
    %dma_wait3A_188 = arith.constant 0 : i32
    %dma_wait3A_189 = tpu.memref_slice %arg9[%dma_wait3A_187, %dma_wait3A_188] : memref<64x128xf32, #tpu.memory_space<vmem>> -> memref<64x128xf32, #tpu.memory_space<vmem>>
    tpu.wait_dma2 semaphore(%arg12 : memref<!tpu.dma_semaphore, #tpu.memory_space<semaphore_mem>>) src(%dma_wait3A_189 : memref<64x128xf32, #tpu.memory_space<vmem>>) dst(%dma_wait3A_186 : memref<64x128xf32, #tpu.memory_space<vmem_shared>>)
    %add3A_190 = arith.constant 384 : i32
    %add3A_191 = arith.addi %mul3A_0, %add3A_190 : i32
    %dma_wait3A_192 = arith.constant 0 : i32
    %dma_wait3A_193 = arith.constant 0 : i32
    %dma_wait3A_194 = tpu.memref_slice %arg9[%dma_wait3A_192, %dma_wait3A_193] : memref<64x128xf32, #tpu.memory_space<vmem>> -> memref<64x128xf32, #tpu.memory_space<vmem>>
    %dma_wait3A_195 = arith.constant 0 : i32
    %dma_wait3A_196 = tpu.memref_slice %arg11[%add3A_191, %dma_wait3A_195] : memref<10112x128xf32, #tpu.memory_space<vmem_shared>> -> memref<64x128xf32, #tpu.memory_space<vmem_shared>>
    %dma_wait3A_197 = arith.constant 0 : i32
    %dma_wait3A_198 = tpu.memref_slice %arg11[%add3A_191, %dma_wait3A_197] : memref<10112x128xf32, #tpu.memory_space<vmem_shared>> -> memref<64x128xf32, #tpu.memory_space<vmem_shared>>
    %dma_wait3A_199 = arith.constant 0 : i32
    %dma_wait3A_200 = arith.constant 0 : i32
    %dma_wait3A_201 = tpu.memref_slice %arg9[%dma_wait3A_199, %dma_wait3A_200] : memref<64x128xf32, #tpu.memory_space<vmem>> -> memref<64x128xf32, #tpu.memory_space<vmem>>
    tpu.wait_dma2 semaphore(%arg12 : memref<!tpu.dma_semaphore, #tpu.memory_space<semaphore_mem>>) src(%dma_wait3A_201 : memref<64x128xf32, #tpu.memory_space<vmem>>) dst(%dma_wait3A_198 : memref<64x128xf32, #tpu.memory_space<vmem_shared>>)
    %add3A_202 = arith.constant 448 : i32
    %add3A_203 = arith.addi %mul3A_0, %add3A_202 : i32
    %dma_wait3A_204 = arith.constant 0 : i32
    %dma_wait3A_205 = arith.constant 0 : i32
    %dma_wait3A_206 = tpu.memref_slice %arg9[%dma_wait3A_204, %dma_wait3A_205] : memref<64x128xf32, #tpu.memory_space<vmem>> -> memref<64x128xf32, #tpu.memory_space<vmem>>
    %dma_wait3A_207 = arith.constant 0 : i32
    %dma_wait3A_208 = tpu.memref_slice %arg11[%add3A_203, %dma_wait3A_207] : memref<10112x128xf32, #tpu.memory_space<vmem_shared>> -> memref<64x128xf32, #tpu.memory_space<vmem_shared>>
    %dma_wait3A_209 = arith.constant 0 : i32
    %dma_wait3A_210 = tpu.memref_slice %arg11[%add3A_203, %dma_wait3A_209] : memref<10112x128xf32, #tpu.memory_space<vmem_shared>> -> memref<64x128xf32, #tpu.memory_space<vmem_shared>>
    %dma_wait3A_211 = arith.constant 0 : i32
    %dma_wait3A_212 = arith.constant 0 : i32
    %dma_wait3A_213 = tpu.memref_slice %arg9[%dma_wait3A_211, %dma_wait3A_212] : memref<64x128xf32, #tpu.memory_space<vmem>> -> memref<64x128xf32, #tpu.memory_space<vmem>>
    tpu.wait_dma2 semaphore(%arg12 : memref<!tpu.dma_semaphore, #tpu.memory_space<semaphore_mem>>) src(%dma_wait3A_213 : memref<64x128xf32, #tpu.memory_space<vmem>>) dst(%dma_wait3A_210 : memref<64x128xf32, #tpu.memory_space<vmem_shared>>)
    %add3A_214 = arith.constant 512 : i32
    %add3A_215 = arith.addi %mul3A_0, %add3A_214 : i32
    %dma_wait3A_216 = arith.constant 0 : i32
    %dma_wait3A_217 = arith.constant 0 : i32
    %dma_wait3A_218 = tpu.memref_slice %arg9[%dma_wait3A_216, %dma_wait3A_217] : memref<64x128xf32, #tpu.memory_space<vmem>> -> memref<64x128xf32, #tpu.memory_space<vmem>>
    %dma_wait3A_219 = arith.constant 0 : i32
    %dma_wait3A_220 = tpu.memref_slice %arg11[%add3A_215, %dma_wait3A_219] : memref<10112x128xf32, #tpu.memory_space<vmem_shared>> -> memref<64x128xf32, #tpu.memory_space<vmem_shared>>
    %dma_wait3A_221 = arith.constant 0 : i32
    %dma_wait3A_222 = tpu.memref_slice %arg11[%add3A_215, %dma_wait3A_221] : memref<10112x128xf32, #tpu.memory_space<vmem_shared>> -> memref<64x128xf32, #tpu.memory_space<vmem_shared>>
    %dma_wait3A_223 = arith.constant 0 : i32
    %dma_wait3A_224 = arith.constant 0 : i32
    %dma_wait3A_225 = tpu.memref_slice %arg9[%dma_wait3A_223, %dma_wait3A_224] : memref<64x128xf32, #tpu.memory_space<vmem>> -> memref<64x128xf32, #tpu.memory_space<vmem>>
    tpu.wait_dma2 semaphore(%arg12 : memref<!tpu.dma_semaphore, #tpu.memory_space<semaphore_mem>>) src(%dma_wait3A_225 : memref<64x128xf32, #tpu.memory_space<vmem>>) dst(%dma_wait3A_222 : memref<64x128xf32, #tpu.memory_space<vmem_shared>>)
    %add3A_226 = arith.constant 576 : i32
    %add3A_227 = arith.addi %mul3A_0, %add3A_226 : i32
    %dma_wait3A_228 = arith.constant 0 : i32
    %dma_wait3A_229 = arith.constant 0 : i32
    %dma_wait3A_230 = tpu.memref_slice %arg9[%dma_wait3A_228, %dma_wait3A_229] : memref<64x128xf32, #tpu.memory_space<vmem>> -> memref<56x128xf32, #tpu.memory_space<vmem>>
    %dma_wait3A_231 = arith.constant 0 : i32
    %dma_wait3A_232 = tpu.memref_slice %arg11[%add3A_227, %dma_wait3A_231] : memref<10112x128xf32, #tpu.memory_space<vmem_shared>> -> memref<56x128xf32, #tpu.memory_space<vmem_shared>>
    %dma_wait3A_233 = arith.constant 0 : i32
    %dma_wait3A_234 = tpu.memref_slice %arg11[%add3A_227, %dma_wait3A_233] : memref<10112x128xf32, #tpu.memory_space<vmem_shared>> -> memref<56x128xf32, #tpu.memory_space<vmem_shared>>
    %dma_wait3A_235 = arith.constant 0 : i32
    %dma_wait3A_236 = arith.constant 0 : i32
    %dma_wait3A_237 = tpu.memref_slice %arg9[%dma_wait3A_235, %dma_wait3A_236] : memref<64x128xf32, #tpu.memory_space<vmem>> -> memref<56x128xf32, #tpu.memory_space<vmem>>
    tpu.wait_dma2 semaphore(%arg12 : memref<!tpu.dma_semaphore, #tpu.memory_space<semaphore_mem>>) src(%dma_wait3A_237 : memref<56x128xf32, #tpu.memory_space<vmem>>) dst(%dma_wait3A_234 : memref<56x128xf32, #tpu.memory_space<vmem_shared>>)
    %barrier3A = arith.constant 0 : index
    tpu.barrier barrier_id(%barrier3A)
    %eq3A = arith.constant 0 : i32
    %eq3A_238 = arith.cmpi eq, %arg0, %eq3A : i32
    %convert_element_type3A = arith.extui %eq3A_238 : i1 to i32
    %cond3A = arith.constant 0 : i32
    %cond3A_239 = arith.cmpi ne, %convert_element_type3A, %cond3A : i32
    scf.if %cond3A_239 {
      %scan3A = arith.constant 0 : i32
      %scan3A_546 = arith.constant 0 : i32
      %scan3A_547 = arith.constant 7 : i32
      %scan3A_548 = arith.addi %scan3A_546, %scan3A_547 : i32
      %scan3A_549 = arith.constant 1 : i32
      scf.for %scan3A_551 = %scan3A_546 to %scan3A_548 step %scan3A_549  : i32 {
        %mul3A_552 = arith.constant 32 : i32
        %mul3A_553 = arith.muli %scan3A_551, %mul3A_552 : i32
        %add3A_554 = arith.constant 0 : i32
        %add3A_555 = arith.addi %add3A_554, %mul3A_553 : i32
        "tpu.region"() ({
          %run_scoped3A = tpu.sem_alloc : memref<!tpu.dma_semaphore, #tpu.memory_space<semaphore_mem>>
          %dma_start3A_576 = arith.constant 0 : i32
          %dma_start3A_577 = tpu.memref_slice %arg3[%arg1, %add3A_555, %dma_start3A_576] : memref<16x320x64xi32, #tpu.memory_space<hbm>> -> memref<1x32x64xi32, #tpu.memory_space<hbm>>
          %dma_start3A_578 = tpu.memref_squeeze %dma_start3A_577 : memref<1x32x64xi32, #tpu.memory_space<hbm>> -> memref<32x64xi32, #tpu.memory_space<hbm>>
          %dma_start3A_579 = arith.constant 0 : i32
          %dma_start3A_580 = tpu.memref_slice %arg3[%arg1, %add3A_555, %dma_start3A_579] : memref<16x320x64xi32, #tpu.memory_space<hbm>> -> memref<1x32x64xi32, #tpu.memory_space<hbm>>
          %dma_start3A_581 = tpu.memref_squeeze %dma_start3A_580 : memref<1x32x64xi32, #tpu.memory_space<hbm>> -> memref<32x64xi32, #tpu.memory_space<hbm>>
          tpu.enqueue_dma source(%dma_start3A_581 : memref<32x64xi32, #tpu.memory_space<hbm>>) target(%arg7 : memref<32x64xi32, #tpu.memory_space<vmem>>) target_semaphore(%run_scoped3A : memref<!tpu.dma_semaphore, #tpu.memory_space<semaphore_mem>>)
          %dma_wait3A_582 = arith.constant 0 : i32
          %dma_wait3A_583 = tpu.memref_slice %arg3[%arg1, %add3A_555, %dma_wait3A_582] : memref<16x320x64xi32, #tpu.memory_space<hbm>> -> memref<1x32x64xi32, #tpu.memory_space<hbm>>
          %dma_wait3A_584 = tpu.memref_squeeze %dma_wait3A_583 : memref<1x32x64xi32, #tpu.memory_space<hbm>> -> memref<32x64xi32, #tpu.memory_space<hbm>>
          %dma_wait3A_585 = arith.constant 0 : i32
          %dma_wait3A_586 = tpu.memref_slice %arg3[%arg1, %add3A_555, %dma_wait3A_585] : memref<16x320x64xi32, #tpu.memory_space<hbm>> -> memref<1x32x64xi32, #tpu.memory_space<hbm>>
          %dma_wait3A_587 = tpu.memref_squeeze %dma_wait3A_586 : memref<1x32x64xi32, #tpu.memory_space<hbm>> -> memref<32x64xi32, #tpu.memory_space<hbm>>
          tpu.wait_dma2 semaphore(%run_scoped3A : memref<!tpu.dma_semaphore, #tpu.memory_space<semaphore_mem>>) src(%dma_wait3A_587 : memref<32x64xi32, #tpu.memory_space<hbm>>) dst(%arg7 : memref<32x64xi32, #tpu.memory_space<vmem>>)
          tpu.yield
        }) : () -> ()
        "tpu.region"() ({
          %run_scoped3A = tpu.sem_alloc : memref<!tpu.dma_semaphore, #tpu.memory_space<semaphore_mem>>
          %dma_start3A_576 = arith.constant 0 : i32
          %dma_start3A_577 = tpu.memref_slice %arg4[%arg1, %add3A_555, %dma_start3A_576] : memref<16x320x64xi32, #tpu.memory_space<hbm>> -> memref<1x32x64xi32, #tpu.memory_space<hbm>>
          %dma_start3A_578 = tpu.memref_squeeze %dma_start3A_577 : memref<1x32x64xi32, #tpu.memory_space<hbm>> -> memref<32x64xi32, #tpu.memory_space<hbm>>
          %dma_start3A_579 = arith.constant 0 : i32
          %dma_start3A_580 = tpu.memref_slice %arg4[%arg1, %add3A_555, %dma_start3A_579] : memref<16x320x64xi32, #tpu.memory_space<hbm>> -> memref<1x32x64xi32, #tpu.memory_space<hbm>>
          %dma_start3A_581 = tpu.memref_squeeze %dma_start3A_580 : memref<1x32x64xi32, #tpu.memory_space<hbm>> -> memref<32x64xi32, #tpu.memory_space<hbm>>
          tpu.enqueue_dma source(%dma_start3A_581 : memref<32x64xi32, #tpu.memory_space<hbm>>) target(%arg8 : memref<32x64xi32, #tpu.memory_space<vmem>>) target_semaphore(%run_scoped3A : memref<!tpu.dma_semaphore, #tpu.memory_space<semaphore_mem>>)
          %dma_wait3A_582 = arith.constant 0 : i32
          %dma_wait3A_583 = tpu.memref_slice %arg4[%arg1, %add3A_555, %dma_wait3A_582] : memref<16x320x64xi32, #tpu.memory_space<hbm>> -> memref<1x32x64xi32, #tpu.memory_space<hbm>>
          %dma_wait3A_584 = tpu.memref_squeeze %dma_wait3A_583 : memref<1x32x64xi32, #tpu.memory_space<hbm>> -> memref<32x64xi32, #tpu.memory_space<hbm>>
          %dma_wait3A_585 = arith.constant 0 : i32
          %dma_wait3A_586 = tpu.memref_slice %arg4[%arg1, %add3A_555, %dma_wait3A_585] : memref<16x320x64xi32, #tpu.memory_space<hbm>> -> memref<1x32x64xi32, #tpu.memory_space<hbm>>
          %dma_wait3A_587 = tpu.memref_squeeze %dma_wait3A_586 : memref<1x32x64xi32, #tpu.memory_space<hbm>> -> memref<32x64xi32, #tpu.memory_space<hbm>>
          tpu.wait_dma2 semaphore(%run_scoped3A : memref<!tpu.dma_semaphore, #tpu.memory_space<semaphore_mem>>) src(%dma_wait3A_587 : memref<32x64xi32, #tpu.memory_space<hbm>>) dst(%arg8 : memref<32x64xi32, #tpu.memory_space<vmem>>)
          tpu.yield
        }) : () -> ()
        %dma_start3A_556 = arith.constant 0 : i32
        %dma_start3A_557 = arith.constant 0 : i32
        %dma_start3A_558 = tpu.memref_slice %arg7[%dma_start3A_556, %dma_start3A_557] : memref<32x64xi32, #tpu.memory_space<vmem>> -> memref<1x64xi32, #tpu.memory_space<vmem>>
        %dma_start3A_559 = tpu.memref_squeeze %dma_start3A_558 : memref<1x64xi32, #tpu.memory_space<vmem>> -> memref<64xi32, #tpu.memory_space<vmem>>
        %dma_start3A_560 = arith.constant 0 : i32
        %dma_start3A_561 = arith.constant 0 : i32
        %dma_start3A_562 = tpu.memref_slice %arg2[%dma_start3A_560, %dma_start3A_561] : memref<10112x128xf32, #tpu.memory_space<hbm>> -> memref<10112x128xf32, #tpu.memory_space<hbm>>
        tpu.enqueue_indirect_dma source(%dma_start3A_562 : memref<10112x128xf32, #tpu.memory_space<hbm>>) target(%arg9 : memref<64x128xf32, #tpu.memory_space<vmem>>) offsets(%dma_start3A_559 : memref<64xi32, #tpu.memory_space<vmem>>) semaphore(%arg12 : memref<!tpu.dma_semaphore, #tpu.memory_space<semaphore_mem>>)
        %scan3A_563 = arith.constant 0 : i32
        %scan3A_564 = arith.constant 0 : i32
        %scan3A_565 = arith.constant 16 : i32
        %scan3A_566 = arith.addi %scan3A_564, %scan3A_565 : i32
        %scan3A_567 = arith.constant 1 : i32
        scf.for %scan3A_576 = %scan3A_564 to %scan3A_566 step %scan3A_567  : i32 {
          %mul3A_577 = arith.constant 2 : i32
          %mul3A_578 = arith.muli %mul3A_577, %scan3A_576 : i32
          %add3A_579 = arith.constant 1 : i32
          %add3A_580 = arith.addi %mul3A_578, %add3A_579 : i32
          %gt3A = arith.constant 0 : i32
          %gt3A_581 = arith.cmpi sgt, %scan3A_576, %gt3A : i32
          %convert_element_type3A_582 = arith.extui %gt3A_581 : i1 to i32
          %cond3A_583 = arith.constant 0 : i32
          %cond3A_584 = arith.cmpi ne, %convert_element_type3A_582, %cond3A_583 : i32
          scf.if %cond3A_584 {
            %dma_wait3A_628 = arith.constant 0 : i32
            %dma_wait3A_629 = arith.constant 0 : i32
            %dma_wait3A_630 = tpu.memref_slice %arg8[%dma_wait3A_628, %dma_wait3A_629] : memref<32x64xi32, #tpu.memory_space<vmem>> -> memref<1x64xi32, #tpu.memory_space<vmem>>
            %dma_wait3A_631 = tpu.memref_squeeze %dma_wait3A_630 : memref<1x64xi32, #tpu.memory_space<vmem>> -> memref<64xi32, #tpu.memory_space<vmem>>
            %dma_wait3A_632 = arith.constant 0 : i32
            %dma_wait3A_633 = arith.constant 0 : i32
            %dma_wait3A_634 = tpu.memref_slice %arg11[%dma_wait3A_632, %dma_wait3A_633] : memref<10112x128xf32, #tpu.memory_space<vmem_shared>> -> memref<10112x128xf32, #tpu.memory_space<vmem_shared>>
            tpu.wait_indirect_dma semaphore(%arg15 : memref<!tpu.dma_semaphore, #tpu.memory_space<semaphore_mem>>) src(%arg10 : memref<64x128xf32, #tpu.memory_space<vmem>>) dst(%dma_wait3A_634 : memref<10112x128xf32, #tpu.memory_space<vmem_shared>>)
          } else {
          }
          %dma_wait3A_585 = arith.constant 0 : i32
          %dma_wait3A_586 = arith.constant 0 : i32
          %dma_wait3A_587 = tpu.memref_slice %arg7[%dma_wait3A_585, %dma_wait3A_586] : memref<32x64xi32, #tpu.memory_space<vmem>> -> memref<1x64xi32, #tpu.memory_space<vmem>>
          %dma_wait3A_588 = tpu.memref_squeeze %dma_wait3A_587 : memref<1x64xi32, #tpu.memory_space<vmem>> -> memref<64xi32, #tpu.memory_space<vmem>>
          %dma_wait3A_589 = arith.constant 0 : i32
          %dma_wait3A_590 = arith.constant 0 : i32
          %dma_wait3A_591 = tpu.memref_slice %arg2[%dma_wait3A_589, %dma_wait3A_590] : memref<10112x128xf32, #tpu.memory_space<hbm>> -> memref<10112x128xf32, #tpu.memory_space<hbm>>
          tpu.wait_indirect_dma semaphore(%arg12 : memref<!tpu.dma_semaphore, #tpu.memory_space<semaphore_mem>>) src(%dma_wait3A_591 : memref<10112x128xf32, #tpu.memory_space<hbm>>) dst(%arg9 : memref<64x128xf32, #tpu.memory_space<vmem>>)
          %dma_start3A_592 = arith.constant 0 : i32
          %dma_start3A_593 = tpu.memref_slice %arg7[%add3A_580, %dma_start3A_592] : memref<32x64xi32, #tpu.memory_space<vmem>> -> memref<1x64xi32, #tpu.memory_space<vmem>>
          %dma_start3A_594 = tpu.memref_squeeze %dma_start3A_593 : memref<1x64xi32, #tpu.memory_space<vmem>> -> memref<64xi32, #tpu.memory_space<vmem>>
          %dma_start3A_595 = arith.constant 0 : i32
          %dma_start3A_596 = arith.constant 0 : i32
          %dma_start3A_597 = tpu.memref_slice %arg2[%dma_start3A_595, %dma_start3A_596] : memref<10112x128xf32, #tpu.memory_space<hbm>> -> memref<10112x128xf32, #tpu.memory_space<hbm>>
          tpu.enqueue_indirect_dma source(%dma_start3A_597 : memref<10112x128xf32, #tpu.memory_space<hbm>>) target(%arg10 : memref<64x128xf32, #tpu.memory_space<vmem>>) offsets(%dma_start3A_594 : memref<64xi32, #tpu.memory_space<vmem>>) semaphore(%arg13 : memref<!tpu.dma_semaphore, #tpu.memory_space<semaphore_mem>>)
          %dma_start3A_598 = arith.constant 0 : i32
          %dma_start3A_599 = tpu.memref_slice %arg8[%mul3A_578, %dma_start3A_598] : memref<32x64xi32, #tpu.memory_space<vmem>> -> memref<1x64xi32, #tpu.memory_space<vmem>>
          %dma_start3A_600 = tpu.memref_squeeze %dma_start3A_599 : memref<1x64xi32, #tpu.memory_space<vmem>> -> memref<64xi32, #tpu.memory_space<vmem>>
          %dma_start3A_601 = arith.constant 0 : i32
          %dma_start3A_602 = arith.constant 0 : i32
          %dma_start3A_603 = tpu.memref_slice %arg11[%dma_start3A_601, %dma_start3A_602] : memref<10112x128xf32, #tpu.memory_space<vmem_shared>> -> memref<10112x128xf32, #tpu.memory_space<vmem_shared>>
          tpu.enqueue_indirect_dma source(%arg9 : memref<64x128xf32, #tpu.memory_space<vmem>>) target(%dma_start3A_603 : memref<10112x128xf32, #tpu.memory_space<vmem_shared>>) offsets(%dma_start3A_600 : memref<64xi32, #tpu.memory_space<vmem>>) semaphore(%arg14 : memref<!tpu.dma_semaphore, #tpu.memory_space<semaphore_mem>>) {add = true}
          %dma_wait3A_604 = arith.constant 0 : i32
          %dma_wait3A_605 = arith.constant 0 : i32
          %dma_wait3A_606 = tpu.memref_slice %arg7[%dma_wait3A_604, %dma_wait3A_605] : memref<32x64xi32, #tpu.memory_space<vmem>> -> memref<1x64xi32, #tpu.memory_space<vmem>>
          %dma_wait3A_607 = tpu.memref_squeeze %dma_wait3A_606 : memref<1x64xi32, #tpu.memory_space<vmem>> -> memref<64xi32, #tpu.memory_space<vmem>>
          %dma_wait3A_608 = arith.constant 0 : i32
          %dma_wait3A_609 = arith.constant 0 : i32
          %dma_wait3A_610 = tpu.memref_slice %arg2[%dma_wait3A_608, %dma_wait3A_609] : memref<10112x128xf32, #tpu.memory_space<hbm>> -> memref<10112x128xf32, #tpu.memory_space<hbm>>
          tpu.wait_indirect_dma semaphore(%arg13 : memref<!tpu.dma_semaphore, #tpu.memory_space<semaphore_mem>>) src(%dma_wait3A_610 : memref<10112x128xf32, #tpu.memory_space<hbm>>) dst(%arg10 : memref<64x128xf32, #tpu.memory_space<vmem>>)
          %dma_wait3A_611 = arith.constant 0 : i32
          %dma_wait3A_612 = arith.constant 0 : i32
          %dma_wait3A_613 = tpu.memref_slice %arg8[%dma_wait3A_611, %dma_wait3A_612] : memref<32x64xi32, #tpu.memory_space<vmem>> -> memref<1x64xi32, #tpu.memory_space<vmem>>
          %dma_wait3A_614 = tpu.memref_squeeze %dma_wait3A_613 : memref<1x64xi32, #tpu.memory_space<vmem>> -> memref<64xi32, #tpu.memory_space<vmem>>
          %dma_wait3A_615 = arith.constant 0 : i32
          %dma_wait3A_616 = arith.constant 0 : i32
          %dma_wait3A_617 = tpu.memref_slice %arg11[%dma_wait3A_615, %dma_wait3A_616] : memref<10112x128xf32, #tpu.memory_space<vmem_shared>> -> memref<10112x128xf32, #tpu.memory_space<vmem_shared>>
          tpu.wait_indirect_dma semaphore(%arg14 : memref<!tpu.dma_semaphore, #tpu.memory_space<semaphore_mem>>) src(%arg9 : memref<64x128xf32, #tpu.memory_space<vmem>>) dst(%dma_wait3A_617 : memref<10112x128xf32, #tpu.memory_space<vmem_shared>>)
          %lt3A = arith.constant 15 : i32
          %lt3A_618 = arith.cmpi slt, %scan3A_576, %lt3A : i32
          %convert_element_type3A_619 = arith.extui %lt3A_618 : i1 to i32
          %cond3A_620 = arith.constant 0 : i32
          %cond3A_621 = arith.cmpi ne, %convert_element_type3A_619, %cond3A_620 : i32
          scf.if %cond3A_621 {
            %add3A_628 = arith.constant 2 : i32
            %add3A_629 = arith.addi %mul3A_578, %add3A_628 : i32
            %dma_start3A_630 = arith.constant 0 : i32
            %dma_start3A_631 = tpu.memref_slice %arg7[%add3A_629, %dma_start3A_630] : memref<32x64xi32, #tpu.memory_space<vmem>> -> memref<1x64xi32, #tpu.memory_space<vmem>>
            %dma_start3A_632 = tpu.memref_squeeze %dma_start3A_631 : memref<1x64xi32, #tpu.memory_space<vmem>> -> memref<64xi32, #tpu.memory_space<vmem>>
            %dma_start3A_633 = arith.constant 0 : i32
            %dma_start3A_634 = arith.constant 0 : i32
            %dma_start3A_635 = tpu.memref_slice %arg2[%dma_start3A_633, %dma_start3A_634] : memref<10112x128xf32, #tpu.memory_space<hbm>> -> memref<10112x128xf32, #tpu.memory_space<hbm>>
            tpu.enqueue_indirect_dma source(%dma_start3A_635 : memref<10112x128xf32, #tpu.memory_space<hbm>>) target(%arg9 : memref<64x128xf32, #tpu.memory_space<vmem>>) offsets(%dma_start3A_632 : memref<64xi32, #tpu.memory_space<vmem>>) semaphore(%arg12 : memref<!tpu.dma_semaphore, #tpu.memory_space<semaphore_mem>>)
          } else {
          }
          %dma_start3A_622 = arith.constant 0 : i32
          %dma_start3A_623 = tpu.memref_slice %arg8[%add3A_580, %dma_start3A_622] : memref<32x64xi32, #tpu.memory_space<vmem>> -> memref<1x64xi32, #tpu.memory_space<vmem>>
          %dma_start3A_624 = tpu.memref_squeeze %dma_start3A_623 : memref<1x64xi32, #tpu.memory_space<vmem>> -> memref<64xi32, #tpu.memory_space<vmem>>
          %dma_start3A_625 = arith.constant 0 : i32
          %dma_start3A_626 = arith.constant 0 : i32
          %dma_start3A_627 = tpu.memref_slice %arg11[%dma_start3A_625, %dma_start3A_626] : memref<10112x128xf32, #tpu.memory_space<vmem_shared>> -> memref<10112x128xf32, #tpu.memory_space<vmem_shared>>
          tpu.enqueue_indirect_dma source(%arg10 : memref<64x128xf32, #tpu.memory_space<vmem>>) target(%dma_start3A_627 : memref<10112x128xf32, #tpu.memory_space<vmem_shared>>) offsets(%dma_start3A_624 : memref<64xi32, #tpu.memory_space<vmem>>) semaphore(%arg15 : memref<!tpu.dma_semaphore, #tpu.memory_space<semaphore_mem>>) {add = true}
        }
        %scan3A_568 = arith.constant 16 : i32
        %dma_wait3A_569 = arith.constant 0 : i32
        %dma_wait3A_570 = arith.constant 0 : i32
        %dma_wait3A_571 = tpu.memref_slice %arg8[%dma_wait3A_569, %dma_wait3A_570] : memref<32x64xi32, #tpu.memory_space<vmem>> -> memref<1x64xi32, #tpu.memory_space<vmem>>
        %dma_wait3A_572 = tpu.memref_squeeze %dma_wait3A_571 : memref<1x64xi32, #tpu.memory_space<vmem>> -> memref<64xi32, #tpu.memory_space<vmem>>
        %dma_wait3A_573 = arith.constant 0 : i32
        %dma_wait3A_574 = arith.constant 0 : i32
        %dma_wait3A_575 = tpu.memref_slice %arg11[%dma_wait3A_573, %dma_wait3A_574] : memref<10112x128xf32, #tpu.memory_space<vmem_shared>> -> memref<10112x128xf32, #tpu.memory_space<vmem_shared>>
        tpu.wait_indirect_dma semaphore(%arg15 : memref<!tpu.dma_semaphore, #tpu.memory_space<semaphore_mem>>) src(%arg10 : memref<64x128xf32, #tpu.memory_space<vmem>>) dst(%dma_wait3A_575 : memref<10112x128xf32, #tpu.memory_space<vmem_shared>>)
      }
      %scan3A_550 = arith.constant 7 : i32
    } else {
    }
    %eq3A_240 = arith.constant 1 : i32
    %eq3A_241 = arith.cmpi eq, %arg0, %eq3A_240 : i32
    %convert_element_type3A_242 = arith.extui %eq3A_241 : i1 to i32
    %cond3A_243 = arith.constant 0 : i32
    %cond3A_244 = arith.cmpi ne, %convert_element_type3A_242, %cond3A_243 : i32
    scf.if %cond3A_244 {
      %scan3A = arith.constant 0 : i32
      %scan3A_546 = arith.constant 0 : i32
      %scan3A_547 = arith.constant 3 : i32
      %scan3A_548 = arith.addi %scan3A_546, %scan3A_547 : i32
      %scan3A_549 = arith.constant 1 : i32
      scf.for %scan3A_551 = %scan3A_546 to %scan3A_548 step %scan3A_549  : i32 {
        %mul3A_552 = arith.constant 32 : i32
        %mul3A_553 = arith.muli %scan3A_551, %mul3A_552 : i32
        %add3A_554 = arith.constant 224 : i32
        %add3A_555 = arith.addi %add3A_554, %mul3A_553 : i32
        "tpu.region"() ({
          %run_scoped3A = tpu.sem_alloc : memref<!tpu.dma_semaphore, #tpu.memory_space<semaphore_mem>>
          %dma_start3A_576 = arith.constant 0 : i32
          %dma_start3A_577 = tpu.memref_slice %arg3[%arg1, %add3A_555, %dma_start3A_576] : memref<16x320x64xi32, #tpu.memory_space<hbm>> -> memref<1x32x64xi32, #tpu.memory_space<hbm>>
          %dma_start3A_578 = tpu.memref_squeeze %dma_start3A_577 : memref<1x32x64xi32, #tpu.memory_space<hbm>> -> memref<32x64xi32, #tpu.memory_space<hbm>>
          %dma_start3A_579 = arith.constant 0 : i32
          %dma_start3A_580 = tpu.memref_slice %arg3[%arg1, %add3A_555, %dma_start3A_579] : memref<16x320x64xi32, #tpu.memory_space<hbm>> -> memref<1x32x64xi32, #tpu.memory_space<hbm>>
          %dma_start3A_581 = tpu.memref_squeeze %dma_start3A_580 : memref<1x32x64xi32, #tpu.memory_space<hbm>> -> memref<32x64xi32, #tpu.memory_space<hbm>>
          tpu.enqueue_dma source(%dma_start3A_581 : memref<32x64xi32, #tpu.memory_space<hbm>>) target(%arg7 : memref<32x64xi32, #tpu.memory_space<vmem>>) target_semaphore(%run_scoped3A : memref<!tpu.dma_semaphore, #tpu.memory_space<semaphore_mem>>)
          %dma_wait3A_582 = arith.constant 0 : i32
          %dma_wait3A_583 = tpu.memref_slice %arg3[%arg1, %add3A_555, %dma_wait3A_582] : memref<16x320x64xi32, #tpu.memory_space<hbm>> -> memref<1x32x64xi32, #tpu.memory_space<hbm>>
          %dma_wait3A_584 = tpu.memref_squeeze %dma_wait3A_583 : memref<1x32x64xi32, #tpu.memory_space<hbm>> -> memref<32x64xi32, #tpu.memory_space<hbm>>
          %dma_wait3A_585 = arith.constant 0 : i32
          %dma_wait3A_586 = tpu.memref_slice %arg3[%arg1, %add3A_555, %dma_wait3A_585] : memref<16x320x64xi32, #tpu.memory_space<hbm>> -> memref<1x32x64xi32, #tpu.memory_space<hbm>>
          %dma_wait3A_587 = tpu.memref_squeeze %dma_wait3A_586 : memref<1x32x64xi32, #tpu.memory_space<hbm>> -> memref<32x64xi32, #tpu.memory_space<hbm>>
          tpu.wait_dma2 semaphore(%run_scoped3A : memref<!tpu.dma_semaphore, #tpu.memory_space<semaphore_mem>>) src(%dma_wait3A_587 : memref<32x64xi32, #tpu.memory_space<hbm>>) dst(%arg7 : memref<32x64xi32, #tpu.memory_space<vmem>>)
          tpu.yield
        }) : () -> ()
        "tpu.region"() ({
          %run_scoped3A = tpu.sem_alloc : memref<!tpu.dma_semaphore, #tpu.memory_space<semaphore_mem>>
          %dma_start3A_576 = arith.constant 0 : i32
          %dma_start3A_577 = tpu.memref_slice %arg4[%arg1, %add3A_555, %dma_start3A_576] : memref<16x320x64xi32, #tpu.memory_space<hbm>> -> memref<1x32x64xi32, #tpu.memory_space<hbm>>
          %dma_start3A_578 = tpu.memref_squeeze %dma_start3A_577 : memref<1x32x64xi32, #tpu.memory_space<hbm>> -> memref<32x64xi32, #tpu.memory_space<hbm>>
          %dma_start3A_579 = arith.constant 0 : i32
          %dma_start3A_580 = tpu.memref_slice %arg4[%arg1, %add3A_555, %dma_start3A_579] : memref<16x320x64xi32, #tpu.memory_space<hbm>> -> memref<1x32x64xi32, #tpu.memory_space<hbm>>
          %dma_start3A_581 = tpu.memref_squeeze %dma_start3A_580 : memref<1x32x64xi32, #tpu.memory_space<hbm>> -> memref<32x64xi32, #tpu.memory_space<hbm>>
          tpu.enqueue_dma source(%dma_start3A_581 : memref<32x64xi32, #tpu.memory_space<hbm>>) target(%arg8 : memref<32x64xi32, #tpu.memory_space<vmem>>) target_semaphore(%run_scoped3A : memref<!tpu.dma_semaphore, #tpu.memory_space<semaphore_mem>>)
          %dma_wait3A_582 = arith.constant 0 : i32
          %dma_wait3A_583 = tpu.memref_slice %arg4[%arg1, %add3A_555, %dma_wait3A_582] : memref<16x320x64xi32, #tpu.memory_space<hbm>> -> memref<1x32x64xi32, #tpu.memory_space<hbm>>
          %dma_wait3A_584 = tpu.memref_squeeze %dma_wait3A_583 : memref<1x32x64xi32, #tpu.memory_space<hbm>> -> memref<32x64xi32, #tpu.memory_space<hbm>>
          %dma_wait3A_585 = arith.constant 0 : i32
          %dma_wait3A_586 = tpu.memref_slice %arg4[%arg1, %add3A_555, %dma_wait3A_585] : memref<16x320x64xi32, #tpu.memory_space<hbm>> -> memref<1x32x64xi32, #tpu.memory_space<hbm>>
          %dma_wait3A_587 = tpu.memref_squeeze %dma_wait3A_586 : memref<1x32x64xi32, #tpu.memory_space<hbm>> -> memref<32x64xi32, #tpu.memory_space<hbm>>
          tpu.wait_dma2 semaphore(%run_scoped3A : memref<!tpu.dma_semaphore, #tpu.memory_space<semaphore_mem>>) src(%dma_wait3A_587 : memref<32x64xi32, #tpu.memory_space<hbm>>) dst(%arg8 : memref<32x64xi32, #tpu.memory_space<vmem>>)
          tpu.yield
        }) : () -> ()
        %dma_start3A_556 = arith.constant 0 : i32
        %dma_start3A_557 = arith.constant 0 : i32
        %dma_start3A_558 = tpu.memref_slice %arg7[%dma_start3A_556, %dma_start3A_557] : memref<32x64xi32, #tpu.memory_space<vmem>> -> memref<1x64xi32, #tpu.memory_space<vmem>>
        %dma_start3A_559 = tpu.memref_squeeze %dma_start3A_558 : memref<1x64xi32, #tpu.memory_space<vmem>> -> memref<64xi32, #tpu.memory_space<vmem>>
        %dma_start3A_560 = arith.constant 0 : i32
        %dma_start3A_561 = arith.constant 0 : i32
        %dma_start3A_562 = tpu.memref_slice %arg2[%dma_start3A_560, %dma_start3A_561] : memref<10112x128xf32, #tpu.memory_space<hbm>> -> memref<10112x128xf32, #tpu.memory_space<hbm>>
        tpu.enqueue_indirect_dma source(%dma_start3A_562 : memref<10112x128xf32, #tpu.memory_space<hbm>>) target(%arg9 : memref<64x128xf32, #tpu.memory_space<vmem>>) offsets(%dma_start3A_559 : memref<64xi32, #tpu.memory_space<vmem>>) semaphore(%arg12 : memref<!tpu.dma_semaphore, #tpu.memory_space<semaphore_mem>>)
        %scan3A_563 = arith.constant 0 : i32
        %scan3A_564 = arith.constant 0 : i32
        %scan3A_565 = arith.constant 16 : i32
        %scan3A_566 = arith.addi %scan3A_564, %scan3A_565 : i32
        %scan3A_567 = arith.constant 1 : i32
        scf.for %scan3A_576 = %scan3A_564 to %scan3A_566 step %scan3A_567  : i32 {
          %mul3A_577 = arith.constant 2 : i32
          %mul3A_578 = arith.muli %mul3A_577, %scan3A_576 : i32
          %add3A_579 = arith.constant 1 : i32
          %add3A_580 = arith.addi %mul3A_578, %add3A_579 : i32
          %gt3A = arith.constant 0 : i32
          %gt3A_581 = arith.cmpi sgt, %scan3A_576, %gt3A : i32
          %convert_element_type3A_582 = arith.extui %gt3A_581 : i1 to i32
          %cond3A_583 = arith.constant 0 : i32
          %cond3A_584 = arith.cmpi ne, %convert_element_type3A_582, %cond3A_583 : i32
          scf.if %cond3A_584 {
            %dma_wait3A_628 = arith.constant 0 : i32
            %dma_wait3A_629 = arith.constant 0 : i32
            %dma_wait3A_630 = tpu.memref_slice %arg8[%dma_wait3A_628, %dma_wait3A_629] : memref<32x64xi32, #tpu.memory_space<vmem>> -> memref<1x64xi32, #tpu.memory_space<vmem>>
            %dma_wait3A_631 = tpu.memref_squeeze %dma_wait3A_630 : memref<1x64xi32, #tpu.memory_space<vmem>> -> memref<64xi32, #tpu.memory_space<vmem>>
            %dma_wait3A_632 = arith.constant 0 : i32
            %dma_wait3A_633 = arith.constant 0 : i32
            %dma_wait3A_634 = tpu.memref_slice %arg11[%dma_wait3A_632, %dma_wait3A_633] : memref<10112x128xf32, #tpu.memory_space<vmem_shared>> -> memref<10112x128xf32, #tpu.memory_space<vmem_shared>>
            tpu.wait_indirect_dma semaphore(%arg15 : memref<!tpu.dma_semaphore, #tpu.memory_space<semaphore_mem>>) src(%arg10 : memref<64x128xf32, #tpu.memory_space<vmem>>) dst(%dma_wait3A_634 : memref<10112x128xf32, #tpu.memory_space<vmem_shared>>)
          } else {
          }
          %dma_wait3A_585 = arith.constant 0 : i32
          %dma_wait3A_586 = arith.constant 0 : i32
          %dma_wait3A_587 = tpu.memref_slice %arg7[%dma_wait3A_585, %dma_wait3A_586] : memref<32x64xi32, #tpu.memory_space<vmem>> -> memref<1x64xi32, #tpu.memory_space<vmem>>
          %dma_wait3A_588 = tpu.memref_squeeze %dma_wait3A_587 : memref<1x64xi32, #tpu.memory_space<vmem>> -> memref<64xi32, #tpu.memory_space<vmem>>
          %dma_wait3A_589 = arith.constant 0 : i32
          %dma_wait3A_590 = arith.constant 0 : i32
          %dma_wait3A_591 = tpu.memref_slice %arg2[%dma_wait3A_589, %dma_wait3A_590] : memref<10112x128xf32, #tpu.memory_space<hbm>> -> memref<10112x128xf32, #tpu.memory_space<hbm>>
          tpu.wait_indirect_dma semaphore(%arg12 : memref<!tpu.dma_semaphore, #tpu.memory_space<semaphore_mem>>) src(%dma_wait3A_591 : memref<10112x128xf32, #tpu.memory_space<hbm>>) dst(%arg9 : memref<64x128xf32, #tpu.memory_space<vmem>>)
          %dma_start3A_592 = arith.constant 0 : i32
          %dma_start3A_593 = tpu.memref_slice %arg7[%add3A_580, %dma_start3A_592] : memref<32x64xi32, #tpu.memory_space<vmem>> -> memref<1x64xi32, #tpu.memory_space<vmem>>
          %dma_start3A_594 = tpu.memref_squeeze %dma_start3A_593 : memref<1x64xi32, #tpu.memory_space<vmem>> -> memref<64xi32, #tpu.memory_space<vmem>>
          %dma_start3A_595 = arith.constant 0 : i32
          %dma_start3A_596 = arith.constant 0 : i32
          %dma_start3A_597 = tpu.memref_slice %arg2[%dma_start3A_595, %dma_start3A_596] : memref<10112x128xf32, #tpu.memory_space<hbm>> -> memref<10112x128xf32, #tpu.memory_space<hbm>>
          tpu.enqueue_indirect_dma source(%dma_start3A_597 : memref<10112x128xf32, #tpu.memory_space<hbm>>) target(%arg10 : memref<64x128xf32, #tpu.memory_space<vmem>>) offsets(%dma_start3A_594 : memref<64xi32, #tpu.memory_space<vmem>>) semaphore(%arg13 : memref<!tpu.dma_semaphore, #tpu.memory_space<semaphore_mem>>)
          %dma_start3A_598 = arith.constant 0 : i32
          %dma_start3A_599 = tpu.memref_slice %arg8[%mul3A_578, %dma_start3A_598] : memref<32x64xi32, #tpu.memory_space<vmem>> -> memref<1x64xi32, #tpu.memory_space<vmem>>
          %dma_start3A_600 = tpu.memref_squeeze %dma_start3A_599 : memref<1x64xi32, #tpu.memory_space<vmem>> -> memref<64xi32, #tpu.memory_space<vmem>>
          %dma_start3A_601 = arith.constant 0 : i32
          %dma_start3A_602 = arith.constant 0 : i32
          %dma_start3A_603 = tpu.memref_slice %arg11[%dma_start3A_601, %dma_start3A_602] : memref<10112x128xf32, #tpu.memory_space<vmem_shared>> -> memref<10112x128xf32, #tpu.memory_space<vmem_shared>>
          tpu.enqueue_indirect_dma source(%arg9 : memref<64x128xf32, #tpu.memory_space<vmem>>) target(%dma_start3A_603 : memref<10112x128xf32, #tpu.memory_space<vmem_shared>>) offsets(%dma_start3A_600 : memref<64xi32, #tpu.memory_space<vmem>>) semaphore(%arg14 : memref<!tpu.dma_semaphore, #tpu.memory_space<semaphore_mem>>) {add = true}
          %dma_wait3A_604 = arith.constant 0 : i32
          %dma_wait3A_605 = arith.constant 0 : i32
          %dma_wait3A_606 = tpu.memref_slice %arg7[%dma_wait3A_604, %dma_wait3A_605] : memref<32x64xi32, #tpu.memory_space<vmem>> -> memref<1x64xi32, #tpu.memory_space<vmem>>
          %dma_wait3A_607 = tpu.memref_squeeze %dma_wait3A_606 : memref<1x64xi32, #tpu.memory_space<vmem>> -> memref<64xi32, #tpu.memory_space<vmem>>
          %dma_wait3A_608 = arith.constant 0 : i32
          %dma_wait3A_609 = arith.constant 0 : i32
          %dma_wait3A_610 = tpu.memref_slice %arg2[%dma_wait3A_608, %dma_wait3A_609] : memref<10112x128xf32, #tpu.memory_space<hbm>> -> memref<10112x128xf32, #tpu.memory_space<hbm>>
          tpu.wait_indirect_dma semaphore(%arg13 : memref<!tpu.dma_semaphore, #tpu.memory_space<semaphore_mem>>) src(%dma_wait3A_610 : memref<10112x128xf32, #tpu.memory_space<hbm>>) dst(%arg10 : memref<64x128xf32, #tpu.memory_space<vmem>>)
          %dma_wait3A_611 = arith.constant 0 : i32
          %dma_wait3A_612 = arith.constant 0 : i32
          %dma_wait3A_613 = tpu.memref_slice %arg8[%dma_wait3A_611, %dma_wait3A_612] : memref<32x64xi32, #tpu.memory_space<vmem>> -> memref<1x64xi32, #tpu.memory_space<vmem>>
          %dma_wait3A_614 = tpu.memref_squeeze %dma_wait3A_613 : memref<1x64xi32, #tpu.memory_space<vmem>> -> memref<64xi32, #tpu.memory_space<vmem>>
          %dma_wait3A_615 = arith.constant 0 : i32
          %dma_wait3A_616 = arith.constant 0 : i32
          %dma_wait3A_617 = tpu.memref_slice %arg11[%dma_wait3A_615, %dma_wait3A_616] : memref<10112x128xf32, #tpu.memory_space<vmem_shared>> -> memref<10112x128xf32, #tpu.memory_space<vmem_shared>>
          tpu.wait_indirect_dma semaphore(%arg14 : memref<!tpu.dma_semaphore, #tpu.memory_space<semaphore_mem>>) src(%arg9 : memref<64x128xf32, #tpu.memory_space<vmem>>) dst(%dma_wait3A_617 : memref<10112x128xf32, #tpu.memory_space<vmem_shared>>)
          %lt3A = arith.constant 15 : i32
          %lt3A_618 = arith.cmpi slt, %scan3A_576, %lt3A : i32
          %convert_element_type3A_619 = arith.extui %lt3A_618 : i1 to i32
          %cond3A_620 = arith.constant 0 : i32
          %cond3A_621 = arith.cmpi ne, %convert_element_type3A_619, %cond3A_620 : i32
          scf.if %cond3A_621 {
            %add3A_628 = arith.constant 2 : i32
            %add3A_629 = arith.addi %mul3A_578, %add3A_628 : i32
            %dma_start3A_630 = arith.constant 0 : i32
            %dma_start3A_631 = tpu.memref_slice %arg7[%add3A_629, %dma_start3A_630] : memref<32x64xi32, #tpu.memory_space<vmem>> -> memref<1x64xi32, #tpu.memory_space<vmem>>
            %dma_start3A_632 = tpu.memref_squeeze %dma_start3A_631 : memref<1x64xi32, #tpu.memory_space<vmem>> -> memref<64xi32, #tpu.memory_space<vmem>>
            %dma_start3A_633 = arith.constant 0 : i32
            %dma_start3A_634 = arith.constant 0 : i32
            %dma_start3A_635 = tpu.memref_slice %arg2[%dma_start3A_633, %dma_start3A_634] : memref<10112x128xf32, #tpu.memory_space<hbm>> -> memref<10112x128xf32, #tpu.memory_space<hbm>>
            tpu.enqueue_indirect_dma source(%dma_start3A_635 : memref<10112x128xf32, #tpu.memory_space<hbm>>) target(%arg9 : memref<64x128xf32, #tpu.memory_space<vmem>>) offsets(%dma_start3A_632 : memref<64xi32, #tpu.memory_space<vmem>>) semaphore(%arg12 : memref<!tpu.dma_semaphore, #tpu.memory_space<semaphore_mem>>)
          } else {
          }
          %dma_start3A_622 = arith.constant 0 : i32
          %dma_start3A_623 = tpu.memref_slice %arg8[%add3A_580, %dma_start3A_622] : memref<32x64xi32, #tpu.memory_space<vmem>> -> memref<1x64xi32, #tpu.memory_space<vmem>>
          %dma_start3A_624 = tpu.memref_squeeze %dma_start3A_623 : memref<1x64xi32, #tpu.memory_space<vmem>> -> memref<64xi32, #tpu.memory_space<vmem>>
          %dma_start3A_625 = arith.constant 0 : i32
          %dma_start3A_626 = arith.constant 0 : i32
          %dma_start3A_627 = tpu.memref_slice %arg11[%dma_start3A_625, %dma_start3A_626] : memref<10112x128xf32, #tpu.memory_space<vmem_shared>> -> memref<10112x128xf32, #tpu.memory_space<vmem_shared>>
          tpu.enqueue_indirect_dma source(%arg10 : memref<64x128xf32, #tpu.memory_space<vmem>>) target(%dma_start3A_627 : memref<10112x128xf32, #tpu.memory_space<vmem_shared>>) offsets(%dma_start3A_624 : memref<64xi32, #tpu.memory_space<vmem>>) semaphore(%arg15 : memref<!tpu.dma_semaphore, #tpu.memory_space<semaphore_mem>>) {add = true}
        }
        %scan3A_568 = arith.constant 16 : i32
        %dma_wait3A_569 = arith.constant 0 : i32
        %dma_wait3A_570 = arith.constant 0 : i32
        %dma_wait3A_571 = tpu.memref_slice %arg8[%dma_wait3A_569, %dma_wait3A_570] : memref<32x64xi32, #tpu.memory_space<vmem>> -> memref<1x64xi32, #tpu.memory_space<vmem>>
        %dma_wait3A_572 = tpu.memref_squeeze %dma_wait3A_571 : memref<1x64xi32, #tpu.memory_space<vmem>> -> memref<64xi32, #tpu.memory_space<vmem>>
        %dma_wait3A_573 = arith.constant 0 : i32
        %dma_wait3A_574 = arith.constant 0 : i32
        %dma_wait3A_575 = tpu.memref_slice %arg11[%dma_wait3A_573, %dma_wait3A_574] : memref<10112x128xf32, #tpu.memory_space<vmem_shared>> -> memref<10112x128xf32, #tpu.memory_space<vmem_shared>>
        tpu.wait_indirect_dma semaphore(%arg15 : memref<!tpu.dma_semaphore, #tpu.memory_space<semaphore_mem>>) src(%arg10 : memref<64x128xf32, #tpu.memory_space<vmem>>) dst(%dma_wait3A_575 : memref<10112x128xf32, #tpu.memory_space<vmem_shared>>)
      }
      %scan3A_550 = arith.constant 3 : i32
    } else {
    }
    %barrier3A_245 = arith.constant 0 : index
    tpu.barrier barrier_id(%barrier3A_245)
    %add3A_246 = arith.constant 0 : i32
    %add3A_247 = arith.addi %mul3A_0, %add3A_246 : i32
    "tpu.region"() ({
      %run_scoped3A = tpu.sem_alloc : memref<!tpu.dma_semaphore, #tpu.memory_space<semaphore_mem>>
      %dma_start3A_546 = arith.constant 0 : i32
      %dma_start3A_547 = arith.constant 0 : i32
      %dma_start3A_548 = tpu.memref_slice %arg9[%dma_start3A_546, %dma_start3A_547] : memref<64x128xf32, #tpu.memory_space<vmem>> -> memref<64x128xf32, #tpu.memory_space<vmem>>
      %dma_start3A_549 = arith.constant 0 : i32
      %dma_start3A_550 = tpu.memref_slice %arg11[%add3A_247, %dma_start3A_549] : memref<10112x128xf32, #tpu.memory_space<vmem_shared>> -> memref<64x128xf32, #tpu.memory_space<vmem_shared>>
      %dma_start3A_551 = arith.constant 0 : i32
      %dma_start3A_552 = arith.constant 0 : i32
      %dma_start3A_553 = tpu.memref_slice %arg9[%dma_start3A_551, %dma_start3A_552] : memref<64x128xf32, #tpu.memory_space<vmem>> -> memref<64x128xf32, #tpu.memory_space<vmem>>
      %dma_start3A_554 = arith.constant 0 : i32
      %dma_start3A_555 = tpu.memref_slice %arg11[%add3A_247, %dma_start3A_554] : memref<10112x128xf32, #tpu.memory_space<vmem_shared>> -> memref<64x128xf32, #tpu.memory_space<vmem_shared>>
      tpu.enqueue_dma source(%dma_start3A_555 : memref<64x128xf32, #tpu.memory_space<vmem_shared>>) target(%dma_start3A_553 : memref<64x128xf32, #tpu.memory_space<vmem>>) target_semaphore(%run_scoped3A : memref<!tpu.dma_semaphore, #tpu.memory_space<semaphore_mem>>)
      %dma_wait3A_556 = arith.constant 0 : i32
      %dma_wait3A_557 = arith.constant 0 : i32
      %dma_wait3A_558 = tpu.memref_slice %arg9[%dma_wait3A_556, %dma_wait3A_557] : memref<64x128xf32, #tpu.memory_space<vmem>> -> memref<64x128xf32, #tpu.memory_space<vmem>>
      %dma_wait3A_559 = arith.constant 0 : i32
      %dma_wait3A_560 = tpu.memref_slice %arg11[%add3A_247, %dma_wait3A_559] : memref<10112x128xf32, #tpu.memory_space<vmem_shared>> -> memref<64x128xf32, #tpu.memory_space<vmem_shared>>
      %dma_wait3A_561 = arith.constant 0 : i32
      %dma_wait3A_562 = arith.constant 0 : i32
      %dma_wait3A_563 = tpu.memref_slice %arg9[%dma_wait3A_561, %dma_wait3A_562] : memref<64x128xf32, #tpu.memory_space<vmem>> -> memref<64x128xf32, #tpu.memory_space<vmem>>
      %dma_wait3A_564 = arith.constant 0 : i32
      %dma_wait3A_565 = tpu.memref_slice %arg11[%add3A_247, %dma_wait3A_564] : memref<10112x128xf32, #tpu.memory_space<vmem_shared>> -> memref<64x128xf32, #tpu.memory_space<vmem_shared>>
      tpu.wait_dma2 semaphore(%run_scoped3A : memref<!tpu.dma_semaphore, #tpu.memory_space<semaphore_mem>>) src(%dma_wait3A_565 : memref<64x128xf32, #tpu.memory_space<vmem_shared>>) dst(%dma_wait3A_563 : memref<64x128xf32, #tpu.memory_space<vmem>>)
      tpu.yield
    }) : () -> ()
    %add3A_248 = arith.constant 0 : i32
    %add3A_249 = arith.addi %mul3A_0, %add3A_248 : i32
    %dma_start3A_250 = arith.constant 0 : i32
    %dma_start3A_251 = arith.constant 0 : i32
    %dma_start3A_252 = tpu.memref_slice %arg9[%dma_start3A_250, %dma_start3A_251] : memref<64x128xf32, #tpu.memory_space<vmem>> -> memref<64x128xf32, #tpu.memory_space<vmem>>
    %dma_start3A_253 = arith.constant 0 : i32
    %dma_start3A_254 = tpu.memref_slice %arg6[%arg0, %add3A_249, %dma_start3A_253] : memref<2x10112x128xf32, #tpu.memory_space<hbm>> -> memref<1x64x128xf32, #tpu.memory_space<hbm>>
    %dma_start3A_255 = tpu.memref_squeeze %dma_start3A_254 : memref<1x64x128xf32, #tpu.memory_space<hbm>> -> memref<64x128xf32, #tpu.memory_space<hbm>>
    %dma_start3A_256 = arith.constant 0 : i32
    %dma_start3A_257 = tpu.memref_slice %arg6[%arg0, %add3A_249, %dma_start3A_256] : memref<2x10112x128xf32, #tpu.memory_space<hbm>> -> memref<1x64x128xf32, #tpu.memory_space<hbm>>
    %dma_start3A_258 = tpu.memref_squeeze %dma_start3A_257 : memref<1x64x128xf32, #tpu.memory_space<hbm>> -> memref<64x128xf32, #tpu.memory_space<hbm>>
    %dma_start3A_259 = arith.constant 0 : i32
    %dma_start3A_260 = arith.constant 0 : i32
    %dma_start3A_261 = tpu.memref_slice %arg9[%dma_start3A_259, %dma_start3A_260] : memref<64x128xf32, #tpu.memory_space<vmem>> -> memref<64x128xf32, #tpu.memory_space<vmem>>
    tpu.enqueue_dma source(%dma_start3A_261 : memref<64x128xf32, #tpu.memory_space<vmem>>) target(%dma_start3A_258 : memref<64x128xf32, #tpu.memory_space<hbm>>) target_semaphore(%arg12 : memref<!tpu.dma_semaphore, #tpu.memory_space<semaphore_mem>>)
    %add3A_262 = arith.constant 64 : i32
    %add3A_263 = arith.addi %mul3A_0, %add3A_262 : i32
    "tpu.region"() ({
      %run_scoped3A = tpu.sem_alloc : memref<!tpu.dma_semaphore, #tpu.memory_space<semaphore_mem>>
      %dma_start3A_546 = arith.constant 0 : i32
      %dma_start3A_547 = arith.constant 0 : i32
      %dma_start3A_548 = tpu.memref_slice %arg10[%dma_start3A_546, %dma_start3A_547] : memref<64x128xf32, #tpu.memory_space<vmem>> -> memref<64x128xf32, #tpu.memory_space<vmem>>
      %dma_start3A_549 = arith.constant 0 : i32
      %dma_start3A_550 = tpu.memref_slice %arg11[%add3A_263, %dma_start3A_549] : memref<10112x128xf32, #tpu.memory_space<vmem_shared>> -> memref<64x128xf32, #tpu.memory_space<vmem_shared>>
      %dma_start3A_551 = arith.constant 0 : i32
      %dma_start3A_552 = arith.constant 0 : i32
      %dma_start3A_553 = tpu.memref_slice %arg10[%dma_start3A_551, %dma_start3A_552] : memref<64x128xf32, #tpu.memory_space<vmem>> -> memref<64x128xf32, #tpu.memory_space<vmem>>
      %dma_start3A_554 = arith.constant 0 : i32
      %dma_start3A_555 = tpu.memref_slice %arg11[%add3A_263, %dma_start3A_554] : memref<10112x128xf32, #tpu.memory_space<vmem_shared>> -> memref<64x128xf32, #tpu.memory_space<vmem_shared>>
      tpu.enqueue_dma source(%dma_start3A_555 : memref<64x128xf32, #tpu.memory_space<vmem_shared>>) target(%dma_start3A_553 : memref<64x128xf32, #tpu.memory_space<vmem>>) target_semaphore(%run_scoped3A : memref<!tpu.dma_semaphore, #tpu.memory_space<semaphore_mem>>)
      %dma_wait3A_556 = arith.constant 0 : i32
      %dma_wait3A_557 = arith.constant 0 : i32
      %dma_wait3A_558 = tpu.memref_slice %arg10[%dma_wait3A_556, %dma_wait3A_557] : memref<64x128xf32, #tpu.memory_space<vmem>> -> memref<64x128xf32, #tpu.memory_space<vmem>>
      %dma_wait3A_559 = arith.constant 0 : i32
      %dma_wait3A_560 = tpu.memref_slice %arg11[%add3A_263, %dma_wait3A_559] : memref<10112x128xf32, #tpu.memory_space<vmem_shared>> -> memref<64x128xf32, #tpu.memory_space<vmem_shared>>
      %dma_wait3A_561 = arith.constant 0 : i32
      %dma_wait3A_562 = arith.constant 0 : i32
      %dma_wait3A_563 = tpu.memref_slice %arg10[%dma_wait3A_561, %dma_wait3A_562] : memref<64x128xf32, #tpu.memory_space<vmem>> -> memref<64x128xf32, #tpu.memory_space<vmem>>
      %dma_wait3A_564 = arith.constant 0 : i32
      %dma_wait3A_565 = tpu.memref_slice %arg11[%add3A_263, %dma_wait3A_564] : memref<10112x128xf32, #tpu.memory_space<vmem_shared>> -> memref<64x128xf32, #tpu.memory_space<vmem_shared>>
      tpu.wait_dma2 semaphore(%run_scoped3A : memref<!tpu.dma_semaphore, #tpu.memory_space<semaphore_mem>>) src(%dma_wait3A_565 : memref<64x128xf32, #tpu.memory_space<vmem_shared>>) dst(%dma_wait3A_563 : memref<64x128xf32, #tpu.memory_space<vmem>>)
      tpu.yield
    }) : () -> ()
    %add3A_264 = arith.constant 64 : i32
    %add3A_265 = arith.addi %mul3A_0, %add3A_264 : i32
    %dma_start3A_266 = arith.constant 0 : i32
    %dma_start3A_267 = arith.constant 0 : i32
    %dma_start3A_268 = tpu.memref_slice %arg10[%dma_start3A_266, %dma_start3A_267] : memref<64x128xf32, #tpu.memory_space<vmem>> -> memref<64x128xf32, #tpu.memory_space<vmem>>
    %dma_start3A_269 = arith.constant 0 : i32
    %dma_start3A_270 = tpu.memref_slice %arg6[%arg0, %add3A_265, %dma_start3A_269] : memref<2x10112x128xf32, #tpu.memory_space<hbm>> -> memref<1x64x128xf32, #tpu.memory_space<hbm>>
    %dma_start3A_271 = tpu.memref_squeeze %dma_start3A_270 : memref<1x64x128xf32, #tpu.memory_space<hbm>> -> memref<64x128xf32, #tpu.memory_space<hbm>>
    %dma_start3A_272 = arith.constant 0 : i32
    %dma_start3A_273 = tpu.memref_slice %arg6[%arg0, %add3A_265, %dma_start3A_272] : memref<2x10112x128xf32, #tpu.memory_space<hbm>> -> memref<1x64x128xf32, #tpu.memory_space<hbm>>
    %dma_start3A_274 = tpu.memref_squeeze %dma_start3A_273 : memref<1x64x128xf32, #tpu.memory_space<hbm>> -> memref<64x128xf32, #tpu.memory_space<hbm>>
    %dma_start3A_275 = arith.constant 0 : i32
    %dma_start3A_276 = arith.constant 0 : i32
    %dma_start3A_277 = tpu.memref_slice %arg10[%dma_start3A_275, %dma_start3A_276] : memref<64x128xf32, #tpu.memory_space<vmem>> -> memref<64x128xf32, #tpu.memory_space<vmem>>
    tpu.enqueue_dma source(%dma_start3A_277 : memref<64x128xf32, #tpu.memory_space<vmem>>) target(%dma_start3A_274 : memref<64x128xf32, #tpu.memory_space<hbm>>) target_semaphore(%arg13 : memref<!tpu.dma_semaphore, #tpu.memory_space<semaphore_mem>>)
    %add3A_278 = arith.constant 0 : i32
    %add3A_279 = arith.addi %mul3A_0, %add3A_278 : i32
    %dma_wait3A_280 = arith.constant 0 : i32
    %dma_wait3A_281 = arith.constant 0 : i32
    %dma_wait3A_282 = tpu.memref_slice %arg9[%dma_wait3A_280, %dma_wait3A_281] : memref<64x128xf32, #tpu.memory_space<vmem>> -> memref<64x128xf32, #tpu.memory_space<vmem>>
    %dma_wait3A_283 = arith.constant 0 : i32
    %dma_wait3A_284 = tpu.memref_slice %arg6[%arg0, %add3A_279, %dma_wait3A_283] : memref<2x10112x128xf32, #tpu.memory_space<hbm>> -> memref<1x64x128xf32, #tpu.memory_space<hbm>>
    %dma_wait3A_285 = tpu.memref_squeeze %dma_wait3A_284 : memref<1x64x128xf32, #tpu.memory_space<hbm>> -> memref<64x128xf32, #tpu.memory_space<hbm>>
    %dma_wait3A_286 = arith.constant 0 : i32
    %dma_wait3A_287 = tpu.memref_slice %arg6[%arg0, %add3A_279, %dma_wait3A_286] : memref<2x10112x128xf32, #tpu.memory_space<hbm>> -> memref<1x64x128xf32, #tpu.memory_space<hbm>>
    %dma_wait3A_288 = tpu.memref_squeeze %dma_wait3A_287 : memref<1x64x128xf32, #tpu.memory_space<hbm>> -> memref<64x128xf32, #tpu.memory_space<hbm>>
    %dma_wait3A_289 = arith.constant 0 : i32
    %dma_wait3A_290 = arith.constant 0 : i32
    %dma_wait3A_291 = tpu.memref_slice %arg9[%dma_wait3A_289, %dma_wait3A_290] : memref<64x128xf32, #tpu.memory_space<vmem>> -> memref<64x128xf32, #tpu.memory_space<vmem>>
    tpu.wait_dma2 semaphore(%arg12 : memref<!tpu.dma_semaphore, #tpu.memory_space<semaphore_mem>>) src(%dma_wait3A_291 : memref<64x128xf32, #tpu.memory_space<vmem>>) dst(%dma_wait3A_288 : memref<64x128xf32, #tpu.memory_space<hbm>>)
    %add3A_292 = arith.constant 128 : i32
    %add3A_293 = arith.addi %mul3A_0, %add3A_292 : i32
    "tpu.region"() ({
      %run_scoped3A = tpu.sem_alloc : memref<!tpu.dma_semaphore, #tpu.memory_space<semaphore_mem>>
      %dma_start3A_546 = arith.constant 0 : i32
      %dma_start3A_547 = arith.constant 0 : i32
      %dma_start3A_548 = tpu.memref_slice %arg9[%dma_start3A_546, %dma_start3A_547] : memref<64x128xf32, #tpu.memory_space<vmem>> -> memref<64x128xf32, #tpu.memory_space<vmem>>
      %dma_start3A_549 = arith.constant 0 : i32
      %dma_start3A_550 = tpu.memref_slice %arg11[%add3A_293, %dma_start3A_549] : memref<10112x128xf32, #tpu.memory_space<vmem_shared>> -> memref<64x128xf32, #tpu.memory_space<vmem_shared>>
      %dma_start3A_551 = arith.constant 0 : i32
      %dma_start3A_552 = arith.constant 0 : i32
      %dma_start3A_553 = tpu.memref_slice %arg9[%dma_start3A_551, %dma_start3A_552] : memref<64x128xf32, #tpu.memory_space<vmem>> -> memref<64x128xf32, #tpu.memory_space<vmem>>
      %dma_start3A_554 = arith.constant 0 : i32
      %dma_start3A_555 = tpu.memref_slice %arg11[%add3A_293, %dma_start3A_554] : memref<10112x128xf32, #tpu.memory_space<vmem_shared>> -> memref<64x128xf32, #tpu.memory_space<vmem_shared>>
      tpu.enqueue_dma source(%dma_start3A_555 : memref<64x128xf32, #tpu.memory_space<vmem_shared>>) target(%dma_start3A_553 : memref<64x128xf32, #tpu.memory_space<vmem>>) target_semaphore(%run_scoped3A : memref<!tpu.dma_semaphore, #tpu.memory_space<semaphore_mem>>)
      %dma_wait3A_556 = arith.constant 0 : i32
      %dma_wait3A_557 = arith.constant 0 : i32
      %dma_wait3A_558 = tpu.memref_slice %arg9[%dma_wait3A_556, %dma_wait3A_557] : memref<64x128xf32, #tpu.memory_space<vmem>> -> memref<64x128xf32, #tpu.memory_space<vmem>>
      %dma_wait3A_559 = arith.constant 0 : i32
      %dma_wait3A_560 = tpu.memref_slice %arg11[%add3A_293, %dma_wait3A_559] : memref<10112x128xf32, #tpu.memory_space<vmem_shared>> -> memref<64x128xf32, #tpu.memory_space<vmem_shared>>
      %dma_wait3A_561 = arith.constant 0 : i32
      %dma_wait3A_562 = arith.constant 0 : i32
      %dma_wait3A_563 = tpu.memref_slice %arg9[%dma_wait3A_561, %dma_wait3A_562] : memref<64x128xf32, #tpu.memory_space<vmem>> -> memref<64x128xf32, #tpu.memory_space<vmem>>
      %dma_wait3A_564 = arith.constant 0 : i32
      %dma_wait3A_565 = tpu.memref_slice %arg11[%add3A_293, %dma_wait3A_564] : memref<10112x128xf32, #tpu.memory_space<vmem_shared>> -> memref<64x128xf32, #tpu.memory_space<vmem_shared>>
      tpu.wait_dma2 semaphore(%run_scoped3A : memref<!tpu.dma_semaphore, #tpu.memory_space<semaphore_mem>>) src(%dma_wait3A_565 : memref<64x128xf32, #tpu.memory_space<vmem_shared>>) dst(%dma_wait3A_563 : memref<64x128xf32, #tpu.memory_space<vmem>>)
      tpu.yield
    }) : () -> ()
    %add3A_294 = arith.constant 128 : i32
    %add3A_295 = arith.addi %mul3A_0, %add3A_294 : i32
    %dma_start3A_296 = arith.constant 0 : i32
    %dma_start3A_297 = arith.constant 0 : i32
    %dma_start3A_298 = tpu.memref_slice %arg9[%dma_start3A_296, %dma_start3A_297] : memref<64x128xf32, #tpu.memory_space<vmem>> -> memref<64x128xf32, #tpu.memory_space<vmem>>
    %dma_start3A_299 = arith.constant 0 : i32
    %dma_start3A_300 = tpu.memref_slice %arg6[%arg0, %add3A_295, %dma_start3A_299] : memref<2x10112x128xf32, #tpu.memory_space<hbm>> -> memref<1x64x128xf32, #tpu.memory_space<hbm>>
    %dma_start3A_301 = tpu.memref_squeeze %dma_start3A_300 : memref<1x64x128xf32, #tpu.memory_space<hbm>> -> memref<64x128xf32, #tpu.memory_space<hbm>>
    %dma_start3A_302 = arith.constant 0 : i32
    %dma_start3A_303 = tpu.memref_slice %arg6[%arg0, %add3A_295, %dma_start3A_302] : memref<2x10112x128xf32, #tpu.memory_space<hbm>> -> memref<1x64x128xf32, #tpu.memory_space<hbm>>
    %dma_start3A_304 = tpu.memref_squeeze %dma_start3A_303 : memref<1x64x128xf32, #tpu.memory_space<hbm>> -> memref<64x128xf32, #tpu.memory_space<hbm>>
    %dma_start3A_305 = arith.constant 0 : i32
    %dma_start3A_306 = arith.constant 0 : i32
    %dma_start3A_307 = tpu.memref_slice %arg9[%dma_start3A_305, %dma_start3A_306] : memref<64x128xf32, #tpu.memory_space<vmem>> -> memref<64x128xf32, #tpu.memory_space<vmem>>
    tpu.enqueue_dma source(%dma_start3A_307 : memref<64x128xf32, #tpu.memory_space<vmem>>) target(%dma_start3A_304 : memref<64x128xf32, #tpu.memory_space<hbm>>) target_semaphore(%arg12 : memref<!tpu.dma_semaphore, #tpu.memory_space<semaphore_mem>>)
    %add3A_308 = arith.constant 64 : i32
    %add3A_309 = arith.addi %mul3A_0, %add3A_308 : i32
    %dma_wait3A_310 = arith.constant 0 : i32
    %dma_wait3A_311 = arith.constant 0 : i32
    %dma_wait3A_312 = tpu.memref_slice %arg10[%dma_wait3A_310, %dma_wait3A_311] : memref<64x128xf32, #tpu.memory_space<vmem>> -> memref<64x128xf32, #tpu.memory_space<vmem>>
    %dma_wait3A_313 = arith.constant 0 : i32
    %dma_wait3A_314 = tpu.memref_slice %arg6[%arg0, %add3A_309, %dma_wait3A_313] : memref<2x10112x128xf32, #tpu.memory_space<hbm>> -> memref<1x64x128xf32, #tpu.memory_space<hbm>>
    %dma_wait3A_315 = tpu.memref_squeeze %dma_wait3A_314 : memref<1x64x128xf32, #tpu.memory_space<hbm>> -> memref<64x128xf32, #tpu.memory_space<hbm>>
    %dma_wait3A_316 = arith.constant 0 : i32
    %dma_wait3A_317 = tpu.memref_slice %arg6[%arg0, %add3A_309, %dma_wait3A_316] : memref<2x10112x128xf32, #tpu.memory_space<hbm>> -> memref<1x64x128xf32, #tpu.memory_space<hbm>>
    %dma_wait3A_318 = tpu.memref_squeeze %dma_wait3A_317 : memref<1x64x128xf32, #tpu.memory_space<hbm>> -> memref<64x128xf32, #tpu.memory_space<hbm>>
    %dma_wait3A_319 = arith.constant 0 : i32
    %dma_wait3A_320 = arith.constant 0 : i32
    %dma_wait3A_321 = tpu.memref_slice %arg10[%dma_wait3A_319, %dma_wait3A_320] : memref<64x128xf32, #tpu.memory_space<vmem>> -> memref<64x128xf32, #tpu.memory_space<vmem>>
    tpu.wait_dma2 semaphore(%arg13 : memref<!tpu.dma_semaphore, #tpu.memory_space<semaphore_mem>>) src(%dma_wait3A_321 : memref<64x128xf32, #tpu.memory_space<vmem>>) dst(%dma_wait3A_318 : memref<64x128xf32, #tpu.memory_space<hbm>>)
    %add3A_322 = arith.constant 192 : i32
    %add3A_323 = arith.addi %mul3A_0, %add3A_322 : i32
    "tpu.region"() ({
      %run_scoped3A = tpu.sem_alloc : memref<!tpu.dma_semaphore, #tpu.memory_space<semaphore_mem>>
      %dma_start3A_546 = arith.constant 0 : i32
      %dma_start3A_547 = arith.constant 0 : i32
      %dma_start3A_548 = tpu.memref_slice %arg10[%dma_start3A_546, %dma_start3A_547] : memref<64x128xf32, #tpu.memory_space<vmem>> -> memref<64x128xf32, #tpu.memory_space<vmem>>
      %dma_start3A_549 = arith.constant 0 : i32
      %dma_start3A_550 = tpu.memref_slice %arg11[%add3A_323, %dma_start3A_549] : memref<10112x128xf32, #tpu.memory_space<vmem_shared>> -> memref<64x128xf32, #tpu.memory_space<vmem_shared>>
      %dma_start3A_551 = arith.constant 0 : i32
      %dma_start3A_552 = arith.constant 0 : i32
      %dma_start3A_553 = tpu.memref_slice %arg10[%dma_start3A_551, %dma_start3A_552] : memref<64x128xf32, #tpu.memory_space<vmem>> -> memref<64x128xf32, #tpu.memory_space<vmem>>
      %dma_start3A_554 = arith.constant 0 : i32
      %dma_start3A_555 = tpu.memref_slice %arg11[%add3A_323, %dma_start3A_554] : memref<10112x128xf32, #tpu.memory_space<vmem_shared>> -> memref<64x128xf32, #tpu.memory_space<vmem_shared>>
      tpu.enqueue_dma source(%dma_start3A_555 : memref<64x128xf32, #tpu.memory_space<vmem_shared>>) target(%dma_start3A_553 : memref<64x128xf32, #tpu.memory_space<vmem>>) target_semaphore(%run_scoped3A : memref<!tpu.dma_semaphore, #tpu.memory_space<semaphore_mem>>)
      %dma_wait3A_556 = arith.constant 0 : i32
      %dma_wait3A_557 = arith.constant 0 : i32
      %dma_wait3A_558 = tpu.memref_slice %arg10[%dma_wait3A_556, %dma_wait3A_557] : memref<64x128xf32, #tpu.memory_space<vmem>> -> memref<64x128xf32, #tpu.memory_space<vmem>>
      %dma_wait3A_559 = arith.constant 0 : i32
      %dma_wait3A_560 = tpu.memref_slice %arg11[%add3A_323, %dma_wait3A_559] : memref<10112x128xf32, #tpu.memory_space<vmem_shared>> -> memref<64x128xf32, #tpu.memory_space<vmem_shared>>
      %dma_wait3A_561 = arith.constant 0 : i32
      %dma_wait3A_562 = arith.constant 0 : i32
      %dma_wait3A_563 = tpu.memref_slice %arg10[%dma_wait3A_561, %dma_wait3A_562] : memref<64x128xf32, #tpu.memory_space<vmem>> -> memref<64x128xf32, #tpu.memory_space<vmem>>
      %dma_wait3A_564 = arith.constant 0 : i32
      %dma_wait3A_565 = tpu.memref_slice %arg11[%add3A_323, %dma_wait3A_564] : memref<10112x128xf32, #tpu.memory_space<vmem_shared>> -> memref<64x128xf32, #tpu.memory_space<vmem_shared>>
      tpu.wait_dma2 semaphore(%run_scoped3A : memref<!tpu.dma_semaphore, #tpu.memory_space<semaphore_mem>>) src(%dma_wait3A_565 : memref<64x128xf32, #tpu.memory_space<vmem_shared>>) dst(%dma_wait3A_563 : memref<64x128xf32, #tpu.memory_space<vmem>>)
      tpu.yield
    }) : () -> ()
    %add3A_324 = arith.constant 192 : i32
    %add3A_325 = arith.addi %mul3A_0, %add3A_324 : i32
    %dma_start3A_326 = arith.constant 0 : i32
    %dma_start3A_327 = arith.constant 0 : i32
    %dma_start3A_328 = tpu.memref_slice %arg10[%dma_start3A_326, %dma_start3A_327] : memref<64x128xf32, #tpu.memory_space<vmem>> -> memref<64x128xf32, #tpu.memory_space<vmem>>
    %dma_start3A_329 = arith.constant 0 : i32
    %dma_start3A_330 = tpu.memref_slice %arg6[%arg0, %add3A_325, %dma_start3A_329] : memref<2x10112x128xf32, #tpu.memory_space<hbm>> -> memref<1x64x128xf32, #tpu.memory_space<hbm>>
    %dma_start3A_331 = tpu.memref_squeeze %dma_start3A_330 : memref<1x64x128xf32, #tpu.memory_space<hbm>> -> memref<64x128xf32, #tpu.memory_space<hbm>>
    %dma_start3A_332 = arith.constant 0 : i32
    %dma_start3A_333 = tpu.memref_slice %arg6[%arg0, %add3A_325, %dma_start3A_332] : memref<2x10112x128xf32, #tpu.memory_space<hbm>> -> memref<1x64x128xf32, #tpu.memory_space<hbm>>
    %dma_start3A_334 = tpu.memref_squeeze %dma_start3A_333 : memref<1x64x128xf32, #tpu.memory_space<hbm>> -> memref<64x128xf32, #tpu.memory_space<hbm>>
    %dma_start3A_335 = arith.constant 0 : i32
    %dma_start3A_336 = arith.constant 0 : i32
    %dma_start3A_337 = tpu.memref_slice %arg10[%dma_start3A_335, %dma_start3A_336] : memref<64x128xf32, #tpu.memory_space<vmem>> -> memref<64x128xf32, #tpu.memory_space<vmem>>
    tpu.enqueue_dma source(%dma_start3A_337 : memref<64x128xf32, #tpu.memory_space<vmem>>) target(%dma_start3A_334 : memref<64x128xf32, #tpu.memory_space<hbm>>) target_semaphore(%arg13 : memref<!tpu.dma_semaphore, #tpu.memory_space<semaphore_mem>>)
    %add3A_338 = arith.constant 128 : i32
    %add3A_339 = arith.addi %mul3A_0, %add3A_338 : i32
    %dma_wait3A_340 = arith.constant 0 : i32
    %dma_wait3A_341 = arith.constant 0 : i32
    %dma_wait3A_342 = tpu.memref_slice %arg9[%dma_wait3A_340, %dma_wait3A_341] : memref<64x128xf32, #tpu.memory_space<vmem>> -> memref<64x128xf32, #tpu.memory_space<vmem>>
    %dma_wait3A_343 = arith.constant 0 : i32
    %dma_wait3A_344 = tpu.memref_slice %arg6[%arg0, %add3A_339, %dma_wait3A_343] : memref<2x10112x128xf32, #tpu.memory_space<hbm>> -> memref<1x64x128xf32, #tpu.memory_space<hbm>>
    %dma_wait3A_345 = tpu.memref_squeeze %dma_wait3A_344 : memref<1x64x128xf32, #tpu.memory_space<hbm>> -> memref<64x128xf32, #tpu.memory_space<hbm>>
    %dma_wait3A_346 = arith.constant 0 : i32
    %dma_wait3A_347 = tpu.memref_slice %arg6[%arg0, %add3A_339, %dma_wait3A_346] : memref<2x10112x128xf32, #tpu.memory_space<hbm>> -> memref<1x64x128xf32, #tpu.memory_space<hbm>>
    %dma_wait3A_348 = tpu.memref_squeeze %dma_wait3A_347 : memref<1x64x128xf32, #tpu.memory_space<hbm>> -> memref<64x128xf32, #tpu.memory_space<hbm>>
    %dma_wait3A_349 = arith.constant 0 : i32
    %dma_wait3A_350 = arith.constant 0 : i32
    %dma_wait3A_351 = tpu.memref_slice %arg9[%dma_wait3A_349, %dma_wait3A_350] : memref<64x128xf32, #tpu.memory_space<vmem>> -> memref<64x128xf32, #tpu.memory_space<vmem>>
    tpu.wait_dma2 semaphore(%arg12 : memref<!tpu.dma_semaphore, #tpu.memory_space<semaphore_mem>>) src(%dma_wait3A_351 : memref<64x128xf32, #tpu.memory_space<vmem>>) dst(%dma_wait3A_348 : memref<64x128xf32, #tpu.memory_space<hbm>>)
    %add3A_352 = arith.constant 256 : i32
    %add3A_353 = arith.addi %mul3A_0, %add3A_352 : i32
    "tpu.region"() ({
      %run_scoped3A = tpu.sem_alloc : memref<!tpu.dma_semaphore, #tpu.memory_space<semaphore_mem>>
      %dma_start3A_546 = arith.constant 0 : i32
      %dma_start3A_547 = arith.constant 0 : i32
      %dma_start3A_548 = tpu.memref_slice %arg9[%dma_start3A_546, %dma_start3A_547] : memref<64x128xf32, #tpu.memory_space<vmem>> -> memref<64x128xf32, #tpu.memory_space<vmem>>
      %dma_start3A_549 = arith.constant 0 : i32
      %dma_start3A_550 = tpu.memref_slice %arg11[%add3A_353, %dma_start3A_549] : memref<10112x128xf32, #tpu.memory_space<vmem_shared>> -> memref<64x128xf32, #tpu.memory_space<vmem_shared>>
      %dma_start3A_551 = arith.constant 0 : i32
      %dma_start3A_552 = arith.constant 0 : i32
      %dma_start3A_553 = tpu.memref_slice %arg9[%dma_start3A_551, %dma_start3A_552] : memref<64x128xf32, #tpu.memory_space<vmem>> -> memref<64x128xf32, #tpu.memory_space<vmem>>
      %dma_start3A_554 = arith.constant 0 : i32
      %dma_start3A_555 = tpu.memref_slice %arg11[%add3A_353, %dma_start3A_554] : memref<10112x128xf32, #tpu.memory_space<vmem_shared>> -> memref<64x128xf32, #tpu.memory_space<vmem_shared>>
      tpu.enqueue_dma source(%dma_start3A_555 : memref<64x128xf32, #tpu.memory_space<vmem_shared>>) target(%dma_start3A_553 : memref<64x128xf32, #tpu.memory_space<vmem>>) target_semaphore(%run_scoped3A : memref<!tpu.dma_semaphore, #tpu.memory_space<semaphore_mem>>)
      %dma_wait3A_556 = arith.constant 0 : i32
      %dma_wait3A_557 = arith.constant 0 : i32
      %dma_wait3A_558 = tpu.memref_slice %arg9[%dma_wait3A_556, %dma_wait3A_557] : memref<64x128xf32, #tpu.memory_space<vmem>> -> memref<64x128xf32, #tpu.memory_space<vmem>>
      %dma_wait3A_559 = arith.constant 0 : i32
      %dma_wait3A_560 = tpu.memref_slice %arg11[%add3A_353, %dma_wait3A_559] : memref<10112x128xf32, #tpu.memory_space<vmem_shared>> -> memref<64x128xf32, #tpu.memory_space<vmem_shared>>
      %dma_wait3A_561 = arith.constant 0 : i32
      %dma_wait3A_562 = arith.constant 0 : i32
      %dma_wait3A_563 = tpu.memref_slice %arg9[%dma_wait3A_561, %dma_wait3A_562] : memref<64x128xf32, #tpu.memory_space<vmem>> -> memref<64x128xf32, #tpu.memory_space<vmem>>
      %dma_wait3A_564 = arith.constant 0 : i32
      %dma_wait3A_565 = tpu.memref_slice %arg11[%add3A_353, %dma_wait3A_564] : memref<10112x128xf32, #tpu.memory_space<vmem_shared>> -> memref<64x128xf32, #tpu.memory_space<vmem_shared>>
      tpu.wait_dma2 semaphore(%run_scoped3A : memref<!tpu.dma_semaphore, #tpu.memory_space<semaphore_mem>>) src(%dma_wait3A_565 : memref<64x128xf32, #tpu.memory_space<vmem_shared>>) dst(%dma_wait3A_563 : memref<64x128xf32, #tpu.memory_space<vmem>>)
      tpu.yield
    }) : () -> ()
    %add3A_354 = arith.constant 256 : i32
    %add3A_355 = arith.addi %mul3A_0, %add3A_354 : i32
    %dma_start3A_356 = arith.constant 0 : i32
    %dma_start3A_357 = arith.constant 0 : i32
    %dma_start3A_358 = tpu.memref_slice %arg9[%dma_start3A_356, %dma_start3A_357] : memref<64x128xf32, #tpu.memory_space<vmem>> -> memref<64x128xf32, #tpu.memory_space<vmem>>
    %dma_start3A_359 = arith.constant 0 : i32
    %dma_start3A_360 = tpu.memref_slice %arg6[%arg0, %add3A_355, %dma_start3A_359] : memref<2x10112x128xf32, #tpu.memory_space<hbm>> -> memref<1x64x128xf32, #tpu.memory_space<hbm>>
    %dma_start3A_361 = tpu.memref_squeeze %dma_start3A_360 : memref<1x64x128xf32, #tpu.memory_space<hbm>> -> memref<64x128xf32, #tpu.memory_space<hbm>>
    %dma_start3A_362 = arith.constant 0 : i32
    %dma_start3A_363 = tpu.memref_slice %arg6[%arg0, %add3A_355, %dma_start3A_362] : memref<2x10112x128xf32, #tpu.memory_space<hbm>> -> memref<1x64x128xf32, #tpu.memory_space<hbm>>
    %dma_start3A_364 = tpu.memref_squeeze %dma_start3A_363 : memref<1x64x128xf32, #tpu.memory_space<hbm>> -> memref<64x128xf32, #tpu.memory_space<hbm>>
    %dma_start3A_365 = arith.constant 0 : i32
    %dma_start3A_366 = arith.constant 0 : i32
    %dma_start3A_367 = tpu.memref_slice %arg9[%dma_start3A_365, %dma_start3A_366] : memref<64x128xf32, #tpu.memory_space<vmem>> -> memref<64x128xf32, #tpu.memory_space<vmem>>
    tpu.enqueue_dma source(%dma_start3A_367 : memref<64x128xf32, #tpu.memory_space<vmem>>) target(%dma_start3A_364 : memref<64x128xf32, #tpu.memory_space<hbm>>) target_semaphore(%arg12 : memref<!tpu.dma_semaphore, #tpu.memory_space<semaphore_mem>>)
    %add3A_368 = arith.constant 192 : i32
    %add3A_369 = arith.addi %mul3A_0, %add3A_368 : i32
    %dma_wait3A_370 = arith.constant 0 : i32
    %dma_wait3A_371 = arith.constant 0 : i32
    %dma_wait3A_372 = tpu.memref_slice %arg10[%dma_wait3A_370, %dma_wait3A_371] : memref<64x128xf32, #tpu.memory_space<vmem>> -> memref<64x128xf32, #tpu.memory_space<vmem>>
    %dma_wait3A_373 = arith.constant 0 : i32
    %dma_wait3A_374 = tpu.memref_slice %arg6[%arg0, %add3A_369, %dma_wait3A_373] : memref<2x10112x128xf32, #tpu.memory_space<hbm>> -> memref<1x64x128xf32, #tpu.memory_space<hbm>>
    %dma_wait3A_375 = tpu.memref_squeeze %dma_wait3A_374 : memref<1x64x128xf32, #tpu.memory_space<hbm>> -> memref<64x128xf32, #tpu.memory_space<hbm>>
    %dma_wait3A_376 = arith.constant 0 : i32
    %dma_wait3A_377 = tpu.memref_slice %arg6[%arg0, %add3A_369, %dma_wait3A_376] : memref<2x10112x128xf32, #tpu.memory_space<hbm>> -> memref<1x64x128xf32, #tpu.memory_space<hbm>>
    %dma_wait3A_378 = tpu.memref_squeeze %dma_wait3A_377 : memref<1x64x128xf32, #tpu.memory_space<hbm>> -> memref<64x128xf32, #tpu.memory_space<hbm>>
    %dma_wait3A_379 = arith.constant 0 : i32
    %dma_wait3A_380 = arith.constant 0 : i32
    %dma_wait3A_381 = tpu.memref_slice %arg10[%dma_wait3A_379, %dma_wait3A_380] : memref<64x128xf32, #tpu.memory_space<vmem>> -> memref<64x128xf32, #tpu.memory_space<vmem>>
    tpu.wait_dma2 semaphore(%arg13 : memref<!tpu.dma_semaphore, #tpu.memory_space<semaphore_mem>>) src(%dma_wait3A_381 : memref<64x128xf32, #tpu.memory_space<vmem>>) dst(%dma_wait3A_378 : memref<64x128xf32, #tpu.memory_space<hbm>>)
    %add3A_382 = arith.constant 320 : i32
    %add3A_383 = arith.addi %mul3A_0, %add3A_382 : i32
    "tpu.region"() ({
      %run_scoped3A = tpu.sem_alloc : memref<!tpu.dma_semaphore, #tpu.memory_space<semaphore_mem>>
      %dma_start3A_546 = arith.constant 0 : i32
      %dma_start3A_547 = arith.constant 0 : i32
      %dma_start3A_548 = tpu.memref_slice %arg10[%dma_start3A_546, %dma_start3A_547] : memref<64x128xf32, #tpu.memory_space<vmem>> -> memref<64x128xf32, #tpu.memory_space<vmem>>
      %dma_start3A_549 = arith.constant 0 : i32
      %dma_start3A_550 = tpu.memref_slice %arg11[%add3A_383, %dma_start3A_549] : memref<10112x128xf32, #tpu.memory_space<vmem_shared>> -> memref<64x128xf32, #tpu.memory_space<vmem_shared>>
      %dma_start3A_551 = arith.constant 0 : i32
      %dma_start3A_552 = arith.constant 0 : i32
      %dma_start3A_553 = tpu.memref_slice %arg10[%dma_start3A_551, %dma_start3A_552] : memref<64x128xf32, #tpu.memory_space<vmem>> -> memref<64x128xf32, #tpu.memory_space<vmem>>
      %dma_start3A_554 = arith.constant 0 : i32
      %dma_start3A_555 = tpu.memref_slice %arg11[%add3A_383, %dma_start3A_554] : memref<10112x128xf32, #tpu.memory_space<vmem_shared>> -> memref<64x128xf32, #tpu.memory_space<vmem_shared>>
      tpu.enqueue_dma source(%dma_start3A_555 : memref<64x128xf32, #tpu.memory_space<vmem_shared>>) target(%dma_start3A_553 : memref<64x128xf32, #tpu.memory_space<vmem>>) target_semaphore(%run_scoped3A : memref<!tpu.dma_semaphore, #tpu.memory_space<semaphore_mem>>)
      %dma_wait3A_556 = arith.constant 0 : i32
      %dma_wait3A_557 = arith.constant 0 : i32
      %dma_wait3A_558 = tpu.memref_slice %arg10[%dma_wait3A_556, %dma_wait3A_557] : memref<64x128xf32, #tpu.memory_space<vmem>> -> memref<64x128xf32, #tpu.memory_space<vmem>>
      %dma_wait3A_559 = arith.constant 0 : i32
      %dma_wait3A_560 = tpu.memref_slice %arg11[%add3A_383, %dma_wait3A_559] : memref<10112x128xf32, #tpu.memory_space<vmem_shared>> -> memref<64x128xf32, #tpu.memory_space<vmem_shared>>
      %dma_wait3A_561 = arith.constant 0 : i32
      %dma_wait3A_562 = arith.constant 0 : i32
      %dma_wait3A_563 = tpu.memref_slice %arg10[%dma_wait3A_561, %dma_wait3A_562] : memref<64x128xf32, #tpu.memory_space<vmem>> -> memref<64x128xf32, #tpu.memory_space<vmem>>
      %dma_wait3A_564 = arith.constant 0 : i32
      %dma_wait3A_565 = tpu.memref_slice %arg11[%add3A_383, %dma_wait3A_564] : memref<10112x128xf32, #tpu.memory_space<vmem_shared>> -> memref<64x128xf32, #tpu.memory_space<vmem_shared>>
      tpu.wait_dma2 semaphore(%run_scoped3A : memref<!tpu.dma_semaphore, #tpu.memory_space<semaphore_mem>>) src(%dma_wait3A_565 : memref<64x128xf32, #tpu.memory_space<vmem_shared>>) dst(%dma_wait3A_563 : memref<64x128xf32, #tpu.memory_space<vmem>>)
      tpu.yield
    }) : () -> ()
    %add3A_384 = arith.constant 320 : i32
    %add3A_385 = arith.addi %mul3A_0, %add3A_384 : i32
    %dma_start3A_386 = arith.constant 0 : i32
    %dma_start3A_387 = arith.constant 0 : i32
    %dma_start3A_388 = tpu.memref_slice %arg10[%dma_start3A_386, %dma_start3A_387] : memref<64x128xf32, #tpu.memory_space<vmem>> -> memref<64x128xf32, #tpu.memory_space<vmem>>
    %dma_start3A_389 = arith.constant 0 : i32
    %dma_start3A_390 = tpu.memref_slice %arg6[%arg0, %add3A_385, %dma_start3A_389] : memref<2x10112x128xf32, #tpu.memory_space<hbm>> -> memref<1x64x128xf32, #tpu.memory_space<hbm>>
    %dma_start3A_391 = tpu.memref_squeeze %dma_start3A_390 : memref<1x64x128xf32, #tpu.memory_space<hbm>> -> memref<64x128xf32, #tpu.memory_space<hbm>>
    %dma_start3A_392 = arith.constant 0 : i32
    %dma_start3A_393 = tpu.memref_slice %arg6[%arg0, %add3A_385, %dma_start3A_392] : memref<2x10112x128xf32, #tpu.memory_space<hbm>> -> memref<1x64x128xf32, #tpu.memory_space<hbm>>
    %dma_start3A_394 = tpu.memref_squeeze %dma_start3A_393 : memref<1x64x128xf32, #tpu.memory_space<hbm>> -> memref<64x128xf32, #tpu.memory_space<hbm>>
    %dma_start3A_395 = arith.constant 0 : i32
    %dma_start3A_396 = arith.constant 0 : i32
    %dma_start3A_397 = tpu.memref_slice %arg10[%dma_start3A_395, %dma_start3A_396] : memref<64x128xf32, #tpu.memory_space<vmem>> -> memref<64x128xf32, #tpu.memory_space<vmem>>
    tpu.enqueue_dma source(%dma_start3A_397 : memref<64x128xf32, #tpu.memory_space<vmem>>) target(%dma_start3A_394 : memref<64x128xf32, #tpu.memory_space<hbm>>) target_semaphore(%arg13 : memref<!tpu.dma_semaphore, #tpu.memory_space<semaphore_mem>>)
    %add3A_398 = arith.constant 256 : i32
    %add3A_399 = arith.addi %mul3A_0, %add3A_398 : i32
    %dma_wait3A_400 = arith.constant 0 : i32
    %dma_wait3A_401 = arith.constant 0 : i32
    %dma_wait3A_402 = tpu.memref_slice %arg9[%dma_wait3A_400, %dma_wait3A_401] : memref<64x128xf32, #tpu.memory_space<vmem>> -> memref<64x128xf32, #tpu.memory_space<vmem>>
    %dma_wait3A_403 = arith.constant 0 : i32
    %dma_wait3A_404 = tpu.memref_slice %arg6[%arg0, %add3A_399, %dma_wait3A_403] : memref<2x10112x128xf32, #tpu.memory_space<hbm>> -> memref<1x64x128xf32, #tpu.memory_space<hbm>>
    %dma_wait3A_405 = tpu.memref_squeeze %dma_wait3A_404 : memref<1x64x128xf32, #tpu.memory_space<hbm>> -> memref<64x128xf32, #tpu.memory_space<hbm>>
    %dma_wait3A_406 = arith.constant 0 : i32
    %dma_wait3A_407 = tpu.memref_slice %arg6[%arg0, %add3A_399, %dma_wait3A_406] : memref<2x10112x128xf32, #tpu.memory_space<hbm>> -> memref<1x64x128xf32, #tpu.memory_space<hbm>>
    %dma_wait3A_408 = tpu.memref_squeeze %dma_wait3A_407 : memref<1x64x128xf32, #tpu.memory_space<hbm>> -> memref<64x128xf32, #tpu.memory_space<hbm>>
    %dma_wait3A_409 = arith.constant 0 : i32
    %dma_wait3A_410 = arith.constant 0 : i32
    %dma_wait3A_411 = tpu.memref_slice %arg9[%dma_wait3A_409, %dma_wait3A_410] : memref<64x128xf32, #tpu.memory_space<vmem>> -> memref<64x128xf32, #tpu.memory_space<vmem>>
    tpu.wait_dma2 semaphore(%arg12 : memref<!tpu.dma_semaphore, #tpu.memory_space<semaphore_mem>>) src(%dma_wait3A_411 : memref<64x128xf32, #tpu.memory_space<vmem>>) dst(%dma_wait3A_408 : memref<64x128xf32, #tpu.memory_space<hbm>>)
    %add3A_412 = arith.constant 384 : i32
    %add3A_413 = arith.addi %mul3A_0, %add3A_412 : i32
    "tpu.region"() ({
      %run_scoped3A = tpu.sem_alloc : memref<!tpu.dma_semaphore, #tpu.memory_space<semaphore_mem>>
      %dma_start3A_546 = arith.constant 0 : i32
      %dma_start3A_547 = arith.constant 0 : i32
      %dma_start3A_548 = tpu.memref_slice %arg9[%dma_start3A_546, %dma_start3A_547] : memref<64x128xf32, #tpu.memory_space<vmem>> -> memref<64x128xf32, #tpu.memory_space<vmem>>
      %dma_start3A_549 = arith.constant 0 : i32
      %dma_start3A_550 = tpu.memref_slice %arg11[%add3A_413, %dma_start3A_549] : memref<10112x128xf32, #tpu.memory_space<vmem_shared>> -> memref<64x128xf32, #tpu.memory_space<vmem_shared>>
      %dma_start3A_551 = arith.constant 0 : i32
      %dma_start3A_552 = arith.constant 0 : i32
      %dma_start3A_553 = tpu.memref_slice %arg9[%dma_start3A_551, %dma_start3A_552] : memref<64x128xf32, #tpu.memory_space<vmem>> -> memref<64x128xf32, #tpu.memory_space<vmem>>
      %dma_start3A_554 = arith.constant 0 : i32
      %dma_start3A_555 = tpu.memref_slice %arg11[%add3A_413, %dma_start3A_554] : memref<10112x128xf32, #tpu.memory_space<vmem_shared>> -> memref<64x128xf32, #tpu.memory_space<vmem_shared>>
      tpu.enqueue_dma source(%dma_start3A_555 : memref<64x128xf32, #tpu.memory_space<vmem_shared>>) target(%dma_start3A_553 : memref<64x128xf32, #tpu.memory_space<vmem>>) target_semaphore(%run_scoped3A : memref<!tpu.dma_semaphore, #tpu.memory_space<semaphore_mem>>)
      %dma_wait3A_556 = arith.constant 0 : i32
      %dma_wait3A_557 = arith.constant 0 : i32
      %dma_wait3A_558 = tpu.memref_slice %arg9[%dma_wait3A_556, %dma_wait3A_557] : memref<64x128xf32, #tpu.memory_space<vmem>> -> memref<64x128xf32, #tpu.memory_space<vmem>>
      %dma_wait3A_559 = arith.constant 0 : i32
      %dma_wait3A_560 = tpu.memref_slice %arg11[%add3A_413, %dma_wait3A_559] : memref<10112x128xf32, #tpu.memory_space<vmem_shared>> -> memref<64x128xf32, #tpu.memory_space<vmem_shared>>
      %dma_wait3A_561 = arith.constant 0 : i32
      %dma_wait3A_562 = arith.constant 0 : i32
      %dma_wait3A_563 = tpu.memref_slice %arg9[%dma_wait3A_561, %dma_wait3A_562] : memref<64x128xf32, #tpu.memory_space<vmem>> -> memref<64x128xf32, #tpu.memory_space<vmem>>
      %dma_wait3A_564 = arith.constant 0 : i32
      %dma_wait3A_565 = tpu.memref_slice %arg11[%add3A_413, %dma_wait3A_564] : memref<10112x128xf32, #tpu.memory_space<vmem_shared>> -> memref<64x128xf32, #tpu.memory_space<vmem_shared>>
      tpu.wait_dma2 semaphore(%run_scoped3A : memref<!tpu.dma_semaphore, #tpu.memory_space<semaphore_mem>>) src(%dma_wait3A_565 : memref<64x128xf32, #tpu.memory_space<vmem_shared>>) dst(%dma_wait3A_563 : memref<64x128xf32, #tpu.memory_space<vmem>>)
      tpu.yield
    }) : () -> ()
    %add3A_414 = arith.constant 384 : i32
    %add3A_415 = arith.addi %mul3A_0, %add3A_414 : i32
    %dma_start3A_416 = arith.constant 0 : i32
    %dma_start3A_417 = arith.constant 0 : i32
    %dma_start3A_418 = tpu.memref_slice %arg9[%dma_start3A_416, %dma_start3A_417] : memref<64x128xf32, #tpu.memory_space<vmem>> -> memref<64x128xf32, #tpu.memory_space<vmem>>
    %dma_start3A_419 = arith.constant 0 : i32
    %dma_start3A_420 = tpu.memref_slice %arg6[%arg0, %add3A_415, %dma_start3A_419] : memref<2x10112x128xf32, #tpu.memory_space<hbm>> -> memref<1x64x128xf32, #tpu.memory_space<hbm>>
    %dma_start3A_421 = tpu.memref_squeeze %dma_start3A_420 : memref<1x64x128xf32, #tpu.memory_space<hbm>> -> memref<64x128xf32, #tpu.memory_space<hbm>>
    %dma_start3A_422 = arith.constant 0 : i32
    %dma_start3A_423 = tpu.memref_slice %arg6[%arg0, %add3A_415, %dma_start3A_422] : memref<2x10112x128xf32, #tpu.memory_space<hbm>> -> memref<1x64x128xf32, #tpu.memory_space<hbm>>
    %dma_start3A_424 = tpu.memref_squeeze %dma_start3A_423 : memref<1x64x128xf32, #tpu.memory_space<hbm>> -> memref<64x128xf32, #tpu.memory_space<hbm>>
    %dma_start3A_425 = arith.constant 0 : i32
    %dma_start3A_426 = arith.constant 0 : i32
    %dma_start3A_427 = tpu.memref_slice %arg9[%dma_start3A_425, %dma_start3A_426] : memref<64x128xf32, #tpu.memory_space<vmem>> -> memref<64x128xf32, #tpu.memory_space<vmem>>
    tpu.enqueue_dma source(%dma_start3A_427 : memref<64x128xf32, #tpu.memory_space<vmem>>) target(%dma_start3A_424 : memref<64x128xf32, #tpu.memory_space<hbm>>) target_semaphore(%arg12 : memref<!tpu.dma_semaphore, #tpu.memory_space<semaphore_mem>>)
    %add3A_428 = arith.constant 320 : i32
    %add3A_429 = arith.addi %mul3A_0, %add3A_428 : i32
    %dma_wait3A_430 = arith.constant 0 : i32
    %dma_wait3A_431 = arith.constant 0 : i32
    %dma_wait3A_432 = tpu.memref_slice %arg10[%dma_wait3A_430, %dma_wait3A_431] : memref<64x128xf32, #tpu.memory_space<vmem>> -> memref<64x128xf32, #tpu.memory_space<vmem>>
    %dma_wait3A_433 = arith.constant 0 : i32
    %dma_wait3A_434 = tpu.memref_slice %arg6[%arg0, %add3A_429, %dma_wait3A_433] : memref<2x10112x128xf32, #tpu.memory_space<hbm>> -> memref<1x64x128xf32, #tpu.memory_space<hbm>>
    %dma_wait3A_435 = tpu.memref_squeeze %dma_wait3A_434 : memref<1x64x128xf32, #tpu.memory_space<hbm>> -> memref<64x128xf32, #tpu.memory_space<hbm>>
    %dma_wait3A_436 = arith.constant 0 : i32
    %dma_wait3A_437 = tpu.memref_slice %arg6[%arg0, %add3A_429, %dma_wait3A_436] : memref<2x10112x128xf32, #tpu.memory_space<hbm>> -> memref<1x64x128xf32, #tpu.memory_space<hbm>>
    %dma_wait3A_438 = tpu.memref_squeeze %dma_wait3A_437 : memref<1x64x128xf32, #tpu.memory_space<hbm>> -> memref<64x128xf32, #tpu.memory_space<hbm>>
    %dma_wait3A_439 = arith.constant 0 : i32
    %dma_wait3A_440 = arith.constant 0 : i32
    %dma_wait3A_441 = tpu.memref_slice %arg10[%dma_wait3A_439, %dma_wait3A_440] : memref<64x128xf32, #tpu.memory_space<vmem>> -> memref<64x128xf32, #tpu.memory_space<vmem>>
    tpu.wait_dma2 semaphore(%arg13 : memref<!tpu.dma_semaphore, #tpu.memory_space<semaphore_mem>>) src(%dma_wait3A_441 : memref<64x128xf32, #tpu.memory_space<vmem>>) dst(%dma_wait3A_438 : memref<64x128xf32, #tpu.memory_space<hbm>>)
    %add3A_442 = arith.constant 448 : i32
    %add3A_443 = arith.addi %mul3A_0, %add3A_442 : i32
    "tpu.region"() ({
      %run_scoped3A = tpu.sem_alloc : memref<!tpu.dma_semaphore, #tpu.memory_space<semaphore_mem>>
      %dma_start3A_546 = arith.constant 0 : i32
      %dma_start3A_547 = arith.constant 0 : i32
      %dma_start3A_548 = tpu.memref_slice %arg10[%dma_start3A_546, %dma_start3A_547] : memref<64x128xf32, #tpu.memory_space<vmem>> -> memref<64x128xf32, #tpu.memory_space<vmem>>
      %dma_start3A_549 = arith.constant 0 : i32
      %dma_start3A_550 = tpu.memref_slice %arg11[%add3A_443, %dma_start3A_549] : memref<10112x128xf32, #tpu.memory_space<vmem_shared>> -> memref<64x128xf32, #tpu.memory_space<vmem_shared>>
      %dma_start3A_551 = arith.constant 0 : i32
      %dma_start3A_552 = arith.constant 0 : i32
      %dma_start3A_553 = tpu.memref_slice %arg10[%dma_start3A_551, %dma_start3A_552] : memref<64x128xf32, #tpu.memory_space<vmem>> -> memref<64x128xf32, #tpu.memory_space<vmem>>
      %dma_start3A_554 = arith.constant 0 : i32
      %dma_start3A_555 = tpu.memref_slice %arg11[%add3A_443, %dma_start3A_554] : memref<10112x128xf32, #tpu.memory_space<vmem_shared>> -> memref<64x128xf32, #tpu.memory_space<vmem_shared>>
      tpu.enqueue_dma source(%dma_start3A_555 : memref<64x128xf32, #tpu.memory_space<vmem_shared>>) target(%dma_start3A_553 : memref<64x128xf32, #tpu.memory_space<vmem>>) target_semaphore(%run_scoped3A : memref<!tpu.dma_semaphore, #tpu.memory_space<semaphore_mem>>)
      %dma_wait3A_556 = arith.constant 0 : i32
      %dma_wait3A_557 = arith.constant 0 : i32
      %dma_wait3A_558 = tpu.memref_slice %arg10[%dma_wait3A_556, %dma_wait3A_557] : memref<64x128xf32, #tpu.memory_space<vmem>> -> memref<64x128xf32, #tpu.memory_space<vmem>>
      %dma_wait3A_559 = arith.constant 0 : i32
      %dma_wait3A_560 = tpu.memref_slice %arg11[%add3A_443, %dma_wait3A_559] : memref<10112x128xf32, #tpu.memory_space<vmem_shared>> -> memref<64x128xf32, #tpu.memory_space<vmem_shared>>
      %dma_wait3A_561 = arith.constant 0 : i32
      %dma_wait3A_562 = arith.constant 0 : i32
      %dma_wait3A_563 = tpu.memref_slice %arg10[%dma_wait3A_561, %dma_wait3A_562] : memref<64x128xf32, #tpu.memory_space<vmem>> -> memref<64x128xf32, #tpu.memory_space<vmem>>
      %dma_wait3A_564 = arith.constant 0 : i32
      %dma_wait3A_565 = tpu.memref_slice %arg11[%add3A_443, %dma_wait3A_564] : memref<10112x128xf32, #tpu.memory_space<vmem_shared>> -> memref<64x128xf32, #tpu.memory_space<vmem_shared>>
      tpu.wait_dma2 semaphore(%run_scoped3A : memref<!tpu.dma_semaphore, #tpu.memory_space<semaphore_mem>>) src(%dma_wait3A_565 : memref<64x128xf32, #tpu.memory_space<vmem_shared>>) dst(%dma_wait3A_563 : memref<64x128xf32, #tpu.memory_space<vmem>>)
      tpu.yield
    }) : () -> ()
    %add3A_444 = arith.constant 448 : i32
    %add3A_445 = arith.addi %mul3A_0, %add3A_444 : i32
    %dma_start3A_446 = arith.constant 0 : i32
    %dma_start3A_447 = arith.constant 0 : i32
    %dma_start3A_448 = tpu.memref_slice %arg10[%dma_start3A_446, %dma_start3A_447] : memref<64x128xf32, #tpu.memory_space<vmem>> -> memref<64x128xf32, #tpu.memory_space<vmem>>
    %dma_start3A_449 = arith.constant 0 : i32
    %dma_start3A_450 = tpu.memref_slice %arg6[%arg0, %add3A_445, %dma_start3A_449] : memref<2x10112x128xf32, #tpu.memory_space<hbm>> -> memref<1x64x128xf32, #tpu.memory_space<hbm>>
    %dma_start3A_451 = tpu.memref_squeeze %dma_start3A_450 : memref<1x64x128xf32, #tpu.memory_space<hbm>> -> memref<64x128xf32, #tpu.memory_space<hbm>>
    %dma_start3A_452 = arith.constant 0 : i32
    %dma_start3A_453 = tpu.memref_slice %arg6[%arg0, %add3A_445, %dma_start3A_452] : memref<2x10112x128xf32, #tpu.memory_space<hbm>> -> memref<1x64x128xf32, #tpu.memory_space<hbm>>
    %dma_start3A_454 = tpu.memref_squeeze %dma_start3A_453 : memref<1x64x128xf32, #tpu.memory_space<hbm>> -> memref<64x128xf32, #tpu.memory_space<hbm>>
    %dma_start3A_455 = arith.constant 0 : i32
    %dma_start3A_456 = arith.constant 0 : i32
    %dma_start3A_457 = tpu.memref_slice %arg10[%dma_start3A_455, %dma_start3A_456] : memref<64x128xf32, #tpu.memory_space<vmem>> -> memref<64x128xf32, #tpu.memory_space<vmem>>
    tpu.enqueue_dma source(%dma_start3A_457 : memref<64x128xf32, #tpu.memory_space<vmem>>) target(%dma_start3A_454 : memref<64x128xf32, #tpu.memory_space<hbm>>) target_semaphore(%arg13 : memref<!tpu.dma_semaphore, #tpu.memory_space<semaphore_mem>>)
    %add3A_458 = arith.constant 384 : i32
    %add3A_459 = arith.addi %mul3A_0, %add3A_458 : i32
    %dma_wait3A_460 = arith.constant 0 : i32
    %dma_wait3A_461 = arith.constant 0 : i32
    %dma_wait3A_462 = tpu.memref_slice %arg9[%dma_wait3A_460, %dma_wait3A_461] : memref<64x128xf32, #tpu.memory_space<vmem>> -> memref<64x128xf32, #tpu.memory_space<vmem>>
    %dma_wait3A_463 = arith.constant 0 : i32
    %dma_wait3A_464 = tpu.memref_slice %arg6[%arg0, %add3A_459, %dma_wait3A_463] : memref<2x10112x128xf32, #tpu.memory_space<hbm>> -> memref<1x64x128xf32, #tpu.memory_space<hbm>>
    %dma_wait3A_465 = tpu.memref_squeeze %dma_wait3A_464 : memref<1x64x128xf32, #tpu.memory_space<hbm>> -> memref<64x128xf32, #tpu.memory_space<hbm>>
    %dma_wait3A_466 = arith.constant 0 : i32
    %dma_wait3A_467 = tpu.memref_slice %arg6[%arg0, %add3A_459, %dma_wait3A_466] : memref<2x10112x128xf32, #tpu.memory_space<hbm>> -> memref<1x64x128xf32, #tpu.memory_space<hbm>>
    %dma_wait3A_468 = tpu.memref_squeeze %dma_wait3A_467 : memref<1x64x128xf32, #tpu.memory_space<hbm>> -> memref<64x128xf32, #tpu.memory_space<hbm>>
    %dma_wait3A_469 = arith.constant 0 : i32
    %dma_wait3A_470 = arith.constant 0 : i32
    %dma_wait3A_471 = tpu.memref_slice %arg9[%dma_wait3A_469, %dma_wait3A_470] : memref<64x128xf32, #tpu.memory_space<vmem>> -> memref<64x128xf32, #tpu.memory_space<vmem>>
    tpu.wait_dma2 semaphore(%arg12 : memref<!tpu.dma_semaphore, #tpu.memory_space<semaphore_mem>>) src(%dma_wait3A_471 : memref<64x128xf32, #tpu.memory_space<vmem>>) dst(%dma_wait3A_468 : memref<64x128xf32, #tpu.memory_space<hbm>>)
    %add3A_472 = arith.constant 512 : i32
    %add3A_473 = arith.addi %mul3A_0, %add3A_472 : i32
    "tpu.region"() ({
      %run_scoped3A = tpu.sem_alloc : memref<!tpu.dma_semaphore, #tpu.memory_space<semaphore_mem>>
      %dma_start3A_546 = arith.constant 0 : i32
      %dma_start3A_547 = arith.constant 0 : i32
      %dma_start3A_548 = tpu.memref_slice %arg9[%dma_start3A_546, %dma_start3A_547] : memref<64x128xf32, #tpu.memory_space<vmem>> -> memref<64x128xf32, #tpu.memory_space<vmem>>
      %dma_start3A_549 = arith.constant 0 : i32
      %dma_start3A_550 = tpu.memref_slice %arg11[%add3A_473, %dma_start3A_549] : memref<10112x128xf32, #tpu.memory_space<vmem_shared>> -> memref<64x128xf32, #tpu.memory_space<vmem_shared>>
      %dma_start3A_551 = arith.constant 0 : i32
      %dma_start3A_552 = arith.constant 0 : i32
      %dma_start3A_553 = tpu.memref_slice %arg9[%dma_start3A_551, %dma_start3A_552] : memref<64x128xf32, #tpu.memory_space<vmem>> -> memref<64x128xf32, #tpu.memory_space<vmem>>
      %dma_start3A_554 = arith.constant 0 : i32
      %dma_start3A_555 = tpu.memref_slice %arg11[%add3A_473, %dma_start3A_554] : memref<10112x128xf32, #tpu.memory_space<vmem_shared>> -> memref<64x128xf32, #tpu.memory_space<vmem_shared>>
      tpu.enqueue_dma source(%dma_start3A_555 : memref<64x128xf32, #tpu.memory_space<vmem_shared>>) target(%dma_start3A_553 : memref<64x128xf32, #tpu.memory_space<vmem>>) target_semaphore(%run_scoped3A : memref<!tpu.dma_semaphore, #tpu.memory_space<semaphore_mem>>)
      %dma_wait3A_556 = arith.constant 0 : i32
      %dma_wait3A_557 = arith.constant 0 : i32
      %dma_wait3A_558 = tpu.memref_slice %arg9[%dma_wait3A_556, %dma_wait3A_557] : memref<64x128xf32, #tpu.memory_space<vmem>> -> memref<64x128xf32, #tpu.memory_space<vmem>>
      %dma_wait3A_559 = arith.constant 0 : i32
      %dma_wait3A_560 = tpu.memref_slice %arg11[%add3A_473, %dma_wait3A_559] : memref<10112x128xf32, #tpu.memory_space<vmem_shared>> -> memref<64x128xf32, #tpu.memory_space<vmem_shared>>
      %dma_wait3A_561 = arith.constant 0 : i32
      %dma_wait3A_562 = arith.constant 0 : i32
      %dma_wait3A_563 = tpu.memref_slice %arg9[%dma_wait3A_561, %dma_wait3A_562] : memref<64x128xf32, #tpu.memory_space<vmem>> -> memref<64x128xf32, #tpu.memory_space<vmem>>
      %dma_wait3A_564 = arith.constant 0 : i32
      %dma_wait3A_565 = tpu.memref_slice %arg11[%add3A_473, %dma_wait3A_564] : memref<10112x128xf32, #tpu.memory_space<vmem_shared>> -> memref<64x128xf32, #tpu.memory_space<vmem_shared>>
      tpu.wait_dma2 semaphore(%run_scoped3A : memref<!tpu.dma_semaphore, #tpu.memory_space<semaphore_mem>>) src(%dma_wait3A_565 : memref<64x128xf32, #tpu.memory_space<vmem_shared>>) dst(%dma_wait3A_563 : memref<64x128xf32, #tpu.memory_space<vmem>>)
      tpu.yield
    }) : () -> ()
    %add3A_474 = arith.constant 512 : i32
    %add3A_475 = arith.addi %mul3A_0, %add3A_474 : i32
    %dma_start3A_476 = arith.constant 0 : i32
    %dma_start3A_477 = arith.constant 0 : i32
    %dma_start3A_478 = tpu.memref_slice %arg9[%dma_start3A_476, %dma_start3A_477] : memref<64x128xf32, #tpu.memory_space<vmem>> -> memref<64x128xf32, #tpu.memory_space<vmem>>
    %dma_start3A_479 = arith.constant 0 : i32
    %dma_start3A_480 = tpu.memref_slice %arg6[%arg0, %add3A_475, %dma_start3A_479] : memref<2x10112x128xf32, #tpu.memory_space<hbm>> -> memref<1x64x128xf32, #tpu.memory_space<hbm>>
    %dma_start3A_481 = tpu.memref_squeeze %dma_start3A_480 : memref<1x64x128xf32, #tpu.memory_space<hbm>> -> memref<64x128xf32, #tpu.memory_space<hbm>>
    %dma_start3A_482 = arith.constant 0 : i32
    %dma_start3A_483 = tpu.memref_slice %arg6[%arg0, %add3A_475, %dma_start3A_482] : memref<2x10112x128xf32, #tpu.memory_space<hbm>> -> memref<1x64x128xf32, #tpu.memory_space<hbm>>
    %dma_start3A_484 = tpu.memref_squeeze %dma_start3A_483 : memref<1x64x128xf32, #tpu.memory_space<hbm>> -> memref<64x128xf32, #tpu.memory_space<hbm>>
    %dma_start3A_485 = arith.constant 0 : i32
    %dma_start3A_486 = arith.constant 0 : i32
    %dma_start3A_487 = tpu.memref_slice %arg9[%dma_start3A_485, %dma_start3A_486] : memref<64x128xf32, #tpu.memory_space<vmem>> -> memref<64x128xf32, #tpu.memory_space<vmem>>
    tpu.enqueue_dma source(%dma_start3A_487 : memref<64x128xf32, #tpu.memory_space<vmem>>) target(%dma_start3A_484 : memref<64x128xf32, #tpu.memory_space<hbm>>) target_semaphore(%arg12 : memref<!tpu.dma_semaphore, #tpu.memory_space<semaphore_mem>>)
    %add3A_488 = arith.constant 448 : i32
    %add3A_489 = arith.addi %mul3A_0, %add3A_488 : i32
    %dma_wait3A_490 = arith.constant 0 : i32
    %dma_wait3A_491 = arith.constant 0 : i32
    %dma_wait3A_492 = tpu.memref_slice %arg10[%dma_wait3A_490, %dma_wait3A_491] : memref<64x128xf32, #tpu.memory_space<vmem>> -> memref<64x128xf32, #tpu.memory_space<vmem>>
    %dma_wait3A_493 = arith.constant 0 : i32
    %dma_wait3A_494 = tpu.memref_slice %arg6[%arg0, %add3A_489, %dma_wait3A_493] : memref<2x10112x128xf32, #tpu.memory_space<hbm>> -> memref<1x64x128xf32, #tpu.memory_space<hbm>>
    %dma_wait3A_495 = tpu.memref_squeeze %dma_wait3A_494 : memref<1x64x128xf32, #tpu.memory_space<hbm>> -> memref<64x128xf32, #tpu.memory_space<hbm>>
    %dma_wait3A_496 = arith.constant 0 : i32
    %dma_wait3A_497 = tpu.memref_slice %arg6[%arg0, %add3A_489, %dma_wait3A_496] : memref<2x10112x128xf32, #tpu.memory_space<hbm>> -> memref<1x64x128xf32, #tpu.memory_space<hbm>>
    %dma_wait3A_498 = tpu.memref_squeeze %dma_wait3A_497 : memref<1x64x128xf32, #tpu.memory_space<hbm>> -> memref<64x128xf32, #tpu.memory_space<hbm>>
    %dma_wait3A_499 = arith.constant 0 : i32
    %dma_wait3A_500 = arith.constant 0 : i32
    %dma_wait3A_501 = tpu.memref_slice %arg10[%dma_wait3A_499, %dma_wait3A_500] : memref<64x128xf32, #tpu.memory_space<vmem>> -> memref<64x128xf32, #tpu.memory_space<vmem>>
    tpu.wait_dma2 semaphore(%arg13 : memref<!tpu.dma_semaphore, #tpu.memory_space<semaphore_mem>>) src(%dma_wait3A_501 : memref<64x128xf32, #tpu.memory_space<vmem>>) dst(%dma_wait3A_498 : memref<64x128xf32, #tpu.memory_space<hbm>>)
    %add3A_502 = arith.constant 576 : i32
    %add3A_503 = arith.addi %mul3A_0, %add3A_502 : i32
    "tpu.region"() ({
      %run_scoped3A = tpu.sem_alloc : memref<!tpu.dma_semaphore, #tpu.memory_space<semaphore_mem>>
      %dma_start3A_546 = arith.constant 0 : i32
      %dma_start3A_547 = arith.constant 0 : i32
      %dma_start3A_548 = tpu.memref_slice %arg10[%dma_start3A_546, %dma_start3A_547] : memref<64x128xf32, #tpu.memory_space<vmem>> -> memref<56x128xf32, #tpu.memory_space<vmem>>
      %dma_start3A_549 = arith.constant 0 : i32
      %dma_start3A_550 = tpu.memref_slice %arg11[%add3A_503, %dma_start3A_549] : memref<10112x128xf32, #tpu.memory_space<vmem_shared>> -> memref<56x128xf32, #tpu.memory_space<vmem_shared>>
      %dma_start3A_551 = arith.constant 0 : i32
      %dma_start3A_552 = arith.constant 0 : i32
      %dma_start3A_553 = tpu.memref_slice %arg10[%dma_start3A_551, %dma_start3A_552] : memref<64x128xf32, #tpu.memory_space<vmem>> -> memref<56x128xf32, #tpu.memory_space<vmem>>
      %dma_start3A_554 = arith.constant 0 : i32
      %dma_start3A_555 = tpu.memref_slice %arg11[%add3A_503, %dma_start3A_554] : memref<10112x128xf32, #tpu.memory_space<vmem_shared>> -> memref<56x128xf32, #tpu.memory_space<vmem_shared>>
      tpu.enqueue_dma source(%dma_start3A_555 : memref<56x128xf32, #tpu.memory_space<vmem_shared>>) target(%dma_start3A_553 : memref<56x128xf32, #tpu.memory_space<vmem>>) target_semaphore(%run_scoped3A : memref<!tpu.dma_semaphore, #tpu.memory_space<semaphore_mem>>)
      %dma_wait3A_556 = arith.constant 0 : i32
      %dma_wait3A_557 = arith.constant 0 : i32
      %dma_wait3A_558 = tpu.memref_slice %arg10[%dma_wait3A_556, %dma_wait3A_557] : memref<64x128xf32, #tpu.memory_space<vmem>> -> memref<56x128xf32, #tpu.memory_space<vmem>>
      %dma_wait3A_559 = arith.constant 0 : i32
      %dma_wait3A_560 = tpu.memref_slice %arg11[%add3A_503, %dma_wait3A_559] : memref<10112x128xf32, #tpu.memory_space<vmem_shared>> -> memref<56x128xf32, #tpu.memory_space<vmem_shared>>
      %dma_wait3A_561 = arith.constant 0 : i32
      %dma_wait3A_562 = arith.constant 0 : i32
      %dma_wait3A_563 = tpu.memref_slice %arg10[%dma_wait3A_561, %dma_wait3A_562] : memref<64x128xf32, #tpu.memory_space<vmem>> -> memref<56x128xf32, #tpu.memory_space<vmem>>
      %dma_wait3A_564 = arith.constant 0 : i32
      %dma_wait3A_565 = tpu.memref_slice %arg11[%add3A_503, %dma_wait3A_564] : memref<10112x128xf32, #tpu.memory_space<vmem_shared>> -> memref<56x128xf32, #tpu.memory_space<vmem_shared>>
      tpu.wait_dma2 semaphore(%run_scoped3A : memref<!tpu.dma_semaphore, #tpu.memory_space<semaphore_mem>>) src(%dma_wait3A_565 : memref<56x128xf32, #tpu.memory_space<vmem_shared>>) dst(%dma_wait3A_563 : memref<56x128xf32, #tpu.memory_space<vmem>>)
      tpu.yield
    }) : () -> ()
    %add3A_504 = arith.constant 576 : i32
    %add3A_505 = arith.addi %mul3A_0, %add3A_504 : i32
    %dma_start3A_506 = arith.constant 0 : i32
    %dma_start3A_507 = arith.constant 0 : i32
    %dma_start3A_508 = tpu.memref_slice %arg10[%dma_start3A_506, %dma_start3A_507] : memref<64x128xf32, #tpu.memory_space<vmem>> -> memref<56x128xf32, #tpu.memory_space<vmem>>
    %dma_start3A_509 = arith.constant 0 : i32
    %dma_start3A_510 = tpu.memref_slice %arg6[%arg0, %add3A_505, %dma_start3A_509] : memref<2x10112x128xf32, #tpu.memory_space<hbm>> -> memref<1x56x128xf32, #tpu.memory_space<hbm>>
    %dma_start3A_511 = tpu.memref_squeeze %dma_start3A_510 : memref<1x56x128xf32, #tpu.memory_space<hbm>> -> memref<56x128xf32, #tpu.memory_space<hbm>>
    %dma_start3A_512 = arith.constant 0 : i32
    %dma_start3A_513 = tpu.memref_slice %arg6[%arg0, %add3A_505, %dma_start3A_512] : memref<2x10112x128xf32, #tpu.memory_space<hbm>> -> memref<1x56x128xf32, #tpu.memory_space<hbm>>
    %dma_start3A_514 = tpu.memref_squeeze %dma_start3A_513 : memref<1x56x128xf32, #tpu.memory_space<hbm>> -> memref<56x128xf32, #tpu.memory_space<hbm>>
    %dma_start3A_515 = arith.constant 0 : i32
    %dma_start3A_516 = arith.constant 0 : i32
    %dma_start3A_517 = tpu.memref_slice %arg10[%dma_start3A_515, %dma_start3A_516] : memref<64x128xf32, #tpu.memory_space<vmem>> -> memref<56x128xf32, #tpu.memory_space<vmem>>
    tpu.enqueue_dma source(%dma_start3A_517 : memref<56x128xf32, #tpu.memory_space<vmem>>) target(%dma_start3A_514 : memref<56x128xf32, #tpu.memory_space<hbm>>) target_semaphore(%arg13 : memref<!tpu.dma_semaphore, #tpu.memory_space<semaphore_mem>>)
    %add3A_518 = arith.constant 512 : i32
    %add3A_519 = arith.addi %mul3A_0, %add3A_518 : i32
    %dma_wait3A_520 = arith.constant 0 : i32
    %dma_wait3A_521 = arith.constant 0 : i32
    %dma_wait3A_522 = tpu.memref_slice %arg9[%dma_wait3A_520, %dma_wait3A_521] : memref<64x128xf32, #tpu.memory_space<vmem>> -> memref<64x128xf32, #tpu.memory_space<vmem>>
    %dma_wait3A_523 = arith.constant 0 : i32
    %dma_wait3A_524 = tpu.memref_slice %arg6[%arg0, %add3A_519, %dma_wait3A_523] : memref<2x10112x128xf32, #tpu.memory_space<hbm>> -> memref<1x64x128xf32, #tpu.memory_space<hbm>>
    %dma_wait3A_525 = tpu.memref_squeeze %dma_wait3A_524 : memref<1x64x128xf32, #tpu.memory_space<hbm>> -> memref<64x128xf32, #tpu.memory_space<hbm>>
    %dma_wait3A_526 = arith.constant 0 : i32
    %dma_wait3A_527 = tpu.memref_slice %arg6[%arg0, %add3A_519, %dma_wait3A_526] : memref<2x10112x128xf32, #tpu.memory_space<hbm>> -> memref<1x64x128xf32, #tpu.memory_space<hbm>>
    %dma_wait3A_528 = tpu.memref_squeeze %dma_wait3A_527 : memref<1x64x128xf32, #tpu.memory_space<hbm>> -> memref<64x128xf32, #tpu.memory_space<hbm>>
    %dma_wait3A_529 = arith.constant 0 : i32
    %dma_wait3A_530 = arith.constant 0 : i32
    %dma_wait3A_531 = tpu.memref_slice %arg9[%dma_wait3A_529, %dma_wait3A_530] : memref<64x128xf32, #tpu.memory_space<vmem>> -> memref<64x128xf32, #tpu.memory_space<vmem>>
    tpu.wait_dma2 semaphore(%arg12 : memref<!tpu.dma_semaphore, #tpu.memory_space<semaphore_mem>>) src(%dma_wait3A_531 : memref<64x128xf32, #tpu.memory_space<vmem>>) dst(%dma_wait3A_528 : memref<64x128xf32, #tpu.memory_space<hbm>>)
    %add3A_532 = arith.constant 576 : i32
    %add3A_533 = arith.addi %mul3A_0, %add3A_532 : i32
    %dma_wait3A_534 = arith.constant 0 : i32
    %dma_wait3A_535 = arith.constant 0 : i32
    %dma_wait3A_536 = tpu.memref_slice %arg10[%dma_wait3A_534, %dma_wait3A_535] : memref<64x128xf32, #tpu.memory_space<vmem>> -> memref<56x128xf32, #tpu.memory_space<vmem>>
    %dma_wait3A_537 = arith.constant 0 : i32
    %dma_wait3A_538 = tpu.memref_slice %arg6[%arg0, %add3A_533, %dma_wait3A_537] : memref<2x10112x128xf32, #tpu.memory_space<hbm>> -> memref<1x56x128xf32, #tpu.memory_space<hbm>>
    %dma_wait3A_539 = tpu.memref_squeeze %dma_wait3A_538 : memref<1x56x128xf32, #tpu.memory_space<hbm>> -> memref<56x128xf32, #tpu.memory_space<hbm>>
    %dma_wait3A_540 = arith.constant 0 : i32
    %dma_wait3A_541 = tpu.memref_slice %arg6[%arg0, %add3A_533, %dma_wait3A_540] : memref<2x10112x128xf32, #tpu.memory_space<hbm>> -> memref<1x56x128xf32, #tpu.memory_space<hbm>>
    %dma_wait3A_542 = tpu.memref_squeeze %dma_wait3A_541 : memref<1x56x128xf32, #tpu.memory_space<hbm>> -> memref<56x128xf32, #tpu.memory_space<hbm>>
    %dma_wait3A_543 = arith.constant 0 : i32
    %dma_wait3A_544 = arith.constant 0 : i32
    %dma_wait3A_545 = tpu.memref_slice %arg10[%dma_wait3A_543, %dma_wait3A_544] : memref<64x128xf32, #tpu.memory_space<vmem>> -> memref<56x128xf32, #tpu.memory_space<vmem>>
    tpu.wait_dma2 semaphore(%arg13 : memref<!tpu.dma_semaphore, #tpu.memory_space<semaphore_mem>>) src(%dma_wait3A_545 : memref<56x128xf32, #tpu.memory_space<vmem>>) dst(%dma_wait3A_542 : memref<56x128xf32, #tpu.memory_space<hbm>>)
    return
  }
}

#map = affine_map<(d0, d1) -> (0, 0)>
#map1 = affine_map<(d0, d1) -> (0, 0, 0)>
module attributes {stable_mosaic.version = 14 : i64} {
  func.func @body(%arg0: i32, %arg1: i32, %arg2: memref<10112x128xf32, #tpu.memory_space<hbm>>, %arg3: memref<16x320x64xi32, #tpu.memory_space<hbm>>, %arg4: memref<16x320x64xi32, #tpu.memory_space<hbm>>, %arg5: memref<64x128xf32, #tpu.memory_space<hbm>>, %arg6: memref<2x10112x128xf32, #tpu.memory_space<hbm>>, %arg7: memref<32x64xi32, #tpu.memory_space<vmem>>, %arg8: memref<32x64xi32, #tpu.memory_space<vmem>>, %arg9: memref<64x128xf32, #tpu.memory_space<vmem>>, %arg10: memref<64x128xf32, #tpu.memory_space<vmem>>, %arg11: memref<10112x128xf32, #tpu.memory_space<vmem_shared>>, %arg12: memref<!tpu.dma_semaphore, #tpu.memory_space<semaphore_mem>>, %arg13: memref<!tpu.dma_semaphore, #tpu.memory_space<semaphore_mem>>, %arg14: memref<!tpu.dma_semaphore, #tpu.memory_space<semaphore_mem>>, %arg15: memref<!tpu.dma_semaphore, #tpu.memory_space<semaphore_mem>>) attributes {dimension_semantics = [#tpu.dimension_semantics<core_parallel>, #tpu.dimension_semantics<subcore_parallel>], iteration_bounds = array<i64: 2, 16>, scalar_prefetch = 0 : i64, scratch_operands = 9 : i64, tpu.core_type = #tpu.core_type<sc_vector_subcore>, window_params = [{transform_indices = #map}, {transform_indices = #map1}, {transform_indices = #map1}, {transform_indices = #map}, {transform_indices = #map1}]} {
    %mul3A = arith.constant 632 : i32
    %mul3A_0 = arith.muli %arg1, %mul3A : i32
    "tpu.region"() ({
      %run_scoped3A = tpu.sem_alloc : memref<!tpu.dma_semaphore, #tpu.memory_space<semaphore_mem>>
      tpu.enqueue_dma source(%arg5 : memref<64x128xf32, #tpu.memory_space<hbm>>) target(%arg9 : memref<64x128xf32, #tpu.memory_space<vmem>>) target_semaphore(%run_scoped3A : memref<!tpu.dma_semaphore, #tpu.memory_space<semaphore_mem>>)
      tpu.wait_dma2 semaphore(%run_scoped3A : memref<!tpu.dma_semaphore, #tpu.memory_space<semaphore_mem>>) src(%arg5 : memref<64x128xf32, #tpu.memory_space<hbm>>) dst(%arg9 : memref<64x128xf32, #tpu.memory_space<vmem>>)
      tpu.yield
    }) : () -> ()
    %add3A = arith.constant 0 : i32
    %add3A_1 = arith.addi %mul3A_0, %add3A : i32
    %dma_start3A = arith.constant 0 : i32
    %dma_start3A_2 = arith.constant 0 : i32
    %dma_start3A_3 = tpu.memref_slice %arg9[%dma_start3A, %dma_start3A_2] : memref<64x128xf32, #tpu.memory_space<vmem>> -> memref<64x128xf32, #tpu.memory_space<vmem>>
    %dma_start3A_4 = arith.constant 0 : i32
    %dma_start3A_5 = tpu.memref_slice %arg11[%add3A_1, %dma_start3A_4] : memref<10112x128xf32, #tpu.memory_space<vmem_shared>> -> memref<64x128xf32, #tpu.memory_space<vmem_shared>>
    %dma_start3A_6 = arith.constant 0 : i32
    %dma_start3A_7 = tpu.memref_slice %arg11[%add3A_1, %dma_start3A_6] : memref<10112x128xf32, #tpu.memory_space<vmem_shared>> -> memref<64x128xf32, #tpu.memory_space<vmem_shared>>
    %dma_start3A_8 = arith.constant 0 : i32
    %dma_start3A_9 = arith.constant 0 : i32
    %dma_start3A_10 = tpu.memref_slice %arg9[%dma_start3A_8, %dma_start3A_9] : memref<64x128xf32, #tpu.memory_space<vmem>> -> memref<64x128xf32, #tpu.memory_space<vmem>>
    tpu.enqueue_dma source(%dma_start3A_10 : memref<64x128xf32, #tpu.memory_space<vmem>>) target(%dma_start3A_7 : memref<64x128xf32, #tpu.memory_space<vmem_shared>>) target_semaphore(%arg12 : memref<!tpu.dma_semaphore, #tpu.memory_space<semaphore_mem>>)
    %add3A_11 = arith.constant 64 : i32
    %add3A_12 = arith.addi %mul3A_0, %add3A_11 : i32
    %dma_start3A_13 = arith.constant 0 : i32
    %dma_start3A_14 = arith.constant 0 : i32
    %dma_start3A_15 = tpu.memref_slice %arg9[%dma_start3A_13, %dma_start3A_14] : memref<64x128xf32, #tpu.memory_space<vmem>> -> memref<64x128xf32, #tpu.memory_space<vmem>>
    %dma_start3A_16 = arith.constant 0 : i32
    %dma_start3A_17 = tpu.memref_slice %arg11[%add3A_12, %dma_start3A_16] : memref<10112x128xf32, #tpu.memory_space<vmem_shared>> -> memref<64x128xf32, #tpu.memory_space<vmem_shared>>
    %dma_start3A_18 = arith.constant 0 : i32
    %dma_start3A_19 = tpu.memref_slice %arg11[%add3A_12, %dma_start3A_18] : memref<10112x128xf32, #tpu.memory_space<vmem_shared>> -> memref<64x128xf32, #tpu.memory_space<vmem_shared>>
    %dma_start3A_20 = arith.constant 0 : i32
    %dma_start3A_21 = arith.constant 0 : i32
    %dma_start3A_22 = tpu.memref_slice %arg9[%dma_start3A_20, %dma_start3A_21] : memref<64x128xf32, #tpu.memory_space<vmem>> -> memref<64x128xf32, #tpu.memory_space<vmem>>
    tpu.enqueue_dma source(%dma_start3A_22 : memref<64x128xf32, #tpu.memory_space<vmem>>) target(%dma_start3A_19 : memref<64x128xf32, #tpu.memory_space<vmem_shared>>) target_semaphore(%arg12 : memref<!tpu.dma_semaphore, #tpu.memory_space<semaphore_mem>>)
    %add3A_23 = arith.constant 128 : i32
    %add3A_24 = arith.addi %mul3A_0, %add3A_23 : i32
    %dma_start3A_25 = arith.constant 0 : i32
    %dma_start3A_26 = arith.constant 0 : i32
    %dma_start3A_27 = tpu.memref_slice %arg9[%dma_start3A_25, %dma_start3A_26] : memref<64x128xf32, #tpu.memory_space<vmem>> -> memref<64x128xf32, #tpu.memory_space<vmem>>
    %dma_start3A_28 = arith.constant 0 : i32
    %dma_start3A_29 = tpu.memref_slice %arg11[%add3A_24, %dma_start3A_28] : memref<10112x128xf32, #tpu.memory_space<vmem_shared>> -> memref<64x128xf32, #tpu.memory_space<vmem_shared>>
    %dma_start3A_30 = arith.constant 0 : i32
    %dma_start3A_31 = tpu.memref_slice %arg11[%add3A_24, %dma_start3A_30] : memref<10112x128xf32, #tpu.memory_space<vmem_shared>> -> memref<64x128xf32, #tpu.memory_space<vmem_shared>>
    %dma_start3A_32 = arith.constant 0 : i32
    %dma_start3A_33 = arith.constant 0 : i32
    %dma_start3A_34 = tpu.memref_slice %arg9[%dma_start3A_32, %dma_start3A_33] : memref<64x128xf32, #tpu.memory_space<vmem>> -> memref<64x128xf32, #tpu.memory_space<vmem>>
    tpu.enqueue_dma source(%dma_start3A_34 : memref<64x128xf32, #tpu.memory_space<vmem>>) target(%dma_start3A_31 : memref<64x128xf32, #tpu.memory_space<vmem_shared>>) target_semaphore(%arg12 : memref<!tpu.dma_semaphore, #tpu.memory_space<semaphore_mem>>)
    %add3A_35 = arith.constant 192 : i32
    %add3A_36 = arith.addi %mul3A_0, %add3A_35 : i32
    %dma_start3A_37 = arith.constant 0 : i32
    %dma_start3A_38 = arith.constant 0 : i32
    %dma_start3A_39 = tpu.memref_slice %arg9[%dma_start3A_37, %dma_start3A_38] : memref<64x128xf32, #tpu.memory_space<vmem>> -> memref<64x128xf32, #tpu.memory_space<vmem>>
    %dma_start3A_40 = arith.constant 0 : i32
    %dma_start3A_41 = tpu.memref_slice %arg11[%add3A_36, %dma_start3A_40] : memref<10112x128xf32, #tpu.memory_space<vmem_shared>> -> memref<64x128xf32, #tpu.memory_space<vmem_shared>>
    %dma_start3A_42 = arith.constant 0 : i32
    %dma_start3A_43 = tpu.memref_slice %arg11[%add3A_36, %dma_start3A_42] : memref<10112x128xf32, #tpu.memory_space<vmem_shared>> -> memref<64x128xf32, #tpu.memory_space<vmem_shared>>
    %dma_start3A_44 = arith.constant 0 : i32
    %dma_start3A_45 = arith.constant 0 : i32
    %dma_start3A_46 = tpu.memref_slice %arg9[%dma_start3A_44, %dma_start3A_45] : memref<64x128xf32, #tpu.memory_space<vmem>> -> memref<64x128xf32, #tpu.memory_space<vmem>>
    tpu.enqueue_dma source(%dma_start3A_46 : memref<64x128xf32, #tpu.memory_space<vmem>>) target(%dma_start3A_43 : memref<64x128xf32, #tpu.memory_space<vmem_shared>>) target_semaphore(%arg12 : memref<!tpu.dma_semaphore, #tpu.memory_space<semaphore_mem>>)
    %add3A_47 = arith.constant 256 : i32
    %add3A_48 = arith.addi %mul3A_0, %add3A_47 : i32
    %dma_start3A_49 = arith.constant 0 : i32
    %dma_start3A_50 = arith.constant 0 : i32
    %dma_start3A_51 = tpu.memref_slice %arg9[%dma_start3A_49, %dma_start3A_50] : memref<64x128xf32, #tpu.memory_space<vmem>> -> memref<64x128xf32, #tpu.memory_space<vmem>>
    %dma_start3A_52 = arith.constant 0 : i32
    %dma_start3A_53 = tpu.memref_slice %arg11[%add3A_48, %dma_start3A_52] : memref<10112x128xf32, #tpu.memory_space<vmem_shared>> -> memref<64x128xf32, #tpu.memory_space<vmem_shared>>
    %dma_start3A_54 = arith.constant 0 : i32
    %dma_start3A_55 = tpu.memref_slice %arg11[%add3A_48, %dma_start3A_54] : memref<10112x128xf32, #tpu.memory_space<vmem_shared>> -> memref<64x128xf32, #tpu.memory_space<vmem_shared>>
    %dma_start3A_56 = arith.constant 0 : i32
    %dma_start3A_57 = arith.constant 0 : i32
    %dma_start3A_58 = tpu.memref_slice %arg9[%dma_start3A_56, %dma_start3A_57] : memref<64x128xf32, #tpu.memory_space<vmem>> -> memref<64x128xf32, #tpu.memory_space<vmem>>
    tpu.enqueue_dma source(%dma_start3A_58 : memref<64x128xf32, #tpu.memory_space<vmem>>) target(%dma_start3A_55 : memref<64x128xf32, #tpu.memory_space<vmem_shared>>) target_semaphore(%arg12 : memref<!tpu.dma_semaphore, #tpu.memory_space<semaphore_mem>>)
    %add3A_59 = arith.constant 320 : i32
    %add3A_60 = arith.addi %mul3A_0, %add3A_59 : i32
    %dma_start3A_61 = arith.constant 0 : i32
    %dma_start3A_62 = arith.constant 0 : i32
    %dma_start3A_63 = tpu.memref_slice %arg9[%dma_start3A_61, %dma_start3A_62] : memref<64x128xf32, #tpu.memory_space<vmem>> -> memref<64x128xf32, #tpu.memory_space<vmem>>
    %dma_start3A_64 = arith.constant 0 : i32
    %dma_start3A_65 = tpu.memref_slice %arg11[%add3A_60, %dma_start3A_64] : memref<10112x128xf32, #tpu.memory_space<vmem_shared>> -> memref<64x128xf32, #tpu.memory_space<vmem_shared>>
    %dma_start3A_66 = arith.constant 0 : i32
    %dma_start3A_67 = tpu.memref_slice %arg11[%add3A_60, %dma_start3A_66] : memref<10112x128xf32, #tpu.memory_space<vmem_shared>> -> memref<64x128xf32, #tpu.memory_space<vmem_shared>>
    %dma_start3A_68 = arith.constant 0 : i32
    %dma_start3A_69 = arith.constant 0 : i32
    %dma_start3A_70 = tpu.memref_slice %arg9[%dma_start3A_68, %dma_start3A_69] : memref<64x128xf32, #tpu.memory_space<vmem>> -> memref<64x128xf32, #tpu.memory_space<vmem>>
    tpu.enqueue_dma source(%dma_start3A_70 : memref<64x128xf32, #tpu.memory_space<vmem>>) target(%dma_start3A_67 : memref<64x128xf32, #tpu.memory_space<vmem_shared>>) target_semaphore(%arg12 : memref<!tpu.dma_semaphore, #tpu.memory_space<semaphore_mem>>)
    %add3A_71 = arith.constant 384 : i32
    %add3A_72 = arith.addi %mul3A_0, %add3A_71 : i32
    %dma_start3A_73 = arith.constant 0 : i32
    %dma_start3A_74 = arith.constant 0 : i32
    %dma_start3A_75 = tpu.memref_slice %arg9[%dma_start3A_73, %dma_start3A_74] : memref<64x128xf32, #tpu.memory_space<vmem>> -> memref<64x128xf32, #tpu.memory_space<vmem>>
    %dma_start3A_76 = arith.constant 0 : i32
    %dma_start3A_77 = tpu.memref_slice %arg11[%add3A_72, %dma_start3A_76] : memref<10112x128xf32, #tpu.memory_space<vmem_shared>> -> memref<64x128xf32, #tpu.memory_space<vmem_shared>>
    %dma_start3A_78 = arith.constant 0 : i32
    %dma_start3A_79 = tpu.memref_slice %arg11[%add3A_72, %dma_start3A_78] : memref<10112x128xf32, #tpu.memory_space<vmem_shared>> -> memref<64x128xf32, #tpu.memory_space<vmem_shared>>
    %dma_start3A_80 = arith.constant 0 : i32
    %dma_start3A_81 = arith.constant 0 : i32
    %dma_start3A_82 = tpu.memref_slice %arg9[%dma_start3A_80, %dma_start3A_81] : memref<64x128xf32, #tpu.memory_space<vmem>> -> memref<64x128xf32, #tpu.memory_space<vmem>>
    tpu.enqueue_dma source(%dma_start3A_82 : memref<64x128xf32, #tpu.memory_space<vmem>>) target(%dma_start3A_79 : memref<64x128xf32, #tpu.memory_space<vmem_shared>>) target_semaphore(%arg12 : memref<!tpu.dma_semaphore, #tpu.memory_space<semaphore_mem>>)
    %add3A_83 = arith.constant 448 : i32
    %add3A_84 = arith.addi %mul3A_0, %add3A_83 : i32
    %dma_start3A_85 = arith.constant 0 : i32
    %dma_start3A_86 = arith.constant 0 : i32
    %dma_start3A_87 = tpu.memref_slice %arg9[%dma_start3A_85, %dma_start3A_86] : memref<64x128xf32, #tpu.memory_space<vmem>> -> memref<64x128xf32, #tpu.memory_space<vmem>>
    %dma_start3A_88 = arith.constant 0 : i32
    %dma_start3A_89 = tpu.memref_slice %arg11[%add3A_84, %dma_start3A_88] : memref<10112x128xf32, #tpu.memory_space<vmem_shared>> -> memref<64x128xf32, #tpu.memory_space<vmem_shared>>
    %dma_start3A_90 = arith.constant 0 : i32
    %dma_start3A_91 = tpu.memref_slice %arg11[%add3A_84, %dma_start3A_90] : memref<10112x128xf32, #tpu.memory_space<vmem_shared>> -> memref<64x128xf32, #tpu.memory_space<vmem_shared>>
    %dma_start3A_92 = arith.constant 0 : i32
    %dma_start3A_93 = arith.constant 0 : i32
    %dma_start3A_94 = tpu.memref_slice %arg9[%dma_start3A_92, %dma_start3A_93] : memref<64x128xf32, #tpu.memory_space<vmem>> -> memref<64x128xf32, #tpu.memory_space<vmem>>
    tpu.enqueue_dma source(%dma_start3A_94 : memref<64x128xf32, #tpu.memory_space<vmem>>) target(%dma_start3A_91 : memref<64x128xf32, #tpu.memory_space<vmem_shared>>) target_semaphore(%arg12 : memref<!tpu.dma_semaphore, #tpu.memory_space<semaphore_mem>>)
    %add3A_95 = arith.constant 512 : i32
    %add3A_96 = arith.addi %mul3A_0, %add3A_95 : i32
    %dma_start3A_97 = arith.constant 0 : i32
    %dma_start3A_98 = arith.constant 0 : i32
    %dma_start3A_99 = tpu.memref_slice %arg9[%dma_start3A_97, %dma_start3A_98] : memref<64x128xf32, #tpu.memory_space<vmem>> -> memref<64x128xf32, #tpu.memory_space<vmem>>
    %dma_start3A_100 = arith.constant 0 : i32
    %dma_start3A_101 = tpu.memref_slice %arg11[%add3A_96, %dma_start3A_100] : memref<10112x128xf32, #tpu.memory_space<vmem_shared>> -> memref<64x128xf32, #tpu.memory_space<vmem_shared>>
    %dma_start3A_102 = arith.constant 0 : i32
    %dma_start3A_103 = tpu.memref_slice %arg11[%add3A_96, %dma_start3A_102] : memref<10112x128xf32, #tpu.memory_space<vmem_shared>> -> memref<64x128xf32, #tpu.memory_space<vmem_shared>>
    %dma_start3A_104 = arith.constant 0 : i32
    %dma_start3A_105 = arith.constant 0 : i32
    %dma_start3A_106 = tpu.memref_slice %arg9[%dma_start3A_104, %dma_start3A_105] : memref<64x128xf32, #tpu.memory_space<vmem>> -> memref<64x128xf32, #tpu.memory_space<vmem>>
    tpu.enqueue_dma source(%dma_start3A_106 : memref<64x128xf32, #tpu.memory_space<vmem>>) target(%dma_start3A_103 : memref<64x128xf32, #tpu.memory_space<vmem_shared>>) target_semaphore(%arg12 : memref<!tpu.dma_semaphore, #tpu.memory_space<semaphore_mem>>)
    %add3A_107 = arith.constant 576 : i32
    %add3A_108 = arith.addi %mul3A_0, %add3A_107 : i32
    %dma_start3A_109 = arith.constant 0 : i32
    %dma_start3A_110 = arith.constant 0 : i32
    %dma_start3A_111 = tpu.memref_slice %arg9[%dma_start3A_109, %dma_start3A_110] : memref<64x128xf32, #tpu.memory_space<vmem>> -> memref<56x128xf32, #tpu.memory_space<vmem>>
    %dma_start3A_112 = arith.constant 0 : i32
    %dma_start3A_113 = tpu.memref_slice %arg11[%add3A_108, %dma_start3A_112] : memref<10112x128xf32, #tpu.memory_space<vmem_shared>> -> memref<56x128xf32, #tpu.memory_space<vmem_shared>>
    %dma_start3A_114 = arith.constant 0 : i32
    %dma_start3A_115 = tpu.memref_slice %arg11[%add3A_108, %dma_start3A_114] : memref<10112x128xf32, #tpu.memory_space<vmem_shared>> -> memref<56x128xf32, #tpu.memory_space<vmem_shared>>
    %dma_start3A_116 = arith.constant 0 : i32
    %dma_start3A_117 = arith.constant 0 : i32
    %dma_start3A_118 = tpu.memref_slice %arg9[%dma_start3A_116, %dma_start3A_117] : memref<64x128xf32, #tpu.memory_space<vmem>> -> memref<56x128xf32, #tpu.memory_space<vmem>>
    tpu.enqueue_dma source(%dma_start3A_118 : memref<56x128xf32, #tpu.memory_space<vmem>>) target(%dma_start3A_115 : memref<56x128xf32, #tpu.memory_space<vmem_shared>>) target_semaphore(%arg12 : memref<!tpu.dma_semaphore, #tpu.memory_space<semaphore_mem>>)
    %add3A_119 = arith.constant 0 : i32
    %add3A_120 = arith.addi %mul3A_0, %add3A_119 : i32
    %dma_wait3A = arith.constant 0 : i32
    %dma_wait3A_121 = arith.constant 0 : i32
    %dma_wait3A_122 = tpu.memref_slice %arg9[%dma_wait3A, %dma_wait3A_121] : memref<64x128xf32, #tpu.memory_space<vmem>> -> memref<64x128xf32, #tpu.memory_space<vmem>>
    %dma_wait3A_123 = arith.constant 0 : i32
    %dma_wait3A_124 = tpu.memref_slice %arg11[%add3A_120, %dma_wait3A_123] : memref<10112x128xf32, #tpu.memory_space<vmem_shared>> -> memref<64x128xf32, #tpu.memory_space<vmem_shared>>
    %dma_wait3A_125 = arith.constant 0 : i32
    %dma_wait3A_126 = tpu.memref_slice %arg11[%add3A_120, %dma_wait3A_125] : memref<10112x128xf32, #tpu.memory_space<vmem_shared>> -> memref<64x128xf32, #tpu.memory_space<vmem_shared>>
    %dma_wait3A_127 = arith.constant 0 : i32
    %dma_wait3A_128 = arith.constant 0 : i32
    %dma_wait3A_129 = tpu.memref_slice %arg9[%dma_wait3A_127, %dma_wait3A_128] : memref<64x128xf32, #tpu.memory_space<vmem>> -> memref<64x128xf32, #tpu.memory_space<vmem>>
    tpu.wait_dma2 semaphore(%arg12 : memref<!tpu.dma_semaphore, #tpu.memory_space<semaphore_mem>>) src(%dma_wait3A_129 : memref<64x128xf32, #tpu.memory_space<vmem>>) dst(%dma_wait3A_126 : memref<64x128xf32, #tpu.memory_space<vmem_shared>>)
    %add3A_130 = arith.constant 64 : i32
    %add3A_131 = arith.addi %mul3A_0, %add3A_130 : i32
    %dma_wait3A_132 = arith.constant 0 : i32
    %dma_wait3A_133 = arith.constant 0 : i32
    %dma_wait3A_134 = tpu.memref_slice %arg9[%dma_wait3A_132, %dma_wait3A_133] : memref<64x128xf32, #tpu.memory_space<vmem>> -> memref<64x128xf32, #tpu.memory_space<vmem>>
    %dma_wait3A_135 = arith.constant 0 : i32
    %dma_wait3A_136 = tpu.memref_slice %arg11[%add3A_131, %dma_wait3A_135] : memref<10112x128xf32, #tpu.memory_space<vmem_shared>> -> memref<64x128xf32, #tpu.memory_space<vmem_shared>>
    %dma_wait3A_137 = arith.constant 0 : i32
    %dma_wait3A_138 = tpu.memref_slice %arg11[%add3A_131, %dma_wait3A_137] : memref<10112x128xf32, #tpu.memory_space<vmem_shared>> -> memref<64x128xf32, #tpu.memory_space<vmem_shared>>
    %dma_wait3A_139 = arith.constant 0 : i32
    %dma_wait3A_140 = arith.constant 0 : i32
    %dma_wait3A_141 = tpu.memref_slice %arg9[%dma_wait3A_139, %dma_wait3A_140] : memref<64x128xf32, #tpu.memory_space<vmem>> -> memref<64x128xf32, #tpu.memory_space<vmem>>
    tpu.wait_dma2 semaphore(%arg12 : memref<!tpu.dma_semaphore, #tpu.memory_space<semaphore_mem>>) src(%dma_wait3A_141 : memref<64x128xf32, #tpu.memory_space<vmem>>) dst(%dma_wait3A_138 : memref<64x128xf32, #tpu.memory_space<vmem_shared>>)
    %add3A_142 = arith.constant 128 : i32
    %add3A_143 = arith.addi %mul3A_0, %add3A_142 : i32
    %dma_wait3A_144 = arith.constant 0 : i32
    %dma_wait3A_145 = arith.constant 0 : i32
    %dma_wait3A_146 = tpu.memref_slice %arg9[%dma_wait3A_144, %dma_wait3A_145] : memref<64x128xf32, #tpu.memory_space<vmem>> -> memref<64x128xf32, #tpu.memory_space<vmem>>
    %dma_wait3A_147 = arith.constant 0 : i32
    %dma_wait3A_148 = tpu.memref_slice %arg11[%add3A_143, %dma_wait3A_147] : memref<10112x128xf32, #tpu.memory_space<vmem_shared>> -> memref<64x128xf32, #tpu.memory_space<vmem_shared>>
    %dma_wait3A_149 = arith.constant 0 : i32
    %dma_wait3A_150 = tpu.memref_slice %arg11[%add3A_143, %dma_wait3A_149] : memref<10112x128xf32, #tpu.memory_space<vmem_shared>> -> memref<64x128xf32, #tpu.memory_space<vmem_shared>>
    %dma_wait3A_151 = arith.constant 0 : i32
    %dma_wait3A_152 = arith.constant 0 : i32
    %dma_wait3A_153 = tpu.memref_slice %arg9[%dma_wait3A_151, %dma_wait3A_152] : memref<64x128xf32, #tpu.memory_space<vmem>> -> memref<64x128xf32, #tpu.memory_space<vmem>>
    tpu.wait_dma2 semaphore(%arg12 : memref<!tpu.dma_semaphore, #tpu.memory_space<semaphore_mem>>) src(%dma_wait3A_153 : memref<64x128xf32, #tpu.memory_space<vmem>>) dst(%dma_wait3A_150 : memref<64x128xf32, #tpu.memory_space<vmem_shared>>)
    %add3A_154 = arith.constant 192 : i32
    %add3A_155 = arith.addi %mul3A_0, %add3A_154 : i32
    %dma_wait3A_156 = arith.constant 0 : i32
    %dma_wait3A_157 = arith.constant 0 : i32
    %dma_wait3A_158 = tpu.memref_slice %arg9[%dma_wait3A_156, %dma_wait3A_157] : memref<64x128xf32, #tpu.memory_space<vmem>> -> memref<64x128xf32, #tpu.memory_space<vmem>>
    %dma_wait3A_159 = arith.constant 0 : i32
    %dma_wait3A_160 = tpu.memref_slice %arg11[%add3A_155, %dma_wait3A_159] : memref<10112x128xf32, #tpu.memory_space<vmem_shared>> -> memref<64x128xf32, #tpu.memory_space<vmem_shared>>
    %dma_wait3A_161 = arith.constant 0 : i32
    %dma_wait3A_162 = tpu.memref_slice %arg11[%add3A_155, %dma_wait3A_161] : memref<10112x128xf32, #tpu.memory_space<vmem_shared>> -> memref<64x128xf32, #tpu.memory_space<vmem_shared>>
    %dma_wait3A_163 = arith.constant 0 : i32
    %dma_wait3A_164 = arith.constant 0 : i32
    %dma_wait3A_165 = tpu.memref_slice %arg9[%dma_wait3A_163, %dma_wait3A_164] : memref<64x128xf32, #tpu.memory_space<vmem>> -> memref<64x128xf32, #tpu.memory_space<vmem>>
    tpu.wait_dma2 semaphore(%arg12 : memref<!tpu.dma_semaphore, #tpu.memory_space<semaphore_mem>>) src(%dma_wait3A_165 : memref<64x128xf32, #tpu.memory_space<vmem>>) dst(%dma_wait3A_162 : memref<64x128xf32, #tpu.memory_space<vmem_shared>>)
    %add3A_166 = arith.constant 256 : i32
    %add3A_167 = arith.addi %mul3A_0, %add3A_166 : i32
    %dma_wait3A_168 = arith.constant 0 : i32
    %dma_wait3A_169 = arith.constant 0 : i32
    %dma_wait3A_170 = tpu.memref_slice %arg9[%dma_wait3A_168, %dma_wait3A_169] : memref<64x128xf32, #tpu.memory_space<vmem>> -> memref<64x128xf32, #tpu.memory_space<vmem>>
    %dma_wait3A_171 = arith.constant 0 : i32
    %dma_wait3A_172 = tpu.memref_slice %arg11[%add3A_167, %dma_wait3A_171] : memref<10112x128xf32, #tpu.memory_space<vmem_shared>> -> memref<64x128xf32, #tpu.memory_space<vmem_shared>>
    %dma_wait3A_173 = arith.constant 0 : i32
    %dma_wait3A_174 = tpu.memref_slice %arg11[%add3A_167, %dma_wait3A_173] : memref<10112x128xf32, #tpu.memory_space<vmem_shared>> -> memref<64x128xf32, #tpu.memory_space<vmem_shared>>
    %dma_wait3A_175 = arith.constant 0 : i32
    %dma_wait3A_176 = arith.constant 0 : i32
    %dma_wait3A_177 = tpu.memref_slice %arg9[%dma_wait3A_175, %dma_wait3A_176] : memref<64x128xf32, #tpu.memory_space<vmem>> -> memref<64x128xf32, #tpu.memory_space<vmem>>
    tpu.wait_dma2 semaphore(%arg12 : memref<!tpu.dma_semaphore, #tpu.memory_space<semaphore_mem>>) src(%dma_wait3A_177 : memref<64x128xf32, #tpu.memory_space<vmem>>) dst(%dma_wait3A_174 : memref<64x128xf32, #tpu.memory_space<vmem_shared>>)
    %add3A_178 = arith.constant 320 : i32
    %add3A_179 = arith.addi %mul3A_0, %add3A_178 : i32
    %dma_wait3A_180 = arith.constant 0 : i32
    %dma_wait3A_181 = arith.constant 0 : i32
    %dma_wait3A_182 = tpu.memref_slice %arg9[%dma_wait3A_180, %dma_wait3A_181] : memref<64x128xf32, #tpu.memory_space<vmem>> -> memref<64x128xf32, #tpu.memory_space<vmem>>
    %dma_wait3A_183 = arith.constant 0 : i32
    %dma_wait3A_184 = tpu.memref_slice %arg11[%add3A_179, %dma_wait3A_183] : memref<10112x128xf32, #tpu.memory_space<vmem_shared>> -> memref<64x128xf32, #tpu.memory_space<vmem_shared>>
    %dma_wait3A_185 = arith.constant 0 : i32
    %dma_wait3A_186 = tpu.memref_slice %arg11[%add3A_179, %dma_wait3A_185] : memref<10112x128xf32, #tpu.memory_space<vmem_shared>> -> memref<64x128xf32, #tpu.memory_space<vmem_shared>>
    %dma_wait3A_187 = arith.constant 0 : i32
    %dma_wait3A_188 = arith.constant 0 : i32
    %dma_wait3A_189 = tpu.memref_slice %arg9[%dma_wait3A_187, %dma_wait3A_188] : memref<64x128xf32, #tpu.memory_space<vmem>> -> memref<64x128xf32, #tpu.memory_space<vmem>>
    tpu.wait_dma2 semaphore(%arg12 : memref<!tpu.dma_semaphore, #tpu.memory_space<semaphore_mem>>) src(%dma_wait3A_189 : memref<64x128xf32, #tpu.memory_space<vmem>>) dst(%dma_wait3A_186 : memref<64x128xf32, #tpu.memory_space<vmem_shared>>)
    %add3A_190 = arith.constant 384 : i32
    %add3A_191 = arith.addi %mul3A_0, %add3A_190 : i32
    %dma_wait3A_192 = arith.constant 0 : i32
    %dma_wait3A_193 = arith.constant 0 : i32
    %dma_wait3A_194 = tpu.memref_slice %arg9[%dma_wait3A_192, %dma_wait3A_193] : memref<64x128xf32, #tpu.memory_space<vmem>> -> memref<64x128xf32, #tpu.memory_space<vmem>>
    %dma_wait3A_195 = arith.constant 0 : i32
    %dma_wait3A_196 = tpu.memref_slice %arg11[%add3A_191, %dma_wait3A_195] : memref<10112x128xf32, #tpu.memory_space<vmem_shared>> -> memref<64x128xf32, #tpu.memory_space<vmem_shared>>
    %dma_wait3A_197 = arith.constant 0 : i32
    %dma_wait3A_198 = tpu.memref_slice %arg11[%add3A_191, %dma_wait3A_197] : memref<10112x128xf32, #tpu.memory_space<vmem_shared>> -> memref<64x128xf32, #tpu.memory_space<vmem_shared>>
    %dma_wait3A_199 = arith.constant 0 : i32
    %dma_wait3A_200 = arith.constant 0 : i32
    %dma_wait3A_201 = tpu.memref_slice %arg9[%dma_wait3A_199, %dma_wait3A_200] : memref<64x128xf32, #tpu.memory_space<vmem>> -> memref<64x128xf32, #tpu.memory_space<vmem>>
    tpu.wait_dma2 semaphore(%arg12 : memref<!tpu.dma_semaphore, #tpu.memory_space<semaphore_mem>>) src(%dma_wait3A_201 : memref<64x128xf32, #tpu.memory_space<vmem>>) dst(%dma_wait3A_198 : memref<64x128xf32, #tpu.memory_space<vmem_shared>>)
    %add3A_202 = arith.constant 448 : i32
    %add3A_203 = arith.addi %mul3A_0, %add3A_202 : i32
    %dma_wait3A_204 = arith.constant 0 : i32
    %dma_wait3A_205 = arith.constant 0 : i32
    %dma_wait3A_206 = tpu.memref_slice %arg9[%dma_wait3A_204, %dma_wait3A_205] : memref<64x128xf32, #tpu.memory_space<vmem>> -> memref<64x128xf32, #tpu.memory_space<vmem>>
    %dma_wait3A_207 = arith.constant 0 : i32
    %dma_wait3A_208 = tpu.memref_slice %arg11[%add3A_203, %dma_wait3A_207] : memref<10112x128xf32, #tpu.memory_space<vmem_shared>> -> memref<64x128xf32, #tpu.memory_space<vmem_shared>>
    %dma_wait3A_209 = arith.constant 0 : i32
    %dma_wait3A_210 = tpu.memref_slice %arg11[%add3A_203, %dma_wait3A_209] : memref<10112x128xf32, #tpu.memory_space<vmem_shared>> -> memref<64x128xf32, #tpu.memory_space<vmem_shared>>
    %dma_wait3A_211 = arith.constant 0 : i32
    %dma_wait3A_212 = arith.constant 0 : i32
    %dma_wait3A_213 = tpu.memref_slice %arg9[%dma_wait3A_211, %dma_wait3A_212] : memref<64x128xf32, #tpu.memory_space<vmem>> -> memref<64x128xf32, #tpu.memory_space<vmem>>
    tpu.wait_dma2 semaphore(%arg12 : memref<!tpu.dma_semaphore, #tpu.memory_space<semaphore_mem>>) src(%dma_wait3A_213 : memref<64x128xf32, #tpu.memory_space<vmem>>) dst(%dma_wait3A_210 : memref<64x128xf32, #tpu.memory_space<vmem_shared>>)
    %add3A_214 = arith.constant 512 : i32
    %add3A_215 = arith.addi %mul3A_0, %add3A_214 : i32
    %dma_wait3A_216 = arith.constant 0 : i32
    %dma_wait3A_217 = arith.constant 0 : i32
    %dma_wait3A_218 = tpu.memref_slice %arg9[%dma_wait3A_216, %dma_wait3A_217] : memref<64x128xf32, #tpu.memory_space<vmem>> -> memref<64x128xf32, #tpu.memory_space<vmem>>
    %dma_wait3A_219 = arith.constant 0 : i32
    %dma_wait3A_220 = tpu.memref_slice %arg11[%add3A_215, %dma_wait3A_219] : memref<10112x128xf32, #tpu.memory_space<vmem_shared>> -> memref<64x128xf32, #tpu.memory_space<vmem_shared>>
    %dma_wait3A_221 = arith.constant 0 : i32
    %dma_wait3A_222 = tpu.memref_slice %arg11[%add3A_215, %dma_wait3A_221] : memref<10112x128xf32, #tpu.memory_space<vmem_shared>> -> memref<64x128xf32, #tpu.memory_space<vmem_shared>>
    %dma_wait3A_223 = arith.constant 0 : i32
    %dma_wait3A_224 = arith.constant 0 : i32
    %dma_wait3A_225 = tpu.memref_slice %arg9[%dma_wait3A_223, %dma_wait3A_224] : memref<64x128xf32, #tpu.memory_space<vmem>> -> memref<64x128xf32, #tpu.memory_space<vmem>>
    tpu.wait_dma2 semaphore(%arg12 : memref<!tpu.dma_semaphore, #tpu.memory_space<semaphore_mem>>) src(%dma_wait3A_225 : memref<64x128xf32, #tpu.memory_space<vmem>>) dst(%dma_wait3A_222 : memref<64x128xf32, #tpu.memory_space<vmem_shared>>)
    %add3A_226 = arith.constant 576 : i32
    %add3A_227 = arith.addi %mul3A_0, %add3A_226 : i32
    %dma_wait3A_228 = arith.constant 0 : i32
    %dma_wait3A_229 = arith.constant 0 : i32
    %dma_wait3A_230 = tpu.memref_slice %arg9[%dma_wait3A_228, %dma_wait3A_229] : memref<64x128xf32, #tpu.memory_space<vmem>> -> memref<56x128xf32, #tpu.memory_space<vmem>>
    %dma_wait3A_231 = arith.constant 0 : i32
    %dma_wait3A_232 = tpu.memref_slice %arg11[%add3A_227, %dma_wait3A_231] : memref<10112x128xf32, #tpu.memory_space<vmem_shared>> -> memref<56x128xf32, #tpu.memory_space<vmem_shared>>
    %dma_wait3A_233 = arith.constant 0 : i32
    %dma_wait3A_234 = tpu.memref_slice %arg11[%add3A_227, %dma_wait3A_233] : memref<10112x128xf32, #tpu.memory_space<vmem_shared>> -> memref<56x128xf32, #tpu.memory_space<vmem_shared>>
    %dma_wait3A_235 = arith.constant 0 : i32
    %dma_wait3A_236 = arith.constant 0 : i32
    %dma_wait3A_237 = tpu.memref_slice %arg9[%dma_wait3A_235, %dma_wait3A_236] : memref<64x128xf32, #tpu.memory_space<vmem>> -> memref<56x128xf32, #tpu.memory_space<vmem>>
    tpu.wait_dma2 semaphore(%arg12 : memref<!tpu.dma_semaphore, #tpu.memory_space<semaphore_mem>>) src(%dma_wait3A_237 : memref<56x128xf32, #tpu.memory_space<vmem>>) dst(%dma_wait3A_234 : memref<56x128xf32, #tpu.memory_space<vmem_shared>>)
    %barrier3A = arith.constant 0 : index
    tpu.barrier barrier_id(%barrier3A)
    %eq3A = arith.constant 0 : i32
    %eq3A_238 = arith.cmpi eq, %arg0, %eq3A : i32
    %convert_element_type3A = arith.extui %eq3A_238 : i1 to i32
    %cond3A = arith.constant 0 : i32
    %cond3A_239 = arith.cmpi ne, %convert_element_type3A, %cond3A : i32
    scf.if %cond3A_239 {
      %scan3A = arith.constant 0 : i32
      %scan3A_546 = arith.constant 0 : i32
      %scan3A_547 = arith.constant 7 : i32
      %scan3A_548 = arith.addi %scan3A_546, %scan3A_547 : i32
      %scan3A_549 = arith.constant 1 : i32
      scf.for %scan3A_551 = %scan3A_546 to %scan3A_548 step %scan3A_549  : i32 {
        %mul3A_552 = arith.constant 32 : i32
        %mul3A_553 = arith.muli %scan3A_551, %mul3A_552 : i32
        %add3A_554 = arith.constant 0 : i32
        %add3A_555 = arith.addi %add3A_554, %mul3A_553 : i32
        "tpu.region"() ({
          %run_scoped3A = tpu.sem_alloc : memref<!tpu.dma_semaphore, #tpu.memory_space<semaphore_mem>>
          %dma_start3A_576 = arith.constant 0 : i32
          %dma_start3A_577 = tpu.memref_slice %arg3[%arg1, %add3A_555, %dma_start3A_576] : memref<16x320x64xi32, #tpu.memory_space<hbm>> -> memref<1x32x64xi32, #tpu.memory_space<hbm>>
          %dma_start3A_578 = tpu.memref_squeeze %dma_start3A_577 : memref<1x32x64xi32, #tpu.memory_space<hbm>> -> memref<32x64xi32, #tpu.memory_space<hbm>>
          %dma_start3A_579 = arith.constant 0 : i32
          %dma_start3A_580 = tpu.memref_slice %arg3[%arg1, %add3A_555, %dma_start3A_579] : memref<16x320x64xi32, #tpu.memory_space<hbm>> -> memref<1x32x64xi32, #tpu.memory_space<hbm>>
          %dma_start3A_581 = tpu.memref_squeeze %dma_start3A_580 : memref<1x32x64xi32, #tpu.memory_space<hbm>> -> memref<32x64xi32, #tpu.memory_space<hbm>>
          tpu.enqueue_dma source(%dma_start3A_581 : memref<32x64xi32, #tpu.memory_space<hbm>>) target(%arg7 : memref<32x64xi32, #tpu.memory_space<vmem>>) target_semaphore(%run_scoped3A : memref<!tpu.dma_semaphore, #tpu.memory_space<semaphore_mem>>)
          %dma_wait3A_582 = arith.constant 0 : i32
          %dma_wait3A_583 = tpu.memref_slice %arg3[%arg1, %add3A_555, %dma_wait3A_582] : memref<16x320x64xi32, #tpu.memory_space<hbm>> -> memref<1x32x64xi32, #tpu.memory_space<hbm>>
          %dma_wait3A_584 = tpu.memref_squeeze %dma_wait3A_583 : memref<1x32x64xi32, #tpu.memory_space<hbm>> -> memref<32x64xi32, #tpu.memory_space<hbm>>
          %dma_wait3A_585 = arith.constant 0 : i32
          %dma_wait3A_586 = tpu.memref_slice %arg3[%arg1, %add3A_555, %dma_wait3A_585] : memref<16x320x64xi32, #tpu.memory_space<hbm>> -> memref<1x32x64xi32, #tpu.memory_space<hbm>>
          %dma_wait3A_587 = tpu.memref_squeeze %dma_wait3A_586 : memref<1x32x64xi32, #tpu.memory_space<hbm>> -> memref<32x64xi32, #tpu.memory_space<hbm>>
          tpu.wait_dma2 semaphore(%run_scoped3A : memref<!tpu.dma_semaphore, #tpu.memory_space<semaphore_mem>>) src(%dma_wait3A_587 : memref<32x64xi32, #tpu.memory_space<hbm>>) dst(%arg7 : memref<32x64xi32, #tpu.memory_space<vmem>>)
          tpu.yield
        }) : () -> ()
        "tpu.region"() ({
          %run_scoped3A = tpu.sem_alloc : memref<!tpu.dma_semaphore, #tpu.memory_space<semaphore_mem>>
          %dma_start3A_576 = arith.constant 0 : i32
          %dma_start3A_577 = tpu.memref_slice %arg4[%arg1, %add3A_555, %dma_start3A_576] : memref<16x320x64xi32, #tpu.memory_space<hbm>> -> memref<1x32x64xi32, #tpu.memory_space<hbm>>
          %dma_start3A_578 = tpu.memref_squeeze %dma_start3A_577 : memref<1x32x64xi32, #tpu.memory_space<hbm>> -> memref<32x64xi32, #tpu.memory_space<hbm>>
          %dma_start3A_579 = arith.constant 0 : i32
          %dma_start3A_580 = tpu.memref_slice %arg4[%arg1, %add3A_555, %dma_start3A_579] : memref<16x320x64xi32, #tpu.memory_space<hbm>> -> memref<1x32x64xi32, #tpu.memory_space<hbm>>
          %dma_start3A_581 = tpu.memref_squeeze %dma_start3A_580 : memref<1x32x64xi32, #tpu.memory_space<hbm>> -> memref<32x64xi32, #tpu.memory_space<hbm>>
          tpu.enqueue_dma source(%dma_start3A_581 : memref<32x64xi32, #tpu.memory_space<hbm>>) target(%arg8 : memref<32x64xi32, #tpu.memory_space<vmem>>) target_semaphore(%run_scoped3A : memref<!tpu.dma_semaphore, #tpu.memory_space<semaphore_mem>>)
          %dma_wait3A_582 = arith.constant 0 : i32
          %dma_wait3A_583 = tpu.memref_slice %arg4[%arg1, %add3A_555, %dma_wait3A_582] : memref<16x320x64xi32, #tpu.memory_space<hbm>> -> memref<1x32x64xi32, #tpu.memory_space<hbm>>
          %dma_wait3A_584 = tpu.memref_squeeze %dma_wait3A_583 : memref<1x32x64xi32, #tpu.memory_space<hbm>> -> memref<32x64xi32, #tpu.memory_space<hbm>>
          %dma_wait3A_585 = arith.constant 0 : i32
          %dma_wait3A_586 = tpu.memref_slice %arg4[%arg1, %add3A_555, %dma_wait3A_585] : memref<16x320x64xi32, #tpu.memory_space<hbm>> -> memref<1x32x64xi32, #tpu.memory_space<hbm>>
          %dma_wait3A_587 = tpu.memref_squeeze %dma_wait3A_586 : memref<1x32x64xi32, #tpu.memory_space<hbm>> -> memref<32x64xi32, #tpu.memory_space<hbm>>
          tpu.wait_dma2 semaphore(%run_scoped3A : memref<!tpu.dma_semaphore, #tpu.memory_space<semaphore_mem>>) src(%dma_wait3A_587 : memref<32x64xi32, #tpu.memory_space<hbm>>) dst(%arg8 : memref<32x64xi32, #tpu.memory_space<vmem>>)
          tpu.yield
        }) : () -> ()
        %dma_start3A_556 = arith.constant 0 : i32
        %dma_start3A_557 = arith.constant 0 : i32
        %dma_start3A_558 = tpu.memref_slice %arg7[%dma_start3A_556, %dma_start3A_557] : memref<32x64xi32, #tpu.memory_space<vmem>> -> memref<1x64xi32, #tpu.memory_space<vmem>>
        %dma_start3A_559 = tpu.memref_squeeze %dma_start3A_558 : memref<1x64xi32, #tpu.memory_space<vmem>> -> memref<64xi32, #tpu.memory_space<vmem>>
        %dma_start3A_560 = arith.constant 0 : i32
        %dma_start3A_561 = arith.constant 0 : i32
        %dma_start3A_562 = tpu.memref_slice %arg2[%dma_start3A_560, %dma_start3A_561] : memref<10112x128xf32, #tpu.memory_space<hbm>> -> memref<10112x128xf32, #tpu.memory_space<hbm>>
        tpu.enqueue_indirect_dma source(%dma_start3A_562 : memref<10112x128xf32, #tpu.memory_space<hbm>>) target(%arg9 : memref<64x128xf32, #tpu.memory_space<vmem>>) offsets(%dma_start3A_559 : memref<64xi32, #tpu.memory_space<vmem>>) semaphore(%arg12 : memref<!tpu.dma_semaphore, #tpu.memory_space<semaphore_mem>>)
        %scan3A_563 = arith.constant 0 : i32
        %scan3A_564 = arith.constant 0 : i32
        %scan3A_565 = arith.constant 16 : i32
        %scan3A_566 = arith.addi %scan3A_564, %scan3A_565 : i32
        %scan3A_567 = arith.constant 1 : i32
        scf.for %scan3A_576 = %scan3A_564 to %scan3A_566 step %scan3A_567  : i32 {
          %mul3A_577 = arith.constant 2 : i32
          %mul3A_578 = arith.muli %mul3A_577, %scan3A_576 : i32
          %add3A_579 = arith.constant 1 : i32
          %add3A_580 = arith.addi %mul3A_578, %add3A_579 : i32
          %gt3A = arith.constant 0 : i32
          %gt3A_581 = arith.cmpi sgt, %scan3A_576, %gt3A : i32
          %convert_element_type3A_582 = arith.extui %gt3A_581 : i1 to i32
          %cond3A_583 = arith.constant 0 : i32
          %cond3A_584 = arith.cmpi ne, %convert_element_type3A_582, %cond3A_583 : i32
          scf.if %cond3A_584 {
            %dma_wait3A_628 = arith.constant 0 : i32
            %dma_wait3A_629 = arith.constant 0 : i32
            %dma_wait3A_630 = tpu.memref_slice %arg8[%dma_wait3A_628, %dma_wait3A_629] : memref<32x64xi32, #tpu.memory_space<vmem>> -> memref<1x64xi32, #tpu.memory_space<vmem>>
            %dma_wait3A_631 = tpu.memref_squeeze %dma_wait3A_630 : memref<1x64xi32, #tpu.memory_space<vmem>> -> memref<64xi32, #tpu.memory_space<vmem>>
            %dma_wait3A_632 = arith.constant 0 : i32
            %dma_wait3A_633 = arith.constant 0 : i32
            %dma_wait3A_634 = tpu.memref_slice %arg11[%dma_wait3A_632, %dma_wait3A_633] : memref<10112x128xf32, #tpu.memory_space<vmem_shared>> -> memref<10112x128xf32, #tpu.memory_space<vmem_shared>>
            tpu.wait_indirect_dma semaphore(%arg15 : memref<!tpu.dma_semaphore, #tpu.memory_space<semaphore_mem>>) src(%arg10 : memref<64x128xf32, #tpu.memory_space<vmem>>) dst(%dma_wait3A_634 : memref<10112x128xf32, #tpu.memory_space<vmem_shared>>)
          } else {
          }
          %dma_wait3A_585 = arith.constant 0 : i32
          %dma_wait3A_586 = arith.constant 0 : i32
          %dma_wait3A_587 = tpu.memref_slice %arg7[%dma_wait3A_585, %dma_wait3A_586] : memref<32x64xi32, #tpu.memory_space<vmem>> -> memref<1x64xi32, #tpu.memory_space<vmem>>
          %dma_wait3A_588 = tpu.memref_squeeze %dma_wait3A_587 : memref<1x64xi32, #tpu.memory_space<vmem>> -> memref<64xi32, #tpu.memory_space<vmem>>
          %dma_wait3A_589 = arith.constant 0 : i32
          %dma_wait3A_590 = arith.constant 0 : i32
          %dma_wait3A_591 = tpu.memref_slice %arg2[%dma_wait3A_589, %dma_wait3A_590] : memref<10112x128xf32, #tpu.memory_space<hbm>> -> memref<10112x128xf32, #tpu.memory_space<hbm>>
          tpu.wait_indirect_dma semaphore(%arg12 : memref<!tpu.dma_semaphore, #tpu.memory_space<semaphore_mem>>) src(%dma_wait3A_591 : memref<10112x128xf32, #tpu.memory_space<hbm>>) dst(%arg9 : memref<64x128xf32, #tpu.memory_space<vmem>>)
          %dma_start3A_592 = arith.constant 0 : i32
          %dma_start3A_593 = tpu.memref_slice %arg7[%add3A_580, %dma_start3A_592] : memref<32x64xi32, #tpu.memory_space<vmem>> -> memref<1x64xi32, #tpu.memory_space<vmem>>
          %dma_start3A_594 = tpu.memref_squeeze %dma_start3A_593 : memref<1x64xi32, #tpu.memory_space<vmem>> -> memref<64xi32, #tpu.memory_space<vmem>>
          %dma_start3A_595 = arith.constant 0 : i32
          %dma_start3A_596 = arith.constant 0 : i32
          %dma_start3A_597 = tpu.memref_slice %arg2[%dma_start3A_595, %dma_start3A_596] : memref<10112x128xf32, #tpu.memory_space<hbm>> -> memref<10112x128xf32, #tpu.memory_space<hbm>>
          tpu.enqueue_indirect_dma source(%dma_start3A_597 : memref<10112x128xf32, #tpu.memory_space<hbm>>) target(%arg10 : memref<64x128xf32, #tpu.memory_space<vmem>>) offsets(%dma_start3A_594 : memref<64xi32, #tpu.memory_space<vmem>>) semaphore(%arg13 : memref<!tpu.dma_semaphore, #tpu.memory_space<semaphore_mem>>)
          %dma_start3A_598 = arith.constant 0 : i32
          %dma_start3A_599 = tpu.memref_slice %arg8[%mul3A_578, %dma_start3A_598] : memref<32x64xi32, #tpu.memory_space<vmem>> -> memref<1x64xi32, #tpu.memory_space<vmem>>
          %dma_start3A_600 = tpu.memref_squeeze %dma_start3A_599 : memref<1x64xi32, #tpu.memory_space<vmem>> -> memref<64xi32, #tpu.memory_space<vmem>>
          %dma_start3A_601 = arith.constant 0 : i32
          %dma_start3A_602 = arith.constant 0 : i32
          %dma_start3A_603 = tpu.memref_slice %arg11[%dma_start3A_601, %dma_start3A_602] : memref<10112x128xf32, #tpu.memory_space<vmem_shared>> -> memref<10112x128xf32, #tpu.memory_space<vmem_shared>>
          tpu.enqueue_indirect_dma source(%arg9 : memref<64x128xf32, #tpu.memory_space<vmem>>) target(%dma_start3A_603 : memref<10112x128xf32, #tpu.memory_space<vmem_shared>>) offsets(%dma_start3A_600 : memref<64xi32, #tpu.memory_space<vmem>>) semaphore(%arg14 : memref<!tpu.dma_semaphore, #tpu.memory_space<semaphore_mem>>) {add = true}
          %dma_wait3A_604 = arith.constant 0 : i32
          %dma_wait3A_605 = arith.constant 0 : i32
          %dma_wait3A_606 = tpu.memref_slice %arg7[%dma_wait3A_604, %dma_wait3A_605] : memref<32x64xi32, #tpu.memory_space<vmem>> -> memref<1x64xi32, #tpu.memory_space<vmem>>
          %dma_wait3A_607 = tpu.memref_squeeze %dma_wait3A_606 : memref<1x64xi32, #tpu.memory_space<vmem>> -> memref<64xi32, #tpu.memory_space<vmem>>
          %dma_wait3A_608 = arith.constant 0 : i32
          %dma_wait3A_609 = arith.constant 0 : i32
          %dma_wait3A_610 = tpu.memref_slice %arg2[%dma_wait3A_608, %dma_wait3A_609] : memref<10112x128xf32, #tpu.memory_space<hbm>> -> memref<10112x128xf32, #tpu.memory_space<hbm>>
          tpu.wait_indirect_dma semaphore(%arg13 : memref<!tpu.dma_semaphore, #tpu.memory_space<semaphore_mem>>) src(%dma_wait3A_610 : memref<10112x128xf32, #tpu.memory_space<hbm>>) dst(%arg10 : memref<64x128xf32, #tpu.memory_space<vmem>>)
          %dma_wait3A_611 = arith.constant 0 : i32
          %dma_wait3A_612 = arith.constant 0 : i32
          %dma_wait3A_613 = tpu.memref_slice %arg8[%dma_wait3A_611, %dma_wait3A_612] : memref<32x64xi32, #tpu.memory_space<vmem>> -> memref<1x64xi32, #tpu.memory_space<vmem>>
          %dma_wait3A_614 = tpu.memref_squeeze %dma_wait3A_613 : memref<1x64xi32, #tpu.memory_space<vmem>> -> memref<64xi32, #tpu.memory_space<vmem>>
          %dma_wait3A_615 = arith.constant 0 : i32
          %dma_wait3A_616 = arith.constant 0 : i32
          %dma_wait3A_617 = tpu.memref_slice %arg11[%dma_wait3A_615, %dma_wait3A_616] : memref<10112x128xf32, #tpu.memory_space<vmem_shared>> -> memref<10112x128xf32, #tpu.memory_space<vmem_shared>>
          tpu.wait_indirect_dma semaphore(%arg14 : memref<!tpu.dma_semaphore, #tpu.memory_space<semaphore_mem>>) src(%arg9 : memref<64x128xf32, #tpu.memory_space<vmem>>) dst(%dma_wait3A_617 : memref<10112x128xf32, #tpu.memory_space<vmem_shared>>)
          %lt3A = arith.constant 15 : i32
          %lt3A_618 = arith.cmpi slt, %scan3A_576, %lt3A : i32
          %convert_element_type3A_619 = arith.extui %lt3A_618 : i1 to i32
          %cond3A_620 = arith.constant 0 : i32
          %cond3A_621 = arith.cmpi ne, %convert_element_type3A_619, %cond3A_620 : i32
          scf.if %cond3A_621 {
            %add3A_628 = arith.constant 2 : i32
            %add3A_629 = arith.addi %mul3A_578, %add3A_628 : i32
            %dma_start3A_630 = arith.constant 0 : i32
            %dma_start3A_631 = tpu.memref_slice %arg7[%add3A_629, %dma_start3A_630] : memref<32x64xi32, #tpu.memory_space<vmem>> -> memref<1x64xi32, #tpu.memory_space<vmem>>
            %dma_start3A_632 = tpu.memref_squeeze %dma_start3A_631 : memref<1x64xi32, #tpu.memory_space<vmem>> -> memref<64xi32, #tpu.memory_space<vmem>>
            %dma_start3A_633 = arith.constant 0 : i32
            %dma_start3A_634 = arith.constant 0 : i32
            %dma_start3A_635 = tpu.memref_slice %arg2[%dma_start3A_633, %dma_start3A_634] : memref<10112x128xf32, #tpu.memory_space<hbm>> -> memref<10112x128xf32, #tpu.memory_space<hbm>>
            tpu.enqueue_indirect_dma source(%dma_start3A_635 : memref<10112x128xf32, #tpu.memory_space<hbm>>) target(%arg9 : memref<64x128xf32, #tpu.memory_space<vmem>>) offsets(%dma_start3A_632 : memref<64xi32, #tpu.memory_space<vmem>>) semaphore(%arg12 : memref<!tpu.dma_semaphore, #tpu.memory_space<semaphore_mem>>)
          } else {
          }
          %dma_start3A_622 = arith.constant 0 : i32
          %dma_start3A_623 = tpu.memref_slice %arg8[%add3A_580, %dma_start3A_622] : memref<32x64xi32, #tpu.memory_space<vmem>> -> memref<1x64xi32, #tpu.memory_space<vmem>>
          %dma_start3A_624 = tpu.memref_squeeze %dma_start3A_623 : memref<1x64xi32, #tpu.memory_space<vmem>> -> memref<64xi32, #tpu.memory_space<vmem>>
          %dma_start3A_625 = arith.constant 0 : i32
          %dma_start3A_626 = arith.constant 0 : i32
          %dma_start3A_627 = tpu.memref_slice %arg11[%dma_start3A_625, %dma_start3A_626] : memref<10112x128xf32, #tpu.memory_space<vmem_shared>> -> memref<10112x128xf32, #tpu.memory_space<vmem_shared>>
          tpu.enqueue_indirect_dma source(%arg10 : memref<64x128xf32, #tpu.memory_space<vmem>>) target(%dma_start3A_627 : memref<10112x128xf32, #tpu.memory_space<vmem_shared>>) offsets(%dma_start3A_624 : memref<64xi32, #tpu.memory_space<vmem>>) semaphore(%arg15 : memref<!tpu.dma_semaphore, #tpu.memory_space<semaphore_mem>>) {add = true}
        }
        %scan3A_568 = arith.constant 16 : i32
        %dma_wait3A_569 = arith.constant 0 : i32
        %dma_wait3A_570 = arith.constant 0 : i32
        %dma_wait3A_571 = tpu.memref_slice %arg8[%dma_wait3A_569, %dma_wait3A_570] : memref<32x64xi32, #tpu.memory_space<vmem>> -> memref<1x64xi32, #tpu.memory_space<vmem>>
        %dma_wait3A_572 = tpu.memref_squeeze %dma_wait3A_571 : memref<1x64xi32, #tpu.memory_space<vmem>> -> memref<64xi32, #tpu.memory_space<vmem>>
        %dma_wait3A_573 = arith.constant 0 : i32
        %dma_wait3A_574 = arith.constant 0 : i32
        %dma_wait3A_575 = tpu.memref_slice %arg11[%dma_wait3A_573, %dma_wait3A_574] : memref<10112x128xf32, #tpu.memory_space<vmem_shared>> -> memref<10112x128xf32, #tpu.memory_space<vmem_shared>>
        tpu.wait_indirect_dma semaphore(%arg15 : memref<!tpu.dma_semaphore, #tpu.memory_space<semaphore_mem>>) src(%arg10 : memref<64x128xf32, #tpu.memory_space<vmem>>) dst(%dma_wait3A_575 : memref<10112x128xf32, #tpu.memory_space<vmem_shared>>)
      }
      %scan3A_550 = arith.constant 7 : i32
    } else {
    }
    %eq3A_240 = arith.constant 1 : i32
    %eq3A_241 = arith.cmpi eq, %arg0, %eq3A_240 : i32
    %convert_element_type3A_242 = arith.extui %eq3A_241 : i1 to i32
    %cond3A_243 = arith.constant 0 : i32
    %cond3A_244 = arith.cmpi ne, %convert_element_type3A_242, %cond3A_243 : i32
    scf.if %cond3A_244 {
      %scan3A = arith.constant 0 : i32
      %scan3A_546 = arith.constant 0 : i32
      %scan3A_547 = arith.constant 3 : i32
      %scan3A_548 = arith.addi %scan3A_546, %scan3A_547 : i32
      %scan3A_549 = arith.constant 1 : i32
      scf.for %scan3A_551 = %scan3A_546 to %scan3A_548 step %scan3A_549  : i32 {
        %mul3A_552 = arith.constant 32 : i32
        %mul3A_553 = arith.muli %scan3A_551, %mul3A_552 : i32
        %add3A_554 = arith.constant 224 : i32
        %add3A_555 = arith.addi %add3A_554, %mul3A_553 : i32
        "tpu.region"() ({
          %run_scoped3A = tpu.sem_alloc : memref<!tpu.dma_semaphore, #tpu.memory_space<semaphore_mem>>
          %dma_start3A_576 = arith.constant 0 : i32
          %dma_start3A_577 = tpu.memref_slice %arg3[%arg1, %add3A_555, %dma_start3A_576] : memref<16x320x64xi32, #tpu.memory_space<hbm>> -> memref<1x32x64xi32, #tpu.memory_space<hbm>>
          %dma_start3A_578 = tpu.memref_squeeze %dma_start3A_577 : memref<1x32x64xi32, #tpu.memory_space<hbm>> -> memref<32x64xi32, #tpu.memory_space<hbm>>
          %dma_start3A_579 = arith.constant 0 : i32
          %dma_start3A_580 = tpu.memref_slice %arg3[%arg1, %add3A_555, %dma_start3A_579] : memref<16x320x64xi32, #tpu.memory_space<hbm>> -> memref<1x32x64xi32, #tpu.memory_space<hbm>>
          %dma_start3A_581 = tpu.memref_squeeze %dma_start3A_580 : memref<1x32x64xi32, #tpu.memory_space<hbm>> -> memref<32x64xi32, #tpu.memory_space<hbm>>
          tpu.enqueue_dma source(%dma_start3A_581 : memref<32x64xi32, #tpu.memory_space<hbm>>) target(%arg7 : memref<32x64xi32, #tpu.memory_space<vmem>>) target_semaphore(%run_scoped3A : memref<!tpu.dma_semaphore, #tpu.memory_space<semaphore_mem>>)
          %dma_wait3A_582 = arith.constant 0 : i32
          %dma_wait3A_583 = tpu.memref_slice %arg3[%arg1, %add3A_555, %dma_wait3A_582] : memref<16x320x64xi32, #tpu.memory_space<hbm>> -> memref<1x32x64xi32, #tpu.memory_space<hbm>>
          %dma_wait3A_584 = tpu.memref_squeeze %dma_wait3A_583 : memref<1x32x64xi32, #tpu.memory_space<hbm>> -> memref<32x64xi32, #tpu.memory_space<hbm>>
          %dma_wait3A_585 = arith.constant 0 : i32
          %dma_wait3A_586 = tpu.memref_slice %arg3[%arg1, %add3A_555, %dma_wait3A_585] : memref<16x320x64xi32, #tpu.memory_space<hbm>> -> memref<1x32x64xi32, #tpu.memory_space<hbm>>
          %dma_wait3A_587 = tpu.memref_squeeze %dma_wait3A_586 : memref<1x32x64xi32, #tpu.memory_space<hbm>> -> memref<32x64xi32, #tpu.memory_space<hbm>>
          tpu.wait_dma2 semaphore(%run_scoped3A : memref<!tpu.dma_semaphore, #tpu.memory_space<semaphore_mem>>) src(%dma_wait3A_587 : memref<32x64xi32, #tpu.memory_space<hbm>>) dst(%arg7 : memref<32x64xi32, #tpu.memory_space<vmem>>)
          tpu.yield
        }) : () -> ()
        "tpu.region"() ({
          %run_scoped3A = tpu.sem_alloc : memref<!tpu.dma_semaphore, #tpu.memory_space<semaphore_mem>>
          %dma_start3A_576 = arith.constant 0 : i32
          %dma_start3A_577 = tpu.memref_slice %arg4[%arg1, %add3A_555, %dma_start3A_576] : memref<16x320x64xi32, #tpu.memory_space<hbm>> -> memref<1x32x64xi32, #tpu.memory_space<hbm>>
          %dma_start3A_578 = tpu.memref_squeeze %dma_start3A_577 : memref<1x32x64xi32, #tpu.memory_space<hbm>> -> memref<32x64xi32, #tpu.memory_space<hbm>>
          %dma_start3A_579 = arith.constant 0 : i32
          %dma_start3A_580 = tpu.memref_slice %arg4[%arg1, %add3A_555, %dma_start3A_579] : memref<16x320x64xi32, #tpu.memory_space<hbm>> -> memref<1x32x64xi32, #tpu.memory_space<hbm>>
          %dma_start3A_581 = tpu.memref_squeeze %dma_start3A_580 : memref<1x32x64xi32, #tpu.memory_space<hbm>> -> memref<32x64xi32, #tpu.memory_space<hbm>>
          tpu.enqueue_dma source(%dma_start3A_581 : memref<32x64xi32, #tpu.memory_space<hbm>>) target(%arg8 : memref<32x64xi32, #tpu.memory_space<vmem>>) target_semaphore(%run_scoped3A : memref<!tpu.dma_semaphore, #tpu.memory_space<semaphore_mem>>)
          %dma_wait3A_582 = arith.constant 0 : i32
          %dma_wait3A_583 = tpu.memref_slice %arg4[%arg1, %add3A_555, %dma_wait3A_582] : memref<16x320x64xi32, #tpu.memory_space<hbm>> -> memref<1x32x64xi32, #tpu.memory_space<hbm>>
          %dma_wait3A_584 = tpu.memref_squeeze %dma_wait3A_583 : memref<1x32x64xi32, #tpu.memory_space<hbm>> -> memref<32x64xi32, #tpu.memory_space<hbm>>
          %dma_wait3A_585 = arith.constant 0 : i32
          %dma_wait3A_586 = tpu.memref_slice %arg4[%arg1, %add3A_555, %dma_wait3A_585] : memref<16x320x64xi32, #tpu.memory_space<hbm>> -> memref<1x32x64xi32, #tpu.memory_space<hbm>>
          %dma_wait3A_587 = tpu.memref_squeeze %dma_wait3A_586 : memref<1x32x64xi32, #tpu.memory_space<hbm>> -> memref<32x64xi32, #tpu.memory_space<hbm>>
          tpu.wait_dma2 semaphore(%run_scoped3A : memref<!tpu.dma_semaphore, #tpu.memory_space<semaphore_mem>>) src(%dma_wait3A_587 : memref<32x64xi32, #tpu.memory_space<hbm>>) dst(%arg8 : memref<32x64xi32, #tpu.memory_space<vmem>>)
          tpu.yield
        }) : () -> ()
        %dma_start3A_556 = arith.constant 0 : i32
        %dma_start3A_557 = arith.constant 0 : i32
        %dma_start3A_558 = tpu.memref_slice %arg7[%dma_start3A_556, %dma_start3A_557] : memref<32x64xi32, #tpu.memory_space<vmem>> -> memref<1x64xi32, #tpu.memory_space<vmem>>
        %dma_start3A_559 = tpu.memref_squeeze %dma_start3A_558 : memref<1x64xi32, #tpu.memory_space<vmem>> -> memref<64xi32, #tpu.memory_space<vmem>>
        %dma_start3A_560 = arith.constant 0 : i32
        %dma_start3A_561 = arith.constant 0 : i32
        %dma_start3A_562 = tpu.memref_slice %arg2[%dma_start3A_560, %dma_start3A_561] : memref<10112x128xf32, #tpu.memory_space<hbm>> -> memref<10112x128xf32, #tpu.memory_space<hbm>>
        tpu.enqueue_indirect_dma source(%dma_start3A_562 : memref<10112x128xf32, #tpu.memory_space<hbm>>) target(%arg9 : memref<64x128xf32, #tpu.memory_space<vmem>>) offsets(%dma_start3A_559 : memref<64xi32, #tpu.memory_space<vmem>>) semaphore(%arg12 : memref<!tpu.dma_semaphore, #tpu.memory_space<semaphore_mem>>)
        %scan3A_563 = arith.constant 0 : i32
        %scan3A_564 = arith.constant 0 : i32
        %scan3A_565 = arith.constant 16 : i32
        %scan3A_566 = arith.addi %scan3A_564, %scan3A_565 : i32
        %scan3A_567 = arith.constant 1 : i32
        scf.for %scan3A_576 = %scan3A_564 to %scan3A_566 step %scan3A_567  : i32 {
          %mul3A_577 = arith.constant 2 : i32
          %mul3A_578 = arith.muli %mul3A_577, %scan3A_576 : i32
          %add3A_579 = arith.constant 1 : i32
          %add3A_580 = arith.addi %mul3A_578, %add3A_579 : i32
          %gt3A = arith.constant 0 : i32
          %gt3A_581 = arith.cmpi sgt, %scan3A_576, %gt3A : i32
          %convert_element_type3A_582 = arith.extui %gt3A_581 : i1 to i32
          %cond3A_583 = arith.constant 0 : i32
          %cond3A_584 = arith.cmpi ne, %convert_element_type3A_582, %cond3A_583 : i32
          scf.if %cond3A_584 {
            %dma_wait3A_628 = arith.constant 0 : i32
            %dma_wait3A_629 = arith.constant 0 : i32
            %dma_wait3A_630 = tpu.memref_slice %arg8[%dma_wait3A_628, %dma_wait3A_629] : memref<32x64xi32, #tpu.memory_space<vmem>> -> memref<1x64xi32, #tpu.memory_space<vmem>>
            %dma_wait3A_631 = tpu.memref_squeeze %dma_wait3A_630 : memref<1x64xi32, #tpu.memory_space<vmem>> -> memref<64xi32, #tpu.memory_space<vmem>>
            %dma_wait3A_632 = arith.constant 0 : i32
            %dma_wait3A_633 = arith.constant 0 : i32
            %dma_wait3A_634 = tpu.memref_slice %arg11[%dma_wait3A_632, %dma_wait3A_633] : memref<10112x128xf32, #tpu.memory_space<vmem_shared>> -> memref<10112x128xf32, #tpu.memory_space<vmem_shared>>
            tpu.wait_indirect_dma semaphore(%arg15 : memref<!tpu.dma_semaphore, #tpu.memory_space<semaphore_mem>>) src(%arg10 : memref<64x128xf32, #tpu.memory_space<vmem>>) dst(%dma_wait3A_634 : memref<10112x128xf32, #tpu.memory_space<vmem_shared>>)
          } else {
          }
          %dma_wait3A_585 = arith.constant 0 : i32
          %dma_wait3A_586 = arith.constant 0 : i32
          %dma_wait3A_587 = tpu.memref_slice %arg7[%dma_wait3A_585, %dma_wait3A_586] : memref<32x64xi32, #tpu.memory_space<vmem>> -> memref<1x64xi32, #tpu.memory_space<vmem>>
          %dma_wait3A_588 = tpu.memref_squeeze %dma_wait3A_587 : memref<1x64xi32, #tpu.memory_space<vmem>> -> memref<64xi32, #tpu.memory_space<vmem>>
          %dma_wait3A_589 = arith.constant 0 : i32
          %dma_wait3A_590 = arith.constant 0 : i32
          %dma_wait3A_591 = tpu.memref_slice %arg2[%dma_wait3A_589, %dma_wait3A_590] : memref<10112x128xf32, #tpu.memory_space<hbm>> -> memref<10112x128xf32, #tpu.memory_space<hbm>>
          tpu.wait_indirect_dma semaphore(%arg12 : memref<!tpu.dma_semaphore, #tpu.memory_space<semaphore_mem>>) src(%dma_wait3A_591 : memref<10112x128xf32, #tpu.memory_space<hbm>>) dst(%arg9 : memref<64x128xf32, #tpu.memory_space<vmem>>)
          %dma_start3A_592 = arith.constant 0 : i32
          %dma_start3A_593 = tpu.memref_slice %arg7[%add3A_580, %dma_start3A_592] : memref<32x64xi32, #tpu.memory_space<vmem>> -> memref<1x64xi32, #tpu.memory_space<vmem>>
          %dma_start3A_594 = tpu.memref_squeeze %dma_start3A_593 : memref<1x64xi32, #tpu.memory_space<vmem>> -> memref<64xi32, #tpu.memory_space<vmem>>
          %dma_start3A_595 = arith.constant 0 : i32
          %dma_start3A_596 = arith.constant 0 : i32
          %dma_start3A_597 = tpu.memref_slice %arg2[%dma_start3A_595, %dma_start3A_596] : memref<10112x128xf32, #tpu.memory_space<hbm>> -> memref<10112x128xf32, #tpu.memory_space<hbm>>
          tpu.enqueue_indirect_dma source(%dma_start3A_597 : memref<10112x128xf32, #tpu.memory_space<hbm>>) target(%arg10 : memref<64x128xf32, #tpu.memory_space<vmem>>) offsets(%dma_start3A_594 : memref<64xi32, #tpu.memory_space<vmem>>) semaphore(%arg13 : memref<!tpu.dma_semaphore, #tpu.memory_space<semaphore_mem>>)
          %dma_start3A_598 = arith.constant 0 : i32
          %dma_start3A_599 = tpu.memref_slice %arg8[%mul3A_578, %dma_start3A_598] : memref<32x64xi32, #tpu.memory_space<vmem>> -> memref<1x64xi32, #tpu.memory_space<vmem>>
          %dma_start3A_600 = tpu.memref_squeeze %dma_start3A_599 : memref<1x64xi32, #tpu.memory_space<vmem>> -> memref<64xi32, #tpu.memory_space<vmem>>
          %dma_start3A_601 = arith.constant 0 : i32
          %dma_start3A_602 = arith.constant 0 : i32
          %dma_start3A_603 = tpu.memref_slice %arg11[%dma_start3A_601, %dma_start3A_602] : memref<10112x128xf32, #tpu.memory_space<vmem_shared>> -> memref<10112x128xf32, #tpu.memory_space<vmem_shared>>
          tpu.enqueue_indirect_dma source(%arg9 : memref<64x128xf32, #tpu.memory_space<vmem>>) target(%dma_start3A_603 : memref<10112x128xf32, #tpu.memory_space<vmem_shared>>) offsets(%dma_start3A_600 : memref<64xi32, #tpu.memory_space<vmem>>) semaphore(%arg14 : memref<!tpu.dma_semaphore, #tpu.memory_space<semaphore_mem>>) {add = true}
          %dma_wait3A_604 = arith.constant 0 : i32
          %dma_wait3A_605 = arith.constant 0 : i32
          %dma_wait3A_606 = tpu.memref_slice %arg7[%dma_wait3A_604, %dma_wait3A_605] : memref<32x64xi32, #tpu.memory_space<vmem>> -> memref<1x64xi32, #tpu.memory_space<vmem>>
          %dma_wait3A_607 = tpu.memref_squeeze %dma_wait3A_606 : memref<1x64xi32, #tpu.memory_space<vmem>> -> memref<64xi32, #tpu.memory_space<vmem>>
          %dma_wait3A_608 = arith.constant 0 : i32
          %dma_wait3A_609 = arith.constant 0 : i32
          %dma_wait3A_610 = tpu.memref_slice %arg2[%dma_wait3A_608, %dma_wait3A_609] : memref<10112x128xf32, #tpu.memory_space<hbm>> -> memref<10112x128xf32, #tpu.memory_space<hbm>>
          tpu.wait_indirect_dma semaphore(%arg13 : memref<!tpu.dma_semaphore, #tpu.memory_space<semaphore_mem>>) src(%dma_wait3A_610 : memref<10112x128xf32, #tpu.memory_space<hbm>>) dst(%arg10 : memref<64x128xf32, #tpu.memory_space<vmem>>)
          %dma_wait3A_611 = arith.constant 0 : i32
          %dma_wait3A_612 = arith.constant 0 : i32
          %dma_wait3A_613 = tpu.memref_slice %arg8[%dma_wait3A_611, %dma_wait3A_612] : memref<32x64xi32, #tpu.memory_space<vmem>> -> memref<1x64xi32, #tpu.memory_space<vmem>>
          %dma_wait3A_614 = tpu.memref_squeeze %dma_wait3A_613 : memref<1x64xi32, #tpu.memory_space<vmem>> -> memref<64xi32, #tpu.memory_space<vmem>>
          %dma_wait3A_615 = arith.constant 0 : i32
          %dma_wait3A_616 = arith.constant 0 : i32
          %dma_wait3A_617 = tpu.memref_slice %arg11[%dma_wait3A_615, %dma_wait3A_616] : memref<10112x128xf32, #tpu.memory_space<vmem_shared>> -> memref<10112x128xf32, #tpu.memory_space<vmem_shared>>
          tpu.wait_indirect_dma semaphore(%arg14 : memref<!tpu.dma_semaphore, #tpu.memory_space<semaphore_mem>>) src(%arg9 : memref<64x128xf32, #tpu.memory_space<vmem>>) dst(%dma_wait3A_617 : memref<10112x128xf32, #tpu.memory_space<vmem_shared>>)
          %lt3A = arith.constant 15 : i32
          %lt3A_618 = arith.cmpi slt, %scan3A_576, %lt3A : i32
          %convert_element_type3A_619 = arith.extui %lt3A_618 : i1 to i32
          %cond3A_620 = arith.constant 0 : i32
          %cond3A_621 = arith.cmpi ne, %convert_element_type3A_619, %cond3A_620 : i32
          scf.if %cond3A_621 {
            %add3A_628 = arith.constant 2 : i32
            %add3A_629 = arith.addi %mul3A_578, %add3A_628 : i32
            %dma_start3A_630 = arith.constant 0 : i32
            %dma_start3A_631 = tpu.memref_slice %arg7[%add3A_629, %dma_start3A_630] : memref<32x64xi32, #tpu.memory_space<vmem>> -> memref<1x64xi32, #tpu.memory_space<vmem>>
            %dma_start3A_632 = tpu.memref_squeeze %dma_start3A_631 : memref<1x64xi32, #tpu.memory_space<vmem>> -> memref<64xi32, #tpu.memory_space<vmem>>
            %dma_start3A_633 = arith.constant 0 : i32
            %dma_start3A_634 = arith.constant 0 : i32
            %dma_start3A_635 = tpu.memref_slice %arg2[%dma_start3A_633, %dma_start3A_634] : memref<10112x128xf32, #tpu.memory_space<hbm>> -> memref<10112x128xf32, #tpu.memory_space<hbm>>
            tpu.enqueue_indirect_dma source(%dma_start3A_635 : memref<10112x128xf32, #tpu.memory_space<hbm>>) target(%arg9 : memref<64x128xf32, #tpu.memory_space<vmem>>) offsets(%dma_start3A_632 : memref<64xi32, #tpu.memory_space<vmem>>) semaphore(%arg12 : memref<!tpu.dma_semaphore, #tpu.memory_space<semaphore_mem>>)
          } else {
          }
          %dma_start3A_622 = arith.constant 0 : i32
          %dma_start3A_623 = tpu.memref_slice %arg8[%add3A_580, %dma_start3A_622] : memref<32x64xi32, #tpu.memory_space<vmem>> -> memref<1x64xi32, #tpu.memory_space<vmem>>
          %dma_start3A_624 = tpu.memref_squeeze %dma_start3A_623 : memref<1x64xi32, #tpu.memory_space<vmem>> -> memref<64xi32, #tpu.memory_space<vmem>>
          %dma_start3A_625 = arith.constant 0 : i32
          %dma_start3A_626 = arith.constant 0 : i32
          %dma_start3A_627 = tpu.memref_slice %arg11[%dma_start3A_625, %dma_start3A_626] : memref<10112x128xf32, #tpu.memory_space<vmem_shared>> -> memref<10112x128xf32, #tpu.memory_space<vmem_shared>>
          tpu.enqueue_indirect_dma source(%arg10 : memref<64x128xf32, #tpu.memory_space<vmem>>) target(%dma_start3A_627 : memref<10112x128xf32, #tpu.memory_space<vmem_shared>>) offsets(%dma_start3A_624 : memref<64xi32, #tpu.memory_space<vmem>>) semaphore(%arg15 : memref<!tpu.dma_semaphore, #tpu.memory_space<semaphore_mem>>) {add = true}
        }
        %scan3A_568 = arith.constant 16 : i32
        %dma_wait3A_569 = arith.constant 0 : i32
        %dma_wait3A_570 = arith.constant 0 : i32
        %dma_wait3A_571 = tpu.memref_slice %arg8[%dma_wait3A_569, %dma_wait3A_570] : memref<32x64xi32, #tpu.memory_space<vmem>> -> memref<1x64xi32, #tpu.memory_space<vmem>>
        %dma_wait3A_572 = tpu.memref_squeeze %dma_wait3A_571 : memref<1x64xi32, #tpu.memory_space<vmem>> -> memref<64xi32, #tpu.memory_space<vmem>>
        %dma_wait3A_573 = arith.constant 0 : i32
        %dma_wait3A_574 = arith.constant 0 : i32
        %dma_wait3A_575 = tpu.memref_slice %arg11[%dma_wait3A_573, %dma_wait3A_574] : memref<10112x128xf32, #tpu.memory_space<vmem_shared>> -> memref<10112x128xf32, #tpu.memory_space<vmem_shared>>
        tpu.wait_indirect_dma semaphore(%arg15 : memref<!tpu.dma_semaphore, #tpu.memory_space<semaphore_mem>>) src(%arg10 : memref<64x128xf32, #tpu.memory_space<vmem>>) dst(%dma_wait3A_575 : memref<10112x128xf32, #tpu.memory_space<vmem_shared>>)
      }
      %scan3A_550 = arith.constant 3 : i32
    } else {
    }
    %barrier3A_245 = arith.constant 0 : index
    tpu.barrier barrier_id(%barrier3A_245)
    %add3A_246 = arith.constant 0 : i32
    %add3A_247 = arith.addi %mul3A_0, %add3A_246 : i32
    "tpu.region"() ({
      %run_scoped3A = tpu.sem_alloc : memref<!tpu.dma_semaphore, #tpu.memory_space<semaphore_mem>>
      %dma_start3A_546 = arith.constant 0 : i32
      %dma_start3A_547 = arith.constant 0 : i32
      %dma_start3A_548 = tpu.memref_slice %arg9[%dma_start3A_546, %dma_start3A_547] : memref<64x128xf32, #tpu.memory_space<vmem>> -> memref<64x128xf32, #tpu.memory_space<vmem>>
      %dma_start3A_549 = arith.constant 0 : i32
      %dma_start3A_550 = tpu.memref_slice %arg11[%add3A_247, %dma_start3A_549] : memref<10112x128xf32, #tpu.memory_space<vmem_shared>> -> memref<64x128xf32, #tpu.memory_space<vmem_shared>>
      %dma_start3A_551 = arith.constant 0 : i32
      %dma_start3A_552 = arith.constant 0 : i32
      %dma_start3A_553 = tpu.memref_slice %arg9[%dma_start3A_551, %dma_start3A_552] : memref<64x128xf32, #tpu.memory_space<vmem>> -> memref<64x128xf32, #tpu.memory_space<vmem>>
      %dma_start3A_554 = arith.constant 0 : i32
      %dma_start3A_555 = tpu.memref_slice %arg11[%add3A_247, %dma_start3A_554] : memref<10112x128xf32, #tpu.memory_space<vmem_shared>> -> memref<64x128xf32, #tpu.memory_space<vmem_shared>>
      tpu.enqueue_dma source(%dma_start3A_555 : memref<64x128xf32, #tpu.memory_space<vmem_shared>>) target(%dma_start3A_553 : memref<64x128xf32, #tpu.memory_space<vmem>>) target_semaphore(%run_scoped3A : memref<!tpu.dma_semaphore, #tpu.memory_space<semaphore_mem>>)
      %dma_wait3A_556 = arith.constant 0 : i32
      %dma_wait3A_557 = arith.constant 0 : i32
      %dma_wait3A_558 = tpu.memref_slice %arg9[%dma_wait3A_556, %dma_wait3A_557] : memref<64x128xf32, #tpu.memory_space<vmem>> -> memref<64x128xf32, #tpu.memory_space<vmem>>
      %dma_wait3A_559 = arith.constant 0 : i32
      %dma_wait3A_560 = tpu.memref_slice %arg11[%add3A_247, %dma_wait3A_559] : memref<10112x128xf32, #tpu.memory_space<vmem_shared>> -> memref<64x128xf32, #tpu.memory_space<vmem_shared>>
      %dma_wait3A_561 = arith.constant 0 : i32
      %dma_wait3A_562 = arith.constant 0 : i32
      %dma_wait3A_563 = tpu.memref_slice %arg9[%dma_wait3A_561, %dma_wait3A_562] : memref<64x128xf32, #tpu.memory_space<vmem>> -> memref<64x128xf32, #tpu.memory_space<vmem>>
      %dma_wait3A_564 = arith.constant 0 : i32
      %dma_wait3A_565 = tpu.memref_slice %arg11[%add3A_247, %dma_wait3A_564] : memref<10112x128xf32, #tpu.memory_space<vmem_shared>> -> memref<64x128xf32, #tpu.memory_space<vmem_shared>>
      tpu.wait_dma2 semaphore(%run_scoped3A : memref<!tpu.dma_semaphore, #tpu.memory_space<semaphore_mem>>) src(%dma_wait3A_565 : memref<64x128xf32, #tpu.memory_space<vmem_shared>>) dst(%dma_wait3A_563 : memref<64x128xf32, #tpu.memory_space<vmem>>)
      tpu.yield
    }) : () -> ()
    %add3A_248 = arith.constant 0 : i32
    %add3A_249 = arith.addi %mul3A_0, %add3A_248 : i32
    %dma_start3A_250 = arith.constant 0 : i32
    %dma_start3A_251 = arith.constant 0 : i32
    %dma_start3A_252 = tpu.memref_slice %arg9[%dma_start3A_250, %dma_start3A_251] : memref<64x128xf32, #tpu.memory_space<vmem>> -> memref<64x128xf32, #tpu.memory_space<vmem>>
    %dma_start3A_253 = arith.constant 0 : i32
    %dma_start3A_254 = tpu.memref_slice %arg6[%arg0, %add3A_249, %dma_start3A_253] : memref<2x10112x128xf32, #tpu.memory_space<hbm>> -> memref<1x64x128xf32, #tpu.memory_space<hbm>>
    %dma_start3A_255 = tpu.memref_squeeze %dma_start3A_254 : memref<1x64x128xf32, #tpu.memory_space<hbm>> -> memref<64x128xf32, #tpu.memory_space<hbm>>
    %dma_start3A_256 = arith.constant 0 : i32
    %dma_start3A_257 = tpu.memref_slice %arg6[%arg0, %add3A_249, %dma_start3A_256] : memref<2x10112x128xf32, #tpu.memory_space<hbm>> -> memref<1x64x128xf32, #tpu.memory_space<hbm>>
    %dma_start3A_258 = tpu.memref_squeeze %dma_start3A_257 : memref<1x64x128xf32, #tpu.memory_space<hbm>> -> memref<64x128xf32, #tpu.memory_space<hbm>>
    %dma_start3A_259 = arith.constant 0 : i32
    %dma_start3A_260 = arith.constant 0 : i32
    %dma_start3A_261 = tpu.memref_slice %arg9[%dma_start3A_259, %dma_start3A_260] : memref<64x128xf32, #tpu.memory_space<vmem>> -> memref<64x128xf32, #tpu.memory_space<vmem>>
    tpu.enqueue_dma source(%dma_start3A_261 : memref<64x128xf32, #tpu.memory_space<vmem>>) target(%dma_start3A_258 : memref<64x128xf32, #tpu.memory_space<hbm>>) target_semaphore(%arg12 : memref<!tpu.dma_semaphore, #tpu.memory_space<semaphore_mem>>)
    %add3A_262 = arith.constant 64 : i32
    %add3A_263 = arith.addi %mul3A_0, %add3A_262 : i32
    "tpu.region"() ({
      %run_scoped3A = tpu.sem_alloc : memref<!tpu.dma_semaphore, #tpu.memory_space<semaphore_mem>>
      %dma_start3A_546 = arith.constant 0 : i32
      %dma_start3A_547 = arith.constant 0 : i32
      %dma_start3A_548 = tpu.memref_slice %arg10[%dma_start3A_546, %dma_start3A_547] : memref<64x128xf32, #tpu.memory_space<vmem>> -> memref<64x128xf32, #tpu.memory_space<vmem>>
      %dma_start3A_549 = arith.constant 0 : i32
      %dma_start3A_550 = tpu.memref_slice %arg11[%add3A_263, %dma_start3A_549] : memref<10112x128xf32, #tpu.memory_space<vmem_shared>> -> memref<64x128xf32, #tpu.memory_space<vmem_shared>>
      %dma_start3A_551 = arith.constant 0 : i32
      %dma_start3A_552 = arith.constant 0 : i32
      %dma_start3A_553 = tpu.memref_slice %arg10[%dma_start3A_551, %dma_start3A_552] : memref<64x128xf32, #tpu.memory_space<vmem>> -> memref<64x128xf32, #tpu.memory_space<vmem>>
      %dma_start3A_554 = arith.constant 0 : i32
      %dma_start3A_555 = tpu.memref_slice %arg11[%add3A_263, %dma_start3A_554] : memref<10112x128xf32, #tpu.memory_space<vmem_shared>> -> memref<64x128xf32, #tpu.memory_space<vmem_shared>>
      tpu.enqueue_dma source(%dma_start3A_555 : memref<64x128xf32, #tpu.memory_space<vmem_shared>>) target(%dma_start3A_553 : memref<64x128xf32, #tpu.memory_space<vmem>>) target_semaphore(%run_scoped3A : memref<!tpu.dma_semaphore, #tpu.memory_space<semaphore_mem>>)
      %dma_wait3A_556 = arith.constant 0 : i32
      %dma_wait3A_557 = arith.constant 0 : i32
      %dma_wait3A_558 = tpu.memref_slice %arg10[%dma_wait3A_556, %dma_wait3A_557] : memref<64x128xf32, #tpu.memory_space<vmem>> -> memref<64x128xf32, #tpu.memory_space<vmem>>
      %dma_wait3A_559 = arith.constant 0 : i32
      %dma_wait3A_560 = tpu.memref_slice %arg11[%add3A_263, %dma_wait3A_559] : memref<10112x128xf32, #tpu.memory_space<vmem_shared>> -> memref<64x128xf32, #tpu.memory_space<vmem_shared>>
      %dma_wait3A_561 = arith.constant 0 : i32
      %dma_wait3A_562 = arith.constant 0 : i32
      %dma_wait3A_563 = tpu.memref_slice %arg10[%dma_wait3A_561, %dma_wait3A_562] : memref<64x128xf32, #tpu.memory_space<vmem>> -> memref<64x128xf32, #tpu.memory_space<vmem>>
      %dma_wait3A_564 = arith.constant 0 : i32
      %dma_wait3A_565 = tpu.memref_slice %arg11[%add3A_263, %dma_wait3A_564] : memref<10112x128xf32, #tpu.memory_space<vmem_shared>> -> memref<64x128xf32, #tpu.memory_space<vmem_shared>>
      tpu.wait_dma2 semaphore(%run_scoped3A : memref<!tpu.dma_semaphore, #tpu.memory_space<semaphore_mem>>) src(%dma_wait3A_565 : memref<64x128xf32, #tpu.memory_space<vmem_shared>>) dst(%dma_wait3A_563 : memref<64x128xf32, #tpu.memory_space<vmem>>)
      tpu.yield
    }) : () -> ()
    %add3A_264 = arith.constant 64 : i32
    %add3A_265 = arith.addi %mul3A_0, %add3A_264 : i32
    %dma_start3A_266 = arith.constant 0 : i32
    %dma_start3A_267 = arith.constant 0 : i32
    %dma_start3A_268 = tpu.memref_slice %arg10[%dma_start3A_266, %dma_start3A_267] : memref<64x128xf32, #tpu.memory_space<vmem>> -> memref<64x128xf32, #tpu.memory_space<vmem>>
    %dma_start3A_269 = arith.constant 0 : i32
    %dma_start3A_270 = tpu.memref_slice %arg6[%arg0, %add3A_265, %dma_start3A_269] : memref<2x10112x128xf32, #tpu.memory_space<hbm>> -> memref<1x64x128xf32, #tpu.memory_space<hbm>>
    %dma_start3A_271 = tpu.memref_squeeze %dma_start3A_270 : memref<1x64x128xf32, #tpu.memory_space<hbm>> -> memref<64x128xf32, #tpu.memory_space<hbm>>
    %dma_start3A_272 = arith.constant 0 : i32
    %dma_start3A_273 = tpu.memref_slice %arg6[%arg0, %add3A_265, %dma_start3A_272] : memref<2x10112x128xf32, #tpu.memory_space<hbm>> -> memref<1x64x128xf32, #tpu.memory_space<hbm>>
    %dma_start3A_274 = tpu.memref_squeeze %dma_start3A_273 : memref<1x64x128xf32, #tpu.memory_space<hbm>> -> memref<64x128xf32, #tpu.memory_space<hbm>>
    %dma_start3A_275 = arith.constant 0 : i32
    %dma_start3A_276 = arith.constant 0 : i32
    %dma_start3A_277 = tpu.memref_slice %arg10[%dma_start3A_275, %dma_start3A_276] : memref<64x128xf32, #tpu.memory_space<vmem>> -> memref<64x128xf32, #tpu.memory_space<vmem>>
    tpu.enqueue_dma source(%dma_start3A_277 : memref<64x128xf32, #tpu.memory_space<vmem>>) target(%dma_start3A_274 : memref<64x128xf32, #tpu.memory_space<hbm>>) target_semaphore(%arg13 : memref<!tpu.dma_semaphore, #tpu.memory_space<semaphore_mem>>)
    %add3A_278 = arith.constant 0 : i32
    %add3A_279 = arith.addi %mul3A_0, %add3A_278 : i32
    %dma_wait3A_280 = arith.constant 0 : i32
    %dma_wait3A_281 = arith.constant 0 : i32
    %dma_wait3A_282 = tpu.memref_slice %arg9[%dma_wait3A_280, %dma_wait3A_281] : memref<64x128xf32, #tpu.memory_space<vmem>> -> memref<64x128xf32, #tpu.memory_space<vmem>>
    %dma_wait3A_283 = arith.constant 0 : i32
    %dma_wait3A_284 = tpu.memref_slice %arg6[%arg0, %add3A_279, %dma_wait3A_283] : memref<2x10112x128xf32, #tpu.memory_space<hbm>> -> memref<1x64x128xf32, #tpu.memory_space<hbm>>
    %dma_wait3A_285 = tpu.memref_squeeze %dma_wait3A_284 : memref<1x64x128xf32, #tpu.memory_space<hbm>> -> memref<64x128xf32, #tpu.memory_space<hbm>>
    %dma_wait3A_286 = arith.constant 0 : i32
    %dma_wait3A_287 = tpu.memref_slice %arg6[%arg0, %add3A_279, %dma_wait3A_286] : memref<2x10112x128xf32, #tpu.memory_space<hbm>> -> memref<1x64x128xf32, #tpu.memory_space<hbm>>
    %dma_wait3A_288 = tpu.memref_squeeze %dma_wait3A_287 : memref<1x64x128xf32, #tpu.memory_space<hbm>> -> memref<64x128xf32, #tpu.memory_space<hbm>>
    %dma_wait3A_289 = arith.constant 0 : i32
    %dma_wait3A_290 = arith.constant 0 : i32
    %dma_wait3A_291 = tpu.memref_slice %arg9[%dma_wait3A_289, %dma_wait3A_290] : memref<64x128xf32, #tpu.memory_space<vmem>> -> memref<64x128xf32, #tpu.memory_space<vmem>>
    tpu.wait_dma2 semaphore(%arg12 : memref<!tpu.dma_semaphore, #tpu.memory_space<semaphore_mem>>) src(%dma_wait3A_291 : memref<64x128xf32, #tpu.memory_space<vmem>>) dst(%dma_wait3A_288 : memref<64x128xf32, #tpu.memory_space<hbm>>)
    %add3A_292 = arith.constant 128 : i32
    %add3A_293 = arith.addi %mul3A_0, %add3A_292 : i32
    "tpu.region"() ({
      %run_scoped3A = tpu.sem_alloc : memref<!tpu.dma_semaphore, #tpu.memory_space<semaphore_mem>>
      %dma_start3A_546 = arith.constant 0 : i32
      %dma_start3A_547 = arith.constant 0 : i32
      %dma_start3A_548 = tpu.memref_slice %arg9[%dma_start3A_546, %dma_start3A_547] : memref<64x128xf32, #tpu.memory_space<vmem>> -> memref<64x128xf32, #tpu.memory_space<vmem>>
      %dma_start3A_549 = arith.constant 0 : i32
      %dma_start3A_550 = tpu.memref_slice %arg11[%add3A_293, %dma_start3A_549] : memref<10112x128xf32, #tpu.memory_space<vmem_shared>> -> memref<64x128xf32, #tpu.memory_space<vmem_shared>>
      %dma_start3A_551 = arith.constant 0 : i32
      %dma_start3A_552 = arith.constant 0 : i32
      %dma_start3A_553 = tpu.memref_slice %arg9[%dma_start3A_551, %dma_start3A_552] : memref<64x128xf32, #tpu.memory_space<vmem>> -> memref<64x128xf32, #tpu.memory_space<vmem>>
      %dma_start3A_554 = arith.constant 0 : i32
      %dma_start3A_555 = tpu.memref_slice %arg11[%add3A_293, %dma_start3A_554] : memref<10112x128xf32, #tpu.memory_space<vmem_shared>> -> memref<64x128xf32, #tpu.memory_space<vmem_shared>>
      tpu.enqueue_dma source(%dma_start3A_555 : memref<64x128xf32, #tpu.memory_space<vmem_shared>>) target(%dma_start3A_553 : memref<64x128xf32, #tpu.memory_space<vmem>>) target_semaphore(%run_scoped3A : memref<!tpu.dma_semaphore, #tpu.memory_space<semaphore_mem>>)
      %dma_wait3A_556 = arith.constant 0 : i32
      %dma_wait3A_557 = arith.constant 0 : i32
      %dma_wait3A_558 = tpu.memref_slice %arg9[%dma_wait3A_556, %dma_wait3A_557] : memref<64x128xf32, #tpu.memory_space<vmem>> -> memref<64x128xf32, #tpu.memory_space<vmem>>
      %dma_wait3A_559 = arith.constant 0 : i32
      %dma_wait3A_560 = tpu.memref_slice %arg11[%add3A_293, %dma_wait3A_559] : memref<10112x128xf32, #tpu.memory_space<vmem_shared>> -> memref<64x128xf32, #tpu.memory_space<vmem_shared>>
      %dma_wait3A_561 = arith.constant 0 : i32
      %dma_wait3A_562 = arith.constant 0 : i32
      %dma_wait3A_563 = tpu.memref_slice %arg9[%dma_wait3A_561, %dma_wait3A_562] : memref<64x128xf32, #tpu.memory_space<vmem>> -> memref<64x128xf32, #tpu.memory_space<vmem>>
      %dma_wait3A_564 = arith.constant 0 : i32
      %dma_wait3A_565 = tpu.memref_slice %arg11[%add3A_293, %dma_wait3A_564] : memref<10112x128xf32, #tpu.memory_space<vmem_shared>> -> memref<64x128xf32, #tpu.memory_space<vmem_shared>>
      tpu.wait_dma2 semaphore(%run_scoped3A : memref<!tpu.dma_semaphore, #tpu.memory_space<semaphore_mem>>) src(%dma_wait3A_565 : memref<64x128xf32, #tpu.memory_space<vmem_shared>>) dst(%dma_wait3A_563 : memref<64x128xf32, #tpu.memory_space<vmem>>)
      tpu.yield
    }) : () -> ()
    %add3A_294 = arith.constant 128 : i32
    %add3A_295 = arith.addi %mul3A_0, %add3A_294 : i32
    %dma_start3A_296 = arith.constant 0 : i32
    %dma_start3A_297 = arith.constant 0 : i32
    %dma_start3A_298 = tpu.memref_slice %arg9[%dma_start3A_296, %dma_start3A_297] : memref<64x128xf32, #tpu.memory_space<vmem>> -> memref<64x128xf32, #tpu.memory_space<vmem>>
    %dma_start3A_299 = arith.constant 0 : i32
    %dma_start3A_300 = tpu.memref_slice %arg6[%arg0, %add3A_295, %dma_start3A_299] : memref<2x10112x128xf32, #tpu.memory_space<hbm>> -> memref<1x64x128xf32, #tpu.memory_space<hbm>>
    %dma_start3A_301 = tpu.memref_squeeze %dma_start3A_300 : memref<1x64x128xf32, #tpu.memory_space<hbm>> -> memref<64x128xf32, #tpu.memory_space<hbm>>
    %dma_start3A_302 = arith.constant 0 : i32
    %dma_start3A_303 = tpu.memref_slice %arg6[%arg0, %add3A_295, %dma_start3A_302] : memref<2x10112x128xf32, #tpu.memory_space<hbm>> -> memref<1x64x128xf32, #tpu.memory_space<hbm>>
    %dma_start3A_304 = tpu.memref_squeeze %dma_start3A_303 : memref<1x64x128xf32, #tpu.memory_space<hbm>> -> memref<64x128xf32, #tpu.memory_space<hbm>>
    %dma_start3A_305 = arith.constant 0 : i32
    %dma_start3A_306 = arith.constant 0 : i32
    %dma_start3A_307 = tpu.memref_slice %arg9[%dma_start3A_305, %dma_start3A_306] : memref<64x128xf32, #tpu.memory_space<vmem>> -> memref<64x128xf32, #tpu.memory_space<vmem>>
    tpu.enqueue_dma source(%dma_start3A_307 : memref<64x128xf32, #tpu.memory_space<vmem>>) target(%dma_start3A_304 : memref<64x128xf32, #tpu.memory_space<hbm>>) target_semaphore(%arg12 : memref<!tpu.dma_semaphore, #tpu.memory_space<semaphore_mem>>)
    %add3A_308 = arith.constant 64 : i32
    %add3A_309 = arith.addi %mul3A_0, %add3A_308 : i32
    %dma_wait3A_310 = arith.constant 0 : i32
    %dma_wait3A_311 = arith.constant 0 : i32
    %dma_wait3A_312 = tpu.memref_slice %arg10[%dma_wait3A_310, %dma_wait3A_311] : memref<64x128xf32, #tpu.memory_space<vmem>> -> memref<64x128xf32, #tpu.memory_space<vmem>>
    %dma_wait3A_313 = arith.constant 0 : i32
    %dma_wait3A_314 = tpu.memref_slice %arg6[%arg0, %add3A_309, %dma_wait3A_313] : memref<2x10112x128xf32, #tpu.memory_space<hbm>> -> memref<1x64x128xf32, #tpu.memory_space<hbm>>
    %dma_wait3A_315 = tpu.memref_squeeze %dma_wait3A_314 : memref<1x64x128xf32, #tpu.memory_space<hbm>> -> memref<64x128xf32, #tpu.memory_space<hbm>>
    %dma_wait3A_316 = arith.constant 0 : i32
    %dma_wait3A_317 = tpu.memref_slice %arg6[%arg0, %add3A_309, %dma_wait3A_316] : memref<2x10112x128xf32, #tpu.memory_space<hbm>> -> memref<1x64x128xf32, #tpu.memory_space<hbm>>
    %dma_wait3A_318 = tpu.memref_squeeze %dma_wait3A_317 : memref<1x64x128xf32, #tpu.memory_space<hbm>> -> memref<64x128xf32, #tpu.memory_space<hbm>>
    %dma_wait3A_319 = arith.constant 0 : i32
    %dma_wait3A_320 = arith.constant 0 : i32
    %dma_wait3A_321 = tpu.memref_slice %arg10[%dma_wait3A_319, %dma_wait3A_320] : memref<64x128xf32, #tpu.memory_space<vmem>> -> memref<64x128xf32, #tpu.memory_space<vmem>>
    tpu.wait_dma2 semaphore(%arg13 : memref<!tpu.dma_semaphore, #tpu.memory_space<semaphore_mem>>) src(%dma_wait3A_321 : memref<64x128xf32, #tpu.memory_space<vmem>>) dst(%dma_wait3A_318 : memref<64x128xf32, #tpu.memory_space<hbm>>)
    %add3A_322 = arith.constant 192 : i32
    %add3A_323 = arith.addi %mul3A_0, %add3A_322 : i32
    "tpu.region"() ({
      %run_scoped3A = tpu.sem_alloc : memref<!tpu.dma_semaphore, #tpu.memory_space<semaphore_mem>>
      %dma_start3A_546 = arith.constant 0 : i32
      %dma_start3A_547 = arith.constant 0 : i32
      %dma_start3A_548 = tpu.memref_slice %arg10[%dma_start3A_546, %dma_start3A_547] : memref<64x128xf32, #tpu.memory_space<vmem>> -> memref<64x128xf32, #tpu.memory_space<vmem>>
      %dma_start3A_549 = arith.constant 0 : i32
      %dma_start3A_550 = tpu.memref_slice %arg11[%add3A_323, %dma_start3A_549] : memref<10112x128xf32, #tpu.memory_space<vmem_shared>> -> memref<64x128xf32, #tpu.memory_space<vmem_shared>>
      %dma_start3A_551 = arith.constant 0 : i32
      %dma_start3A_552 = arith.constant 0 : i32
      %dma_start3A_553 = tpu.memref_slice %arg10[%dma_start3A_551, %dma_start3A_552] : memref<64x128xf32, #tpu.memory_space<vmem>> -> memref<64x128xf32, #tpu.memory_space<vmem>>
      %dma_start3A_554 = arith.constant 0 : i32
      %dma_start3A_555 = tpu.memref_slice %arg11[%add3A_323, %dma_start3A_554] : memref<10112x128xf32, #tpu.memory_space<vmem_shared>> -> memref<64x128xf32, #tpu.memory_space<vmem_shared>>
      tpu.enqueue_dma source(%dma_start3A_555 : memref<64x128xf32, #tpu.memory_space<vmem_shared>>) target(%dma_start3A_553 : memref<64x128xf32, #tpu.memory_space<vmem>>) target_semaphore(%run_scoped3A : memref<!tpu.dma_semaphore, #tpu.memory_space<semaphore_mem>>)
      %dma_wait3A_556 = arith.constant 0 : i32
      %dma_wait3A_557 = arith.constant 0 : i32
      %dma_wait3A_558 = tpu.memref_slice %arg10[%dma_wait3A_556, %dma_wait3A_557] : memref<64x128xf32, #tpu.memory_space<vmem>> -> memref<64x128xf32, #tpu.memory_space<vmem>>
      %dma_wait3A_559 = arith.constant 0 : i32
      %dma_wait3A_560 = tpu.memref_slice %arg11[%add3A_323, %dma_wait3A_559] : memref<10112x128xf32, #tpu.memory_space<vmem_shared>> -> memref<64x128xf32, #tpu.memory_space<vmem_shared>>
      %dma_wait3A_561 = arith.constant 0 : i32
      %dma_wait3A_562 = arith.constant 0 : i32
      %dma_wait3A_563 = tpu.memref_slice %arg10[%dma_wait3A_561, %dma_wait3A_562] : memref<64x128xf32, #tpu.memory_space<vmem>> -> memref<64x128xf32, #tpu.memory_space<vmem>>
      %dma_wait3A_564 = arith.constant 0 : i32
      %dma_wait3A_565 = tpu.memref_slice %arg11[%add3A_323, %dma_wait3A_564] : memref<10112x128xf32, #tpu.memory_space<vmem_shared>> -> memref<64x128xf32, #tpu.memory_space<vmem_shared>>
      tpu.wait_dma2 semaphore(%run_scoped3A : memref<!tpu.dma_semaphore, #tpu.memory_space<semaphore_mem>>) src(%dma_wait3A_565 : memref<64x128xf32, #tpu.memory_space<vmem_shared>>) dst(%dma_wait3A_563 : memref<64x128xf32, #tpu.memory_space<vmem>>)
      tpu.yield
    }) : () -> ()
    %add3A_324 = arith.constant 192 : i32
    %add3A_325 = arith.addi %mul3A_0, %add3A_324 : i32
    %dma_start3A_326 = arith.constant 0 : i32
    %dma_start3A_327 = arith.constant 0 : i32
    %dma_start3A_328 = tpu.memref_slice %arg10[%dma_start3A_326, %dma_start3A_327] : memref<64x128xf32, #tpu.memory_space<vmem>> -> memref<64x128xf32, #tpu.memory_space<vmem>>
    %dma_start3A_329 = arith.constant 0 : i32
    %dma_start3A_330 = tpu.memref_slice %arg6[%arg0, %add3A_325, %dma_start3A_329] : memref<2x10112x128xf32, #tpu.memory_space<hbm>> -> memref<1x64x128xf32, #tpu.memory_space<hbm>>
    %dma_start3A_331 = tpu.memref_squeeze %dma_start3A_330 : memref<1x64x128xf32, #tpu.memory_space<hbm>> -> memref<64x128xf32, #tpu.memory_space<hbm>>
    %dma_start3A_332 = arith.constant 0 : i32
    %dma_start3A_333 = tpu.memref_slice %arg6[%arg0, %add3A_325, %dma_start3A_332] : memref<2x10112x128xf32, #tpu.memory_space<hbm>> -> memref<1x64x128xf32, #tpu.memory_space<hbm>>
    %dma_start3A_334 = tpu.memref_squeeze %dma_start3A_333 : memref<1x64x128xf32, #tpu.memory_space<hbm>> -> memref<64x128xf32, #tpu.memory_space<hbm>>
    %dma_start3A_335 = arith.constant 0 : i32
    %dma_start3A_336 = arith.constant 0 : i32
    %dma_start3A_337 = tpu.memref_slice %arg10[%dma_start3A_335, %dma_start3A_336] : memref<64x128xf32, #tpu.memory_space<vmem>> -> memref<64x128xf32, #tpu.memory_space<vmem>>
    tpu.enqueue_dma source(%dma_start3A_337 : memref<64x128xf32, #tpu.memory_space<vmem>>) target(%dma_start3A_334 : memref<64x128xf32, #tpu.memory_space<hbm>>) target_semaphore(%arg13 : memref<!tpu.dma_semaphore, #tpu.memory_space<semaphore_mem>>)
    %add3A_338 = arith.constant 128 : i32
    %add3A_339 = arith.addi %mul3A_0, %add3A_338 : i32
    %dma_wait3A_340 = arith.constant 0 : i32
    %dma_wait3A_341 = arith.constant 0 : i32
    %dma_wait3A_342 = tpu.memref_slice %arg9[%dma_wait3A_340, %dma_wait3A_341] : memref<64x128xf32, #tpu.memory_space<vmem>> -> memref<64x128xf32, #tpu.memory_space<vmem>>
    %dma_wait3A_343 = arith.constant 0 : i32
    %dma_wait3A_344 = tpu.memref_slice %arg6[%arg0, %add3A_339, %dma_wait3A_343] : memref<2x10112x128xf32, #tpu.memory_space<hbm>> -> memref<1x64x128xf32, #tpu.memory_space<hbm>>
    %dma_wait3A_345 = tpu.memref_squeeze %dma_wait3A_344 : memref<1x64x128xf32, #tpu.memory_space<hbm>> -> memref<64x128xf32, #tpu.memory_space<hbm>>
    %dma_wait3A_346 = arith.constant 0 : i32
    %dma_wait3A_347 = tpu.memref_slice %arg6[%arg0, %add3A_339, %dma_wait3A_346] : memref<2x10112x128xf32, #tpu.memory_space<hbm>> -> memref<1x64x128xf32, #tpu.memory_space<hbm>>
    %dma_wait3A_348 = tpu.memref_squeeze %dma_wait3A_347 : memref<1x64x128xf32, #tpu.memory_space<hbm>> -> memref<64x128xf32, #tpu.memory_space<hbm>>
    %dma_wait3A_349 = arith.constant 0 : i32
    %dma_wait3A_350 = arith.constant 0 : i32
    %dma_wait3A_351 = tpu.memref_slice %arg9[%dma_wait3A_349, %dma_wait3A_350] : memref<64x128xf32, #tpu.memory_space<vmem>> -> memref<64x128xf32, #tpu.memory_space<vmem>>
    tpu.wait_dma2 semaphore(%arg12 : memref<!tpu.dma_semaphore, #tpu.memory_space<semaphore_mem>>) src(%dma_wait3A_351 : memref<64x128xf32, #tpu.memory_space<vmem>>) dst(%dma_wait3A_348 : memref<64x128xf32, #tpu.memory_space<hbm>>)
    %add3A_352 = arith.constant 256 : i32
    %add3A_353 = arith.addi %mul3A_0, %add3A_352 : i32
    "tpu.region"() ({
      %run_scoped3A = tpu.sem_alloc : memref<!tpu.dma_semaphore, #tpu.memory_space<semaphore_mem>>
      %dma_start3A_546 = arith.constant 0 : i32
      %dma_start3A_547 = arith.constant 0 : i32
      %dma_start3A_548 = tpu.memref_slice %arg9[%dma_start3A_546, %dma_start3A_547] : memref<64x128xf32, #tpu.memory_space<vmem>> -> memref<64x128xf32, #tpu.memory_space<vmem>>
      %dma_start3A_549 = arith.constant 0 : i32
      %dma_start3A_550 = tpu.memref_slice %arg11[%add3A_353, %dma_start3A_549] : memref<10112x128xf32, #tpu.memory_space<vmem_shared>> -> memref<64x128xf32, #tpu.memory_space<vmem_shared>>
      %dma_start3A_551 = arith.constant 0 : i32
      %dma_start3A_552 = arith.constant 0 : i32
      %dma_start3A_553 = tpu.memref_slice %arg9[%dma_start3A_551, %dma_start3A_552] : memref<64x128xf32, #tpu.memory_space<vmem>> -> memref<64x128xf32, #tpu.memory_space<vmem>>
      %dma_start3A_554 = arith.constant 0 : i32
      %dma_start3A_555 = tpu.memref_slice %arg11[%add3A_353, %dma_start3A_554] : memref<10112x128xf32, #tpu.memory_space<vmem_shared>> -> memref<64x128xf32, #tpu.memory_space<vmem_shared>>
      tpu.enqueue_dma source(%dma_start3A_555 : memref<64x128xf32, #tpu.memory_space<vmem_shared>>) target(%dma_start3A_553 : memref<64x128xf32, #tpu.memory_space<vmem>>) target_semaphore(%run_scoped3A : memref<!tpu.dma_semaphore, #tpu.memory_space<semaphore_mem>>)
      %dma_wait3A_556 = arith.constant 0 : i32
      %dma_wait3A_557 = arith.constant 0 : i32
      %dma_wait3A_558 = tpu.memref_slice %arg9[%dma_wait3A_556, %dma_wait3A_557] : memref<64x128xf32, #tpu.memory_space<vmem>> -> memref<64x128xf32, #tpu.memory_space<vmem>>
      %dma_wait3A_559 = arith.constant 0 : i32
      %dma_wait3A_560 = tpu.memref_slice %arg11[%add3A_353, %dma_wait3A_559] : memref<10112x128xf32, #tpu.memory_space<vmem_shared>> -> memref<64x128xf32, #tpu.memory_space<vmem_shared>>
      %dma_wait3A_561 = arith.constant 0 : i32
      %dma_wait3A_562 = arith.constant 0 : i32
      %dma_wait3A_563 = tpu.memref_slice %arg9[%dma_wait3A_561, %dma_wait3A_562] : memref<64x128xf32, #tpu.memory_space<vmem>> -> memref<64x128xf32, #tpu.memory_space<vmem>>
      %dma_wait3A_564 = arith.constant 0 : i32
      %dma_wait3A_565 = tpu.memref_slice %arg11[%add3A_353, %dma_wait3A_564] : memref<10112x128xf32, #tpu.memory_space<vmem_shared>> -> memref<64x128xf32, #tpu.memory_space<vmem_shared>>
      tpu.wait_dma2 semaphore(%run_scoped3A : memref<!tpu.dma_semaphore, #tpu.memory_space<semaphore_mem>>) src(%dma_wait3A_565 : memref<64x128xf32, #tpu.memory_space<vmem_shared>>) dst(%dma_wait3A_563 : memref<64x128xf32, #tpu.memory_space<vmem>>)
      tpu.yield
    }) : () -> ()
    %add3A_354 = arith.constant 256 : i32
    %add3A_355 = arith.addi %mul3A_0, %add3A_354 : i32
    %dma_start3A_356 = arith.constant 0 : i32
    %dma_start3A_357 = arith.constant 0 : i32
    %dma_start3A_358 = tpu.memref_slice %arg9[%dma_start3A_356, %dma_start3A_357] : memref<64x128xf32, #tpu.memory_space<vmem>> -> memref<64x128xf32, #tpu.memory_space<vmem>>
    %dma_start3A_359 = arith.constant 0 : i32
    %dma_start3A_360 = tpu.memref_slice %arg6[%arg0, %add3A_355, %dma_start3A_359] : memref<2x10112x128xf32, #tpu.memory_space<hbm>> -> memref<1x64x128xf32, #tpu.memory_space<hbm>>
    %dma_start3A_361 = tpu.memref_squeeze %dma_start3A_360 : memref<1x64x128xf32, #tpu.memory_space<hbm>> -> memref<64x128xf32, #tpu.memory_space<hbm>>
    %dma_start3A_362 = arith.constant 0 : i32
    %dma_start3A_363 = tpu.memref_slice %arg6[%arg0, %add3A_355, %dma_start3A_362] : memref<2x10112x128xf32, #tpu.memory_space<hbm>> -> memref<1x64x128xf32, #tpu.memory_space<hbm>>
    %dma_start3A_364 = tpu.memref_squeeze %dma_start3A_363 : memref<1x64x128xf32, #tpu.memory_space<hbm>> -> memref<64x128xf32, #tpu.memory_space<hbm>>
    %dma_start3A_365 = arith.constant 0 : i32
    %dma_start3A_366 = arith.constant 0 : i32
    %dma_start3A_367 = tpu.memref_slice %arg9[%dma_start3A_365, %dma_start3A_366] : memref<64x128xf32, #tpu.memory_space<vmem>> -> memref<64x128xf32, #tpu.memory_space<vmem>>
    tpu.enqueue_dma source(%dma_start3A_367 : memref<64x128xf32, #tpu.memory_space<vmem>>) target(%dma_start3A_364 : memref<64x128xf32, #tpu.memory_space<hbm>>) target_semaphore(%arg12 : memref<!tpu.dma_semaphore, #tpu.memory_space<semaphore_mem>>)
    %add3A_368 = arith.constant 192 : i32
    %add3A_369 = arith.addi %mul3A_0, %add3A_368 : i32
    %dma_wait3A_370 = arith.constant 0 : i32
    %dma_wait3A_371 = arith.constant 0 : i32
    %dma_wait3A_372 = tpu.memref_slice %arg10[%dma_wait3A_370, %dma_wait3A_371] : memref<64x128xf32, #tpu.memory_space<vmem>> -> memref<64x128xf32, #tpu.memory_space<vmem>>
    %dma_wait3A_373 = arith.constant 0 : i32
    %dma_wait3A_374 = tpu.memref_slice %arg6[%arg0, %add3A_369, %dma_wait3A_373] : memref<2x10112x128xf32, #tpu.memory_space<hbm>> -> memref<1x64x128xf32, #tpu.memory_space<hbm>>
    %dma_wait3A_375 = tpu.memref_squeeze %dma_wait3A_374 : memref<1x64x128xf32, #tpu.memory_space<hbm>> -> memref<64x128xf32, #tpu.memory_space<hbm>>
    %dma_wait3A_376 = arith.constant 0 : i32
    %dma_wait3A_377 = tpu.memref_slice %arg6[%arg0, %add3A_369, %dma_wait3A_376] : memref<2x10112x128xf32, #tpu.memory_space<hbm>> -> memref<1x64x128xf32, #tpu.memory_space<hbm>>
    %dma_wait3A_378 = tpu.memref_squeeze %dma_wait3A_377 : memref<1x64x128xf32, #tpu.memory_space<hbm>> -> memref<64x128xf32, #tpu.memory_space<hbm>>
    %dma_wait3A_379 = arith.constant 0 : i32
    %dma_wait3A_380 = arith.constant 0 : i32
    %dma_wait3A_381 = tpu.memref_slice %arg10[%dma_wait3A_379, %dma_wait3A_380] : memref<64x128xf32, #tpu.memory_space<vmem>> -> memref<64x128xf32, #tpu.memory_space<vmem>>
    tpu.wait_dma2 semaphore(%arg13 : memref<!tpu.dma_semaphore, #tpu.memory_space<semaphore_mem>>) src(%dma_wait3A_381 : memref<64x128xf32, #tpu.memory_space<vmem>>) dst(%dma_wait3A_378 : memref<64x128xf32, #tpu.memory_space<hbm>>)
    %add3A_382 = arith.constant 320 : i32
    %add3A_383 = arith.addi %mul3A_0, %add3A_382 : i32
    "tpu.region"() ({
      %run_scoped3A = tpu.sem_alloc : memref<!tpu.dma_semaphore, #tpu.memory_space<semaphore_mem>>
      %dma_start3A_546 = arith.constant 0 : i32
      %dma_start3A_547 = arith.constant 0 : i32
      %dma_start3A_548 = tpu.memref_slice %arg10[%dma_start3A_546, %dma_start3A_547] : memref<64x128xf32, #tpu.memory_space<vmem>> -> memref<64x128xf32, #tpu.memory_space<vmem>>
      %dma_start3A_549 = arith.constant 0 : i32
      %dma_start3A_550 = tpu.memref_slice %arg11[%add3A_383, %dma_start3A_549] : memref<10112x128xf32, #tpu.memory_space<vmem_shared>> -> memref<64x128xf32, #tpu.memory_space<vmem_shared>>
      %dma_start3A_551 = arith.constant 0 : i32
      %dma_start3A_552 = arith.constant 0 : i32
      %dma_start3A_553 = tpu.memref_slice %arg10[%dma_start3A_551, %dma_start3A_552] : memref<64x128xf32, #tpu.memory_space<vmem>> -> memref<64x128xf32, #tpu.memory_space<vmem>>
      %dma_start3A_554 = arith.constant 0 : i32
      %dma_start3A_555 = tpu.memref_slice %arg11[%add3A_383, %dma_start3A_554] : memref<10112x128xf32, #tpu.memory_space<vmem_shared>> -> memref<64x128xf32, #tpu.memory_space<vmem_shared>>
      tpu.enqueue_dma source(%dma_start3A_555 : memref<64x128xf32, #tpu.memory_space<vmem_shared>>) target(%dma_start3A_553 : memref<64x128xf32, #tpu.memory_space<vmem>>) target_semaphore(%run_scoped3A : memref<!tpu.dma_semaphore, #tpu.memory_space<semaphore_mem>>)
      %dma_wait3A_556 = arith.constant 0 : i32
      %dma_wait3A_557 = arith.constant 0 : i32
      %dma_wait3A_558 = tpu.memref_slice %arg10[%dma_wait3A_556, %dma_wait3A_557] : memref<64x128xf32, #tpu.memory_space<vmem>> -> memref<64x128xf32, #tpu.memory_space<vmem>>
      %dma_wait3A_559 = arith.constant 0 : i32
      %dma_wait3A_560 = tpu.memref_slice %arg11[%add3A_383, %dma_wait3A_559] : memref<10112x128xf32, #tpu.memory_space<vmem_shared>> -> memref<64x128xf32, #tpu.memory_space<vmem_shared>>
      %dma_wait3A_561 = arith.constant 0 : i32
      %dma_wait3A_562 = arith.constant 0 : i32
      %dma_wait3A_563 = tpu.memref_slice %arg10[%dma_wait3A_561, %dma_wait3A_562] : memref<64x128xf32, #tpu.memory_space<vmem>> -> memref<64x128xf32, #tpu.memory_space<vmem>>
      %dma_wait3A_564 = arith.constant 0 : i32
      %dma_wait3A_565 = tpu.memref_slice %arg11[%add3A_383, %dma_wait3A_564] : memref<10112x128xf32, #tpu.memory_space<vmem_shared>> -> memref<64x128xf32, #tpu.memory_space<vmem_shared>>
      tpu.wait_dma2 semaphore(%run_scoped3A : memref<!tpu.dma_semaphore, #tpu.memory_space<semaphore_mem>>) src(%dma_wait3A_565 : memref<64x128xf32, #tpu.memory_space<vmem_shared>>) dst(%dma_wait3A_563 : memref<64x128xf32, #tpu.memory_space<vmem>>)
      tpu.yield
    }) : () -> ()
    %add3A_384 = arith.constant 320 : i32
    %add3A_385 = arith.addi %mul3A_0, %add3A_384 : i32
    %dma_start3A_386 = arith.constant 0 : i32
    %dma_start3A_387 = arith.constant 0 : i32
    %dma_start3A_388 = tpu.memref_slice %arg10[%dma_start3A_386, %dma_start3A_387] : memref<64x128xf32, #tpu.memory_space<vmem>> -> memref<64x128xf32, #tpu.memory_space<vmem>>
    %dma_start3A_389 = arith.constant 0 : i32
    %dma_start3A_390 = tpu.memref_slice %arg6[%arg0, %add3A_385, %dma_start3A_389] : memref<2x10112x128xf32, #tpu.memory_space<hbm>> -> memref<1x64x128xf32, #tpu.memory_space<hbm>>
    %dma_start3A_391 = tpu.memref_squeeze %dma_start3A_390 : memref<1x64x128xf32, #tpu.memory_space<hbm>> -> memref<64x128xf32, #tpu.memory_space<hbm>>
    %dma_start3A_392 = arith.constant 0 : i32
    %dma_start3A_393 = tpu.memref_slice %arg6[%arg0, %add3A_385, %dma_start3A_392] : memref<2x10112x128xf32, #tpu.memory_space<hbm>> -> memref<1x64x128xf32, #tpu.memory_space<hbm>>
    %dma_start3A_394 = tpu.memref_squeeze %dma_start3A_393 : memref<1x64x128xf32, #tpu.memory_space<hbm>> -> memref<64x128xf32, #tpu.memory_space<hbm>>
    %dma_start3A_395 = arith.constant 0 : i32
    %dma_start3A_396 = arith.constant 0 : i32
    %dma_start3A_397 = tpu.memref_slice %arg10[%dma_start3A_395, %dma_start3A_396] : memref<64x128xf32, #tpu.memory_space<vmem>> -> memref<64x128xf32, #tpu.memory_space<vmem>>
    tpu.enqueue_dma source(%dma_start3A_397 : memref<64x128xf32, #tpu.memory_space<vmem>>) target(%dma_start3A_394 : memref<64x128xf32, #tpu.memory_space<hbm>>) target_semaphore(%arg13 : memref<!tpu.dma_semaphore, #tpu.memory_space<semaphore_mem>>)
    %add3A_398 = arith.constant 256 : i32
    %add3A_399 = arith.addi %mul3A_0, %add3A_398 : i32
    %dma_wait3A_400 = arith.constant 0 : i32
    %dma_wait3A_401 = arith.constant 0 : i32
    %dma_wait3A_402 = tpu.memref_slice %arg9[%dma_wait3A_400, %dma_wait3A_401] : memref<64x128xf32, #tpu.memory_space<vmem>> -> memref<64x128xf32, #tpu.memory_space<vmem>>
    %dma_wait3A_403 = arith.constant 0 : i32
    %dma_wait3A_404 = tpu.memref_slice %arg6[%arg0, %add3A_399, %dma_wait3A_403] : memref<2x10112x128xf32, #tpu.memory_space<hbm>> -> memref<1x64x128xf32, #tpu.memory_space<hbm>>
    %dma_wait3A_405 = tpu.memref_squeeze %dma_wait3A_404 : memref<1x64x128xf32, #tpu.memory_space<hbm>> -> memref<64x128xf32, #tpu.memory_space<hbm>>
    %dma_wait3A_406 = arith.constant 0 : i32
    %dma_wait3A_407 = tpu.memref_slice %arg6[%arg0, %add3A_399, %dma_wait3A_406] : memref<2x10112x128xf32, #tpu.memory_space<hbm>> -> memref<1x64x128xf32, #tpu.memory_space<hbm>>
    %dma_wait3A_408 = tpu.memref_squeeze %dma_wait3A_407 : memref<1x64x128xf32, #tpu.memory_space<hbm>> -> memref<64x128xf32, #tpu.memory_space<hbm>>
    %dma_wait3A_409 = arith.constant 0 : i32
    %dma_wait3A_410 = arith.constant 0 : i32
    %dma_wait3A_411 = tpu.memref_slice %arg9[%dma_wait3A_409, %dma_wait3A_410] : memref<64x128xf32, #tpu.memory_space<vmem>> -> memref<64x128xf32, #tpu.memory_space<vmem>>
    tpu.wait_dma2 semaphore(%arg12 : memref<!tpu.dma_semaphore, #tpu.memory_space<semaphore_mem>>) src(%dma_wait3A_411 : memref<64x128xf32, #tpu.memory_space<vmem>>) dst(%dma_wait3A_408 : memref<64x128xf32, #tpu.memory_space<hbm>>)
    %add3A_412 = arith.constant 384 : i32
    %add3A_413 = arith.addi %mul3A_0, %add3A_412 : i32
    "tpu.region"() ({
      %run_scoped3A = tpu.sem_alloc : memref<!tpu.dma_semaphore, #tpu.memory_space<semaphore_mem>>
      %dma_start3A_546 = arith.constant 0 : i32
      %dma_start3A_547 = arith.constant 0 : i32
      %dma_start3A_548 = tpu.memref_slice %arg9[%dma_start3A_546, %dma_start3A_547] : memref<64x128xf32, #tpu.memory_space<vmem>> -> memref<64x128xf32, #tpu.memory_space<vmem>>
      %dma_start3A_549 = arith.constant 0 : i32
      %dma_start3A_550 = tpu.memref_slice %arg11[%add3A_413, %dma_start3A_549] : memref<10112x128xf32, #tpu.memory_space<vmem_shared>> -> memref<64x128xf32, #tpu.memory_space<vmem_shared>>
      %dma_start3A_551 = arith.constant 0 : i32
      %dma_start3A_552 = arith.constant 0 : i32
      %dma_start3A_553 = tpu.memref_slice %arg9[%dma_start3A_551, %dma_start3A_552] : memref<64x128xf32, #tpu.memory_space<vmem>> -> memref<64x128xf32, #tpu.memory_space<vmem>>
      %dma_start3A_554 = arith.constant 0 : i32
      %dma_start3A_555 = tpu.memref_slice %arg11[%add3A_413, %dma_start3A_554] : memref<10112x128xf32, #tpu.memory_space<vmem_shared>> -> memref<64x128xf32, #tpu.memory_space<vmem_shared>>
      tpu.enqueue_dma source(%dma_start3A_555 : memref<64x128xf32, #tpu.memory_space<vmem_shared>>) target(%dma_start3A_553 : memref<64x128xf32, #tpu.memory_space<vmem>>) target_semaphore(%run_scoped3A : memref<!tpu.dma_semaphore, #tpu.memory_space<semaphore_mem>>)
      %dma_wait3A_556 = arith.constant 0 : i32
      %dma_wait3A_557 = arith.constant 0 : i32
      %dma_wait3A_558 = tpu.memref_slice %arg9[%dma_wait3A_556, %dma_wait3A_557] : memref<64x128xf32, #tpu.memory_space<vmem>> -> memref<64x128xf32, #tpu.memory_space<vmem>>
      %dma_wait3A_559 = arith.constant 0 : i32
      %dma_wait3A_560 = tpu.memref_slice %arg11[%add3A_413, %dma_wait3A_559] : memref<10112x128xf32, #tpu.memory_space<vmem_shared>> -> memref<64x128xf32, #tpu.memory_space<vmem_shared>>
      %dma_wait3A_561 = arith.constant 0 : i32
      %dma_wait3A_562 = arith.constant 0 : i32
      %dma_wait3A_563 = tpu.memref_slice %arg9[%dma_wait3A_561, %dma_wait3A_562] : memref<64x128xf32, #tpu.memory_space<vmem>> -> memref<64x128xf32, #tpu.memory_space<vmem>>
      %dma_wait3A_564 = arith.constant 0 : i32
      %dma_wait3A_565 = tpu.memref_slice %arg11[%add3A_413, %dma_wait3A_564] : memref<10112x128xf32, #tpu.memory_space<vmem_shared>> -> memref<64x128xf32, #tpu.memory_space<vmem_shared>>
      tpu.wait_dma2 semaphore(%run_scoped3A : memref<!tpu.dma_semaphore, #tpu.memory_space<semaphore_mem>>) src(%dma_wait3A_565 : memref<64x128xf32, #tpu.memory_space<vmem_shared>>) dst(%dma_wait3A_563 : memref<64x128xf32, #tpu.memory_space<vmem>>)
      tpu.yield
    }) : () -> ()
    %add3A_414 = arith.constant 384 : i32
    %add3A_415 = arith.addi %mul3A_0, %add3A_414 : i32
    %dma_start3A_416 = arith.constant 0 : i32
    %dma_start3A_417 = arith.constant 0 : i32
    %dma_start3A_418 = tpu.memref_slice %arg9[%dma_start3A_416, %dma_start3A_417] : memref<64x128xf32, #tpu.memory_space<vmem>> -> memref<64x128xf32, #tpu.memory_space<vmem>>
    %dma_start3A_419 = arith.constant 0 : i32
    %dma_start3A_420 = tpu.memref_slice %arg6[%arg0, %add3A_415, %dma_start3A_419] : memref<2x10112x128xf32, #tpu.memory_space<hbm>> -> memref<1x64x128xf32, #tpu.memory_space<hbm>>
    %dma_start3A_421 = tpu.memref_squeeze %dma_start3A_420 : memref<1x64x128xf32, #tpu.memory_space<hbm>> -> memref<64x128xf32, #tpu.memory_space<hbm>>
    %dma_start3A_422 = arith.constant 0 : i32
    %dma_start3A_423 = tpu.memref_slice %arg6[%arg0, %add3A_415, %dma_start3A_422] : memref<2x10112x128xf32, #tpu.memory_space<hbm>> -> memref<1x64x128xf32, #tpu.memory_space<hbm>>
    %dma_start3A_424 = tpu.memref_squeeze %dma_start3A_423 : memref<1x64x128xf32, #tpu.memory_space<hbm>> -> memref<64x128xf32, #tpu.memory_space<hbm>>
    %dma_start3A_425 = arith.constant 0 : i32
    %dma_start3A_426 = arith.constant 0 : i32
    %dma_start3A_427 = tpu.memref_slice %arg9[%dma_start3A_425, %dma_start3A_426] : memref<64x128xf32, #tpu.memory_space<vmem>> -> memref<64x128xf32, #tpu.memory_space<vmem>>
    tpu.enqueue_dma source(%dma_start3A_427 : memref<64x128xf32, #tpu.memory_space<vmem>>) target(%dma_start3A_424 : memref<64x128xf32, #tpu.memory_space<hbm>>) target_semaphore(%arg12 : memref<!tpu.dma_semaphore, #tpu.memory_space<semaphore_mem>>)
    %add3A_428 = arith.constant 320 : i32
    %add3A_429 = arith.addi %mul3A_0, %add3A_428 : i32
    %dma_wait3A_430 = arith.constant 0 : i32
    %dma_wait3A_431 = arith.constant 0 : i32
    %dma_wait3A_432 = tpu.memref_slice %arg10[%dma_wait3A_430, %dma_wait3A_431] : memref<64x128xf32, #tpu.memory_space<vmem>> -> memref<64x128xf32, #tpu.memory_space<vmem>>
    %dma_wait3A_433 = arith.constant 0 : i32
    %dma_wait3A_434 = tpu.memref_slice %arg6[%arg0, %add3A_429, %dma_wait3A_433] : memref<2x10112x128xf32, #tpu.memory_space<hbm>> -> memref<1x64x128xf32, #tpu.memory_space<hbm>>
    %dma_wait3A_435 = tpu.memref_squeeze %dma_wait3A_434 : memref<1x64x128xf32, #tpu.memory_space<hbm>> -> memref<64x128xf32, #tpu.memory_space<hbm>>
    %dma_wait3A_436 = arith.constant 0 : i32
    %dma_wait3A_437 = tpu.memref_slice %arg6[%arg0, %add3A_429, %dma_wait3A_436] : memref<2x10112x128xf32, #tpu.memory_space<hbm>> -> memref<1x64x128xf32, #tpu.memory_space<hbm>>
    %dma_wait3A_438 = tpu.memref_squeeze %dma_wait3A_437 : memref<1x64x128xf32, #tpu.memory_space<hbm>> -> memref<64x128xf32, #tpu.memory_space<hbm>>
    %dma_wait3A_439 = arith.constant 0 : i32
    %dma_wait3A_440 = arith.constant 0 : i32
    %dma_wait3A_441 = tpu.memref_slice %arg10[%dma_wait3A_439, %dma_wait3A_440] : memref<64x128xf32, #tpu.memory_space<vmem>> -> memref<64x128xf32, #tpu.memory_space<vmem>>
    tpu.wait_dma2 semaphore(%arg13 : memref<!tpu.dma_semaphore, #tpu.memory_space<semaphore_mem>>) src(%dma_wait3A_441 : memref<64x128xf32, #tpu.memory_space<vmem>>) dst(%dma_wait3A_438 : memref<64x128xf32, #tpu.memory_space<hbm>>)
    %add3A_442 = arith.constant 448 : i32
    %add3A_443 = arith.addi %mul3A_0, %add3A_442 : i32
    "tpu.region"() ({
      %run_scoped3A = tpu.sem_alloc : memref<!tpu.dma_semaphore, #tpu.memory_space<semaphore_mem>>
      %dma_start3A_546 = arith.constant 0 : i32
      %dma_start3A_547 = arith.constant 0 : i32
      %dma_start3A_548 = tpu.memref_slice %arg10[%dma_start3A_546, %dma_start3A_547] : memref<64x128xf32, #tpu.memory_space<vmem>> -> memref<64x128xf32, #tpu.memory_space<vmem>>
      %dma_start3A_549 = arith.constant 0 : i32
      %dma_start3A_550 = tpu.memref_slice %arg11[%add3A_443, %dma_start3A_549] : memref<10112x128xf32, #tpu.memory_space<vmem_shared>> -> memref<64x128xf32, #tpu.memory_space<vmem_shared>>
      %dma_start3A_551 = arith.constant 0 : i32
      %dma_start3A_552 = arith.constant 0 : i32
      %dma_start3A_553 = tpu.memref_slice %arg10[%dma_start3A_551, %dma_start3A_552] : memref<64x128xf32, #tpu.memory_space<vmem>> -> memref<64x128xf32, #tpu.memory_space<vmem>>
      %dma_start3A_554 = arith.constant 0 : i32
      %dma_start3A_555 = tpu.memref_slice %arg11[%add3A_443, %dma_start3A_554] : memref<10112x128xf32, #tpu.memory_space<vmem_shared>> -> memref<64x128xf32, #tpu.memory_space<vmem_shared>>
      tpu.enqueue_dma source(%dma_start3A_555 : memref<64x128xf32, #tpu.memory_space<vmem_shared>>) target(%dma_start3A_553 : memref<64x128xf32, #tpu.memory_space<vmem>>) target_semaphore(%run_scoped3A : memref<!tpu.dma_semaphore, #tpu.memory_space<semaphore_mem>>)
      %dma_wait3A_556 = arith.constant 0 : i32
      %dma_wait3A_557 = arith.constant 0 : i32
      %dma_wait3A_558 = tpu.memref_slice %arg10[%dma_wait3A_556, %dma_wait3A_557] : memref<64x128xf32, #tpu.memory_space<vmem>> -> memref<64x128xf32, #tpu.memory_space<vmem>>
      %dma_wait3A_559 = arith.constant 0 : i32
      %dma_wait3A_560 = tpu.memref_slice %arg11[%add3A_443, %dma_wait3A_559] : memref<10112x128xf32, #tpu.memory_space<vmem_shared>> -> memref<64x128xf32, #tpu.memory_space<vmem_shared>>
      %dma_wait3A_561 = arith.constant 0 : i32
      %dma_wait3A_562 = arith.constant 0 : i32
      %dma_wait3A_563 = tpu.memref_slice %arg10[%dma_wait3A_561, %dma_wait3A_562] : memref<64x128xf32, #tpu.memory_space<vmem>> -> memref<64x128xf32, #tpu.memory_space<vmem>>
      %dma_wait3A_564 = arith.constant 0 : i32
      %dma_wait3A_565 = tpu.memref_slice %arg11[%add3A_443, %dma_wait3A_564] : memref<10112x128xf32, #tpu.memory_space<vmem_shared>> -> memref<64x128xf32, #tpu.memory_space<vmem_shared>>
      tpu.wait_dma2 semaphore(%run_scoped3A : memref<!tpu.dma_semaphore, #tpu.memory_space<semaphore_mem>>) src(%dma_wait3A_565 : memref<64x128xf32, #tpu.memory_space<vmem_shared>>) dst(%dma_wait3A_563 : memref<64x128xf32, #tpu.memory_space<vmem>>)
      tpu.yield
    }) : () -> ()
    %add3A_444 = arith.constant 448 : i32
    %add3A_445 = arith.addi %mul3A_0, %add3A_444 : i32
    %dma_start3A_446 = arith.constant 0 : i32
    %dma_start3A_447 = arith.constant 0 : i32
    %dma_start3A_448 = tpu.memref_slice %arg10[%dma_start3A_446, %dma_start3A_447] : memref<64x128xf32, #tpu.memory_space<vmem>> -> memref<64x128xf32, #tpu.memory_space<vmem>>
    %dma_start3A_449 = arith.constant 0 : i32
    %dma_start3A_450 = tpu.memref_slice %arg6[%arg0, %add3A_445, %dma_start3A_449] : memref<2x10112x128xf32, #tpu.memory_space<hbm>> -> memref<1x64x128xf32, #tpu.memory_space<hbm>>
    %dma_start3A_451 = tpu.memref_squeeze %dma_start3A_450 : memref<1x64x128xf32, #tpu.memory_space<hbm>> -> memref<64x128xf32, #tpu.memory_space<hbm>>
    %dma_start3A_452 = arith.constant 0 : i32
    %dma_start3A_453 = tpu.memref_slice %arg6[%arg0, %add3A_445, %dma_start3A_452] : memref<2x10112x128xf32, #tpu.memory_space<hbm>> -> memref<1x64x128xf32, #tpu.memory_space<hbm>>
    %dma_start3A_454 = tpu.memref_squeeze %dma_start3A_453 : memref<1x64x128xf32, #tpu.memory_space<hbm>> -> memref<64x128xf32, #tpu.memory_space<hbm>>
    %dma_start3A_455 = arith.constant 0 : i32
    %dma_start3A_456 = arith.constant 0 : i32
    %dma_start3A_457 = tpu.memref_slice %arg10[%dma_start3A_455, %dma_start3A_456] : memref<64x128xf32, #tpu.memory_space<vmem>> -> memref<64x128xf32, #tpu.memory_space<vmem>>
    tpu.enqueue_dma source(%dma_start3A_457 : memref<64x128xf32, #tpu.memory_space<vmem>>) target(%dma_start3A_454 : memref<64x128xf32, #tpu.memory_space<hbm>>) target_semaphore(%arg13 : memref<!tpu.dma_semaphore, #tpu.memory_space<semaphore_mem>>)
    %add3A_458 = arith.constant 384 : i32
    %add3A_459 = arith.addi %mul3A_0, %add3A_458 : i32
    %dma_wait3A_460 = arith.constant 0 : i32
    %dma_wait3A_461 = arith.constant 0 : i32
    %dma_wait3A_462 = tpu.memref_slice %arg9[%dma_wait3A_460, %dma_wait3A_461] : memref<64x128xf32, #tpu.memory_space<vmem>> -> memref<64x128xf32, #tpu.memory_space<vmem>>
    %dma_wait3A_463 = arith.constant 0 : i32
    %dma_wait3A_464 = tpu.memref_slice %arg6[%arg0, %add3A_459, %dma_wait3A_463] : memref<2x10112x128xf32, #tpu.memory_space<hbm>> -> memref<1x64x128xf32, #tpu.memory_space<hbm>>
    %dma_wait3A_465 = tpu.memref_squeeze %dma_wait3A_464 : memref<1x64x128xf32, #tpu.memory_space<hbm>> -> memref<64x128xf32, #tpu.memory_space<hbm>>
    %dma_wait3A_466 = arith.constant 0 : i32
    %dma_wait3A_467 = tpu.memref_slice %arg6[%arg0, %add3A_459, %dma_wait3A_466] : memref<2x10112x128xf32, #tpu.memory_space<hbm>> -> memref<1x64x128xf32, #tpu.memory_space<hbm>>
    %dma_wait3A_468 = tpu.memref_squeeze %dma_wait3A_467 : memref<1x64x128xf32, #tpu.memory_space<hbm>> -> memref<64x128xf32, #tpu.memory_space<hbm>>
    %dma_wait3A_469 = arith.constant 0 : i32
    %dma_wait3A_470 = arith.constant 0 : i32
    %dma_wait3A_471 = tpu.memref_slice %arg9[%dma_wait3A_469, %dma_wait3A_470] : memref<64x128xf32, #tpu.memory_space<vmem>> -> memref<64x128xf32, #tpu.memory_space<vmem>>
    tpu.wait_dma2 semaphore(%arg12 : memref<!tpu.dma_semaphore, #tpu.memory_space<semaphore_mem>>) src(%dma_wait3A_471 : memref<64x128xf32, #tpu.memory_space<vmem>>) dst(%dma_wait3A_468 : memref<64x128xf32, #tpu.memory_space<hbm>>)
    %add3A_472 = arith.constant 512 : i32
    %add3A_473 = arith.addi %mul3A_0, %add3A_472 : i32
    "tpu.region"() ({
      %run_scoped3A = tpu.sem_alloc : memref<!tpu.dma_semaphore, #tpu.memory_space<semaphore_mem>>
      %dma_start3A_546 = arith.constant 0 : i32
      %dma_start3A_547 = arith.constant 0 : i32
      %dma_start3A_548 = tpu.memref_slice %arg9[%dma_start3A_546, %dma_start3A_547] : memref<64x128xf32, #tpu.memory_space<vmem>> -> memref<64x128xf32, #tpu.memory_space<vmem>>
      %dma_start3A_549 = arith.constant 0 : i32
      %dma_start3A_550 = tpu.memref_slice %arg11[%add3A_473, %dma_start3A_549] : memref<10112x128xf32, #tpu.memory_space<vmem_shared>> -> memref<64x128xf32, #tpu.memory_space<vmem_shared>>
      %dma_start3A_551 = arith.constant 0 : i32
      %dma_start3A_552 = arith.constant 0 : i32
      %dma_start3A_553 = tpu.memref_slice %arg9[%dma_start3A_551, %dma_start3A_552] : memref<64x128xf32, #tpu.memory_space<vmem>> -> memref<64x128xf32, #tpu.memory_space<vmem>>
      %dma_start3A_554 = arith.constant 0 : i32
      %dma_start3A_555 = tpu.memref_slice %arg11[%add3A_473, %dma_start3A_554] : memref<10112x128xf32, #tpu.memory_space<vmem_shared>> -> memref<64x128xf32, #tpu.memory_space<vmem_shared>>
      tpu.enqueue_dma source(%dma_start3A_555 : memref<64x128xf32, #tpu.memory_space<vmem_shared>>) target(%dma_start3A_553 : memref<64x128xf32, #tpu.memory_space<vmem>>) target_semaphore(%run_scoped3A : memref<!tpu.dma_semaphore, #tpu.memory_space<semaphore_mem>>)
      %dma_wait3A_556 = arith.constant 0 : i32
      %dma_wait3A_557 = arith.constant 0 : i32
      %dma_wait3A_558 = tpu.memref_slice %arg9[%dma_wait3A_556, %dma_wait3A_557] : memref<64x128xf32, #tpu.memory_space<vmem>> -> memref<64x128xf32, #tpu.memory_space<vmem>>
      %dma_wait3A_559 = arith.constant 0 : i32
      %dma_wait3A_560 = tpu.memref_slice %arg11[%add3A_473, %dma_wait3A_559] : memref<10112x128xf32, #tpu.memory_space<vmem_shared>> -> memref<64x128xf32, #tpu.memory_space<vmem_shared>>
      %dma_wait3A_561 = arith.constant 0 : i32
      %dma_wait3A_562 = arith.constant 0 : i32
      %dma_wait3A_563 = tpu.memref_slice %arg9[%dma_wait3A_561, %dma_wait3A_562] : memref<64x128xf32, #tpu.memory_space<vmem>> -> memref<64x128xf32, #tpu.memory_space<vmem>>
      %dma_wait3A_564 = arith.constant 0 : i32
      %dma_wait3A_565 = tpu.memref_slice %arg11[%add3A_473, %dma_wait3A_564] : memref<10112x128xf32, #tpu.memory_space<vmem_shared>> -> memref<64x128xf32, #tpu.memory_space<vmem_shared>>
      tpu.wait_dma2 semaphore(%run_scoped3A : memref<!tpu.dma_semaphore, #tpu.memory_space<semaphore_mem>>) src(%dma_wait3A_565 : memref<64x128xf32, #tpu.memory_space<vmem_shared>>) dst(%dma_wait3A_563 : memref<64x128xf32, #tpu.memory_space<vmem>>)
      tpu.yield
    }) : () -> ()
    %add3A_474 = arith.constant 512 : i32
    %add3A_475 = arith.addi %mul3A_0, %add3A_474 : i32
    %dma_start3A_476 = arith.constant 0 : i32
    %dma_start3A_477 = arith.constant 0 : i32
    %dma_start3A_478 = tpu.memref_slice %arg9[%dma_start3A_476, %dma_start3A_477] : memref<64x128xf32, #tpu.memory_space<vmem>> -> memref<64x128xf32, #tpu.memory_space<vmem>>
    %dma_start3A_479 = arith.constant 0 : i32
    %dma_start3A_480 = tpu.memref_slice %arg6[%arg0, %add3A_475, %dma_start3A_479] : memref<2x10112x128xf32, #tpu.memory_space<hbm>> -> memref<1x64x128xf32, #tpu.memory_space<hbm>>
    %dma_start3A_481 = tpu.memref_squeeze %dma_start3A_480 : memref<1x64x128xf32, #tpu.memory_space<hbm>> -> memref<64x128xf32, #tpu.memory_space<hbm>>
    %dma_start3A_482 = arith.constant 0 : i32
    %dma_start3A_483 = tpu.memref_slice %arg6[%arg0, %add3A_475, %dma_start3A_482] : memref<2x10112x128xf32, #tpu.memory_space<hbm>> -> memref<1x64x128xf32, #tpu.memory_space<hbm>>
    %dma_start3A_484 = tpu.memref_squeeze %dma_start3A_483 : memref<1x64x128xf32, #tpu.memory_space<hbm>> -> memref<64x128xf32, #tpu.memory_space<hbm>>
    %dma_start3A_485 = arith.constant 0 : i32
    %dma_start3A_486 = arith.constant 0 : i32
    %dma_start3A_487 = tpu.memref_slice %arg9[%dma_start3A_485, %dma_start3A_486] : memref<64x128xf32, #tpu.memory_space<vmem>> -> memref<64x128xf32, #tpu.memory_space<vmem>>
    tpu.enqueue_dma source(%dma_start3A_487 : memref<64x128xf32, #tpu.memory_space<vmem>>) target(%dma_start3A_484 : memref<64x128xf32, #tpu.memory_space<hbm>>) target_semaphore(%arg12 : memref<!tpu.dma_semaphore, #tpu.memory_space<semaphore_mem>>)
    %add3A_488 = arith.constant 448 : i32
    %add3A_489 = arith.addi %mul3A_0, %add3A_488 : i32
    %dma_wait3A_490 = arith.constant 0 : i32
    %dma_wait3A_491 = arith.constant 0 : i32
    %dma_wait3A_492 = tpu.memref_slice %arg10[%dma_wait3A_490, %dma_wait3A_491] : memref<64x128xf32, #tpu.memory_space<vmem>> -> memref<64x128xf32, #tpu.memory_space<vmem>>
    %dma_wait3A_493 = arith.constant 0 : i32
    %dma_wait3A_494 = tpu.memref_slice %arg6[%arg0, %add3A_489, %dma_wait3A_493] : memref<2x10112x128xf32, #tpu.memory_space<hbm>> -> memref<1x64x128xf32, #tpu.memory_space<hbm>>
    %dma_wait3A_495 = tpu.memref_squeeze %dma_wait3A_494 : memref<1x64x128xf32, #tpu.memory_space<hbm>> -> memref<64x128xf32, #tpu.memory_space<hbm>>
    %dma_wait3A_496 = arith.constant 0 : i32
    %dma_wait3A_497 = tpu.memref_slice %arg6[%arg0, %add3A_489, %dma_wait3A_496] : memref<2x10112x128xf32, #tpu.memory_space<hbm>> -> memref<1x64x128xf32, #tpu.memory_space<hbm>>
    %dma_wait3A_498 = tpu.memref_squeeze %dma_wait3A_497 : memref<1x64x128xf32, #tpu.memory_space<hbm>> -> memref<64x128xf32, #tpu.memory_space<hbm>>
    %dma_wait3A_499 = arith.constant 0 : i32
    %dma_wait3A_500 = arith.constant 0 : i32
    %dma_wait3A_501 = tpu.memref_slice %arg10[%dma_wait3A_499, %dma_wait3A_500] : memref<64x128xf32, #tpu.memory_space<vmem>> -> memref<64x128xf32, #tpu.memory_space<vmem>>
    tpu.wait_dma2 semaphore(%arg13 : memref<!tpu.dma_semaphore, #tpu.memory_space<semaphore_mem>>) src(%dma_wait3A_501 : memref<64x128xf32, #tpu.memory_space<vmem>>) dst(%dma_wait3A_498 : memref<64x128xf32, #tpu.memory_space<hbm>>)
    %add3A_502 = arith.constant 576 : i32
    %add3A_503 = arith.addi %mul3A_0, %add3A_502 : i32
    "tpu.region"() ({
      %run_scoped3A = tpu.sem_alloc : memref<!tpu.dma_semaphore, #tpu.memory_space<semaphore_mem>>
      %dma_start3A_546 = arith.constant 0 : i32
      %dma_start3A_547 = arith.constant 0 : i32
      %dma_start3A_548 = tpu.memref_slice %arg10[%dma_start3A_546, %dma_start3A_547] : memref<64x128xf32, #tpu.memory_space<vmem>> -> memref<56x128xf32, #tpu.memory_space<vmem>>
      %dma_start3A_549 = arith.constant 0 : i32
      %dma_start3A_550 = tpu.memref_slice %arg11[%add3A_503, %dma_start3A_549] : memref<10112x128xf32, #tpu.memory_space<vmem_shared>> -> memref<56x128xf32, #tpu.memory_space<vmem_shared>>
      %dma_start3A_551 = arith.constant 0 : i32
      %dma_start3A_552 = arith.constant 0 : i32
      %dma_start3A_553 = tpu.memref_slice %arg10[%dma_start3A_551, %dma_start3A_552] : memref<64x128xf32, #tpu.memory_space<vmem>> -> memref<56x128xf32, #tpu.memory_space<vmem>>
      %dma_start3A_554 = arith.constant 0 : i32
      %dma_start3A_555 = tpu.memref_slice %arg11[%add3A_503, %dma_start3A_554] : memref<10112x128xf32, #tpu.memory_space<vmem_shared>> -> memref<56x128xf32, #tpu.memory_space<vmem_shared>>
      tpu.enqueue_dma source(%dma_start3A_555 : memref<56x128xf32, #tpu.memory_space<vmem_shared>>) target(%dma_start3A_553 : memref<56x128xf32, #tpu.memory_space<vmem>>) target_semaphore(%run_scoped3A : memref<!tpu.dma_semaphore, #tpu.memory_space<semaphore_mem>>)
      %dma_wait3A_556 = arith.constant 0 : i32
      %dma_wait3A_557 = arith.constant 0 : i32
      %dma_wait3A_558 = tpu.memref_slice %arg10[%dma_wait3A_556, %dma_wait3A_557] : memref<64x128xf32, #tpu.memory_space<vmem>> -> memref<56x128xf32, #tpu.memory_space<vmem>>
      %dma_wait3A_559 = arith.constant 0 : i32
      %dma_wait3A_560 = tpu.memref_slice %arg11[%add3A_503, %dma_wait3A_559] : memref<10112x128xf32, #tpu.memory_space<vmem_shared>> -> memref<56x128xf32, #tpu.memory_space<vmem_shared>>
      %dma_wait3A_561 = arith.constant 0 : i32
      %dma_wait3A_562 = arith.constant 0 : i32
      %dma_wait3A_563 = tpu.memref_slice %arg10[%dma_wait3A_561, %dma_wait3A_562] : memref<64x128xf32, #tpu.memory_space<vmem>> -> memref<56x128xf32, #tpu.memory_space<vmem>>
      %dma_wait3A_564 = arith.constant 0 : i32
      %dma_wait3A_565 = tpu.memref_slice %arg11[%add3A_503, %dma_wait3A_564] : memref<10112x128xf32, #tpu.memory_space<vmem_shared>> -> memref<56x128xf32, #tpu.memory_space<vmem_shared>>
      tpu.wait_dma2 semaphore(%run_scoped3A : memref<!tpu.dma_semaphore, #tpu.memory_space<semaphore_mem>>) src(%dma_wait3A_565 : memref<56x128xf32, #tpu.memory_space<vmem_shared>>) dst(%dma_wait3A_563 : memref<56x128xf32, #tpu.memory_space<vmem>>)
      tpu.yield
    }) : () -> ()
    %add3A_504 = arith.constant 576 : i32
    %add3A_505 = arith.addi %mul3A_0, %add3A_504 : i32
    %dma_start3A_506 = arith.constant 0 : i32
    %dma_start3A_507 = arith.constant 0 : i32
    %dma_start3A_508 = tpu.memref_slice %arg10[%dma_start3A_506, %dma_start3A_507] : memref<64x128xf32, #tpu.memory_space<vmem>> -> memref<56x128xf32, #tpu.memory_space<vmem>>
    %dma_start3A_509 = arith.constant 0 : i32
    %dma_start3A_510 = tpu.memref_slice %arg6[%arg0, %add3A_505, %dma_start3A_509] : memref<2x10112x128xf32, #tpu.memory_space<hbm>> -> memref<1x56x128xf32, #tpu.memory_space<hbm>>
    %dma_start3A_511 = tpu.memref_squeeze %dma_start3A_510 : memref<1x56x128xf32, #tpu.memory_space<hbm>> -> memref<56x128xf32, #tpu.memory_space<hbm>>
    %dma_start3A_512 = arith.constant 0 : i32
    %dma_start3A_513 = tpu.memref_slice %arg6[%arg0, %add3A_505, %dma_start3A_512] : memref<2x10112x128xf32, #tpu.memory_space<hbm>> -> memref<1x56x128xf32, #tpu.memory_space<hbm>>
    %dma_start3A_514 = tpu.memref_squeeze %dma_start3A_513 : memref<1x56x128xf32, #tpu.memory_space<hbm>> -> memref<56x128xf32, #tpu.memory_space<hbm>>
    %dma_start3A_515 = arith.constant 0 : i32
    %dma_start3A_516 = arith.constant 0 : i32
    %dma_start3A_517 = tpu.memref_slice %arg10[%dma_start3A_515, %dma_start3A_516] : memref<64x128xf32, #tpu.memory_space<vmem>> -> memref<56x128xf32, #tpu.memory_space<vmem>>
    tpu.enqueue_dma source(%dma_start3A_517 : memref<56x128xf32, #tpu.memory_space<vmem>>) target(%dma_start3A_514 : memref<56x128xf32, #tpu.memory_space<hbm>>) target_semaphore(%arg13 : memref<!tpu.dma_semaphore, #tpu.memory_space<semaphore_mem>>)
    %add3A_518 = arith.constant 512 : i32
    %add3A_519 = arith.addi %mul3A_0, %add3A_518 : i32
    %dma_wait3A_520 = arith.constant 0 : i32
    %dma_wait3A_521 = arith.constant 0 : i32
    %dma_wait3A_522 = tpu.memref_slice %arg9[%dma_wait3A_520, %dma_wait3A_521] : memref<64x128xf32, #tpu.memory_space<vmem>> -> memref<64x128xf32, #tpu.memory_space<vmem>>
    %dma_wait3A_523 = arith.constant 0 : i32
    %dma_wait3A_524 = tpu.memref_slice %arg6[%arg0, %add3A_519, %dma_wait3A_523] : memref<2x10112x128xf32, #tpu.memory_space<hbm>> -> memref<1x64x128xf32, #tpu.memory_space<hbm>>
    %dma_wait3A_525 = tpu.memref_squeeze %dma_wait3A_524 : memref<1x64x128xf32, #tpu.memory_space<hbm>> -> memref<64x128xf32, #tpu.memory_space<hbm>>
    %dma_wait3A_526 = arith.constant 0 : i32
    %dma_wait3A_527 = tpu.memref_slice %arg6[%arg0, %add3A_519, %dma_wait3A_526] : memref<2x10112x128xf32, #tpu.memory_space<hbm>> -> memref<1x64x128xf32, #tpu.memory_space<hbm>>
    %dma_wait3A_528 = tpu.memref_squeeze %dma_wait3A_527 : memref<1x64x128xf32, #tpu.memory_space<hbm>> -> memref<64x128xf32, #tpu.memory_space<hbm>>
    %dma_wait3A_529 = arith.constant 0 : i32
    %dma_wait3A_530 = arith.constant 0 : i32
    %dma_wait3A_531 = tpu.memref_slice %arg9[%dma_wait3A_529, %dma_wait3A_530] : memref<64x128xf32, #tpu.memory_space<vmem>> -> memref<64x128xf32, #tpu.memory_space<vmem>>
    tpu.wait_dma2 semaphore(%arg12 : memref<!tpu.dma_semaphore, #tpu.memory_space<semaphore_mem>>) src(%dma_wait3A_531 : memref<64x128xf32, #tpu.memory_space<vmem>>) dst(%dma_wait3A_528 : memref<64x128xf32, #tpu.memory_space<hbm>>)
    %add3A_532 = arith.constant 576 : i32
    %add3A_533 = arith.addi %mul3A_0, %add3A_532 : i32
    %dma_wait3A_534 = arith.constant 0 : i32
    %dma_wait3A_535 = arith.constant 0 : i32
    %dma_wait3A_536 = tpu.memref_slice %arg10[%dma_wait3A_534, %dma_wait3A_535] : memref<64x128xf32, #tpu.memory_space<vmem>> -> memref<56x128xf32, #tpu.memory_space<vmem>>
    %dma_wait3A_537 = arith.constant 0 : i32
    %dma_wait3A_538 = tpu.memref_slice %arg6[%arg0, %add3A_533, %dma_wait3A_537] : memref<2x10112x128xf32, #tpu.memory_space<hbm>> -> memref<1x56x128xf32, #tpu.memory_space<hbm>>
    %dma_wait3A_539 = tpu.memref_squeeze %dma_wait3A_538 : memref<1x56x128xf32, #tpu.memory_space<hbm>> -> memref<56x128xf32, #tpu.memory_space<hbm>>
    %dma_wait3A_540 = arith.constant 0 : i32
    %dma_wait3A_541 = tpu.memref_slice %arg6[%arg0, %add3A_533, %dma_wait3A_540] : memref<2x10112x128xf32, #tpu.memory_space<hbm>> -> memref<1x56x128xf32, #tpu.memory_space<hbm>>
    %dma_wait3A_542 = tpu.memref_squeeze %dma_wait3A_541 : memref<1x56x128xf32, #tpu.memory_space<hbm>> -> memref<56x128xf32, #tpu.memory_space<hbm>>
    %dma_wait3A_543 = arith.constant 0 : i32
    %dma_wait3A_544 = arith.constant 0 : i32
    %dma_wait3A_545 = tpu.memref_slice %arg10[%dma_wait3A_543, %dma_wait3A_544] : memref<64x128xf32, #tpu.memory_space<vmem>> -> memref<56x128xf32, #tpu.memory_space<vmem>>
    tpu.wait_dma2 semaphore(%arg13 : memref<!tpu.dma_semaphore, #tpu.memory_space<semaphore_mem>>) src(%dma_wait3A_545 : memref<56x128xf32, #tpu.memory_space<vmem>>) dst(%dma_wait3A_542 : memref<56x128xf32, #tpu.memory_space<hbm>>)
    return
  }
}

#map = affine_map<(d0, d1) -> (0, 0, 0)>
#map1 = affine_map<(d0, d1) -> (0, 0)>
module attributes {stable_mosaic.version = 14 : i64} {
  func.func @body(%arg0: i32, %arg1: i32, %arg2: memref<16x320x64xi32, #tpu.memory_space<hbm>>, %arg3: memref<64x128xf32, #tpu.memory_space<hbm>>, %arg4: memref<64x128xf32, #tpu.memory_space<hbm>>, %arg5: memref<2x10112x128xf32, #tpu.memory_space<hbm>>, %arg6: memref<32x64xi32, #tpu.memory_space<vmem>>, %arg7: memref<64x128xf32, #tpu.memory_space<vmem>>, %arg8: memref<64x128xf32, #tpu.memory_space<vmem>>, %arg9: memref<10112x128xf32, #tpu.memory_space<vmem_shared>>, %arg10: memref<!tpu.dma_semaphore, #tpu.memory_space<semaphore_mem>>, %arg11: memref<!tpu.dma_semaphore, #tpu.memory_space<semaphore_mem>>) attributes {dimension_semantics = [#tpu.dimension_semantics<core_parallel>, #tpu.dimension_semantics<subcore_parallel>], iteration_bounds = array<i64: 2, 16>, scalar_prefetch = 0 : i64, scratch_operands = 6 : i64, tpu.core_type = #tpu.core_type<sc_vector_subcore>, window_params = [{transform_indices = #map}, {transform_indices = #map1}, {transform_indices = #map1}, {transform_indices = #map}]} {
    %mul3A = arith.constant 632 : i32
    %mul3A_0 = arith.muli %arg1, %mul3A : i32
    "tpu.region"() ({
      %run_scoped3A = tpu.sem_alloc : memref<!tpu.dma_semaphore, #tpu.memory_space<semaphore_mem>>
      tpu.enqueue_dma source(%arg3 : memref<64x128xf32, #tpu.memory_space<hbm>>) target(%arg7 : memref<64x128xf32, #tpu.memory_space<vmem>>) target_semaphore(%run_scoped3A : memref<!tpu.dma_semaphore, #tpu.memory_space<semaphore_mem>>)
      tpu.wait_dma2 semaphore(%run_scoped3A : memref<!tpu.dma_semaphore, #tpu.memory_space<semaphore_mem>>) src(%arg3 : memref<64x128xf32, #tpu.memory_space<hbm>>) dst(%arg7 : memref<64x128xf32, #tpu.memory_space<vmem>>)
      tpu.yield
    }) : () -> ()
    %add3A = arith.constant 0 : i32
    %add3A_1 = arith.addi %mul3A_0, %add3A : i32
    %dma_start3A = arith.constant 0 : i32
    %dma_start3A_2 = arith.constant 0 : i32
    %dma_start3A_3 = tpu.memref_slice %arg7[%dma_start3A, %dma_start3A_2] : memref<64x128xf32, #tpu.memory_space<vmem>> -> memref<64x128xf32, #tpu.memory_space<vmem>>
    %dma_start3A_4 = arith.constant 0 : i32
    %dma_start3A_5 = tpu.memref_slice %arg9[%add3A_1, %dma_start3A_4] : memref<10112x128xf32, #tpu.memory_space<vmem_shared>> -> memref<64x128xf32, #tpu.memory_space<vmem_shared>>
    %dma_start3A_6 = arith.constant 0 : i32
    %dma_start3A_7 = tpu.memref_slice %arg9[%add3A_1, %dma_start3A_6] : memref<10112x128xf32, #tpu.memory_space<vmem_shared>> -> memref<64x128xf32, #tpu.memory_space<vmem_shared>>
    %dma_start3A_8 = arith.constant 0 : i32
    %dma_start3A_9 = arith.constant 0 : i32
    %dma_start3A_10 = tpu.memref_slice %arg7[%dma_start3A_8, %dma_start3A_9] : memref<64x128xf32, #tpu.memory_space<vmem>> -> memref<64x128xf32, #tpu.memory_space<vmem>>
    tpu.enqueue_dma source(%dma_start3A_10 : memref<64x128xf32, #tpu.memory_space<vmem>>) target(%dma_start3A_7 : memref<64x128xf32, #tpu.memory_space<vmem_shared>>) target_semaphore(%arg10 : memref<!tpu.dma_semaphore, #tpu.memory_space<semaphore_mem>>)
    %add3A_11 = arith.constant 64 : i32
    %add3A_12 = arith.addi %mul3A_0, %add3A_11 : i32
    %dma_start3A_13 = arith.constant 0 : i32
    %dma_start3A_14 = arith.constant 0 : i32
    %dma_start3A_15 = tpu.memref_slice %arg7[%dma_start3A_13, %dma_start3A_14] : memref<64x128xf32, #tpu.memory_space<vmem>> -> memref<64x128xf32, #tpu.memory_space<vmem>>
    %dma_start3A_16 = arith.constant 0 : i32
    %dma_start3A_17 = tpu.memref_slice %arg9[%add3A_12, %dma_start3A_16] : memref<10112x128xf32, #tpu.memory_space<vmem_shared>> -> memref<64x128xf32, #tpu.memory_space<vmem_shared>>
    %dma_start3A_18 = arith.constant 0 : i32
    %dma_start3A_19 = tpu.memref_slice %arg9[%add3A_12, %dma_start3A_18] : memref<10112x128xf32, #tpu.memory_space<vmem_shared>> -> memref<64x128xf32, #tpu.memory_space<vmem_shared>>
    %dma_start3A_20 = arith.constant 0 : i32
    %dma_start3A_21 = arith.constant 0 : i32
    %dma_start3A_22 = tpu.memref_slice %arg7[%dma_start3A_20, %dma_start3A_21] : memref<64x128xf32, #tpu.memory_space<vmem>> -> memref<64x128xf32, #tpu.memory_space<vmem>>
    tpu.enqueue_dma source(%dma_start3A_22 : memref<64x128xf32, #tpu.memory_space<vmem>>) target(%dma_start3A_19 : memref<64x128xf32, #tpu.memory_space<vmem_shared>>) target_semaphore(%arg10 : memref<!tpu.dma_semaphore, #tpu.memory_space<semaphore_mem>>)
    %add3A_23 = arith.constant 128 : i32
    %add3A_24 = arith.addi %mul3A_0, %add3A_23 : i32
    %dma_start3A_25 = arith.constant 0 : i32
    %dma_start3A_26 = arith.constant 0 : i32
    %dma_start3A_27 = tpu.memref_slice %arg7[%dma_start3A_25, %dma_start3A_26] : memref<64x128xf32, #tpu.memory_space<vmem>> -> memref<64x128xf32, #tpu.memory_space<vmem>>
    %dma_start3A_28 = arith.constant 0 : i32
    %dma_start3A_29 = tpu.memref_slice %arg9[%add3A_24, %dma_start3A_28] : memref<10112x128xf32, #tpu.memory_space<vmem_shared>> -> memref<64x128xf32, #tpu.memory_space<vmem_shared>>
    %dma_start3A_30 = arith.constant 0 : i32
    %dma_start3A_31 = tpu.memref_slice %arg9[%add3A_24, %dma_start3A_30] : memref<10112x128xf32, #tpu.memory_space<vmem_shared>> -> memref<64x128xf32, #tpu.memory_space<vmem_shared>>
    %dma_start3A_32 = arith.constant 0 : i32
    %dma_start3A_33 = arith.constant 0 : i32
    %dma_start3A_34 = tpu.memref_slice %arg7[%dma_start3A_32, %dma_start3A_33] : memref<64x128xf32, #tpu.memory_space<vmem>> -> memref<64x128xf32, #tpu.memory_space<vmem>>
    tpu.enqueue_dma source(%dma_start3A_34 : memref<64x128xf32, #tpu.memory_space<vmem>>) target(%dma_start3A_31 : memref<64x128xf32, #tpu.memory_space<vmem_shared>>) target_semaphore(%arg10 : memref<!tpu.dma_semaphore, #tpu.memory_space<semaphore_mem>>)
    %add3A_35 = arith.constant 192 : i32
    %add3A_36 = arith.addi %mul3A_0, %add3A_35 : i32
    %dma_start3A_37 = arith.constant 0 : i32
    %dma_start3A_38 = arith.constant 0 : i32
    %dma_start3A_39 = tpu.memref_slice %arg7[%dma_start3A_37, %dma_start3A_38] : memref<64x128xf32, #tpu.memory_space<vmem>> -> memref<64x128xf32, #tpu.memory_space<vmem>>
    %dma_start3A_40 = arith.constant 0 : i32
    %dma_start3A_41 = tpu.memref_slice %arg9[%add3A_36, %dma_start3A_40] : memref<10112x128xf32, #tpu.memory_space<vmem_shared>> -> memref<64x128xf32, #tpu.memory_space<vmem_shared>>
    %dma_start3A_42 = arith.constant 0 : i32
    %dma_start3A_43 = tpu.memref_slice %arg9[%add3A_36, %dma_start3A_42] : memref<10112x128xf32, #tpu.memory_space<vmem_shared>> -> memref<64x128xf32, #tpu.memory_space<vmem_shared>>
    %dma_start3A_44 = arith.constant 0 : i32
    %dma_start3A_45 = arith.constant 0 : i32
    %dma_start3A_46 = tpu.memref_slice %arg7[%dma_start3A_44, %dma_start3A_45] : memref<64x128xf32, #tpu.memory_space<vmem>> -> memref<64x128xf32, #tpu.memory_space<vmem>>
    tpu.enqueue_dma source(%dma_start3A_46 : memref<64x128xf32, #tpu.memory_space<vmem>>) target(%dma_start3A_43 : memref<64x128xf32, #tpu.memory_space<vmem_shared>>) target_semaphore(%arg10 : memref<!tpu.dma_semaphore, #tpu.memory_space<semaphore_mem>>)
    %add3A_47 = arith.constant 256 : i32
    %add3A_48 = arith.addi %mul3A_0, %add3A_47 : i32
    %dma_start3A_49 = arith.constant 0 : i32
    %dma_start3A_50 = arith.constant 0 : i32
    %dma_start3A_51 = tpu.memref_slice %arg7[%dma_start3A_49, %dma_start3A_50] : memref<64x128xf32, #tpu.memory_space<vmem>> -> memref<64x128xf32, #tpu.memory_space<vmem>>
    %dma_start3A_52 = arith.constant 0 : i32
    %dma_start3A_53 = tpu.memref_slice %arg9[%add3A_48, %dma_start3A_52] : memref<10112x128xf32, #tpu.memory_space<vmem_shared>> -> memref<64x128xf32, #tpu.memory_space<vmem_shared>>
    %dma_start3A_54 = arith.constant 0 : i32
    %dma_start3A_55 = tpu.memref_slice %arg9[%add3A_48, %dma_start3A_54] : memref<10112x128xf32, #tpu.memory_space<vmem_shared>> -> memref<64x128xf32, #tpu.memory_space<vmem_shared>>
    %dma_start3A_56 = arith.constant 0 : i32
    %dma_start3A_57 = arith.constant 0 : i32
    %dma_start3A_58 = tpu.memref_slice %arg7[%dma_start3A_56, %dma_start3A_57] : memref<64x128xf32, #tpu.memory_space<vmem>> -> memref<64x128xf32, #tpu.memory_space<vmem>>
    tpu.enqueue_dma source(%dma_start3A_58 : memref<64x128xf32, #tpu.memory_space<vmem>>) target(%dma_start3A_55 : memref<64x128xf32, #tpu.memory_space<vmem_shared>>) target_semaphore(%arg10 : memref<!tpu.dma_semaphore, #tpu.memory_space<semaphore_mem>>)
    %add3A_59 = arith.constant 320 : i32
    %add3A_60 = arith.addi %mul3A_0, %add3A_59 : i32
    %dma_start3A_61 = arith.constant 0 : i32
    %dma_start3A_62 = arith.constant 0 : i32
    %dma_start3A_63 = tpu.memref_slice %arg7[%dma_start3A_61, %dma_start3A_62] : memref<64x128xf32, #tpu.memory_space<vmem>> -> memref<64x128xf32, #tpu.memory_space<vmem>>
    %dma_start3A_64 = arith.constant 0 : i32
    %dma_start3A_65 = tpu.memref_slice %arg9[%add3A_60, %dma_start3A_64] : memref<10112x128xf32, #tpu.memory_space<vmem_shared>> -> memref<64x128xf32, #tpu.memory_space<vmem_shared>>
    %dma_start3A_66 = arith.constant 0 : i32
    %dma_start3A_67 = tpu.memref_slice %arg9[%add3A_60, %dma_start3A_66] : memref<10112x128xf32, #tpu.memory_space<vmem_shared>> -> memref<64x128xf32, #tpu.memory_space<vmem_shared>>
    %dma_start3A_68 = arith.constant 0 : i32
    %dma_start3A_69 = arith.constant 0 : i32
    %dma_start3A_70 = tpu.memref_slice %arg7[%dma_start3A_68, %dma_start3A_69] : memref<64x128xf32, #tpu.memory_space<vmem>> -> memref<64x128xf32, #tpu.memory_space<vmem>>
    tpu.enqueue_dma source(%dma_start3A_70 : memref<64x128xf32, #tpu.memory_space<vmem>>) target(%dma_start3A_67 : memref<64x128xf32, #tpu.memory_space<vmem_shared>>) target_semaphore(%arg10 : memref<!tpu.dma_semaphore, #tpu.memory_space<semaphore_mem>>)
    %add3A_71 = arith.constant 384 : i32
    %add3A_72 = arith.addi %mul3A_0, %add3A_71 : i32
    %dma_start3A_73 = arith.constant 0 : i32
    %dma_start3A_74 = arith.constant 0 : i32
    %dma_start3A_75 = tpu.memref_slice %arg7[%dma_start3A_73, %dma_start3A_74] : memref<64x128xf32, #tpu.memory_space<vmem>> -> memref<64x128xf32, #tpu.memory_space<vmem>>
    %dma_start3A_76 = arith.constant 0 : i32
    %dma_start3A_77 = tpu.memref_slice %arg9[%add3A_72, %dma_start3A_76] : memref<10112x128xf32, #tpu.memory_space<vmem_shared>> -> memref<64x128xf32, #tpu.memory_space<vmem_shared>>
    %dma_start3A_78 = arith.constant 0 : i32
    %dma_start3A_79 = tpu.memref_slice %arg9[%add3A_72, %dma_start3A_78] : memref<10112x128xf32, #tpu.memory_space<vmem_shared>> -> memref<64x128xf32, #tpu.memory_space<vmem_shared>>
    %dma_start3A_80 = arith.constant 0 : i32
    %dma_start3A_81 = arith.constant 0 : i32
    %dma_start3A_82 = tpu.memref_slice %arg7[%dma_start3A_80, %dma_start3A_81] : memref<64x128xf32, #tpu.memory_space<vmem>> -> memref<64x128xf32, #tpu.memory_space<vmem>>
    tpu.enqueue_dma source(%dma_start3A_82 : memref<64x128xf32, #tpu.memory_space<vmem>>) target(%dma_start3A_79 : memref<64x128xf32, #tpu.memory_space<vmem_shared>>) target_semaphore(%arg10 : memref<!tpu.dma_semaphore, #tpu.memory_space<semaphore_mem>>)
    %add3A_83 = arith.constant 448 : i32
    %add3A_84 = arith.addi %mul3A_0, %add3A_83 : i32
    %dma_start3A_85 = arith.constant 0 : i32
    %dma_start3A_86 = arith.constant 0 : i32
    %dma_start3A_87 = tpu.memref_slice %arg7[%dma_start3A_85, %dma_start3A_86] : memref<64x128xf32, #tpu.memory_space<vmem>> -> memref<64x128xf32, #tpu.memory_space<vmem>>
    %dma_start3A_88 = arith.constant 0 : i32
    %dma_start3A_89 = tpu.memref_slice %arg9[%add3A_84, %dma_start3A_88] : memref<10112x128xf32, #tpu.memory_space<vmem_shared>> -> memref<64x128xf32, #tpu.memory_space<vmem_shared>>
    %dma_start3A_90 = arith.constant 0 : i32
    %dma_start3A_91 = tpu.memref_slice %arg9[%add3A_84, %dma_start3A_90] : memref<10112x128xf32, #tpu.memory_space<vmem_shared>> -> memref<64x128xf32, #tpu.memory_space<vmem_shared>>
    %dma_start3A_92 = arith.constant 0 : i32
    %dma_start3A_93 = arith.constant 0 : i32
    %dma_start3A_94 = tpu.memref_slice %arg7[%dma_start3A_92, %dma_start3A_93] : memref<64x128xf32, #tpu.memory_space<vmem>> -> memref<64x128xf32, #tpu.memory_space<vmem>>
    tpu.enqueue_dma source(%dma_start3A_94 : memref<64x128xf32, #tpu.memory_space<vmem>>) target(%dma_start3A_91 : memref<64x128xf32, #tpu.memory_space<vmem_shared>>) target_semaphore(%arg10 : memref<!tpu.dma_semaphore, #tpu.memory_space<semaphore_mem>>)
    %add3A_95 = arith.constant 512 : i32
    %add3A_96 = arith.addi %mul3A_0, %add3A_95 : i32
    %dma_start3A_97 = arith.constant 0 : i32
    %dma_start3A_98 = arith.constant 0 : i32
    %dma_start3A_99 = tpu.memref_slice %arg7[%dma_start3A_97, %dma_start3A_98] : memref<64x128xf32, #tpu.memory_space<vmem>> -> memref<64x128xf32, #tpu.memory_space<vmem>>
    %dma_start3A_100 = arith.constant 0 : i32
    %dma_start3A_101 = tpu.memref_slice %arg9[%add3A_96, %dma_start3A_100] : memref<10112x128xf32, #tpu.memory_space<vmem_shared>> -> memref<64x128xf32, #tpu.memory_space<vmem_shared>>
    %dma_start3A_102 = arith.constant 0 : i32
    %dma_start3A_103 = tpu.memref_slice %arg9[%add3A_96, %dma_start3A_102] : memref<10112x128xf32, #tpu.memory_space<vmem_shared>> -> memref<64x128xf32, #tpu.memory_space<vmem_shared>>
    %dma_start3A_104 = arith.constant 0 : i32
    %dma_start3A_105 = arith.constant 0 : i32
    %dma_start3A_106 = tpu.memref_slice %arg7[%dma_start3A_104, %dma_start3A_105] : memref<64x128xf32, #tpu.memory_space<vmem>> -> memref<64x128xf32, #tpu.memory_space<vmem>>
    tpu.enqueue_dma source(%dma_start3A_106 : memref<64x128xf32, #tpu.memory_space<vmem>>) target(%dma_start3A_103 : memref<64x128xf32, #tpu.memory_space<vmem_shared>>) target_semaphore(%arg10 : memref<!tpu.dma_semaphore, #tpu.memory_space<semaphore_mem>>)
    %add3A_107 = arith.constant 576 : i32
    %add3A_108 = arith.addi %mul3A_0, %add3A_107 : i32
    %dma_start3A_109 = arith.constant 0 : i32
    %dma_start3A_110 = arith.constant 0 : i32
    %dma_start3A_111 = tpu.memref_slice %arg7[%dma_start3A_109, %dma_start3A_110] : memref<64x128xf32, #tpu.memory_space<vmem>> -> memref<56x128xf32, #tpu.memory_space<vmem>>
    %dma_start3A_112 = arith.constant 0 : i32
    %dma_start3A_113 = tpu.memref_slice %arg9[%add3A_108, %dma_start3A_112] : memref<10112x128xf32, #tpu.memory_space<vmem_shared>> -> memref<56x128xf32, #tpu.memory_space<vmem_shared>>
    %dma_start3A_114 = arith.constant 0 : i32
    %dma_start3A_115 = tpu.memref_slice %arg9[%add3A_108, %dma_start3A_114] : memref<10112x128xf32, #tpu.memory_space<vmem_shared>> -> memref<56x128xf32, #tpu.memory_space<vmem_shared>>
    %dma_start3A_116 = arith.constant 0 : i32
    %dma_start3A_117 = arith.constant 0 : i32
    %dma_start3A_118 = tpu.memref_slice %arg7[%dma_start3A_116, %dma_start3A_117] : memref<64x128xf32, #tpu.memory_space<vmem>> -> memref<56x128xf32, #tpu.memory_space<vmem>>
    tpu.enqueue_dma source(%dma_start3A_118 : memref<56x128xf32, #tpu.memory_space<vmem>>) target(%dma_start3A_115 : memref<56x128xf32, #tpu.memory_space<vmem_shared>>) target_semaphore(%arg10 : memref<!tpu.dma_semaphore, #tpu.memory_space<semaphore_mem>>)
    %add3A_119 = arith.constant 0 : i32
    %add3A_120 = arith.addi %mul3A_0, %add3A_119 : i32
    %dma_wait3A = arith.constant 0 : i32
    %dma_wait3A_121 = arith.constant 0 : i32
    %dma_wait3A_122 = tpu.memref_slice %arg7[%dma_wait3A, %dma_wait3A_121] : memref<64x128xf32, #tpu.memory_space<vmem>> -> memref<64x128xf32, #tpu.memory_space<vmem>>
    %dma_wait3A_123 = arith.constant 0 : i32
    %dma_wait3A_124 = tpu.memref_slice %arg9[%add3A_120, %dma_wait3A_123] : memref<10112x128xf32, #tpu.memory_space<vmem_shared>> -> memref<64x128xf32, #tpu.memory_space<vmem_shared>>
    %dma_wait3A_125 = arith.constant 0 : i32
    %dma_wait3A_126 = tpu.memref_slice %arg9[%add3A_120, %dma_wait3A_125] : memref<10112x128xf32, #tpu.memory_space<vmem_shared>> -> memref<64x128xf32, #tpu.memory_space<vmem_shared>>
    %dma_wait3A_127 = arith.constant 0 : i32
    %dma_wait3A_128 = arith.constant 0 : i32
    %dma_wait3A_129 = tpu.memref_slice %arg7[%dma_wait3A_127, %dma_wait3A_128] : memref<64x128xf32, #tpu.memory_space<vmem>> -> memref<64x128xf32, #tpu.memory_space<vmem>>
    tpu.wait_dma2 semaphore(%arg10 : memref<!tpu.dma_semaphore, #tpu.memory_space<semaphore_mem>>) src(%dma_wait3A_129 : memref<64x128xf32, #tpu.memory_space<vmem>>) dst(%dma_wait3A_126 : memref<64x128xf32, #tpu.memory_space<vmem_shared>>)
    %add3A_130 = arith.constant 64 : i32
    %add3A_131 = arith.addi %mul3A_0, %add3A_130 : i32
    %dma_wait3A_132 = arith.constant 0 : i32
    %dma_wait3A_133 = arith.constant 0 : i32
    %dma_wait3A_134 = tpu.memref_slice %arg7[%dma_wait3A_132, %dma_wait3A_133] : memref<64x128xf32, #tpu.memory_space<vmem>> -> memref<64x128xf32, #tpu.memory_space<vmem>>
    %dma_wait3A_135 = arith.constant 0 : i32
    %dma_wait3A_136 = tpu.memref_slice %arg9[%add3A_131, %dma_wait3A_135] : memref<10112x128xf32, #tpu.memory_space<vmem_shared>> -> memref<64x128xf32, #tpu.memory_space<vmem_shared>>
    %dma_wait3A_137 = arith.constant 0 : i32
    %dma_wait3A_138 = tpu.memref_slice %arg9[%add3A_131, %dma_wait3A_137] : memref<10112x128xf32, #tpu.memory_space<vmem_shared>> -> memref<64x128xf32, #tpu.memory_space<vmem_shared>>
    %dma_wait3A_139 = arith.constant 0 : i32
    %dma_wait3A_140 = arith.constant 0 : i32
    %dma_wait3A_141 = tpu.memref_slice %arg7[%dma_wait3A_139, %dma_wait3A_140] : memref<64x128xf32, #tpu.memory_space<vmem>> -> memref<64x128xf32, #tpu.memory_space<vmem>>
    tpu.wait_dma2 semaphore(%arg10 : memref<!tpu.dma_semaphore, #tpu.memory_space<semaphore_mem>>) src(%dma_wait3A_141 : memref<64x128xf32, #tpu.memory_space<vmem>>) dst(%dma_wait3A_138 : memref<64x128xf32, #tpu.memory_space<vmem_shared>>)
    %add3A_142 = arith.constant 128 : i32
    %add3A_143 = arith.addi %mul3A_0, %add3A_142 : i32
    %dma_wait3A_144 = arith.constant 0 : i32
    %dma_wait3A_145 = arith.constant 0 : i32
    %dma_wait3A_146 = tpu.memref_slice %arg7[%dma_wait3A_144, %dma_wait3A_145] : memref<64x128xf32, #tpu.memory_space<vmem>> -> memref<64x128xf32, #tpu.memory_space<vmem>>
    %dma_wait3A_147 = arith.constant 0 : i32
    %dma_wait3A_148 = tpu.memref_slice %arg9[%add3A_143, %dma_wait3A_147] : memref<10112x128xf32, #tpu.memory_space<vmem_shared>> -> memref<64x128xf32, #tpu.memory_space<vmem_shared>>
    %dma_wait3A_149 = arith.constant 0 : i32
    %dma_wait3A_150 = tpu.memref_slice %arg9[%add3A_143, %dma_wait3A_149] : memref<10112x128xf32, #tpu.memory_space<vmem_shared>> -> memref<64x128xf32, #tpu.memory_space<vmem_shared>>
    %dma_wait3A_151 = arith.constant 0 : i32
    %dma_wait3A_152 = arith.constant 0 : i32
    %dma_wait3A_153 = tpu.memref_slice %arg7[%dma_wait3A_151, %dma_wait3A_152] : memref<64x128xf32, #tpu.memory_space<vmem>> -> memref<64x128xf32, #tpu.memory_space<vmem>>
    tpu.wait_dma2 semaphore(%arg10 : memref<!tpu.dma_semaphore, #tpu.memory_space<semaphore_mem>>) src(%dma_wait3A_153 : memref<64x128xf32, #tpu.memory_space<vmem>>) dst(%dma_wait3A_150 : memref<64x128xf32, #tpu.memory_space<vmem_shared>>)
    %add3A_154 = arith.constant 192 : i32
    %add3A_155 = arith.addi %mul3A_0, %add3A_154 : i32
    %dma_wait3A_156 = arith.constant 0 : i32
    %dma_wait3A_157 = arith.constant 0 : i32
    %dma_wait3A_158 = tpu.memref_slice %arg7[%dma_wait3A_156, %dma_wait3A_157] : memref<64x128xf32, #tpu.memory_space<vmem>> -> memref<64x128xf32, #tpu.memory_space<vmem>>
    %dma_wait3A_159 = arith.constant 0 : i32
    %dma_wait3A_160 = tpu.memref_slice %arg9[%add3A_155, %dma_wait3A_159] : memref<10112x128xf32, #tpu.memory_space<vmem_shared>> -> memref<64x128xf32, #tpu.memory_space<vmem_shared>>
    %dma_wait3A_161 = arith.constant 0 : i32
    %dma_wait3A_162 = tpu.memref_slice %arg9[%add3A_155, %dma_wait3A_161] : memref<10112x128xf32, #tpu.memory_space<vmem_shared>> -> memref<64x128xf32, #tpu.memory_space<vmem_shared>>
    %dma_wait3A_163 = arith.constant 0 : i32
    %dma_wait3A_164 = arith.constant 0 : i32
    %dma_wait3A_165 = tpu.memref_slice %arg7[%dma_wait3A_163, %dma_wait3A_164] : memref<64x128xf32, #tpu.memory_space<vmem>> -> memref<64x128xf32, #tpu.memory_space<vmem>>
    tpu.wait_dma2 semaphore(%arg10 : memref<!tpu.dma_semaphore, #tpu.memory_space<semaphore_mem>>) src(%dma_wait3A_165 : memref<64x128xf32, #tpu.memory_space<vmem>>) dst(%dma_wait3A_162 : memref<64x128xf32, #tpu.memory_space<vmem_shared>>)
    %add3A_166 = arith.constant 256 : i32
    %add3A_167 = arith.addi %mul3A_0, %add3A_166 : i32
    %dma_wait3A_168 = arith.constant 0 : i32
    %dma_wait3A_169 = arith.constant 0 : i32
    %dma_wait3A_170 = tpu.memref_slice %arg7[%dma_wait3A_168, %dma_wait3A_169] : memref<64x128xf32, #tpu.memory_space<vmem>> -> memref<64x128xf32, #tpu.memory_space<vmem>>
    %dma_wait3A_171 = arith.constant 0 : i32
    %dma_wait3A_172 = tpu.memref_slice %arg9[%add3A_167, %dma_wait3A_171] : memref<10112x128xf32, #tpu.memory_space<vmem_shared>> -> memref<64x128xf32, #tpu.memory_space<vmem_shared>>
    %dma_wait3A_173 = arith.constant 0 : i32
    %dma_wait3A_174 = tpu.memref_slice %arg9[%add3A_167, %dma_wait3A_173] : memref<10112x128xf32, #tpu.memory_space<vmem_shared>> -> memref<64x128xf32, #tpu.memory_space<vmem_shared>>
    %dma_wait3A_175 = arith.constant 0 : i32
    %dma_wait3A_176 = arith.constant 0 : i32
    %dma_wait3A_177 = tpu.memref_slice %arg7[%dma_wait3A_175, %dma_wait3A_176] : memref<64x128xf32, #tpu.memory_space<vmem>> -> memref<64x128xf32, #tpu.memory_space<vmem>>
    tpu.wait_dma2 semaphore(%arg10 : memref<!tpu.dma_semaphore, #tpu.memory_space<semaphore_mem>>) src(%dma_wait3A_177 : memref<64x128xf32, #tpu.memory_space<vmem>>) dst(%dma_wait3A_174 : memref<64x128xf32, #tpu.memory_space<vmem_shared>>)
    %add3A_178 = arith.constant 320 : i32
    %add3A_179 = arith.addi %mul3A_0, %add3A_178 : i32
    %dma_wait3A_180 = arith.constant 0 : i32
    %dma_wait3A_181 = arith.constant 0 : i32
    %dma_wait3A_182 = tpu.memref_slice %arg7[%dma_wait3A_180, %dma_wait3A_181] : memref<64x128xf32, #tpu.memory_space<vmem>> -> memref<64x128xf32, #tpu.memory_space<vmem>>
    %dma_wait3A_183 = arith.constant 0 : i32
    %dma_wait3A_184 = tpu.memref_slice %arg9[%add3A_179, %dma_wait3A_183] : memref<10112x128xf32, #tpu.memory_space<vmem_shared>> -> memref<64x128xf32, #tpu.memory_space<vmem_shared>>
    %dma_wait3A_185 = arith.constant 0 : i32
    %dma_wait3A_186 = tpu.memref_slice %arg9[%add3A_179, %dma_wait3A_185] : memref<10112x128xf32, #tpu.memory_space<vmem_shared>> -> memref<64x128xf32, #tpu.memory_space<vmem_shared>>
    %dma_wait3A_187 = arith.constant 0 : i32
    %dma_wait3A_188 = arith.constant 0 : i32
    %dma_wait3A_189 = tpu.memref_slice %arg7[%dma_wait3A_187, %dma_wait3A_188] : memref<64x128xf32, #tpu.memory_space<vmem>> -> memref<64x128xf32, #tpu.memory_space<vmem>>
    tpu.wait_dma2 semaphore(%arg10 : memref<!tpu.dma_semaphore, #tpu.memory_space<semaphore_mem>>) src(%dma_wait3A_189 : memref<64x128xf32, #tpu.memory_space<vmem>>) dst(%dma_wait3A_186 : memref<64x128xf32, #tpu.memory_space<vmem_shared>>)
    %add3A_190 = arith.constant 384 : i32
    %add3A_191 = arith.addi %mul3A_0, %add3A_190 : i32
    %dma_wait3A_192 = arith.constant 0 : i32
    %dma_wait3A_193 = arith.constant 0 : i32
    %dma_wait3A_194 = tpu.memref_slice %arg7[%dma_wait3A_192, %dma_wait3A_193] : memref<64x128xf32, #tpu.memory_space<vmem>> -> memref<64x128xf32, #tpu.memory_space<vmem>>
    %dma_wait3A_195 = arith.constant 0 : i32
    %dma_wait3A_196 = tpu.memref_slice %arg9[%add3A_191, %dma_wait3A_195] : memref<10112x128xf32, #tpu.memory_space<vmem_shared>> -> memref<64x128xf32, #tpu.memory_space<vmem_shared>>
    %dma_wait3A_197 = arith.constant 0 : i32
    %dma_wait3A_198 = tpu.memref_slice %arg9[%add3A_191, %dma_wait3A_197] : memref<10112x128xf32, #tpu.memory_space<vmem_shared>> -> memref<64x128xf32, #tpu.memory_space<vmem_shared>>
    %dma_wait3A_199 = arith.constant 0 : i32
    %dma_wait3A_200 = arith.constant 0 : i32
    %dma_wait3A_201 = tpu.memref_slice %arg7[%dma_wait3A_199, %dma_wait3A_200] : memref<64x128xf32, #tpu.memory_space<vmem>> -> memref<64x128xf32, #tpu.memory_space<vmem>>
    tpu.wait_dma2 semaphore(%arg10 : memref<!tpu.dma_semaphore, #tpu.memory_space<semaphore_mem>>) src(%dma_wait3A_201 : memref<64x128xf32, #tpu.memory_space<vmem>>) dst(%dma_wait3A_198 : memref<64x128xf32, #tpu.memory_space<vmem_shared>>)
    %add3A_202 = arith.constant 448 : i32
    %add3A_203 = arith.addi %mul3A_0, %add3A_202 : i32
    %dma_wait3A_204 = arith.constant 0 : i32
    %dma_wait3A_205 = arith.constant 0 : i32
    %dma_wait3A_206 = tpu.memref_slice %arg7[%dma_wait3A_204, %dma_wait3A_205] : memref<64x128xf32, #tpu.memory_space<vmem>> -> memref<64x128xf32, #tpu.memory_space<vmem>>
    %dma_wait3A_207 = arith.constant 0 : i32
    %dma_wait3A_208 = tpu.memref_slice %arg9[%add3A_203, %dma_wait3A_207] : memref<10112x128xf32, #tpu.memory_space<vmem_shared>> -> memref<64x128xf32, #tpu.memory_space<vmem_shared>>
    %dma_wait3A_209 = arith.constant 0 : i32
    %dma_wait3A_210 = tpu.memref_slice %arg9[%add3A_203, %dma_wait3A_209] : memref<10112x128xf32, #tpu.memory_space<vmem_shared>> -> memref<64x128xf32, #tpu.memory_space<vmem_shared>>
    %dma_wait3A_211 = arith.constant 0 : i32
    %dma_wait3A_212 = arith.constant 0 : i32
    %dma_wait3A_213 = tpu.memref_slice %arg7[%dma_wait3A_211, %dma_wait3A_212] : memref<64x128xf32, #tpu.memory_space<vmem>> -> memref<64x128xf32, #tpu.memory_space<vmem>>
    tpu.wait_dma2 semaphore(%arg10 : memref<!tpu.dma_semaphore, #tpu.memory_space<semaphore_mem>>) src(%dma_wait3A_213 : memref<64x128xf32, #tpu.memory_space<vmem>>) dst(%dma_wait3A_210 : memref<64x128xf32, #tpu.memory_space<vmem_shared>>)
    %add3A_214 = arith.constant 512 : i32
    %add3A_215 = arith.addi %mul3A_0, %add3A_214 : i32
    %dma_wait3A_216 = arith.constant 0 : i32
    %dma_wait3A_217 = arith.constant 0 : i32
    %dma_wait3A_218 = tpu.memref_slice %arg7[%dma_wait3A_216, %dma_wait3A_217] : memref<64x128xf32, #tpu.memory_space<vmem>> -> memref<64x128xf32, #tpu.memory_space<vmem>>
    %dma_wait3A_219 = arith.constant 0 : i32
    %dma_wait3A_220 = tpu.memref_slice %arg9[%add3A_215, %dma_wait3A_219] : memref<10112x128xf32, #tpu.memory_space<vmem_shared>> -> memref<64x128xf32, #tpu.memory_space<vmem_shared>>
    %dma_wait3A_221 = arith.constant 0 : i32
    %dma_wait3A_222 = tpu.memref_slice %arg9[%add3A_215, %dma_wait3A_221] : memref<10112x128xf32, #tpu.memory_space<vmem_shared>> -> memref<64x128xf32, #tpu.memory_space<vmem_shared>>
    %dma_wait3A_223 = arith.constant 0 : i32
    %dma_wait3A_224 = arith.constant 0 : i32
    %dma_wait3A_225 = tpu.memref_slice %arg7[%dma_wait3A_223, %dma_wait3A_224] : memref<64x128xf32, #tpu.memory_space<vmem>> -> memref<64x128xf32, #tpu.memory_space<vmem>>
    tpu.wait_dma2 semaphore(%arg10 : memref<!tpu.dma_semaphore, #tpu.memory_space<semaphore_mem>>) src(%dma_wait3A_225 : memref<64x128xf32, #tpu.memory_space<vmem>>) dst(%dma_wait3A_222 : memref<64x128xf32, #tpu.memory_space<vmem_shared>>)
    %add3A_226 = arith.constant 576 : i32
    %add3A_227 = arith.addi %mul3A_0, %add3A_226 : i32
    %dma_wait3A_228 = arith.constant 0 : i32
    %dma_wait3A_229 = arith.constant 0 : i32
    %dma_wait3A_230 = tpu.memref_slice %arg7[%dma_wait3A_228, %dma_wait3A_229] : memref<64x128xf32, #tpu.memory_space<vmem>> -> memref<56x128xf32, #tpu.memory_space<vmem>>
    %dma_wait3A_231 = arith.constant 0 : i32
    %dma_wait3A_232 = tpu.memref_slice %arg9[%add3A_227, %dma_wait3A_231] : memref<10112x128xf32, #tpu.memory_space<vmem_shared>> -> memref<56x128xf32, #tpu.memory_space<vmem_shared>>
    %dma_wait3A_233 = arith.constant 0 : i32
    %dma_wait3A_234 = tpu.memref_slice %arg9[%add3A_227, %dma_wait3A_233] : memref<10112x128xf32, #tpu.memory_space<vmem_shared>> -> memref<56x128xf32, #tpu.memory_space<vmem_shared>>
    %dma_wait3A_235 = arith.constant 0 : i32
    %dma_wait3A_236 = arith.constant 0 : i32
    %dma_wait3A_237 = tpu.memref_slice %arg7[%dma_wait3A_235, %dma_wait3A_236] : memref<64x128xf32, #tpu.memory_space<vmem>> -> memref<56x128xf32, #tpu.memory_space<vmem>>
    tpu.wait_dma2 semaphore(%arg10 : memref<!tpu.dma_semaphore, #tpu.memory_space<semaphore_mem>>) src(%dma_wait3A_237 : memref<56x128xf32, #tpu.memory_space<vmem>>) dst(%dma_wait3A_234 : memref<56x128xf32, #tpu.memory_space<vmem_shared>>)
    %barrier3A = arith.constant 0 : index
    tpu.barrier barrier_id(%barrier3A)
    "tpu.region"() ({
      %run_scoped3A = tpu.sem_alloc : memref<!tpu.dma_semaphore, #tpu.memory_space<semaphore_mem>>
      tpu.enqueue_dma source(%arg4 : memref<64x128xf32, #tpu.memory_space<hbm>>) target(%arg7 : memref<64x128xf32, #tpu.memory_space<vmem>>) target_semaphore(%run_scoped3A : memref<!tpu.dma_semaphore, #tpu.memory_space<semaphore_mem>>)
      tpu.wait_dma2 semaphore(%run_scoped3A : memref<!tpu.dma_semaphore, #tpu.memory_space<semaphore_mem>>) src(%arg4 : memref<64x128xf32, #tpu.memory_space<hbm>>) dst(%arg7 : memref<64x128xf32, #tpu.memory_space<vmem>>)
      tpu.yield
    }) : () -> ()
    %scan3A = arith.constant 0 : i32
    %scan3A_238 = arith.constant 0 : i32
    %scan3A_239 = arith.constant 5 : i32
    %scan3A_240 = arith.addi %scan3A_238, %scan3A_239 : i32
    %scan3A_241 = arith.constant 1 : i32
    scf.for %scan3A_544 = %scan3A_238 to %scan3A_240 step %scan3A_241  : i32 {
      %mul3A_545 = arith.constant 160 : i32
      %mul3A_546 = arith.muli %arg0, %mul3A_545 : i32
      %mul3A_547 = arith.constant 32 : i32
      %mul3A_548 = arith.muli %scan3A_544, %mul3A_547 : i32
      %add3A_549 = arith.addi %mul3A_546, %mul3A_548 : i32
      "tpu.region"() ({
        %run_scoped3A = tpu.sem_alloc : memref<!tpu.dma_semaphore, #tpu.memory_space<semaphore_mem>>
        %dma_start3A_556 = arith.constant 0 : i32
        %dma_start3A_557 = tpu.memref_slice %arg2[%arg1, %add3A_549, %dma_start3A_556] : memref<16x320x64xi32, #tpu.memory_space<hbm>> -> memref<1x32x64xi32, #tpu.memory_space<hbm>>
        %dma_start3A_558 = tpu.memref_squeeze %dma_start3A_557 : memref<1x32x64xi32, #tpu.memory_space<hbm>> -> memref<32x64xi32, #tpu.memory_space<hbm>>
        %dma_start3A_559 = arith.constant 0 : i32
        %dma_start3A_560 = tpu.memref_slice %arg2[%arg1, %add3A_549, %dma_start3A_559] : memref<16x320x64xi32, #tpu.memory_space<hbm>> -> memref<1x32x64xi32, #tpu.memory_space<hbm>>
        %dma_start3A_561 = tpu.memref_squeeze %dma_start3A_560 : memref<1x32x64xi32, #tpu.memory_space<hbm>> -> memref<32x64xi32, #tpu.memory_space<hbm>>
        tpu.enqueue_dma source(%dma_start3A_561 : memref<32x64xi32, #tpu.memory_space<hbm>>) target(%arg6 : memref<32x64xi32, #tpu.memory_space<vmem>>) target_semaphore(%run_scoped3A : memref<!tpu.dma_semaphore, #tpu.memory_space<semaphore_mem>>)
        %dma_wait3A_562 = arith.constant 0 : i32
        %dma_wait3A_563 = tpu.memref_slice %arg2[%arg1, %add3A_549, %dma_wait3A_562] : memref<16x320x64xi32, #tpu.memory_space<hbm>> -> memref<1x32x64xi32, #tpu.memory_space<hbm>>
        %dma_wait3A_564 = tpu.memref_squeeze %dma_wait3A_563 : memref<1x32x64xi32, #tpu.memory_space<hbm>> -> memref<32x64xi32, #tpu.memory_space<hbm>>
        %dma_wait3A_565 = arith.constant 0 : i32
        %dma_wait3A_566 = tpu.memref_slice %arg2[%arg1, %add3A_549, %dma_wait3A_565] : memref<16x320x64xi32, #tpu.memory_space<hbm>> -> memref<1x32x64xi32, #tpu.memory_space<hbm>>
        %dma_wait3A_567 = tpu.memref_squeeze %dma_wait3A_566 : memref<1x32x64xi32, #tpu.memory_space<hbm>> -> memref<32x64xi32, #tpu.memory_space<hbm>>
        tpu.wait_dma2 semaphore(%run_scoped3A : memref<!tpu.dma_semaphore, #tpu.memory_space<semaphore_mem>>) src(%dma_wait3A_567 : memref<32x64xi32, #tpu.memory_space<hbm>>) dst(%arg6 : memref<32x64xi32, #tpu.memory_space<vmem>>)
        tpu.yield
      }) : () -> ()
      %scan3A_550 = arith.constant 0 : i32
      %scan3A_551 = arith.constant 0 : i32
      %scan3A_552 = arith.constant 4 : i32
      %scan3A_553 = arith.addi %scan3A_551, %scan3A_552 : i32
      %scan3A_554 = arith.constant 1 : i32
      scf.for %scan3A_556 = %scan3A_551 to %scan3A_553 step %scan3A_554  : i32 {
        %mul3A_557 = arith.constant 8 : i32
        %mul3A_558 = arith.muli %scan3A_556, %mul3A_557 : i32
        %add3A_559 = arith.constant 0 : i32
        %add3A_560 = arith.addi %mul3A_558, %add3A_559 : i32
        %dma_start3A_561 = arith.constant 0 : i32
        %dma_start3A_562 = tpu.memref_slice %arg6[%add3A_560, %dma_start3A_561] : memref<32x64xi32, #tpu.memory_space<vmem>> -> memref<1x64xi32, #tpu.memory_space<vmem>>
        %dma_start3A_563 = tpu.memref_squeeze %dma_start3A_562 : memref<1x64xi32, #tpu.memory_space<vmem>> -> memref<64xi32, #tpu.memory_space<vmem>>
        %dma_start3A_564 = arith.constant 0 : i32
        %dma_start3A_565 = arith.constant 0 : i32
        %dma_start3A_566 = tpu.memref_slice %arg9[%dma_start3A_564, %dma_start3A_565] : memref<10112x128xf32, #tpu.memory_space<vmem_shared>> -> memref<10112x128xf32, #tpu.memory_space<vmem_shared>>
        tpu.enqueue_indirect_dma source(%arg7 : memref<64x128xf32, #tpu.memory_space<vmem>>) target(%dma_start3A_566 : memref<10112x128xf32, #tpu.memory_space<vmem_shared>>) offsets(%dma_start3A_563 : memref<64xi32, #tpu.memory_space<vmem>>) semaphore(%arg10 : memref<!tpu.dma_semaphore, #tpu.memory_space<semaphore_mem>>) {add = true}
        %mul3A_567 = arith.constant 8 : i32
        %mul3A_568 = arith.muli %scan3A_556, %mul3A_567 : i32
        %add3A_569 = arith.constant 1 : i32
        %add3A_570 = arith.addi %mul3A_568, %add3A_569 : i32
        %dma_start3A_571 = arith.constant 0 : i32
        %dma_start3A_572 = tpu.memref_slice %arg6[%add3A_570, %dma_start3A_571] : memref<32x64xi32, #tpu.memory_space<vmem>> -> memref<1x64xi32, #tpu.memory_space<vmem>>
        %dma_start3A_573 = tpu.memref_squeeze %dma_start3A_572 : memref<1x64xi32, #tpu.memory_space<vmem>> -> memref<64xi32, #tpu.memory_space<vmem>>
        %dma_start3A_574 = arith.constant 0 : i32
        %dma_start3A_575 = arith.constant 0 : i32
        %dma_start3A_576 = tpu.memref_slice %arg9[%dma_start3A_574, %dma_start3A_575] : memref<10112x128xf32, #tpu.memory_space<vmem_shared>> -> memref<10112x128xf32, #tpu.memory_space<vmem_shared>>
        tpu.enqueue_indirect_dma source(%arg7 : memref<64x128xf32, #tpu.memory_space<vmem>>) target(%dma_start3A_576 : memref<10112x128xf32, #tpu.memory_space<vmem_shared>>) offsets(%dma_start3A_573 : memref<64xi32, #tpu.memory_space<vmem>>) semaphore(%arg10 : memref<!tpu.dma_semaphore, #tpu.memory_space<semaphore_mem>>) {add = true}
        %mul3A_577 = arith.constant 8 : i32
        %mul3A_578 = arith.muli %scan3A_556, %mul3A_577 : i32
        %add3A_579 = arith.constant 2 : i32
        %add3A_580 = arith.addi %mul3A_578, %add3A_579 : i32
        %dma_start3A_581 = arith.constant 0 : i32
        %dma_start3A_582 = tpu.memref_slice %arg6[%add3A_580, %dma_start3A_581] : memref<32x64xi32, #tpu.memory_space<vmem>> -> memref<1x64xi32, #tpu.memory_space<vmem>>
        %dma_start3A_583 = tpu.memref_squeeze %dma_start3A_582 : memref<1x64xi32, #tpu.memory_space<vmem>> -> memref<64xi32, #tpu.memory_space<vmem>>
        %dma_start3A_584 = arith.constant 0 : i32
        %dma_start3A_585 = arith.constant 0 : i32
        %dma_start3A_586 = tpu.memref_slice %arg9[%dma_start3A_584, %dma_start3A_585] : memref<10112x128xf32, #tpu.memory_space<vmem_shared>> -> memref<10112x128xf32, #tpu.memory_space<vmem_shared>>
        tpu.enqueue_indirect_dma source(%arg7 : memref<64x128xf32, #tpu.memory_space<vmem>>) target(%dma_start3A_586 : memref<10112x128xf32, #tpu.memory_space<vmem_shared>>) offsets(%dma_start3A_583 : memref<64xi32, #tpu.memory_space<vmem>>) semaphore(%arg10 : memref<!tpu.dma_semaphore, #tpu.memory_space<semaphore_mem>>) {add = true}
        %mul3A_587 = arith.constant 8 : i32
        %mul3A_588 = arith.muli %scan3A_556, %mul3A_587 : i32
        %add3A_589 = arith.constant 3 : i32
        %add3A_590 = arith.addi %mul3A_588, %add3A_589 : i32
        %dma_start3A_591 = arith.constant 0 : i32
        %dma_start3A_592 = tpu.memref_slice %arg6[%add3A_590, %dma_start3A_591] : memref<32x64xi32, #tpu.memory_space<vmem>> -> memref<1x64xi32, #tpu.memory_space<vmem>>
        %dma_start3A_593 = tpu.memref_squeeze %dma_start3A_592 : memref<1x64xi32, #tpu.memory_space<vmem>> -> memref<64xi32, #tpu.memory_space<vmem>>
        %dma_start3A_594 = arith.constant 0 : i32
        %dma_start3A_595 = arith.constant 0 : i32
        %dma_start3A_596 = tpu.memref_slice %arg9[%dma_start3A_594, %dma_start3A_595] : memref<10112x128xf32, #tpu.memory_space<vmem_shared>> -> memref<10112x128xf32, #tpu.memory_space<vmem_shared>>
        tpu.enqueue_indirect_dma source(%arg7 : memref<64x128xf32, #tpu.memory_space<vmem>>) target(%dma_start3A_596 : memref<10112x128xf32, #tpu.memory_space<vmem_shared>>) offsets(%dma_start3A_593 : memref<64xi32, #tpu.memory_space<vmem>>) semaphore(%arg10 : memref<!tpu.dma_semaphore, #tpu.memory_space<semaphore_mem>>) {add = true}
        %mul3A_597 = arith.constant 8 : i32
        %mul3A_598 = arith.muli %scan3A_556, %mul3A_597 : i32
        %add3A_599 = arith.constant 4 : i32
        %add3A_600 = arith.addi %mul3A_598, %add3A_599 : i32
        %dma_start3A_601 = arith.constant 0 : i32
        %dma_start3A_602 = tpu.memref_slice %arg6[%add3A_600, %dma_start3A_601] : memref<32x64xi32, #tpu.memory_space<vmem>> -> memref<1x64xi32, #tpu.memory_space<vmem>>
        %dma_start3A_603 = tpu.memref_squeeze %dma_start3A_602 : memref<1x64xi32, #tpu.memory_space<vmem>> -> memref<64xi32, #tpu.memory_space<vmem>>
        %dma_start3A_604 = arith.constant 0 : i32
        %dma_start3A_605 = arith.constant 0 : i32
        %dma_start3A_606 = tpu.memref_slice %arg9[%dma_start3A_604, %dma_start3A_605] : memref<10112x128xf32, #tpu.memory_space<vmem_shared>> -> memref<10112x128xf32, #tpu.memory_space<vmem_shared>>
        tpu.enqueue_indirect_dma source(%arg7 : memref<64x128xf32, #tpu.memory_space<vmem>>) target(%dma_start3A_606 : memref<10112x128xf32, #tpu.memory_space<vmem_shared>>) offsets(%dma_start3A_603 : memref<64xi32, #tpu.memory_space<vmem>>) semaphore(%arg10 : memref<!tpu.dma_semaphore, #tpu.memory_space<semaphore_mem>>) {add = true}
        %mul3A_607 = arith.constant 8 : i32
        %mul3A_608 = arith.muli %scan3A_556, %mul3A_607 : i32
        %add3A_609 = arith.constant 5 : i32
        %add3A_610 = arith.addi %mul3A_608, %add3A_609 : i32
        %dma_start3A_611 = arith.constant 0 : i32
        %dma_start3A_612 = tpu.memref_slice %arg6[%add3A_610, %dma_start3A_611] : memref<32x64xi32, #tpu.memory_space<vmem>> -> memref<1x64xi32, #tpu.memory_space<vmem>>
        %dma_start3A_613 = tpu.memref_squeeze %dma_start3A_612 : memref<1x64xi32, #tpu.memory_space<vmem>> -> memref<64xi32, #tpu.memory_space<vmem>>
        %dma_start3A_614 = arith.constant 0 : i32
        %dma_start3A_615 = arith.constant 0 : i32
        %dma_start3A_616 = tpu.memref_slice %arg9[%dma_start3A_614, %dma_start3A_615] : memref<10112x128xf32, #tpu.memory_space<vmem_shared>> -> memref<10112x128xf32, #tpu.memory_space<vmem_shared>>
        tpu.enqueue_indirect_dma source(%arg7 : memref<64x128xf32, #tpu.memory_space<vmem>>) target(%dma_start3A_616 : memref<10112x128xf32, #tpu.memory_space<vmem_shared>>) offsets(%dma_start3A_613 : memref<64xi32, #tpu.memory_space<vmem>>) semaphore(%arg10 : memref<!tpu.dma_semaphore, #tpu.memory_space<semaphore_mem>>) {add = true}
        %mul3A_617 = arith.constant 8 : i32
        %mul3A_618 = arith.muli %scan3A_556, %mul3A_617 : i32
        %add3A_619 = arith.constant 6 : i32
        %add3A_620 = arith.addi %mul3A_618, %add3A_619 : i32
        %dma_start3A_621 = arith.constant 0 : i32
        %dma_start3A_622 = tpu.memref_slice %arg6[%add3A_620, %dma_start3A_621] : memref<32x64xi32, #tpu.memory_space<vmem>> -> memref<1x64xi32, #tpu.memory_space<vmem>>
        %dma_start3A_623 = tpu.memref_squeeze %dma_start3A_622 : memref<1x64xi32, #tpu.memory_space<vmem>> -> memref<64xi32, #tpu.memory_space<vmem>>
        %dma_start3A_624 = arith.constant 0 : i32
        %dma_start3A_625 = arith.constant 0 : i32
        %dma_start3A_626 = tpu.memref_slice %arg9[%dma_start3A_624, %dma_start3A_625] : memref<10112x128xf32, #tpu.memory_space<vmem_shared>> -> memref<10112x128xf32, #tpu.memory_space<vmem_shared>>
        tpu.enqueue_indirect_dma source(%arg7 : memref<64x128xf32, #tpu.memory_space<vmem>>) target(%dma_start3A_626 : memref<10112x128xf32, #tpu.memory_space<vmem_shared>>) offsets(%dma_start3A_623 : memref<64xi32, #tpu.memory_space<vmem>>) semaphore(%arg10 : memref<!tpu.dma_semaphore, #tpu.memory_space<semaphore_mem>>) {add = true}
        %mul3A_627 = arith.constant 8 : i32
        %mul3A_628 = arith.muli %scan3A_556, %mul3A_627 : i32
        %add3A_629 = arith.constant 7 : i32
        %add3A_630 = arith.addi %mul3A_628, %add3A_629 : i32
        %dma_start3A_631 = arith.constant 0 : i32
        %dma_start3A_632 = tpu.memref_slice %arg6[%add3A_630, %dma_start3A_631] : memref<32x64xi32, #tpu.memory_space<vmem>> -> memref<1x64xi32, #tpu.memory_space<vmem>>
        %dma_start3A_633 = tpu.memref_squeeze %dma_start3A_632 : memref<1x64xi32, #tpu.memory_space<vmem>> -> memref<64xi32, #tpu.memory_space<vmem>>
        %dma_start3A_634 = arith.constant 0 : i32
        %dma_start3A_635 = arith.constant 0 : i32
        %dma_start3A_636 = tpu.memref_slice %arg9[%dma_start3A_634, %dma_start3A_635] : memref<10112x128xf32, #tpu.memory_space<vmem_shared>> -> memref<10112x128xf32, #tpu.memory_space<vmem_shared>>
        tpu.enqueue_indirect_dma source(%arg7 : memref<64x128xf32, #tpu.memory_space<vmem>>) target(%dma_start3A_636 : memref<10112x128xf32, #tpu.memory_space<vmem_shared>>) offsets(%dma_start3A_633 : memref<64xi32, #tpu.memory_space<vmem>>) semaphore(%arg10 : memref<!tpu.dma_semaphore, #tpu.memory_space<semaphore_mem>>) {add = true}
        %dma_wait3A_637 = arith.constant 0 : i32
        %dma_wait3A_638 = arith.constant 0 : i32
        %dma_wait3A_639 = tpu.memref_slice %arg6[%dma_wait3A_637, %dma_wait3A_638] : memref<32x64xi32, #tpu.memory_space<vmem>> -> memref<1x64xi32, #tpu.memory_space<vmem>>
        %dma_wait3A_640 = tpu.memref_squeeze %dma_wait3A_639 : memref<1x64xi32, #tpu.memory_space<vmem>> -> memref<64xi32, #tpu.memory_space<vmem>>
        %dma_wait3A_641 = arith.constant 0 : i32
        %dma_wait3A_642 = arith.constant 0 : i32
        %dma_wait3A_643 = tpu.memref_slice %arg9[%dma_wait3A_641, %dma_wait3A_642] : memref<10112x128xf32, #tpu.memory_space<vmem_shared>> -> memref<10112x128xf32, #tpu.memory_space<vmem_shared>>
        tpu.wait_indirect_dma semaphore(%arg10 : memref<!tpu.dma_semaphore, #tpu.memory_space<semaphore_mem>>) src(%arg7 : memref<64x128xf32, #tpu.memory_space<vmem>>) dst(%dma_wait3A_643 : memref<10112x128xf32, #tpu.memory_space<vmem_shared>>)
        %dma_wait3A_644 = arith.constant 0 : i32
        %dma_wait3A_645 = arith.constant 0 : i32
        %dma_wait3A_646 = tpu.memref_slice %arg6[%dma_wait3A_644, %dma_wait3A_645] : memref<32x64xi32, #tpu.memory_space<vmem>> -> memref<1x64xi32, #tpu.memory_space<vmem>>
        %dma_wait3A_647 = tpu.memref_squeeze %dma_wait3A_646 : memref<1x64xi32, #tpu.memory_space<vmem>> -> memref<64xi32, #tpu.memory_space<vmem>>
        %dma_wait3A_648 = arith.constant 0 : i32
        %dma_wait3A_649 = arith.constant 0 : i32
        %dma_wait3A_650 = tpu.memref_slice %arg9[%dma_wait3A_648, %dma_wait3A_649] : memref<10112x128xf32, #tpu.memory_space<vmem_shared>> -> memref<10112x128xf32, #tpu.memory_space<vmem_shared>>
        tpu.wait_indirect_dma semaphore(%arg10 : memref<!tpu.dma_semaphore, #tpu.memory_space<semaphore_mem>>) src(%arg7 : memref<64x128xf32, #tpu.memory_space<vmem>>) dst(%dma_wait3A_650 : memref<10112x128xf32, #tpu.memory_space<vmem_shared>>)
        %dma_wait3A_651 = arith.constant 0 : i32
        %dma_wait3A_652 = arith.constant 0 : i32
        %dma_wait3A_653 = tpu.memref_slice %arg6[%dma_wait3A_651, %dma_wait3A_652] : memref<32x64xi32, #tpu.memory_space<vmem>> -> memref<1x64xi32, #tpu.memory_space<vmem>>
        %dma_wait3A_654 = tpu.memref_squeeze %dma_wait3A_653 : memref<1x64xi32, #tpu.memory_space<vmem>> -> memref<64xi32, #tpu.memory_space<vmem>>
        %dma_wait3A_655 = arith.constant 0 : i32
        %dma_wait3A_656 = arith.constant 0 : i32
        %dma_wait3A_657 = tpu.memref_slice %arg9[%dma_wait3A_655, %dma_wait3A_656] : memref<10112x128xf32, #tpu.memory_space<vmem_shared>> -> memref<10112x128xf32, #tpu.memory_space<vmem_shared>>
        tpu.wait_indirect_dma semaphore(%arg10 : memref<!tpu.dma_semaphore, #tpu.memory_space<semaphore_mem>>) src(%arg7 : memref<64x128xf32, #tpu.memory_space<vmem>>) dst(%dma_wait3A_657 : memref<10112x128xf32, #tpu.memory_space<vmem_shared>>)
        %dma_wait3A_658 = arith.constant 0 : i32
        %dma_wait3A_659 = arith.constant 0 : i32
        %dma_wait3A_660 = tpu.memref_slice %arg6[%dma_wait3A_658, %dma_wait3A_659] : memref<32x64xi32, #tpu.memory_space<vmem>> -> memref<1x64xi32, #tpu.memory_space<vmem>>
        %dma_wait3A_661 = tpu.memref_squeeze %dma_wait3A_660 : memref<1x64xi32, #tpu.memory_space<vmem>> -> memref<64xi32, #tpu.memory_space<vmem>>
        %dma_wait3A_662 = arith.constant 0 : i32
        %dma_wait3A_663 = arith.constant 0 : i32
        %dma_wait3A_664 = tpu.memref_slice %arg9[%dma_wait3A_662, %dma_wait3A_663] : memref<10112x128xf32, #tpu.memory_space<vmem_shared>> -> memref<10112x128xf32, #tpu.memory_space<vmem_shared>>
        tpu.wait_indirect_dma semaphore(%arg10 : memref<!tpu.dma_semaphore, #tpu.memory_space<semaphore_mem>>) src(%arg7 : memref<64x128xf32, #tpu.memory_space<vmem>>) dst(%dma_wait3A_664 : memref<10112x128xf32, #tpu.memory_space<vmem_shared>>)
        %dma_wait3A_665 = arith.constant 0 : i32
        %dma_wait3A_666 = arith.constant 0 : i32
        %dma_wait3A_667 = tpu.memref_slice %arg6[%dma_wait3A_665, %dma_wait3A_666] : memref<32x64xi32, #tpu.memory_space<vmem>> -> memref<1x64xi32, #tpu.memory_space<vmem>>
        %dma_wait3A_668 = tpu.memref_squeeze %dma_wait3A_667 : memref<1x64xi32, #tpu.memory_space<vmem>> -> memref<64xi32, #tpu.memory_space<vmem>>
        %dma_wait3A_669 = arith.constant 0 : i32
        %dma_wait3A_670 = arith.constant 0 : i32
        %dma_wait3A_671 = tpu.memref_slice %arg9[%dma_wait3A_669, %dma_wait3A_670] : memref<10112x128xf32, #tpu.memory_space<vmem_shared>> -> memref<10112x128xf32, #tpu.memory_space<vmem_shared>>
        tpu.wait_indirect_dma semaphore(%arg10 : memref<!tpu.dma_semaphore, #tpu.memory_space<semaphore_mem>>) src(%arg7 : memref<64x128xf32, #tpu.memory_space<vmem>>) dst(%dma_wait3A_671 : memref<10112x128xf32, #tpu.memory_space<vmem_shared>>)
        %dma_wait3A_672 = arith.constant 0 : i32
        %dma_wait3A_673 = arith.constant 0 : i32
        %dma_wait3A_674 = tpu.memref_slice %arg6[%dma_wait3A_672, %dma_wait3A_673] : memref<32x64xi32, #tpu.memory_space<vmem>> -> memref<1x64xi32, #tpu.memory_space<vmem>>
        %dma_wait3A_675 = tpu.memref_squeeze %dma_wait3A_674 : memref<1x64xi32, #tpu.memory_space<vmem>> -> memref<64xi32, #tpu.memory_space<vmem>>
        %dma_wait3A_676 = arith.constant 0 : i32
        %dma_wait3A_677 = arith.constant 0 : i32
        %dma_wait3A_678 = tpu.memref_slice %arg9[%dma_wait3A_676, %dma_wait3A_677] : memref<10112x128xf32, #tpu.memory_space<vmem_shared>> -> memref<10112x128xf32, #tpu.memory_space<vmem_shared>>
        tpu.wait_indirect_dma semaphore(%arg10 : memref<!tpu.dma_semaphore, #tpu.memory_space<semaphore_mem>>) src(%arg7 : memref<64x128xf32, #tpu.memory_space<vmem>>) dst(%dma_wait3A_678 : memref<10112x128xf32, #tpu.memory_space<vmem_shared>>)
        %dma_wait3A_679 = arith.constant 0 : i32
        %dma_wait3A_680 = arith.constant 0 : i32
        %dma_wait3A_681 = tpu.memref_slice %arg6[%dma_wait3A_679, %dma_wait3A_680] : memref<32x64xi32, #tpu.memory_space<vmem>> -> memref<1x64xi32, #tpu.memory_space<vmem>>
        %dma_wait3A_682 = tpu.memref_squeeze %dma_wait3A_681 : memref<1x64xi32, #tpu.memory_space<vmem>> -> memref<64xi32, #tpu.memory_space<vmem>>
        %dma_wait3A_683 = arith.constant 0 : i32
        %dma_wait3A_684 = arith.constant 0 : i32
        %dma_wait3A_685 = tpu.memref_slice %arg9[%dma_wait3A_683, %dma_wait3A_684] : memref<10112x128xf32, #tpu.memory_space<vmem_shared>> -> memref<10112x128xf32, #tpu.memory_space<vmem_shared>>
        tpu.wait_indirect_dma semaphore(%arg10 : memref<!tpu.dma_semaphore, #tpu.memory_space<semaphore_mem>>) src(%arg7 : memref<64x128xf32, #tpu.memory_space<vmem>>) dst(%dma_wait3A_685 : memref<10112x128xf32, #tpu.memory_space<vmem_shared>>)
        %dma_wait3A_686 = arith.constant 0 : i32
        %dma_wait3A_687 = arith.constant 0 : i32
        %dma_wait3A_688 = tpu.memref_slice %arg6[%dma_wait3A_686, %dma_wait3A_687] : memref<32x64xi32, #tpu.memory_space<vmem>> -> memref<1x64xi32, #tpu.memory_space<vmem>>
        %dma_wait3A_689 = tpu.memref_squeeze %dma_wait3A_688 : memref<1x64xi32, #tpu.memory_space<vmem>> -> memref<64xi32, #tpu.memory_space<vmem>>
        %dma_wait3A_690 = arith.constant 0 : i32
        %dma_wait3A_691 = arith.constant 0 : i32
        %dma_wait3A_692 = tpu.memref_slice %arg9[%dma_wait3A_690, %dma_wait3A_691] : memref<10112x128xf32, #tpu.memory_space<vmem_shared>> -> memref<10112x128xf32, #tpu.memory_space<vmem_shared>>
        tpu.wait_indirect_dma semaphore(%arg10 : memref<!tpu.dma_semaphore, #tpu.memory_space<semaphore_mem>>) src(%arg7 : memref<64x128xf32, #tpu.memory_space<vmem>>) dst(%dma_wait3A_692 : memref<10112x128xf32, #tpu.memory_space<vmem_shared>>)
      }
      %scan3A_555 = arith.constant 4 : i32
    }
    %scan3A_242 = arith.constant 5 : i32
    %barrier3A_243 = arith.constant 0 : index
    tpu.barrier barrier_id(%barrier3A_243)
    %add3A_244 = arith.constant 0 : i32
    %add3A_245 = arith.addi %mul3A_0, %add3A_244 : i32
    "tpu.region"() ({
      %run_scoped3A = tpu.sem_alloc : memref<!tpu.dma_semaphore, #tpu.memory_space<semaphore_mem>>
      %dma_start3A_544 = arith.constant 0 : i32
      %dma_start3A_545 = arith.constant 0 : i32
      %dma_start3A_546 = tpu.memref_slice %arg7[%dma_start3A_544, %dma_start3A_545] : memref<64x128xf32, #tpu.memory_space<vmem>> -> memref<64x128xf32, #tpu.memory_space<vmem>>
      %dma_start3A_547 = arith.constant 0 : i32
      %dma_start3A_548 = tpu.memref_slice %arg9[%add3A_245, %dma_start3A_547] : memref<10112x128xf32, #tpu.memory_space<vmem_shared>> -> memref<64x128xf32, #tpu.memory_space<vmem_shared>>
      %dma_start3A_549 = arith.constant 0 : i32
      %dma_start3A_550 = arith.constant 0 : i32
      %dma_start3A_551 = tpu.memref_slice %arg7[%dma_start3A_549, %dma_start3A_550] : memref<64x128xf32, #tpu.memory_space<vmem>> -> memref<64x128xf32, #tpu.memory_space<vmem>>
      %dma_start3A_552 = arith.constant 0 : i32
      %dma_start3A_553 = tpu.memref_slice %arg9[%add3A_245, %dma_start3A_552] : memref<10112x128xf32, #tpu.memory_space<vmem_shared>> -> memref<64x128xf32, #tpu.memory_space<vmem_shared>>
      tpu.enqueue_dma source(%dma_start3A_553 : memref<64x128xf32, #tpu.memory_space<vmem_shared>>) target(%dma_start3A_551 : memref<64x128xf32, #tpu.memory_space<vmem>>) target_semaphore(%run_scoped3A : memref<!tpu.dma_semaphore, #tpu.memory_space<semaphore_mem>>)
      %dma_wait3A_554 = arith.constant 0 : i32
      %dma_wait3A_555 = arith.constant 0 : i32
      %dma_wait3A_556 = tpu.memref_slice %arg7[%dma_wait3A_554, %dma_wait3A_555] : memref<64x128xf32, #tpu.memory_space<vmem>> -> memref<64x128xf32, #tpu.memory_space<vmem>>
      %dma_wait3A_557 = arith.constant 0 : i32
      %dma_wait3A_558 = tpu.memref_slice %arg9[%add3A_245, %dma_wait3A_557] : memref<10112x128xf32, #tpu.memory_space<vmem_shared>> -> memref<64x128xf32, #tpu.memory_space<vmem_shared>>
      %dma_wait3A_559 = arith.constant 0 : i32
      %dma_wait3A_560 = arith.constant 0 : i32
      %dma_wait3A_561 = tpu.memref_slice %arg7[%dma_wait3A_559, %dma_wait3A_560] : memref<64x128xf32, #tpu.memory_space<vmem>> -> memref<64x128xf32, #tpu.memory_space<vmem>>
      %dma_wait3A_562 = arith.constant 0 : i32
      %dma_wait3A_563 = tpu.memref_slice %arg9[%add3A_245, %dma_wait3A_562] : memref<10112x128xf32, #tpu.memory_space<vmem_shared>> -> memref<64x128xf32, #tpu.memory_space<vmem_shared>>
      tpu.wait_dma2 semaphore(%run_scoped3A : memref<!tpu.dma_semaphore, #tpu.memory_space<semaphore_mem>>) src(%dma_wait3A_563 : memref<64x128xf32, #tpu.memory_space<vmem_shared>>) dst(%dma_wait3A_561 : memref<64x128xf32, #tpu.memory_space<vmem>>)
      tpu.yield
    }) : () -> ()
    %add3A_246 = arith.constant 0 : i32
    %add3A_247 = arith.addi %mul3A_0, %add3A_246 : i32
    %dma_start3A_248 = arith.constant 0 : i32
    %dma_start3A_249 = arith.constant 0 : i32
    %dma_start3A_250 = tpu.memref_slice %arg7[%dma_start3A_248, %dma_start3A_249] : memref<64x128xf32, #tpu.memory_space<vmem>> -> memref<64x128xf32, #tpu.memory_space<vmem>>
    %dma_start3A_251 = arith.constant 0 : i32
    %dma_start3A_252 = tpu.memref_slice %arg5[%arg0, %add3A_247, %dma_start3A_251] : memref<2x10112x128xf32, #tpu.memory_space<hbm>> -> memref<1x64x128xf32, #tpu.memory_space<hbm>>
    %dma_start3A_253 = tpu.memref_squeeze %dma_start3A_252 : memref<1x64x128xf32, #tpu.memory_space<hbm>> -> memref<64x128xf32, #tpu.memory_space<hbm>>
    %dma_start3A_254 = arith.constant 0 : i32
    %dma_start3A_255 = tpu.memref_slice %arg5[%arg0, %add3A_247, %dma_start3A_254] : memref<2x10112x128xf32, #tpu.memory_space<hbm>> -> memref<1x64x128xf32, #tpu.memory_space<hbm>>
    %dma_start3A_256 = tpu.memref_squeeze %dma_start3A_255 : memref<1x64x128xf32, #tpu.memory_space<hbm>> -> memref<64x128xf32, #tpu.memory_space<hbm>>
    %dma_start3A_257 = arith.constant 0 : i32
    %dma_start3A_258 = arith.constant 0 : i32
    %dma_start3A_259 = tpu.memref_slice %arg7[%dma_start3A_257, %dma_start3A_258] : memref<64x128xf32, #tpu.memory_space<vmem>> -> memref<64x128xf32, #tpu.memory_space<vmem>>
    tpu.enqueue_dma source(%dma_start3A_259 : memref<64x128xf32, #tpu.memory_space<vmem>>) target(%dma_start3A_256 : memref<64x128xf32, #tpu.memory_space<hbm>>) target_semaphore(%arg10 : memref<!tpu.dma_semaphore, #tpu.memory_space<semaphore_mem>>)
    %add3A_260 = arith.constant 64 : i32
    %add3A_261 = arith.addi %mul3A_0, %add3A_260 : i32
    "tpu.region"() ({
      %run_scoped3A = tpu.sem_alloc : memref<!tpu.dma_semaphore, #tpu.memory_space<semaphore_mem>>
      %dma_start3A_544 = arith.constant 0 : i32
      %dma_start3A_545 = arith.constant 0 : i32
      %dma_start3A_546 = tpu.memref_slice %arg8[%dma_start3A_544, %dma_start3A_545] : memref<64x128xf32, #tpu.memory_space<vmem>> -> memref<64x128xf32, #tpu.memory_space<vmem>>
      %dma_start3A_547 = arith.constant 0 : i32
      %dma_start3A_548 = tpu.memref_slice %arg9[%add3A_261, %dma_start3A_547] : memref<10112x128xf32, #tpu.memory_space<vmem_shared>> -> memref<64x128xf32, #tpu.memory_space<vmem_shared>>
      %dma_start3A_549 = arith.constant 0 : i32
      %dma_start3A_550 = arith.constant 0 : i32
      %dma_start3A_551 = tpu.memref_slice %arg8[%dma_start3A_549, %dma_start3A_550] : memref<64x128xf32, #tpu.memory_space<vmem>> -> memref<64x128xf32, #tpu.memory_space<vmem>>
      %dma_start3A_552 = arith.constant 0 : i32
      %dma_start3A_553 = tpu.memref_slice %arg9[%add3A_261, %dma_start3A_552] : memref<10112x128xf32, #tpu.memory_space<vmem_shared>> -> memref<64x128xf32, #tpu.memory_space<vmem_shared>>
      tpu.enqueue_dma source(%dma_start3A_553 : memref<64x128xf32, #tpu.memory_space<vmem_shared>>) target(%dma_start3A_551 : memref<64x128xf32, #tpu.memory_space<vmem>>) target_semaphore(%run_scoped3A : memref<!tpu.dma_semaphore, #tpu.memory_space<semaphore_mem>>)
      %dma_wait3A_554 = arith.constant 0 : i32
      %dma_wait3A_555 = arith.constant 0 : i32
      %dma_wait3A_556 = tpu.memref_slice %arg8[%dma_wait3A_554, %dma_wait3A_555] : memref<64x128xf32, #tpu.memory_space<vmem>> -> memref<64x128xf32, #tpu.memory_space<vmem>>
      %dma_wait3A_557 = arith.constant 0 : i32
      %dma_wait3A_558 = tpu.memref_slice %arg9[%add3A_261, %dma_wait3A_557] : memref<10112x128xf32, #tpu.memory_space<vmem_shared>> -> memref<64x128xf32, #tpu.memory_space<vmem_shared>>
      %dma_wait3A_559 = arith.constant 0 : i32
      %dma_wait3A_560 = arith.constant 0 : i32
      %dma_wait3A_561 = tpu.memref_slice %arg8[%dma_wait3A_559, %dma_wait3A_560] : memref<64x128xf32, #tpu.memory_space<vmem>> -> memref<64x128xf32, #tpu.memory_space<vmem>>
      %dma_wait3A_562 = arith.constant 0 : i32
      %dma_wait3A_563 = tpu.memref_slice %arg9[%add3A_261, %dma_wait3A_562] : memref<10112x128xf32, #tpu.memory_space<vmem_shared>> -> memref<64x128xf32, #tpu.memory_space<vmem_shared>>
      tpu.wait_dma2 semaphore(%run_scoped3A : memref<!tpu.dma_semaphore, #tpu.memory_space<semaphore_mem>>) src(%dma_wait3A_563 : memref<64x128xf32, #tpu.memory_space<vmem_shared>>) dst(%dma_wait3A_561 : memref<64x128xf32, #tpu.memory_space<vmem>>)
      tpu.yield
    }) : () -> ()
    %add3A_262 = arith.constant 64 : i32
    %add3A_263 = arith.addi %mul3A_0, %add3A_262 : i32
    %dma_start3A_264 = arith.constant 0 : i32
    %dma_start3A_265 = arith.constant 0 : i32
    %dma_start3A_266 = tpu.memref_slice %arg8[%dma_start3A_264, %dma_start3A_265] : memref<64x128xf32, #tpu.memory_space<vmem>> -> memref<64x128xf32, #tpu.memory_space<vmem>>
    %dma_start3A_267 = arith.constant 0 : i32
    %dma_start3A_268 = tpu.memref_slice %arg5[%arg0, %add3A_263, %dma_start3A_267] : memref<2x10112x128xf32, #tpu.memory_space<hbm>> -> memref<1x64x128xf32, #tpu.memory_space<hbm>>
    %dma_start3A_269 = tpu.memref_squeeze %dma_start3A_268 : memref<1x64x128xf32, #tpu.memory_space<hbm>> -> memref<64x128xf32, #tpu.memory_space<hbm>>
    %dma_start3A_270 = arith.constant 0 : i32
    %dma_start3A_271 = tpu.memref_slice %arg5[%arg0, %add3A_263, %dma_start3A_270] : memref<2x10112x128xf32, #tpu.memory_space<hbm>> -> memref<1x64x128xf32, #tpu.memory_space<hbm>>
    %dma_start3A_272 = tpu.memref_squeeze %dma_start3A_271 : memref<1x64x128xf32, #tpu.memory_space<hbm>> -> memref<64x128xf32, #tpu.memory_space<hbm>>
    %dma_start3A_273 = arith.constant 0 : i32
    %dma_start3A_274 = arith.constant 0 : i32
    %dma_start3A_275 = tpu.memref_slice %arg8[%dma_start3A_273, %dma_start3A_274] : memref<64x128xf32, #tpu.memory_space<vmem>> -> memref<64x128xf32, #tpu.memory_space<vmem>>
    tpu.enqueue_dma source(%dma_start3A_275 : memref<64x128xf32, #tpu.memory_space<vmem>>) target(%dma_start3A_272 : memref<64x128xf32, #tpu.memory_space<hbm>>) target_semaphore(%arg11 : memref<!tpu.dma_semaphore, #tpu.memory_space<semaphore_mem>>)
    %add3A_276 = arith.constant 0 : i32
    %add3A_277 = arith.addi %mul3A_0, %add3A_276 : i32
    %dma_wait3A_278 = arith.constant 0 : i32
    %dma_wait3A_279 = arith.constant 0 : i32
    %dma_wait3A_280 = tpu.memref_slice %arg7[%dma_wait3A_278, %dma_wait3A_279] : memref<64x128xf32, #tpu.memory_space<vmem>> -> memref<64x128xf32, #tpu.memory_space<vmem>>
    %dma_wait3A_281 = arith.constant 0 : i32
    %dma_wait3A_282 = tpu.memref_slice %arg5[%arg0, %add3A_277, %dma_wait3A_281] : memref<2x10112x128xf32, #tpu.memory_space<hbm>> -> memref<1x64x128xf32, #tpu.memory_space<hbm>>
    %dma_wait3A_283 = tpu.memref_squeeze %dma_wait3A_282 : memref<1x64x128xf32, #tpu.memory_space<hbm>> -> memref<64x128xf32, #tpu.memory_space<hbm>>
    %dma_wait3A_284 = arith.constant 0 : i32
    %dma_wait3A_285 = tpu.memref_slice %arg5[%arg0, %add3A_277, %dma_wait3A_284] : memref<2x10112x128xf32, #tpu.memory_space<hbm>> -> memref<1x64x128xf32, #tpu.memory_space<hbm>>
    %dma_wait3A_286 = tpu.memref_squeeze %dma_wait3A_285 : memref<1x64x128xf32, #tpu.memory_space<hbm>> -> memref<64x128xf32, #tpu.memory_space<hbm>>
    %dma_wait3A_287 = arith.constant 0 : i32
    %dma_wait3A_288 = arith.constant 0 : i32
    %dma_wait3A_289 = tpu.memref_slice %arg7[%dma_wait3A_287, %dma_wait3A_288] : memref<64x128xf32, #tpu.memory_space<vmem>> -> memref<64x128xf32, #tpu.memory_space<vmem>>
    tpu.wait_dma2 semaphore(%arg10 : memref<!tpu.dma_semaphore, #tpu.memory_space<semaphore_mem>>) src(%dma_wait3A_289 : memref<64x128xf32, #tpu.memory_space<vmem>>) dst(%dma_wait3A_286 : memref<64x128xf32, #tpu.memory_space<hbm>>)
    %add3A_290 = arith.constant 128 : i32
    %add3A_291 = arith.addi %mul3A_0, %add3A_290 : i32
    "tpu.region"() ({
      %run_scoped3A = tpu.sem_alloc : memref<!tpu.dma_semaphore, #tpu.memory_space<semaphore_mem>>
      %dma_start3A_544 = arith.constant 0 : i32
      %dma_start3A_545 = arith.constant 0 : i32
      %dma_start3A_546 = tpu.memref_slice %arg7[%dma_start3A_544, %dma_start3A_545] : memref<64x128xf32, #tpu.memory_space<vmem>> -> memref<64x128xf32, #tpu.memory_space<vmem>>
      %dma_start3A_547 = arith.constant 0 : i32
      %dma_start3A_548 = tpu.memref_slice %arg9[%add3A_291, %dma_start3A_547] : memref<10112x128xf32, #tpu.memory_space<vmem_shared>> -> memref<64x128xf32, #tpu.memory_space<vmem_shared>>
      %dma_start3A_549 = arith.constant 0 : i32
      %dma_start3A_550 = arith.constant 0 : i32
      %dma_start3A_551 = tpu.memref_slice %arg7[%dma_start3A_549, %dma_start3A_550] : memref<64x128xf32, #tpu.memory_space<vmem>> -> memref<64x128xf32, #tpu.memory_space<vmem>>
      %dma_start3A_552 = arith.constant 0 : i32
      %dma_start3A_553 = tpu.memref_slice %arg9[%add3A_291, %dma_start3A_552] : memref<10112x128xf32, #tpu.memory_space<vmem_shared>> -> memref<64x128xf32, #tpu.memory_space<vmem_shared>>
      tpu.enqueue_dma source(%dma_start3A_553 : memref<64x128xf32, #tpu.memory_space<vmem_shared>>) target(%dma_start3A_551 : memref<64x128xf32, #tpu.memory_space<vmem>>) target_semaphore(%run_scoped3A : memref<!tpu.dma_semaphore, #tpu.memory_space<semaphore_mem>>)
      %dma_wait3A_554 = arith.constant 0 : i32
      %dma_wait3A_555 = arith.constant 0 : i32
      %dma_wait3A_556 = tpu.memref_slice %arg7[%dma_wait3A_554, %dma_wait3A_555] : memref<64x128xf32, #tpu.memory_space<vmem>> -> memref<64x128xf32, #tpu.memory_space<vmem>>
      %dma_wait3A_557 = arith.constant 0 : i32
      %dma_wait3A_558 = tpu.memref_slice %arg9[%add3A_291, %dma_wait3A_557] : memref<10112x128xf32, #tpu.memory_space<vmem_shared>> -> memref<64x128xf32, #tpu.memory_space<vmem_shared>>
      %dma_wait3A_559 = arith.constant 0 : i32
      %dma_wait3A_560 = arith.constant 0 : i32
      %dma_wait3A_561 = tpu.memref_slice %arg7[%dma_wait3A_559, %dma_wait3A_560] : memref<64x128xf32, #tpu.memory_space<vmem>> -> memref<64x128xf32, #tpu.memory_space<vmem>>
      %dma_wait3A_562 = arith.constant 0 : i32
      %dma_wait3A_563 = tpu.memref_slice %arg9[%add3A_291, %dma_wait3A_562] : memref<10112x128xf32, #tpu.memory_space<vmem_shared>> -> memref<64x128xf32, #tpu.memory_space<vmem_shared>>
      tpu.wait_dma2 semaphore(%run_scoped3A : memref<!tpu.dma_semaphore, #tpu.memory_space<semaphore_mem>>) src(%dma_wait3A_563 : memref<64x128xf32, #tpu.memory_space<vmem_shared>>) dst(%dma_wait3A_561 : memref<64x128xf32, #tpu.memory_space<vmem>>)
      tpu.yield
    }) : () -> ()
    %add3A_292 = arith.constant 128 : i32
    %add3A_293 = arith.addi %mul3A_0, %add3A_292 : i32
    %dma_start3A_294 = arith.constant 0 : i32
    %dma_start3A_295 = arith.constant 0 : i32
    %dma_start3A_296 = tpu.memref_slice %arg7[%dma_start3A_294, %dma_start3A_295] : memref<64x128xf32, #tpu.memory_space<vmem>> -> memref<64x128xf32, #tpu.memory_space<vmem>>
    %dma_start3A_297 = arith.constant 0 : i32
    %dma_start3A_298 = tpu.memref_slice %arg5[%arg0, %add3A_293, %dma_start3A_297] : memref<2x10112x128xf32, #tpu.memory_space<hbm>> -> memref<1x64x128xf32, #tpu.memory_space<hbm>>
    %dma_start3A_299 = tpu.memref_squeeze %dma_start3A_298 : memref<1x64x128xf32, #tpu.memory_space<hbm>> -> memref<64x128xf32, #tpu.memory_space<hbm>>
    %dma_start3A_300 = arith.constant 0 : i32
    %dma_start3A_301 = tpu.memref_slice %arg5[%arg0, %add3A_293, %dma_start3A_300] : memref<2x10112x128xf32, #tpu.memory_space<hbm>> -> memref<1x64x128xf32, #tpu.memory_space<hbm>>
    %dma_start3A_302 = tpu.memref_squeeze %dma_start3A_301 : memref<1x64x128xf32, #tpu.memory_space<hbm>> -> memref<64x128xf32, #tpu.memory_space<hbm>>
    %dma_start3A_303 = arith.constant 0 : i32
    %dma_start3A_304 = arith.constant 0 : i32
    %dma_start3A_305 = tpu.memref_slice %arg7[%dma_start3A_303, %dma_start3A_304] : memref<64x128xf32, #tpu.memory_space<vmem>> -> memref<64x128xf32, #tpu.memory_space<vmem>>
    tpu.enqueue_dma source(%dma_start3A_305 : memref<64x128xf32, #tpu.memory_space<vmem>>) target(%dma_start3A_302 : memref<64x128xf32, #tpu.memory_space<hbm>>) target_semaphore(%arg10 : memref<!tpu.dma_semaphore, #tpu.memory_space<semaphore_mem>>)
    %add3A_306 = arith.constant 64 : i32
    %add3A_307 = arith.addi %mul3A_0, %add3A_306 : i32
    %dma_wait3A_308 = arith.constant 0 : i32
    %dma_wait3A_309 = arith.constant 0 : i32
    %dma_wait3A_310 = tpu.memref_slice %arg8[%dma_wait3A_308, %dma_wait3A_309] : memref<64x128xf32, #tpu.memory_space<vmem>> -> memref<64x128xf32, #tpu.memory_space<vmem>>
    %dma_wait3A_311 = arith.constant 0 : i32
    %dma_wait3A_312 = tpu.memref_slice %arg5[%arg0, %add3A_307, %dma_wait3A_311] : memref<2x10112x128xf32, #tpu.memory_space<hbm>> -> memref<1x64x128xf32, #tpu.memory_space<hbm>>
    %dma_wait3A_313 = tpu.memref_squeeze %dma_wait3A_312 : memref<1x64x128xf32, #tpu.memory_space<hbm>> -> memref<64x128xf32, #tpu.memory_space<hbm>>
    %dma_wait3A_314 = arith.constant 0 : i32
    %dma_wait3A_315 = tpu.memref_slice %arg5[%arg0, %add3A_307, %dma_wait3A_314] : memref<2x10112x128xf32, #tpu.memory_space<hbm>> -> memref<1x64x128xf32, #tpu.memory_space<hbm>>
    %dma_wait3A_316 = tpu.memref_squeeze %dma_wait3A_315 : memref<1x64x128xf32, #tpu.memory_space<hbm>> -> memref<64x128xf32, #tpu.memory_space<hbm>>
    %dma_wait3A_317 = arith.constant 0 : i32
    %dma_wait3A_318 = arith.constant 0 : i32
    %dma_wait3A_319 = tpu.memref_slice %arg8[%dma_wait3A_317, %dma_wait3A_318] : memref<64x128xf32, #tpu.memory_space<vmem>> -> memref<64x128xf32, #tpu.memory_space<vmem>>
    tpu.wait_dma2 semaphore(%arg11 : memref<!tpu.dma_semaphore, #tpu.memory_space<semaphore_mem>>) src(%dma_wait3A_319 : memref<64x128xf32, #tpu.memory_space<vmem>>) dst(%dma_wait3A_316 : memref<64x128xf32, #tpu.memory_space<hbm>>)
    %add3A_320 = arith.constant 192 : i32
    %add3A_321 = arith.addi %mul3A_0, %add3A_320 : i32
    "tpu.region"() ({
      %run_scoped3A = tpu.sem_alloc : memref<!tpu.dma_semaphore, #tpu.memory_space<semaphore_mem>>
      %dma_start3A_544 = arith.constant 0 : i32
      %dma_start3A_545 = arith.constant 0 : i32
      %dma_start3A_546 = tpu.memref_slice %arg8[%dma_start3A_544, %dma_start3A_545] : memref<64x128xf32, #tpu.memory_space<vmem>> -> memref<64x128xf32, #tpu.memory_space<vmem>>
      %dma_start3A_547 = arith.constant 0 : i32
      %dma_start3A_548 = tpu.memref_slice %arg9[%add3A_321, %dma_start3A_547] : memref<10112x128xf32, #tpu.memory_space<vmem_shared>> -> memref<64x128xf32, #tpu.memory_space<vmem_shared>>
      %dma_start3A_549 = arith.constant 0 : i32
      %dma_start3A_550 = arith.constant 0 : i32
      %dma_start3A_551 = tpu.memref_slice %arg8[%dma_start3A_549, %dma_start3A_550] : memref<64x128xf32, #tpu.memory_space<vmem>> -> memref<64x128xf32, #tpu.memory_space<vmem>>
      %dma_start3A_552 = arith.constant 0 : i32
      %dma_start3A_553 = tpu.memref_slice %arg9[%add3A_321, %dma_start3A_552] : memref<10112x128xf32, #tpu.memory_space<vmem_shared>> -> memref<64x128xf32, #tpu.memory_space<vmem_shared>>
      tpu.enqueue_dma source(%dma_start3A_553 : memref<64x128xf32, #tpu.memory_space<vmem_shared>>) target(%dma_start3A_551 : memref<64x128xf32, #tpu.memory_space<vmem>>) target_semaphore(%run_scoped3A : memref<!tpu.dma_semaphore, #tpu.memory_space<semaphore_mem>>)
      %dma_wait3A_554 = arith.constant 0 : i32
      %dma_wait3A_555 = arith.constant 0 : i32
      %dma_wait3A_556 = tpu.memref_slice %arg8[%dma_wait3A_554, %dma_wait3A_555] : memref<64x128xf32, #tpu.memory_space<vmem>> -> memref<64x128xf32, #tpu.memory_space<vmem>>
      %dma_wait3A_557 = arith.constant 0 : i32
      %dma_wait3A_558 = tpu.memref_slice %arg9[%add3A_321, %dma_wait3A_557] : memref<10112x128xf32, #tpu.memory_space<vmem_shared>> -> memref<64x128xf32, #tpu.memory_space<vmem_shared>>
      %dma_wait3A_559 = arith.constant 0 : i32
      %dma_wait3A_560 = arith.constant 0 : i32
      %dma_wait3A_561 = tpu.memref_slice %arg8[%dma_wait3A_559, %dma_wait3A_560] : memref<64x128xf32, #tpu.memory_space<vmem>> -> memref<64x128xf32, #tpu.memory_space<vmem>>
      %dma_wait3A_562 = arith.constant 0 : i32
      %dma_wait3A_563 = tpu.memref_slice %arg9[%add3A_321, %dma_wait3A_562] : memref<10112x128xf32, #tpu.memory_space<vmem_shared>> -> memref<64x128xf32, #tpu.memory_space<vmem_shared>>
      tpu.wait_dma2 semaphore(%run_scoped3A : memref<!tpu.dma_semaphore, #tpu.memory_space<semaphore_mem>>) src(%dma_wait3A_563 : memref<64x128xf32, #tpu.memory_space<vmem_shared>>) dst(%dma_wait3A_561 : memref<64x128xf32, #tpu.memory_space<vmem>>)
      tpu.yield
    }) : () -> ()
    %add3A_322 = arith.constant 192 : i32
    %add3A_323 = arith.addi %mul3A_0, %add3A_322 : i32
    %dma_start3A_324 = arith.constant 0 : i32
    %dma_start3A_325 = arith.constant 0 : i32
    %dma_start3A_326 = tpu.memref_slice %arg8[%dma_start3A_324, %dma_start3A_325] : memref<64x128xf32, #tpu.memory_space<vmem>> -> memref<64x128xf32, #tpu.memory_space<vmem>>
    %dma_start3A_327 = arith.constant 0 : i32
    %dma_start3A_328 = tpu.memref_slice %arg5[%arg0, %add3A_323, %dma_start3A_327] : memref<2x10112x128xf32, #tpu.memory_space<hbm>> -> memref<1x64x128xf32, #tpu.memory_space<hbm>>
    %dma_start3A_329 = tpu.memref_squeeze %dma_start3A_328 : memref<1x64x128xf32, #tpu.memory_space<hbm>> -> memref<64x128xf32, #tpu.memory_space<hbm>>
    %dma_start3A_330 = arith.constant 0 : i32
    %dma_start3A_331 = tpu.memref_slice %arg5[%arg0, %add3A_323, %dma_start3A_330] : memref<2x10112x128xf32, #tpu.memory_space<hbm>> -> memref<1x64x128xf32, #tpu.memory_space<hbm>>
    %dma_start3A_332 = tpu.memref_squeeze %dma_start3A_331 : memref<1x64x128xf32, #tpu.memory_space<hbm>> -> memref<64x128xf32, #tpu.memory_space<hbm>>
    %dma_start3A_333 = arith.constant 0 : i32
    %dma_start3A_334 = arith.constant 0 : i32
    %dma_start3A_335 = tpu.memref_slice %arg8[%dma_start3A_333, %dma_start3A_334] : memref<64x128xf32, #tpu.memory_space<vmem>> -> memref<64x128xf32, #tpu.memory_space<vmem>>
    tpu.enqueue_dma source(%dma_start3A_335 : memref<64x128xf32, #tpu.memory_space<vmem>>) target(%dma_start3A_332 : memref<64x128xf32, #tpu.memory_space<hbm>>) target_semaphore(%arg11 : memref<!tpu.dma_semaphore, #tpu.memory_space<semaphore_mem>>)
    %add3A_336 = arith.constant 128 : i32
    %add3A_337 = arith.addi %mul3A_0, %add3A_336 : i32
    %dma_wait3A_338 = arith.constant 0 : i32
    %dma_wait3A_339 = arith.constant 0 : i32
    %dma_wait3A_340 = tpu.memref_slice %arg7[%dma_wait3A_338, %dma_wait3A_339] : memref<64x128xf32, #tpu.memory_space<vmem>> -> memref<64x128xf32, #tpu.memory_space<vmem>>
    %dma_wait3A_341 = arith.constant 0 : i32
    %dma_wait3A_342 = tpu.memref_slice %arg5[%arg0, %add3A_337, %dma_wait3A_341] : memref<2x10112x128xf32, #tpu.memory_space<hbm>> -> memref<1x64x128xf32, #tpu.memory_space<hbm>>
    %dma_wait3A_343 = tpu.memref_squeeze %dma_wait3A_342 : memref<1x64x128xf32, #tpu.memory_space<hbm>> -> memref<64x128xf32, #tpu.memory_space<hbm>>
    %dma_wait3A_344 = arith.constant 0 : i32
    %dma_wait3A_345 = tpu.memref_slice %arg5[%arg0, %add3A_337, %dma_wait3A_344] : memref<2x10112x128xf32, #tpu.memory_space<hbm>> -> memref<1x64x128xf32, #tpu.memory_space<hbm>>
    %dma_wait3A_346 = tpu.memref_squeeze %dma_wait3A_345 : memref<1x64x128xf32, #tpu.memory_space<hbm>> -> memref<64x128xf32, #tpu.memory_space<hbm>>
    %dma_wait3A_347 = arith.constant 0 : i32
    %dma_wait3A_348 = arith.constant 0 : i32
    %dma_wait3A_349 = tpu.memref_slice %arg7[%dma_wait3A_347, %dma_wait3A_348] : memref<64x128xf32, #tpu.memory_space<vmem>> -> memref<64x128xf32, #tpu.memory_space<vmem>>
    tpu.wait_dma2 semaphore(%arg10 : memref<!tpu.dma_semaphore, #tpu.memory_space<semaphore_mem>>) src(%dma_wait3A_349 : memref<64x128xf32, #tpu.memory_space<vmem>>) dst(%dma_wait3A_346 : memref<64x128xf32, #tpu.memory_space<hbm>>)
    %add3A_350 = arith.constant 256 : i32
    %add3A_351 = arith.addi %mul3A_0, %add3A_350 : i32
    "tpu.region"() ({
      %run_scoped3A = tpu.sem_alloc : memref<!tpu.dma_semaphore, #tpu.memory_space<semaphore_mem>>
      %dma_start3A_544 = arith.constant 0 : i32
      %dma_start3A_545 = arith.constant 0 : i32
      %dma_start3A_546 = tpu.memref_slice %arg7[%dma_start3A_544, %dma_start3A_545] : memref<64x128xf32, #tpu.memory_space<vmem>> -> memref<64x128xf32, #tpu.memory_space<vmem>>
      %dma_start3A_547 = arith.constant 0 : i32
      %dma_start3A_548 = tpu.memref_slice %arg9[%add3A_351, %dma_start3A_547] : memref<10112x128xf32, #tpu.memory_space<vmem_shared>> -> memref<64x128xf32, #tpu.memory_space<vmem_shared>>
      %dma_start3A_549 = arith.constant 0 : i32
      %dma_start3A_550 = arith.constant 0 : i32
      %dma_start3A_551 = tpu.memref_slice %arg7[%dma_start3A_549, %dma_start3A_550] : memref<64x128xf32, #tpu.memory_space<vmem>> -> memref<64x128xf32, #tpu.memory_space<vmem>>
      %dma_start3A_552 = arith.constant 0 : i32
      %dma_start3A_553 = tpu.memref_slice %arg9[%add3A_351, %dma_start3A_552] : memref<10112x128xf32, #tpu.memory_space<vmem_shared>> -> memref<64x128xf32, #tpu.memory_space<vmem_shared>>
      tpu.enqueue_dma source(%dma_start3A_553 : memref<64x128xf32, #tpu.memory_space<vmem_shared>>) target(%dma_start3A_551 : memref<64x128xf32, #tpu.memory_space<vmem>>) target_semaphore(%run_scoped3A : memref<!tpu.dma_semaphore, #tpu.memory_space<semaphore_mem>>)
      %dma_wait3A_554 = arith.constant 0 : i32
      %dma_wait3A_555 = arith.constant 0 : i32
      %dma_wait3A_556 = tpu.memref_slice %arg7[%dma_wait3A_554, %dma_wait3A_555] : memref<64x128xf32, #tpu.memory_space<vmem>> -> memref<64x128xf32, #tpu.memory_space<vmem>>
      %dma_wait3A_557 = arith.constant 0 : i32
      %dma_wait3A_558 = tpu.memref_slice %arg9[%add3A_351, %dma_wait3A_557] : memref<10112x128xf32, #tpu.memory_space<vmem_shared>> -> memref<64x128xf32, #tpu.memory_space<vmem_shared>>
      %dma_wait3A_559 = arith.constant 0 : i32
      %dma_wait3A_560 = arith.constant 0 : i32
      %dma_wait3A_561 = tpu.memref_slice %arg7[%dma_wait3A_559, %dma_wait3A_560] : memref<64x128xf32, #tpu.memory_space<vmem>> -> memref<64x128xf32, #tpu.memory_space<vmem>>
      %dma_wait3A_562 = arith.constant 0 : i32
      %dma_wait3A_563 = tpu.memref_slice %arg9[%add3A_351, %dma_wait3A_562] : memref<10112x128xf32, #tpu.memory_space<vmem_shared>> -> memref<64x128xf32, #tpu.memory_space<vmem_shared>>
      tpu.wait_dma2 semaphore(%run_scoped3A : memref<!tpu.dma_semaphore, #tpu.memory_space<semaphore_mem>>) src(%dma_wait3A_563 : memref<64x128xf32, #tpu.memory_space<vmem_shared>>) dst(%dma_wait3A_561 : memref<64x128xf32, #tpu.memory_space<vmem>>)
      tpu.yield
    }) : () -> ()
    %add3A_352 = arith.constant 256 : i32
    %add3A_353 = arith.addi %mul3A_0, %add3A_352 : i32
    %dma_start3A_354 = arith.constant 0 : i32
    %dma_start3A_355 = arith.constant 0 : i32
    %dma_start3A_356 = tpu.memref_slice %arg7[%dma_start3A_354, %dma_start3A_355] : memref<64x128xf32, #tpu.memory_space<vmem>> -> memref<64x128xf32, #tpu.memory_space<vmem>>
    %dma_start3A_357 = arith.constant 0 : i32
    %dma_start3A_358 = tpu.memref_slice %arg5[%arg0, %add3A_353, %dma_start3A_357] : memref<2x10112x128xf32, #tpu.memory_space<hbm>> -> memref<1x64x128xf32, #tpu.memory_space<hbm>>
    %dma_start3A_359 = tpu.memref_squeeze %dma_start3A_358 : memref<1x64x128xf32, #tpu.memory_space<hbm>> -> memref<64x128xf32, #tpu.memory_space<hbm>>
    %dma_start3A_360 = arith.constant 0 : i32
    %dma_start3A_361 = tpu.memref_slice %arg5[%arg0, %add3A_353, %dma_start3A_360] : memref<2x10112x128xf32, #tpu.memory_space<hbm>> -> memref<1x64x128xf32, #tpu.memory_space<hbm>>
    %dma_start3A_362 = tpu.memref_squeeze %dma_start3A_361 : memref<1x64x128xf32, #tpu.memory_space<hbm>> -> memref<64x128xf32, #tpu.memory_space<hbm>>
    %dma_start3A_363 = arith.constant 0 : i32
    %dma_start3A_364 = arith.constant 0 : i32
    %dma_start3A_365 = tpu.memref_slice %arg7[%dma_start3A_363, %dma_start3A_364] : memref<64x128xf32, #tpu.memory_space<vmem>> -> memref<64x128xf32, #tpu.memory_space<vmem>>
    tpu.enqueue_dma source(%dma_start3A_365 : memref<64x128xf32, #tpu.memory_space<vmem>>) target(%dma_start3A_362 : memref<64x128xf32, #tpu.memory_space<hbm>>) target_semaphore(%arg10 : memref<!tpu.dma_semaphore, #tpu.memory_space<semaphore_mem>>)
    %add3A_366 = arith.constant 192 : i32
    %add3A_367 = arith.addi %mul3A_0, %add3A_366 : i32
    %dma_wait3A_368 = arith.constant 0 : i32
    %dma_wait3A_369 = arith.constant 0 : i32
    %dma_wait3A_370 = tpu.memref_slice %arg8[%dma_wait3A_368, %dma_wait3A_369] : memref<64x128xf32, #tpu.memory_space<vmem>> -> memref<64x128xf32, #tpu.memory_space<vmem>>
    %dma_wait3A_371 = arith.constant 0 : i32
    %dma_wait3A_372 = tpu.memref_slice %arg5[%arg0, %add3A_367, %dma_wait3A_371] : memref<2x10112x128xf32, #tpu.memory_space<hbm>> -> memref<1x64x128xf32, #tpu.memory_space<hbm>>
    %dma_wait3A_373 = tpu.memref_squeeze %dma_wait3A_372 : memref<1x64x128xf32, #tpu.memory_space<hbm>> -> memref<64x128xf32, #tpu.memory_space<hbm>>
    %dma_wait3A_374 = arith.constant 0 : i32
    %dma_wait3A_375 = tpu.memref_slice %arg5[%arg0, %add3A_367, %dma_wait3A_374] : memref<2x10112x128xf32, #tpu.memory_space<hbm>> -> memref<1x64x128xf32, #tpu.memory_space<hbm>>
    %dma_wait3A_376 = tpu.memref_squeeze %dma_wait3A_375 : memref<1x64x128xf32, #tpu.memory_space<hbm>> -> memref<64x128xf32, #tpu.memory_space<hbm>>
    %dma_wait3A_377 = arith.constant 0 : i32
    %dma_wait3A_378 = arith.constant 0 : i32
    %dma_wait3A_379 = tpu.memref_slice %arg8[%dma_wait3A_377, %dma_wait3A_378] : memref<64x128xf32, #tpu.memory_space<vmem>> -> memref<64x128xf32, #tpu.memory_space<vmem>>
    tpu.wait_dma2 semaphore(%arg11 : memref<!tpu.dma_semaphore, #tpu.memory_space<semaphore_mem>>) src(%dma_wait3A_379 : memref<64x128xf32, #tpu.memory_space<vmem>>) dst(%dma_wait3A_376 : memref<64x128xf32, #tpu.memory_space<hbm>>)
    %add3A_380 = arith.constant 320 : i32
    %add3A_381 = arith.addi %mul3A_0, %add3A_380 : i32
    "tpu.region"() ({
      %run_scoped3A = tpu.sem_alloc : memref<!tpu.dma_semaphore, #tpu.memory_space<semaphore_mem>>
      %dma_start3A_544 = arith.constant 0 : i32
      %dma_start3A_545 = arith.constant 0 : i32
      %dma_start3A_546 = tpu.memref_slice %arg8[%dma_start3A_544, %dma_start3A_545] : memref<64x128xf32, #tpu.memory_space<vmem>> -> memref<64x128xf32, #tpu.memory_space<vmem>>
      %dma_start3A_547 = arith.constant 0 : i32
      %dma_start3A_548 = tpu.memref_slice %arg9[%add3A_381, %dma_start3A_547] : memref<10112x128xf32, #tpu.memory_space<vmem_shared>> -> memref<64x128xf32, #tpu.memory_space<vmem_shared>>
      %dma_start3A_549 = arith.constant 0 : i32
      %dma_start3A_550 = arith.constant 0 : i32
      %dma_start3A_551 = tpu.memref_slice %arg8[%dma_start3A_549, %dma_start3A_550] : memref<64x128xf32, #tpu.memory_space<vmem>> -> memref<64x128xf32, #tpu.memory_space<vmem>>
      %dma_start3A_552 = arith.constant 0 : i32
      %dma_start3A_553 = tpu.memref_slice %arg9[%add3A_381, %dma_start3A_552] : memref<10112x128xf32, #tpu.memory_space<vmem_shared>> -> memref<64x128xf32, #tpu.memory_space<vmem_shared>>
      tpu.enqueue_dma source(%dma_start3A_553 : memref<64x128xf32, #tpu.memory_space<vmem_shared>>) target(%dma_start3A_551 : memref<64x128xf32, #tpu.memory_space<vmem>>) target_semaphore(%run_scoped3A : memref<!tpu.dma_semaphore, #tpu.memory_space<semaphore_mem>>)
      %dma_wait3A_554 = arith.constant 0 : i32
      %dma_wait3A_555 = arith.constant 0 : i32
      %dma_wait3A_556 = tpu.memref_slice %arg8[%dma_wait3A_554, %dma_wait3A_555] : memref<64x128xf32, #tpu.memory_space<vmem>> -> memref<64x128xf32, #tpu.memory_space<vmem>>
      %dma_wait3A_557 = arith.constant 0 : i32
      %dma_wait3A_558 = tpu.memref_slice %arg9[%add3A_381, %dma_wait3A_557] : memref<10112x128xf32, #tpu.memory_space<vmem_shared>> -> memref<64x128xf32, #tpu.memory_space<vmem_shared>>
      %dma_wait3A_559 = arith.constant 0 : i32
      %dma_wait3A_560 = arith.constant 0 : i32
      %dma_wait3A_561 = tpu.memref_slice %arg8[%dma_wait3A_559, %dma_wait3A_560] : memref<64x128xf32, #tpu.memory_space<vmem>> -> memref<64x128xf32, #tpu.memory_space<vmem>>
      %dma_wait3A_562 = arith.constant 0 : i32
      %dma_wait3A_563 = tpu.memref_slice %arg9[%add3A_381, %dma_wait3A_562] : memref<10112x128xf32, #tpu.memory_space<vmem_shared>> -> memref<64x128xf32, #tpu.memory_space<vmem_shared>>
      tpu.wait_dma2 semaphore(%run_scoped3A : memref<!tpu.dma_semaphore, #tpu.memory_space<semaphore_mem>>) src(%dma_wait3A_563 : memref<64x128xf32, #tpu.memory_space<vmem_shared>>) dst(%dma_wait3A_561 : memref<64x128xf32, #tpu.memory_space<vmem>>)
      tpu.yield
    }) : () -> ()
    %add3A_382 = arith.constant 320 : i32
    %add3A_383 = arith.addi %mul3A_0, %add3A_382 : i32
    %dma_start3A_384 = arith.constant 0 : i32
    %dma_start3A_385 = arith.constant 0 : i32
    %dma_start3A_386 = tpu.memref_slice %arg8[%dma_start3A_384, %dma_start3A_385] : memref<64x128xf32, #tpu.memory_space<vmem>> -> memref<64x128xf32, #tpu.memory_space<vmem>>
    %dma_start3A_387 = arith.constant 0 : i32
    %dma_start3A_388 = tpu.memref_slice %arg5[%arg0, %add3A_383, %dma_start3A_387] : memref<2x10112x128xf32, #tpu.memory_space<hbm>> -> memref<1x64x128xf32, #tpu.memory_space<hbm>>
    %dma_start3A_389 = tpu.memref_squeeze %dma_start3A_388 : memref<1x64x128xf32, #tpu.memory_space<hbm>> -> memref<64x128xf32, #tpu.memory_space<hbm>>
    %dma_start3A_390 = arith.constant 0 : i32
    %dma_start3A_391 = tpu.memref_slice %arg5[%arg0, %add3A_383, %dma_start3A_390] : memref<2x10112x128xf32, #tpu.memory_space<hbm>> -> memref<1x64x128xf32, #tpu.memory_space<hbm>>
    %dma_start3A_392 = tpu.memref_squeeze %dma_start3A_391 : memref<1x64x128xf32, #tpu.memory_space<hbm>> -> memref<64x128xf32, #tpu.memory_space<hbm>>
    %dma_start3A_393 = arith.constant 0 : i32
    %dma_start3A_394 = arith.constant 0 : i32
    %dma_start3A_395 = tpu.memref_slice %arg8[%dma_start3A_393, %dma_start3A_394] : memref<64x128xf32, #tpu.memory_space<vmem>> -> memref<64x128xf32, #tpu.memory_space<vmem>>
    tpu.enqueue_dma source(%dma_start3A_395 : memref<64x128xf32, #tpu.memory_space<vmem>>) target(%dma_start3A_392 : memref<64x128xf32, #tpu.memory_space<hbm>>) target_semaphore(%arg11 : memref<!tpu.dma_semaphore, #tpu.memory_space<semaphore_mem>>)
    %add3A_396 = arith.constant 256 : i32
    %add3A_397 = arith.addi %mul3A_0, %add3A_396 : i32
    %dma_wait3A_398 = arith.constant 0 : i32
    %dma_wait3A_399 = arith.constant 0 : i32
    %dma_wait3A_400 = tpu.memref_slice %arg7[%dma_wait3A_398, %dma_wait3A_399] : memref<64x128xf32, #tpu.memory_space<vmem>> -> memref<64x128xf32, #tpu.memory_space<vmem>>
    %dma_wait3A_401 = arith.constant 0 : i32
    %dma_wait3A_402 = tpu.memref_slice %arg5[%arg0, %add3A_397, %dma_wait3A_401] : memref<2x10112x128xf32, #tpu.memory_space<hbm>> -> memref<1x64x128xf32, #tpu.memory_space<hbm>>
    %dma_wait3A_403 = tpu.memref_squeeze %dma_wait3A_402 : memref<1x64x128xf32, #tpu.memory_space<hbm>> -> memref<64x128xf32, #tpu.memory_space<hbm>>
    %dma_wait3A_404 = arith.constant 0 : i32
    %dma_wait3A_405 = tpu.memref_slice %arg5[%arg0, %add3A_397, %dma_wait3A_404] : memref<2x10112x128xf32, #tpu.memory_space<hbm>> -> memref<1x64x128xf32, #tpu.memory_space<hbm>>
    %dma_wait3A_406 = tpu.memref_squeeze %dma_wait3A_405 : memref<1x64x128xf32, #tpu.memory_space<hbm>> -> memref<64x128xf32, #tpu.memory_space<hbm>>
    %dma_wait3A_407 = arith.constant 0 : i32
    %dma_wait3A_408 = arith.constant 0 : i32
    %dma_wait3A_409 = tpu.memref_slice %arg7[%dma_wait3A_407, %dma_wait3A_408] : memref<64x128xf32, #tpu.memory_space<vmem>> -> memref<64x128xf32, #tpu.memory_space<vmem>>
    tpu.wait_dma2 semaphore(%arg10 : memref<!tpu.dma_semaphore, #tpu.memory_space<semaphore_mem>>) src(%dma_wait3A_409 : memref<64x128xf32, #tpu.memory_space<vmem>>) dst(%dma_wait3A_406 : memref<64x128xf32, #tpu.memory_space<hbm>>)
    %add3A_410 = arith.constant 384 : i32
    %add3A_411 = arith.addi %mul3A_0, %add3A_410 : i32
    "tpu.region"() ({
      %run_scoped3A = tpu.sem_alloc : memref<!tpu.dma_semaphore, #tpu.memory_space<semaphore_mem>>
      %dma_start3A_544 = arith.constant 0 : i32
      %dma_start3A_545 = arith.constant 0 : i32
      %dma_start3A_546 = tpu.memref_slice %arg7[%dma_start3A_544, %dma_start3A_545] : memref<64x128xf32, #tpu.memory_space<vmem>> -> memref<64x128xf32, #tpu.memory_space<vmem>>
      %dma_start3A_547 = arith.constant 0 : i32
      %dma_start3A_548 = tpu.memref_slice %arg9[%add3A_411, %dma_start3A_547] : memref<10112x128xf32, #tpu.memory_space<vmem_shared>> -> memref<64x128xf32, #tpu.memory_space<vmem_shared>>
      %dma_start3A_549 = arith.constant 0 : i32
      %dma_start3A_550 = arith.constant 0 : i32
      %dma_start3A_551 = tpu.memref_slice %arg7[%dma_start3A_549, %dma_start3A_550] : memref<64x128xf32, #tpu.memory_space<vmem>> -> memref<64x128xf32, #tpu.memory_space<vmem>>
      %dma_start3A_552 = arith.constant 0 : i32
      %dma_start3A_553 = tpu.memref_slice %arg9[%add3A_411, %dma_start3A_552] : memref<10112x128xf32, #tpu.memory_space<vmem_shared>> -> memref<64x128xf32, #tpu.memory_space<vmem_shared>>
      tpu.enqueue_dma source(%dma_start3A_553 : memref<64x128xf32, #tpu.memory_space<vmem_shared>>) target(%dma_start3A_551 : memref<64x128xf32, #tpu.memory_space<vmem>>) target_semaphore(%run_scoped3A : memref<!tpu.dma_semaphore, #tpu.memory_space<semaphore_mem>>)
      %dma_wait3A_554 = arith.constant 0 : i32
      %dma_wait3A_555 = arith.constant 0 : i32
      %dma_wait3A_556 = tpu.memref_slice %arg7[%dma_wait3A_554, %dma_wait3A_555] : memref<64x128xf32, #tpu.memory_space<vmem>> -> memref<64x128xf32, #tpu.memory_space<vmem>>
      %dma_wait3A_557 = arith.constant 0 : i32
      %dma_wait3A_558 = tpu.memref_slice %arg9[%add3A_411, %dma_wait3A_557] : memref<10112x128xf32, #tpu.memory_space<vmem_shared>> -> memref<64x128xf32, #tpu.memory_space<vmem_shared>>
      %dma_wait3A_559 = arith.constant 0 : i32
      %dma_wait3A_560 = arith.constant 0 : i32
      %dma_wait3A_561 = tpu.memref_slice %arg7[%dma_wait3A_559, %dma_wait3A_560] : memref<64x128xf32, #tpu.memory_space<vmem>> -> memref<64x128xf32, #tpu.memory_space<vmem>>
      %dma_wait3A_562 = arith.constant 0 : i32
      %dma_wait3A_563 = tpu.memref_slice %arg9[%add3A_411, %dma_wait3A_562] : memref<10112x128xf32, #tpu.memory_space<vmem_shared>> -> memref<64x128xf32, #tpu.memory_space<vmem_shared>>
      tpu.wait_dma2 semaphore(%run_scoped3A : memref<!tpu.dma_semaphore, #tpu.memory_space<semaphore_mem>>) src(%dma_wait3A_563 : memref<64x128xf32, #tpu.memory_space<vmem_shared>>) dst(%dma_wait3A_561 : memref<64x128xf32, #tpu.memory_space<vmem>>)
      tpu.yield
    }) : () -> ()
    %add3A_412 = arith.constant 384 : i32
    %add3A_413 = arith.addi %mul3A_0, %add3A_412 : i32
    %dma_start3A_414 = arith.constant 0 : i32
    %dma_start3A_415 = arith.constant 0 : i32
    %dma_start3A_416 = tpu.memref_slice %arg7[%dma_start3A_414, %dma_start3A_415] : memref<64x128xf32, #tpu.memory_space<vmem>> -> memref<64x128xf32, #tpu.memory_space<vmem>>
    %dma_start3A_417 = arith.constant 0 : i32
    %dma_start3A_418 = tpu.memref_slice %arg5[%arg0, %add3A_413, %dma_start3A_417] : memref<2x10112x128xf32, #tpu.memory_space<hbm>> -> memref<1x64x128xf32, #tpu.memory_space<hbm>>
    %dma_start3A_419 = tpu.memref_squeeze %dma_start3A_418 : memref<1x64x128xf32, #tpu.memory_space<hbm>> -> memref<64x128xf32, #tpu.memory_space<hbm>>
    %dma_start3A_420 = arith.constant 0 : i32
    %dma_start3A_421 = tpu.memref_slice %arg5[%arg0, %add3A_413, %dma_start3A_420] : memref<2x10112x128xf32, #tpu.memory_space<hbm>> -> memref<1x64x128xf32, #tpu.memory_space<hbm>>
    %dma_start3A_422 = tpu.memref_squeeze %dma_start3A_421 : memref<1x64x128xf32, #tpu.memory_space<hbm>> -> memref<64x128xf32, #tpu.memory_space<hbm>>
    %dma_start3A_423 = arith.constant 0 : i32
    %dma_start3A_424 = arith.constant 0 : i32
    %dma_start3A_425 = tpu.memref_slice %arg7[%dma_start3A_423, %dma_start3A_424] : memref<64x128xf32, #tpu.memory_space<vmem>> -> memref<64x128xf32, #tpu.memory_space<vmem>>
    tpu.enqueue_dma source(%dma_start3A_425 : memref<64x128xf32, #tpu.memory_space<vmem>>) target(%dma_start3A_422 : memref<64x128xf32, #tpu.memory_space<hbm>>) target_semaphore(%arg10 : memref<!tpu.dma_semaphore, #tpu.memory_space<semaphore_mem>>)
    %add3A_426 = arith.constant 320 : i32
    %add3A_427 = arith.addi %mul3A_0, %add3A_426 : i32
    %dma_wait3A_428 = arith.constant 0 : i32
    %dma_wait3A_429 = arith.constant 0 : i32
    %dma_wait3A_430 = tpu.memref_slice %arg8[%dma_wait3A_428, %dma_wait3A_429] : memref<64x128xf32, #tpu.memory_space<vmem>> -> memref<64x128xf32, #tpu.memory_space<vmem>>
    %dma_wait3A_431 = arith.constant 0 : i32
    %dma_wait3A_432 = tpu.memref_slice %arg5[%arg0, %add3A_427, %dma_wait3A_431] : memref<2x10112x128xf32, #tpu.memory_space<hbm>> -> memref<1x64x128xf32, #tpu.memory_space<hbm>>
    %dma_wait3A_433 = tpu.memref_squeeze %dma_wait3A_432 : memref<1x64x128xf32, #tpu.memory_space<hbm>> -> memref<64x128xf32, #tpu.memory_space<hbm>>
    %dma_wait3A_434 = arith.constant 0 : i32
    %dma_wait3A_435 = tpu.memref_slice %arg5[%arg0, %add3A_427, %dma_wait3A_434] : memref<2x10112x128xf32, #tpu.memory_space<hbm>> -> memref<1x64x128xf32, #tpu.memory_space<hbm>>
    %dma_wait3A_436 = tpu.memref_squeeze %dma_wait3A_435 : memref<1x64x128xf32, #tpu.memory_space<hbm>> -> memref<64x128xf32, #tpu.memory_space<hbm>>
    %dma_wait3A_437 = arith.constant 0 : i32
    %dma_wait3A_438 = arith.constant 0 : i32
    %dma_wait3A_439 = tpu.memref_slice %arg8[%dma_wait3A_437, %dma_wait3A_438] : memref<64x128xf32, #tpu.memory_space<vmem>> -> memref<64x128xf32, #tpu.memory_space<vmem>>
    tpu.wait_dma2 semaphore(%arg11 : memref<!tpu.dma_semaphore, #tpu.memory_space<semaphore_mem>>) src(%dma_wait3A_439 : memref<64x128xf32, #tpu.memory_space<vmem>>) dst(%dma_wait3A_436 : memref<64x128xf32, #tpu.memory_space<hbm>>)
    %add3A_440 = arith.constant 448 : i32
    %add3A_441 = arith.addi %mul3A_0, %add3A_440 : i32
    "tpu.region"() ({
      %run_scoped3A = tpu.sem_alloc : memref<!tpu.dma_semaphore, #tpu.memory_space<semaphore_mem>>
      %dma_start3A_544 = arith.constant 0 : i32
      %dma_start3A_545 = arith.constant 0 : i32
      %dma_start3A_546 = tpu.memref_slice %arg8[%dma_start3A_544, %dma_start3A_545] : memref<64x128xf32, #tpu.memory_space<vmem>> -> memref<64x128xf32, #tpu.memory_space<vmem>>
      %dma_start3A_547 = arith.constant 0 : i32
      %dma_start3A_548 = tpu.memref_slice %arg9[%add3A_441, %dma_start3A_547] : memref<10112x128xf32, #tpu.memory_space<vmem_shared>> -> memref<64x128xf32, #tpu.memory_space<vmem_shared>>
      %dma_start3A_549 = arith.constant 0 : i32
      %dma_start3A_550 = arith.constant 0 : i32
      %dma_start3A_551 = tpu.memref_slice %arg8[%dma_start3A_549, %dma_start3A_550] : memref<64x128xf32, #tpu.memory_space<vmem>> -> memref<64x128xf32, #tpu.memory_space<vmem>>
      %dma_start3A_552 = arith.constant 0 : i32
      %dma_start3A_553 = tpu.memref_slice %arg9[%add3A_441, %dma_start3A_552] : memref<10112x128xf32, #tpu.memory_space<vmem_shared>> -> memref<64x128xf32, #tpu.memory_space<vmem_shared>>
      tpu.enqueue_dma source(%dma_start3A_553 : memref<64x128xf32, #tpu.memory_space<vmem_shared>>) target(%dma_start3A_551 : memref<64x128xf32, #tpu.memory_space<vmem>>) target_semaphore(%run_scoped3A : memref<!tpu.dma_semaphore, #tpu.memory_space<semaphore_mem>>)
      %dma_wait3A_554 = arith.constant 0 : i32
      %dma_wait3A_555 = arith.constant 0 : i32
      %dma_wait3A_556 = tpu.memref_slice %arg8[%dma_wait3A_554, %dma_wait3A_555] : memref<64x128xf32, #tpu.memory_space<vmem>> -> memref<64x128xf32, #tpu.memory_space<vmem>>
      %dma_wait3A_557 = arith.constant 0 : i32
      %dma_wait3A_558 = tpu.memref_slice %arg9[%add3A_441, %dma_wait3A_557] : memref<10112x128xf32, #tpu.memory_space<vmem_shared>> -> memref<64x128xf32, #tpu.memory_space<vmem_shared>>
      %dma_wait3A_559 = arith.constant 0 : i32
      %dma_wait3A_560 = arith.constant 0 : i32
      %dma_wait3A_561 = tpu.memref_slice %arg8[%dma_wait3A_559, %dma_wait3A_560] : memref<64x128xf32, #tpu.memory_space<vmem>> -> memref<64x128xf32, #tpu.memory_space<vmem>>
      %dma_wait3A_562 = arith.constant 0 : i32
      %dma_wait3A_563 = tpu.memref_slice %arg9[%add3A_441, %dma_wait3A_562] : memref<10112x128xf32, #tpu.memory_space<vmem_shared>> -> memref<64x128xf32, #tpu.memory_space<vmem_shared>>
      tpu.wait_dma2 semaphore(%run_scoped3A : memref<!tpu.dma_semaphore, #tpu.memory_space<semaphore_mem>>) src(%dma_wait3A_563 : memref<64x128xf32, #tpu.memory_space<vmem_shared>>) dst(%dma_wait3A_561 : memref<64x128xf32, #tpu.memory_space<vmem>>)
      tpu.yield
    }) : () -> ()
    %add3A_442 = arith.constant 448 : i32
    %add3A_443 = arith.addi %mul3A_0, %add3A_442 : i32
    %dma_start3A_444 = arith.constant 0 : i32
    %dma_start3A_445 = arith.constant 0 : i32
    %dma_start3A_446 = tpu.memref_slice %arg8[%dma_start3A_444, %dma_start3A_445] : memref<64x128xf32, #tpu.memory_space<vmem>> -> memref<64x128xf32, #tpu.memory_space<vmem>>
    %dma_start3A_447 = arith.constant 0 : i32
    %dma_start3A_448 = tpu.memref_slice %arg5[%arg0, %add3A_443, %dma_start3A_447] : memref<2x10112x128xf32, #tpu.memory_space<hbm>> -> memref<1x64x128xf32, #tpu.memory_space<hbm>>
    %dma_start3A_449 = tpu.memref_squeeze %dma_start3A_448 : memref<1x64x128xf32, #tpu.memory_space<hbm>> -> memref<64x128xf32, #tpu.memory_space<hbm>>
    %dma_start3A_450 = arith.constant 0 : i32
    %dma_start3A_451 = tpu.memref_slice %arg5[%arg0, %add3A_443, %dma_start3A_450] : memref<2x10112x128xf32, #tpu.memory_space<hbm>> -> memref<1x64x128xf32, #tpu.memory_space<hbm>>
    %dma_start3A_452 = tpu.memref_squeeze %dma_start3A_451 : memref<1x64x128xf32, #tpu.memory_space<hbm>> -> memref<64x128xf32, #tpu.memory_space<hbm>>
    %dma_start3A_453 = arith.constant 0 : i32
    %dma_start3A_454 = arith.constant 0 : i32
    %dma_start3A_455 = tpu.memref_slice %arg8[%dma_start3A_453, %dma_start3A_454] : memref<64x128xf32, #tpu.memory_space<vmem>> -> memref<64x128xf32, #tpu.memory_space<vmem>>
    tpu.enqueue_dma source(%dma_start3A_455 : memref<64x128xf32, #tpu.memory_space<vmem>>) target(%dma_start3A_452 : memref<64x128xf32, #tpu.memory_space<hbm>>) target_semaphore(%arg11 : memref<!tpu.dma_semaphore, #tpu.memory_space<semaphore_mem>>)
    %add3A_456 = arith.constant 384 : i32
    %add3A_457 = arith.addi %mul3A_0, %add3A_456 : i32
    %dma_wait3A_458 = arith.constant 0 : i32
    %dma_wait3A_459 = arith.constant 0 : i32
    %dma_wait3A_460 = tpu.memref_slice %arg7[%dma_wait3A_458, %dma_wait3A_459] : memref<64x128xf32, #tpu.memory_space<vmem>> -> memref<64x128xf32, #tpu.memory_space<vmem>>
    %dma_wait3A_461 = arith.constant 0 : i32
    %dma_wait3A_462 = tpu.memref_slice %arg5[%arg0, %add3A_457, %dma_wait3A_461] : memref<2x10112x128xf32, #tpu.memory_space<hbm>> -> memref<1x64x128xf32, #tpu.memory_space<hbm>>
    %dma_wait3A_463 = tpu.memref_squeeze %dma_wait3A_462 : memref<1x64x128xf32, #tpu.memory_space<hbm>> -> memref<64x128xf32, #tpu.memory_space<hbm>>
    %dma_wait3A_464 = arith.constant 0 : i32
    %dma_wait3A_465 = tpu.memref_slice %arg5[%arg0, %add3A_457, %dma_wait3A_464] : memref<2x10112x128xf32, #tpu.memory_space<hbm>> -> memref<1x64x128xf32, #tpu.memory_space<hbm>>
    %dma_wait3A_466 = tpu.memref_squeeze %dma_wait3A_465 : memref<1x64x128xf32, #tpu.memory_space<hbm>> -> memref<64x128xf32, #tpu.memory_space<hbm>>
    %dma_wait3A_467 = arith.constant 0 : i32
    %dma_wait3A_468 = arith.constant 0 : i32
    %dma_wait3A_469 = tpu.memref_slice %arg7[%dma_wait3A_467, %dma_wait3A_468] : memref<64x128xf32, #tpu.memory_space<vmem>> -> memref<64x128xf32, #tpu.memory_space<vmem>>
    tpu.wait_dma2 semaphore(%arg10 : memref<!tpu.dma_semaphore, #tpu.memory_space<semaphore_mem>>) src(%dma_wait3A_469 : memref<64x128xf32, #tpu.memory_space<vmem>>) dst(%dma_wait3A_466 : memref<64x128xf32, #tpu.memory_space<hbm>>)
    %add3A_470 = arith.constant 512 : i32
    %add3A_471 = arith.addi %mul3A_0, %add3A_470 : i32
    "tpu.region"() ({
      %run_scoped3A = tpu.sem_alloc : memref<!tpu.dma_semaphore, #tpu.memory_space<semaphore_mem>>
      %dma_start3A_544 = arith.constant 0 : i32
      %dma_start3A_545 = arith.constant 0 : i32
      %dma_start3A_546 = tpu.memref_slice %arg7[%dma_start3A_544, %dma_start3A_545] : memref<64x128xf32, #tpu.memory_space<vmem>> -> memref<64x128xf32, #tpu.memory_space<vmem>>
      %dma_start3A_547 = arith.constant 0 : i32
      %dma_start3A_548 = tpu.memref_slice %arg9[%add3A_471, %dma_start3A_547] : memref<10112x128xf32, #tpu.memory_space<vmem_shared>> -> memref<64x128xf32, #tpu.memory_space<vmem_shared>>
      %dma_start3A_549 = arith.constant 0 : i32
      %dma_start3A_550 = arith.constant 0 : i32
      %dma_start3A_551 = tpu.memref_slice %arg7[%dma_start3A_549, %dma_start3A_550] : memref<64x128xf32, #tpu.memory_space<vmem>> -> memref<64x128xf32, #tpu.memory_space<vmem>>
      %dma_start3A_552 = arith.constant 0 : i32
      %dma_start3A_553 = tpu.memref_slice %arg9[%add3A_471, %dma_start3A_552] : memref<10112x128xf32, #tpu.memory_space<vmem_shared>> -> memref<64x128xf32, #tpu.memory_space<vmem_shared>>
      tpu.enqueue_dma source(%dma_start3A_553 : memref<64x128xf32, #tpu.memory_space<vmem_shared>>) target(%dma_start3A_551 : memref<64x128xf32, #tpu.memory_space<vmem>>) target_semaphore(%run_scoped3A : memref<!tpu.dma_semaphore, #tpu.memory_space<semaphore_mem>>)
      %dma_wait3A_554 = arith.constant 0 : i32
      %dma_wait3A_555 = arith.constant 0 : i32
      %dma_wait3A_556 = tpu.memref_slice %arg7[%dma_wait3A_554, %dma_wait3A_555] : memref<64x128xf32, #tpu.memory_space<vmem>> -> memref<64x128xf32, #tpu.memory_space<vmem>>
      %dma_wait3A_557 = arith.constant 0 : i32
      %dma_wait3A_558 = tpu.memref_slice %arg9[%add3A_471, %dma_wait3A_557] : memref<10112x128xf32, #tpu.memory_space<vmem_shared>> -> memref<64x128xf32, #tpu.memory_space<vmem_shared>>
      %dma_wait3A_559 = arith.constant 0 : i32
      %dma_wait3A_560 = arith.constant 0 : i32
      %dma_wait3A_561 = tpu.memref_slice %arg7[%dma_wait3A_559, %dma_wait3A_560] : memref<64x128xf32, #tpu.memory_space<vmem>> -> memref<64x128xf32, #tpu.memory_space<vmem>>
      %dma_wait3A_562 = arith.constant 0 : i32
      %dma_wait3A_563 = tpu.memref_slice %arg9[%add3A_471, %dma_wait3A_562] : memref<10112x128xf32, #tpu.memory_space<vmem_shared>> -> memref<64x128xf32, #tpu.memory_space<vmem_shared>>
      tpu.wait_dma2 semaphore(%run_scoped3A : memref<!tpu.dma_semaphore, #tpu.memory_space<semaphore_mem>>) src(%dma_wait3A_563 : memref<64x128xf32, #tpu.memory_space<vmem_shared>>) dst(%dma_wait3A_561 : memref<64x128xf32, #tpu.memory_space<vmem>>)
      tpu.yield
    }) : () -> ()
    %add3A_472 = arith.constant 512 : i32
    %add3A_473 = arith.addi %mul3A_0, %add3A_472 : i32
    %dma_start3A_474 = arith.constant 0 : i32
    %dma_start3A_475 = arith.constant 0 : i32
    %dma_start3A_476 = tpu.memref_slice %arg7[%dma_start3A_474, %dma_start3A_475] : memref<64x128xf32, #tpu.memory_space<vmem>> -> memref<64x128xf32, #tpu.memory_space<vmem>>
    %dma_start3A_477 = arith.constant 0 : i32
    %dma_start3A_478 = tpu.memref_slice %arg5[%arg0, %add3A_473, %dma_start3A_477] : memref<2x10112x128xf32, #tpu.memory_space<hbm>> -> memref<1x64x128xf32, #tpu.memory_space<hbm>>
    %dma_start3A_479 = tpu.memref_squeeze %dma_start3A_478 : memref<1x64x128xf32, #tpu.memory_space<hbm>> -> memref<64x128xf32, #tpu.memory_space<hbm>>
    %dma_start3A_480 = arith.constant 0 : i32
    %dma_start3A_481 = tpu.memref_slice %arg5[%arg0, %add3A_473, %dma_start3A_480] : memref<2x10112x128xf32, #tpu.memory_space<hbm>> -> memref<1x64x128xf32, #tpu.memory_space<hbm>>
    %dma_start3A_482 = tpu.memref_squeeze %dma_start3A_481 : memref<1x64x128xf32, #tpu.memory_space<hbm>> -> memref<64x128xf32, #tpu.memory_space<hbm>>
    %dma_start3A_483 = arith.constant 0 : i32
    %dma_start3A_484 = arith.constant 0 : i32
    %dma_start3A_485 = tpu.memref_slice %arg7[%dma_start3A_483, %dma_start3A_484] : memref<64x128xf32, #tpu.memory_space<vmem>> -> memref<64x128xf32, #tpu.memory_space<vmem>>
    tpu.enqueue_dma source(%dma_start3A_485 : memref<64x128xf32, #tpu.memory_space<vmem>>) target(%dma_start3A_482 : memref<64x128xf32, #tpu.memory_space<hbm>>) target_semaphore(%arg10 : memref<!tpu.dma_semaphore, #tpu.memory_space<semaphore_mem>>)
    %add3A_486 = arith.constant 448 : i32
    %add3A_487 = arith.addi %mul3A_0, %add3A_486 : i32
    %dma_wait3A_488 = arith.constant 0 : i32
    %dma_wait3A_489 = arith.constant 0 : i32
    %dma_wait3A_490 = tpu.memref_slice %arg8[%dma_wait3A_488, %dma_wait3A_489] : memref<64x128xf32, #tpu.memory_space<vmem>> -> memref<64x128xf32, #tpu.memory_space<vmem>>
    %dma_wait3A_491 = arith.constant 0 : i32
    %dma_wait3A_492 = tpu.memref_slice %arg5[%arg0, %add3A_487, %dma_wait3A_491] : memref<2x10112x128xf32, #tpu.memory_space<hbm>> -> memref<1x64x128xf32, #tpu.memory_space<hbm>>
    %dma_wait3A_493 = tpu.memref_squeeze %dma_wait3A_492 : memref<1x64x128xf32, #tpu.memory_space<hbm>> -> memref<64x128xf32, #tpu.memory_space<hbm>>
    %dma_wait3A_494 = arith.constant 0 : i32
    %dma_wait3A_495 = tpu.memref_slice %arg5[%arg0, %add3A_487, %dma_wait3A_494] : memref<2x10112x128xf32, #tpu.memory_space<hbm>> -> memref<1x64x128xf32, #tpu.memory_space<hbm>>
    %dma_wait3A_496 = tpu.memref_squeeze %dma_wait3A_495 : memref<1x64x128xf32, #tpu.memory_space<hbm>> -> memref<64x128xf32, #tpu.memory_space<hbm>>
    %dma_wait3A_497 = arith.constant 0 : i32
    %dma_wait3A_498 = arith.constant 0 : i32
    %dma_wait3A_499 = tpu.memref_slice %arg8[%dma_wait3A_497, %dma_wait3A_498] : memref<64x128xf32, #tpu.memory_space<vmem>> -> memref<64x128xf32, #tpu.memory_space<vmem>>
    tpu.wait_dma2 semaphore(%arg11 : memref<!tpu.dma_semaphore, #tpu.memory_space<semaphore_mem>>) src(%dma_wait3A_499 : memref<64x128xf32, #tpu.memory_space<vmem>>) dst(%dma_wait3A_496 : memref<64x128xf32, #tpu.memory_space<hbm>>)
    %add3A_500 = arith.constant 576 : i32
    %add3A_501 = arith.addi %mul3A_0, %add3A_500 : i32
    "tpu.region"() ({
      %run_scoped3A = tpu.sem_alloc : memref<!tpu.dma_semaphore, #tpu.memory_space<semaphore_mem>>
      %dma_start3A_544 = arith.constant 0 : i32
      %dma_start3A_545 = arith.constant 0 : i32
      %dma_start3A_546 = tpu.memref_slice %arg8[%dma_start3A_544, %dma_start3A_545] : memref<64x128xf32, #tpu.memory_space<vmem>> -> memref<56x128xf32, #tpu.memory_space<vmem>>
      %dma_start3A_547 = arith.constant 0 : i32
      %dma_start3A_548 = tpu.memref_slice %arg9[%add3A_501, %dma_start3A_547] : memref<10112x128xf32, #tpu.memory_space<vmem_shared>> -> memref<56x128xf32, #tpu.memory_space<vmem_shared>>
      %dma_start3A_549 = arith.constant 0 : i32
      %dma_start3A_550 = arith.constant 0 : i32
      %dma_start3A_551 = tpu.memref_slice %arg8[%dma_start3A_549, %dma_start3A_550] : memref<64x128xf32, #tpu.memory_space<vmem>> -> memref<56x128xf32, #tpu.memory_space<vmem>>
      %dma_start3A_552 = arith.constant 0 : i32
      %dma_start3A_553 = tpu.memref_slice %arg9[%add3A_501, %dma_start3A_552] : memref<10112x128xf32, #tpu.memory_space<vmem_shared>> -> memref<56x128xf32, #tpu.memory_space<vmem_shared>>
      tpu.enqueue_dma source(%dma_start3A_553 : memref<56x128xf32, #tpu.memory_space<vmem_shared>>) target(%dma_start3A_551 : memref<56x128xf32, #tpu.memory_space<vmem>>) target_semaphore(%run_scoped3A : memref<!tpu.dma_semaphore, #tpu.memory_space<semaphore_mem>>)
      %dma_wait3A_554 = arith.constant 0 : i32
      %dma_wait3A_555 = arith.constant 0 : i32
      %dma_wait3A_556 = tpu.memref_slice %arg8[%dma_wait3A_554, %dma_wait3A_555] : memref<64x128xf32, #tpu.memory_space<vmem>> -> memref<56x128xf32, #tpu.memory_space<vmem>>
      %dma_wait3A_557 = arith.constant 0 : i32
      %dma_wait3A_558 = tpu.memref_slice %arg9[%add3A_501, %dma_wait3A_557] : memref<10112x128xf32, #tpu.memory_space<vmem_shared>> -> memref<56x128xf32, #tpu.memory_space<vmem_shared>>
      %dma_wait3A_559 = arith.constant 0 : i32
      %dma_wait3A_560 = arith.constant 0 : i32
      %dma_wait3A_561 = tpu.memref_slice %arg8[%dma_wait3A_559, %dma_wait3A_560] : memref<64x128xf32, #tpu.memory_space<vmem>> -> memref<56x128xf32, #tpu.memory_space<vmem>>
      %dma_wait3A_562 = arith.constant 0 : i32
      %dma_wait3A_563 = tpu.memref_slice %arg9[%add3A_501, %dma_wait3A_562] : memref<10112x128xf32, #tpu.memory_space<vmem_shared>> -> memref<56x128xf32, #tpu.memory_space<vmem_shared>>
      tpu.wait_dma2 semaphore(%run_scoped3A : memref<!tpu.dma_semaphore, #tpu.memory_space<semaphore_mem>>) src(%dma_wait3A_563 : memref<56x128xf32, #tpu.memory_space<vmem_shared>>) dst(%dma_wait3A_561 : memref<56x128xf32, #tpu.memory_space<vmem>>)
      tpu.yield
    }) : () -> ()
    %add3A_502 = arith.constant 576 : i32
    %add3A_503 = arith.addi %mul3A_0, %add3A_502 : i32
    %dma_start3A_504 = arith.constant 0 : i32
    %dma_start3A_505 = arith.constant 0 : i32
    %dma_start3A_506 = tpu.memref_slice %arg8[%dma_start3A_504, %dma_start3A_505] : memref<64x128xf32, #tpu.memory_space<vmem>> -> memref<56x128xf32, #tpu.memory_space<vmem>>
    %dma_start3A_507 = arith.constant 0 : i32
    %dma_start3A_508 = tpu.memref_slice %arg5[%arg0, %add3A_503, %dma_start3A_507] : memref<2x10112x128xf32, #tpu.memory_space<hbm>> -> memref<1x56x128xf32, #tpu.memory_space<hbm>>
    %dma_start3A_509 = tpu.memref_squeeze %dma_start3A_508 : memref<1x56x128xf32, #tpu.memory_space<hbm>> -> memref<56x128xf32, #tpu.memory_space<hbm>>
    %dma_start3A_510 = arith.constant 0 : i32
    %dma_start3A_511 = tpu.memref_slice %arg5[%arg0, %add3A_503, %dma_start3A_510] : memref<2x10112x128xf32, #tpu.memory_space<hbm>> -> memref<1x56x128xf32, #tpu.memory_space<hbm>>
    %dma_start3A_512 = tpu.memref_squeeze %dma_start3A_511 : memref<1x56x128xf32, #tpu.memory_space<hbm>> -> memref<56x128xf32, #tpu.memory_space<hbm>>
    %dma_start3A_513 = arith.constant 0 : i32
    %dma_start3A_514 = arith.constant 0 : i32
    %dma_start3A_515 = tpu.memref_slice %arg8[%dma_start3A_513, %dma_start3A_514] : memref<64x128xf32, #tpu.memory_space<vmem>> -> memref<56x128xf32, #tpu.memory_space<vmem>>
    tpu.enqueue_dma source(%dma_start3A_515 : memref<56x128xf32, #tpu.memory_space<vmem>>) target(%dma_start3A_512 : memref<56x128xf32, #tpu.memory_space<hbm>>) target_semaphore(%arg11 : memref<!tpu.dma_semaphore, #tpu.memory_space<semaphore_mem>>)
    %add3A_516 = arith.constant 512 : i32
    %add3A_517 = arith.addi %mul3A_0, %add3A_516 : i32
    %dma_wait3A_518 = arith.constant 0 : i32
    %dma_wait3A_519 = arith.constant 0 : i32
    %dma_wait3A_520 = tpu.memref_slice %arg7[%dma_wait3A_518, %dma_wait3A_519] : memref<64x128xf32, #tpu.memory_space<vmem>> -> memref<64x128xf32, #tpu.memory_space<vmem>>
    %dma_wait3A_521 = arith.constant 0 : i32
    %dma_wait3A_522 = tpu.memref_slice %arg5[%arg0, %add3A_517, %dma_wait3A_521] : memref<2x10112x128xf32, #tpu.memory_space<hbm>> -> memref<1x64x128xf32, #tpu.memory_space<hbm>>
    %dma_wait3A_523 = tpu.memref_squeeze %dma_wait3A_522 : memref<1x64x128xf32, #tpu.memory_space<hbm>> -> memref<64x128xf32, #tpu.memory_space<hbm>>
    %dma_wait3A_524 = arith.constant 0 : i32
    %dma_wait3A_525 = tpu.memref_slice %arg5[%arg0, %add3A_517, %dma_wait3A_524] : memref<2x10112x128xf32, #tpu.memory_space<hbm>> -> memref<1x64x128xf32, #tpu.memory_space<hbm>>
    %dma_wait3A_526 = tpu.memref_squeeze %dma_wait3A_525 : memref<1x64x128xf32, #tpu.memory_space<hbm>> -> memref<64x128xf32, #tpu.memory_space<hbm>>
    %dma_wait3A_527 = arith.constant 0 : i32
    %dma_wait3A_528 = arith.constant 0 : i32
    %dma_wait3A_529 = tpu.memref_slice %arg7[%dma_wait3A_527, %dma_wait3A_528] : memref<64x128xf32, #tpu.memory_space<vmem>> -> memref<64x128xf32, #tpu.memory_space<vmem>>
    tpu.wait_dma2 semaphore(%arg10 : memref<!tpu.dma_semaphore, #tpu.memory_space<semaphore_mem>>) src(%dma_wait3A_529 : memref<64x128xf32, #tpu.memory_space<vmem>>) dst(%dma_wait3A_526 : memref<64x128xf32, #tpu.memory_space<hbm>>)
    %add3A_530 = arith.constant 576 : i32
    %add3A_531 = arith.addi %mul3A_0, %add3A_530 : i32
    %dma_wait3A_532 = arith.constant 0 : i32
    %dma_wait3A_533 = arith.constant 0 : i32
    %dma_wait3A_534 = tpu.memref_slice %arg8[%dma_wait3A_532, %dma_wait3A_533] : memref<64x128xf32, #tpu.memory_space<vmem>> -> memref<56x128xf32, #tpu.memory_space<vmem>>
    %dma_wait3A_535 = arith.constant 0 : i32
    %dma_wait3A_536 = tpu.memref_slice %arg5[%arg0, %add3A_531, %dma_wait3A_535] : memref<2x10112x128xf32, #tpu.memory_space<hbm>> -> memref<1x56x128xf32, #tpu.memory_space<hbm>>
    %dma_wait3A_537 = tpu.memref_squeeze %dma_wait3A_536 : memref<1x56x128xf32, #tpu.memory_space<hbm>> -> memref<56x128xf32, #tpu.memory_space<hbm>>
    %dma_wait3A_538 = arith.constant 0 : i32
    %dma_wait3A_539 = tpu.memref_slice %arg5[%arg0, %add3A_531, %dma_wait3A_538] : memref<2x10112x128xf32, #tpu.memory_space<hbm>> -> memref<1x56x128xf32, #tpu.memory_space<hbm>>
    %dma_wait3A_540 = tpu.memref_squeeze %dma_wait3A_539 : memref<1x56x128xf32, #tpu.memory_space<hbm>> -> memref<56x128xf32, #tpu.memory_space<hbm>>
    %dma_wait3A_541 = arith.constant 0 : i32
    %dma_wait3A_542 = arith.constant 0 : i32
    %dma_wait3A_543 = tpu.memref_slice %arg8[%dma_wait3A_541, %dma_wait3A_542] : memref<64x128xf32, #tpu.memory_space<vmem>> -> memref<56x128xf32, #tpu.memory_space<vmem>>
    tpu.wait_dma2 semaphore(%arg11 : memref<!tpu.dma_semaphore, #tpu.memory_space<semaphore_mem>>) src(%dma_wait3A_543 : memref<56x128xf32, #tpu.memory_space<vmem>>) dst(%dma_wait3A_540 : memref<56x128xf32, #tpu.memory_space<hbm>>)
    return
  }
}

module attributes {stable_mosaic.version = 14 : i64} {
  func.func @body(%arg0: i32, %arg1: memref<2528x128xf32, #tpu.memory_space<vmem>>, %arg2: memref<2528x128xf32, #tpu.memory_space<vmem>>, %arg3: memref<2528x128xf32, #tpu.memory_space<vmem>>, %arg4: memref<2528x128xf32, #tpu.memory_space<vmem>>, %arg5: memref<2528x1xi32, #tpu.memory_space<vmem>>, %arg6: memref<8x128x128xf32, #tpu.memory_space<vmem>>, %arg7: memref<8x128xf32, #tpu.memory_space<vmem>>, %arg8: memref<2528x128xf32, #tpu.memory_space<vmem>>) attributes {dimension_semantics = [#tpu.dimension_semantics<arbitrary>], iteration_bounds = array<i64: 4>, scalar_prefetch = 0 : i64, scratch_operands = 0 : i64, tpu.core_type = #tpu.core_type<tc>, window_params = [{transform_indices = @transform_0, window_bounds = array<i64: 2528, 128>}, {transform_indices = @transform_1, window_bounds = array<i64: 2528, 128>}, {transform_indices = @transform_2, window_bounds = array<i64: 2528, 128>}, {transform_indices = @transform_3, window_bounds = array<i64: 2528, 128>}, {transform_indices = @transform_4, window_bounds = array<i64: 2528, 1>}, {pipeline_mode = #tpu.pipeline_mode<synchronous>, transform_indices = @transform_5, window_bounds = array<i64: 8, 128, 128>}, {pipeline_mode = #tpu.pipeline_mode<synchronous>, transform_indices = @transform_6, window_bounds = array<i64: 8, 128>}, {transform_indices = @transform_7, window_bounds = array<i64: 2528, 128>}]} {
    %get3A = arith.constant 0 : index
    %get3A_0 = arith.constant 0 : index
    %get3A_1 = vector.load %arg3[%get3A, %get3A_0] : memref<2528x128xf32, #tpu.memory_space<vmem>>, vector<2528x1xf32>
    %get3A_2 = arith.constant 0 : index
    %get3A_3 = arith.constant 0 : index
    %get3A_4 = vector.load %arg4[%get3A_2, %get3A_3] : memref<2528x128xf32, #tpu.memory_space<vmem>>, vector<2528x1xf32>
    %add3A = arith.addf %get3A_1, %get3A_4 : vector<2528x1xf32>
    %max3A = arith.constant 1.000000e+00 : f32
    %max3A_5 = vector.broadcast %max3A : f32 to vector<2528x1xf32>
    %max3A_6 = arith.maximumf %add3A, %max3A_5 : vector<2528x1xf32>
    %get3A_7 = arith.constant 0 : index
    %get3A_8 = arith.constant 0 : index
    %get3A_9 = vector.load %arg1[%get3A_7, %get3A_8] : memref<2528x128xf32, #tpu.memory_space<vmem>>, vector<2528x128xf32>
    %get3A_10 = arith.constant 0 : index
    %get3A_11 = arith.constant 0 : index
    %get3A_12 = vector.load %arg2[%get3A_10, %get3A_11] : memref<2528x128xf32, #tpu.memory_space<vmem>>, vector<2528x128xf32>
    %add3A_13 = arith.addf %get3A_9, %get3A_12 : vector<2528x128xf32>
    %div3A = vector.broadcast %max3A_6 : vector<2528x1xf32> to vector<2528x128xf32>
    %div3A_14 = arith.divf %add3A_13, %div3A : vector<2528x128xf32>
    %get3A_15 = arith.constant 0 : index
    %get3A_16 = arith.constant 0 : index
    %get3A_17 = vector.load %arg5[%get3A_15, %get3A_16] : memref<2528x1xi32, #tpu.memory_space<vmem>>, vector<2528x1xi32>
    %broadcast_in_dim3A = arith.constant 0.000000e+00 : f32
    %broadcast_in_dim3A_18 = vector.broadcast %broadcast_in_dim3A : f32 to vector<2528x128xf32>
    %get3A_19 = arith.constant 0 : index
    %get3A_20 = arith.constant 0 : index
    %get3A_21 = arith.constant 0 : index
    %get3A_22 = vector.load %arg6[%get3A_19, %get3A_20, %get3A_21] : memref<8x128x128xf32, #tpu.memory_space<vmem>>, vector<1x128x128xf32>
    %get3A_23 = vector.shape_cast %get3A_22 : vector<1x128x128xf32> to vector<128x128xf32>
    %dot_general3A = arith.constant dense<0.000000e+00> : vector<2528x128xf32>
    %dot_general3A_24 = tpu.matmul %div3A_14, %get3A_23, %dot_general3A {dimension_numbers = #tpu.dot_dimension_numbers<[1], [0], [0], [1], [0, 0, 1, 1], [], []>, transpose_lhs_hint = false} : vector<2528x128xf32>, vector<128x128xf32>, vector<2528x128xf32> -> vector<2528x128xf32>
    %get3A_25 = arith.constant 0 : index
    %get3A_26 = arith.constant 0 : index
    %get3A_27 = vector.load %arg7[%get3A_25, %get3A_26] : memref<8x128xf32, #tpu.memory_space<vmem>>, vector<1x128xf32>
    %get3A_28 = vector.shape_cast %get3A_27 : vector<1x128xf32> to vector<128xf32>
    %broadcast_in_dim3A_29 = vector.shape_cast %get3A_28 : vector<128xf32> to vector<1x128xf32>
    %add3A_30 = vector.broadcast %broadcast_in_dim3A_29 : vector<1x128xf32> to vector<2528x128xf32>
    %add3A_31 = arith.addf %dot_general3A_24, %add3A_30 : vector<2528x128xf32>
    %eq3A = arith.constant 0 : i32
    %eq3A_32 = vector.broadcast %eq3A : i32 to vector<2528x1xi32>
    %eq3A_33 = arith.cmpi eq, %get3A_17, %eq3A_32 : vector<2528x1xi32>
    %broadcast_in_dim3A_34 = vector.shape_cast %eq3A_33 : vector<2528x1xi1> to vector<2528x1xi1>
    %broadcast_in_dim3A_35 = vector.broadcast %broadcast_in_dim3A_34 : vector<2528x1xi1> to vector<2528x128xi1>
    %select_n3A = arith.select %broadcast_in_dim3A_35, %add3A_31, %broadcast_in_dim3A_18 : vector<2528x128xi1>, vector<2528x128xf32>
    %get3A_36 = arith.constant 1 : index
    %get3A_37 = arith.constant 0 : index
    %get3A_38 = arith.constant 0 : index
    %get3A_39 = vector.load %arg6[%get3A_36, %get3A_37, %get3A_38] : memref<8x128x128xf32, #tpu.memory_space<vmem>>, vector<1x128x128xf32>
    %get3A_40 = vector.shape_cast %get3A_39 : vector<1x128x128xf32> to vector<128x128xf32>
    %dot_general3A_41 = arith.constant dense<0.000000e+00> : vector<2528x128xf32>
    %dot_general3A_42 = tpu.matmul %div3A_14, %get3A_40, %dot_general3A_41 {dimension_numbers = #tpu.dot_dimension_numbers<[1], [0], [0], [1], [0, 0, 1, 1], [], []>, transpose_lhs_hint = false} : vector<2528x128xf32>, vector<128x128xf32>, vector<2528x128xf32> -> vector<2528x128xf32>
    %get3A_43 = arith.constant 1 : index
    %get3A_44 = arith.constant 0 : index
    %get3A_45 = vector.load %arg7[%get3A_43, %get3A_44] : memref<8x128xf32, #tpu.memory_space<vmem>>, vector<1x128xf32>
    %get3A_46 = vector.shape_cast %get3A_45 : vector<1x128xf32> to vector<128xf32>
    %broadcast_in_dim3A_47 = vector.shape_cast %get3A_46 : vector<128xf32> to vector<1x128xf32>
    %add3A_48 = vector.broadcast %broadcast_in_dim3A_47 : vector<1x128xf32> to vector<2528x128xf32>
    %add3A_49 = arith.addf %dot_general3A_42, %add3A_48 : vector<2528x128xf32>
    %eq3A_50 = arith.constant 1 : i32
    %eq3A_51 = vector.broadcast %eq3A_50 : i32 to vector<2528x1xi32>
    %eq3A_52 = arith.cmpi eq, %get3A_17, %eq3A_51 : vector<2528x1xi32>
    %broadcast_in_dim3A_53 = vector.shape_cast %eq3A_52 : vector<2528x1xi1> to vector<2528x1xi1>
    %broadcast_in_dim3A_54 = vector.broadcast %broadcast_in_dim3A_53 : vector<2528x1xi1> to vector<2528x128xi1>
    %select_n3A_55 = arith.select %broadcast_in_dim3A_54, %add3A_49, %select_n3A : vector<2528x128xi1>, vector<2528x128xf32>
    %get3A_56 = arith.constant 2 : index
    %get3A_57 = arith.constant 0 : index
    %get3A_58 = arith.constant 0 : index
    %get3A_59 = vector.load %arg6[%get3A_56, %get3A_57, %get3A_58] : memref<8x128x128xf32, #tpu.memory_space<vmem>>, vector<1x128x128xf32>
    %get3A_60 = vector.shape_cast %get3A_59 : vector<1x128x128xf32> to vector<128x128xf32>
    %dot_general3A_61 = arith.constant dense<0.000000e+00> : vector<2528x128xf32>
    %dot_general3A_62 = tpu.matmul %div3A_14, %get3A_60, %dot_general3A_61 {dimension_numbers = #tpu.dot_dimension_numbers<[1], [0], [0], [1], [0, 0, 1, 1], [], []>, transpose_lhs_hint = false} : vector<2528x128xf32>, vector<128x128xf32>, vector<2528x128xf32> -> vector<2528x128xf32>
    %get3A_63 = arith.constant 2 : index
    %get3A_64 = arith.constant 0 : index
    %get3A_65 = vector.load %arg7[%get3A_63, %get3A_64] : memref<8x128xf32, #tpu.memory_space<vmem>>, vector<1x128xf32>
    %get3A_66 = vector.shape_cast %get3A_65 : vector<1x128xf32> to vector<128xf32>
    %broadcast_in_dim3A_67 = vector.shape_cast %get3A_66 : vector<128xf32> to vector<1x128xf32>
    %add3A_68 = vector.broadcast %broadcast_in_dim3A_67 : vector<1x128xf32> to vector<2528x128xf32>
    %add3A_69 = arith.addf %dot_general3A_62, %add3A_68 : vector<2528x128xf32>
    %eq3A_70 = arith.constant 2 : i32
    %eq3A_71 = vector.broadcast %eq3A_70 : i32 to vector<2528x1xi32>
    %eq3A_72 = arith.cmpi eq, %get3A_17, %eq3A_71 : vector<2528x1xi32>
    %broadcast_in_dim3A_73 = vector.shape_cast %eq3A_72 : vector<2528x1xi1> to vector<2528x1xi1>
    %broadcast_in_dim3A_74 = vector.broadcast %broadcast_in_dim3A_73 : vector<2528x1xi1> to vector<2528x128xi1>
    %select_n3A_75 = arith.select %broadcast_in_dim3A_74, %add3A_69, %select_n3A_55 : vector<2528x128xi1>, vector<2528x128xf32>
    %get3A_76 = arith.constant 3 : index
    %get3A_77 = arith.constant 0 : index
    %get3A_78 = arith.constant 0 : index
    %get3A_79 = vector.load %arg6[%get3A_76, %get3A_77, %get3A_78] : memref<8x128x128xf32, #tpu.memory_space<vmem>>, vector<1x128x128xf32>
    %get3A_80 = vector.shape_cast %get3A_79 : vector<1x128x128xf32> to vector<128x128xf32>
    %dot_general3A_81 = arith.constant dense<0.000000e+00> : vector<2528x128xf32>
    %dot_general3A_82 = tpu.matmul %div3A_14, %get3A_80, %dot_general3A_81 {dimension_numbers = #tpu.dot_dimension_numbers<[1], [0], [0], [1], [0, 0, 1, 1], [], []>, transpose_lhs_hint = false} : vector<2528x128xf32>, vector<128x128xf32>, vector<2528x128xf32> -> vector<2528x128xf32>
    %get3A_83 = arith.constant 3 : index
    %get3A_84 = arith.constant 0 : index
    %get3A_85 = vector.load %arg7[%get3A_83, %get3A_84] : memref<8x128xf32, #tpu.memory_space<vmem>>, vector<1x128xf32>
    %get3A_86 = vector.shape_cast %get3A_85 : vector<1x128xf32> to vector<128xf32>
    %broadcast_in_dim3A_87 = vector.shape_cast %get3A_86 : vector<128xf32> to vector<1x128xf32>
    %add3A_88 = vector.broadcast %broadcast_in_dim3A_87 : vector<1x128xf32> to vector<2528x128xf32>
    %add3A_89 = arith.addf %dot_general3A_82, %add3A_88 : vector<2528x128xf32>
    %eq3A_90 = arith.constant 3 : i32
    %eq3A_91 = vector.broadcast %eq3A_90 : i32 to vector<2528x1xi32>
    %eq3A_92 = arith.cmpi eq, %get3A_17, %eq3A_91 : vector<2528x1xi32>
    %broadcast_in_dim3A_93 = vector.shape_cast %eq3A_92 : vector<2528x1xi1> to vector<2528x1xi1>
    %broadcast_in_dim3A_94 = vector.broadcast %broadcast_in_dim3A_93 : vector<2528x1xi1> to vector<2528x128xi1>
    %select_n3A_95 = arith.select %broadcast_in_dim3A_94, %add3A_89, %select_n3A_75 : vector<2528x128xi1>, vector<2528x128xf32>
    %get3A_96 = arith.constant 4 : index
    %get3A_97 = arith.constant 0 : index
    %get3A_98 = arith.constant 0 : index
    %get3A_99 = vector.load %arg6[%get3A_96, %get3A_97, %get3A_98] : memref<8x128x128xf32, #tpu.memory_space<vmem>>, vector<1x128x128xf32>
    %get3A_100 = vector.shape_cast %get3A_99 : vector<1x128x128xf32> to vector<128x128xf32>
    %dot_general3A_101 = arith.constant dense<0.000000e+00> : vector<2528x128xf32>
    %dot_general3A_102 = tpu.matmul %div3A_14, %get3A_100, %dot_general3A_101 {dimension_numbers = #tpu.dot_dimension_numbers<[1], [0], [0], [1], [0, 0, 1, 1], [], []>, transpose_lhs_hint = false} : vector<2528x128xf32>, vector<128x128xf32>, vector<2528x128xf32> -> vector<2528x128xf32>
    %get3A_103 = arith.constant 4 : index
    %get3A_104 = arith.constant 0 : index
    %get3A_105 = vector.load %arg7[%get3A_103, %get3A_104] : memref<8x128xf32, #tpu.memory_space<vmem>>, vector<1x128xf32>
    %get3A_106 = vector.shape_cast %get3A_105 : vector<1x128xf32> to vector<128xf32>
    %broadcast_in_dim3A_107 = vector.shape_cast %get3A_106 : vector<128xf32> to vector<1x128xf32>
    %add3A_108 = vector.broadcast %broadcast_in_dim3A_107 : vector<1x128xf32> to vector<2528x128xf32>
    %add3A_109 = arith.addf %dot_general3A_102, %add3A_108 : vector<2528x128xf32>
    %eq3A_110 = arith.constant 4 : i32
    %eq3A_111 = vector.broadcast %eq3A_110 : i32 to vector<2528x1xi32>
    %eq3A_112 = arith.cmpi eq, %get3A_17, %eq3A_111 : vector<2528x1xi32>
    %broadcast_in_dim3A_113 = vector.shape_cast %eq3A_112 : vector<2528x1xi1> to vector<2528x1xi1>
    %broadcast_in_dim3A_114 = vector.broadcast %broadcast_in_dim3A_113 : vector<2528x1xi1> to vector<2528x128xi1>
    %select_n3A_115 = arith.select %broadcast_in_dim3A_114, %add3A_109, %select_n3A_95 : vector<2528x128xi1>, vector<2528x128xf32>
    %get3A_116 = arith.constant 5 : index
    %get3A_117 = arith.constant 0 : index
    %get3A_118 = arith.constant 0 : index
    %get3A_119 = vector.load %arg6[%get3A_116, %get3A_117, %get3A_118] : memref<8x128x128xf32, #tpu.memory_space<vmem>>, vector<1x128x128xf32>
    %get3A_120 = vector.shape_cast %get3A_119 : vector<1x128x128xf32> to vector<128x128xf32>
    %dot_general3A_121 = arith.constant dense<0.000000e+00> : vector<2528x128xf32>
    %dot_general3A_122 = tpu.matmul %div3A_14, %get3A_120, %dot_general3A_121 {dimension_numbers = #tpu.dot_dimension_numbers<[1], [0], [0], [1], [0, 0, 1, 1], [], []>, transpose_lhs_hint = false} : vector<2528x128xf32>, vector<128x128xf32>, vector<2528x128xf32> -> vector<2528x128xf32>
    %get3A_123 = arith.constant 5 : index
    %get3A_124 = arith.constant 0 : index
    %get3A_125 = vector.load %arg7[%get3A_123, %get3A_124] : memref<8x128xf32, #tpu.memory_space<vmem>>, vector<1x128xf32>
    %get3A_126 = vector.shape_cast %get3A_125 : vector<1x128xf32> to vector<128xf32>
    %broadcast_in_dim3A_127 = vector.shape_cast %get3A_126 : vector<128xf32> to vector<1x128xf32>
    %add3A_128 = vector.broadcast %broadcast_in_dim3A_127 : vector<1x128xf32> to vector<2528x128xf32>
    %add3A_129 = arith.addf %dot_general3A_122, %add3A_128 : vector<2528x128xf32>
    %eq3A_130 = arith.constant 5 : i32
    %eq3A_131 = vector.broadcast %eq3A_130 : i32 to vector<2528x1xi32>
    %eq3A_132 = arith.cmpi eq, %get3A_17, %eq3A_131 : vector<2528x1xi32>
    %broadcast_in_dim3A_133 = vector.shape_cast %eq3A_132 : vector<2528x1xi1> to vector<2528x1xi1>
    %broadcast_in_dim3A_134 = vector.broadcast %broadcast_in_dim3A_133 : vector<2528x1xi1> to vector<2528x128xi1>
    %select_n3A_135 = arith.select %broadcast_in_dim3A_134, %add3A_129, %select_n3A_115 : vector<2528x128xi1>, vector<2528x128xf32>
    %get3A_136 = arith.constant 6 : index
    %get3A_137 = arith.constant 0 : index
    %get3A_138 = arith.constant 0 : index
    %get3A_139 = vector.load %arg6[%get3A_136, %get3A_137, %get3A_138] : memref<8x128x128xf32, #tpu.memory_space<vmem>>, vector<1x128x128xf32>
    %get3A_140 = vector.shape_cast %get3A_139 : vector<1x128x128xf32> to vector<128x128xf32>
    %dot_general3A_141 = arith.constant dense<0.000000e+00> : vector<2528x128xf32>
    %dot_general3A_142 = tpu.matmul %div3A_14, %get3A_140, %dot_general3A_141 {dimension_numbers = #tpu.dot_dimension_numbers<[1], [0], [0], [1], [0, 0, 1, 1], [], []>, transpose_lhs_hint = false} : vector<2528x128xf32>, vector<128x128xf32>, vector<2528x128xf32> -> vector<2528x128xf32>
    %get3A_143 = arith.constant 6 : index
    %get3A_144 = arith.constant 0 : index
    %get3A_145 = vector.load %arg7[%get3A_143, %get3A_144] : memref<8x128xf32, #tpu.memory_space<vmem>>, vector<1x128xf32>
    %get3A_146 = vector.shape_cast %get3A_145 : vector<1x128xf32> to vector<128xf32>
    %broadcast_in_dim3A_147 = vector.shape_cast %get3A_146 : vector<128xf32> to vector<1x128xf32>
    %add3A_148 = vector.broadcast %broadcast_in_dim3A_147 : vector<1x128xf32> to vector<2528x128xf32>
    %add3A_149 = arith.addf %dot_general3A_142, %add3A_148 : vector<2528x128xf32>
    %eq3A_150 = arith.constant 6 : i32
    %eq3A_151 = vector.broadcast %eq3A_150 : i32 to vector<2528x1xi32>
    %eq3A_152 = arith.cmpi eq, %get3A_17, %eq3A_151 : vector<2528x1xi32>
    %broadcast_in_dim3A_153 = vector.shape_cast %eq3A_152 : vector<2528x1xi1> to vector<2528x1xi1>
    %broadcast_in_dim3A_154 = vector.broadcast %broadcast_in_dim3A_153 : vector<2528x1xi1> to vector<2528x128xi1>
    %select_n3A_155 = arith.select %broadcast_in_dim3A_154, %add3A_149, %select_n3A_135 : vector<2528x128xi1>, vector<2528x128xf32>
    %get3A_156 = arith.constant 7 : index
    %get3A_157 = arith.constant 0 : index
    %get3A_158 = arith.constant 0 : index
    %get3A_159 = vector.load %arg6[%get3A_156, %get3A_157, %get3A_158] : memref<8x128x128xf32, #tpu.memory_space<vmem>>, vector<1x128x128xf32>
    %get3A_160 = vector.shape_cast %get3A_159 : vector<1x128x128xf32> to vector<128x128xf32>
    %dot_general3A_161 = arith.constant dense<0.000000e+00> : vector<2528x128xf32>
    %dot_general3A_162 = tpu.matmul %div3A_14, %get3A_160, %dot_general3A_161 {dimension_numbers = #tpu.dot_dimension_numbers<[1], [0], [0], [1], [0, 0, 1, 1], [], []>, transpose_lhs_hint = false} : vector<2528x128xf32>, vector<128x128xf32>, vector<2528x128xf32> -> vector<2528x128xf32>
    %get3A_163 = arith.constant 7 : index
    %get3A_164 = arith.constant 0 : index
    %get3A_165 = vector.load %arg7[%get3A_163, %get3A_164] : memref<8x128xf32, #tpu.memory_space<vmem>>, vector<1x128xf32>
    %get3A_166 = vector.shape_cast %get3A_165 : vector<1x128xf32> to vector<128xf32>
    %broadcast_in_dim3A_167 = vector.shape_cast %get3A_166 : vector<128xf32> to vector<1x128xf32>
    %add3A_168 = vector.broadcast %broadcast_in_dim3A_167 : vector<1x128xf32> to vector<2528x128xf32>
    %add3A_169 = arith.addf %dot_general3A_162, %add3A_168 : vector<2528x128xf32>
    %eq3A_170 = arith.constant 7 : i32
    %eq3A_171 = vector.broadcast %eq3A_170 : i32 to vector<2528x1xi32>
    %eq3A_172 = arith.cmpi eq, %get3A_17, %eq3A_171 : vector<2528x1xi32>
    %broadcast_in_dim3A_173 = vector.shape_cast %eq3A_172 : vector<2528x1xi1> to vector<2528x1xi1>
    %broadcast_in_dim3A_174 = vector.broadcast %broadcast_in_dim3A_173 : vector<2528x1xi1> to vector<2528x128xi1>
    %select_n3A_175 = arith.select %broadcast_in_dim3A_174, %add3A_169, %select_n3A_155 : vector<2528x128xi1>, vector<2528x128xf32>
    %max3A_176 = arith.constant 0.000000e+00 : f32
    %max3A_177 = vector.broadcast %max3A_176 : f32 to vector<2528x128xf32>
    %max3A_178 = arith.maximumf %select_n3A_175, %max3A_177 : vector<2528x128xf32>
    %swap3A = arith.constant 0 : index
    %swap3A_179 = arith.constant 0 : index
    %swap3A_180 = vector.load %arg8[%swap3A, %swap3A_179] : memref<2528x128xf32, #tpu.memory_space<vmem>>, vector<2528x128xf32>
    tpu.vector_store %arg8[%swap3A, %swap3A_179], %max3A_178 {strides = array<i32>} : memref<2528x128xf32, #tpu.memory_space<vmem>>, vector<2528x128xf32>,
    return
  }
  func.func @transform_0(%arg0: i32) -> (i32, i32) {
    %c0_i32 = arith.constant 0 : i32
    %c0_i32_0 = arith.constant 0 : i32
    return %arg0, %c0_i32 : i32, i32
  }
  func.func @transform_1(%arg0: i32) -> (i32, i32) {
    %c0_i32 = arith.constant 0 : i32
    %c0_i32_0 = arith.constant 0 : i32
    return %arg0, %c0_i32 : i32, i32
  }
  func.func @transform_2(%arg0: i32) -> (i32, i32) {
    %c0_i32 = arith.constant 0 : i32
    %c0_i32_0 = arith.constant 0 : i32
    return %arg0, %c0_i32 : i32, i32
  }
  func.func @transform_3(%arg0: i32) -> (i32, i32) {
    %c0_i32 = arith.constant 0 : i32
    %c0_i32_0 = arith.constant 0 : i32
    return %arg0, %c0_i32 : i32, i32
  }
  func.func @transform_4(%arg0: i32) -> (i32, i32) {
    %c0_i32 = arith.constant 0 : i32
    %c0_i32_0 = arith.constant 0 : i32
    return %arg0, %c0_i32 : i32, i32
  }
  func.func @transform_5(%arg0: i32) -> (i32, i32, i32) {
    %c0_i32 = arith.constant 0 : i32
    %c0_i32_0 = arith.constant 0 : i32
    %c0_i32_1 = arith.constant 0 : i32
    %c0_i32_2 = arith.constant 0 : i32
    return %c0_i32, %c0_i32_0, %c0_i32_1 : i32, i32, i32
  }
  func.func @transform_6(%arg0: i32) -> (i32, i32) {
    %c0_i32 = arith.constant 0 : i32
    %c0_i32_0 = arith.constant 0 : i32
    %c0_i32_1 = arith.constant 0 : i32
    return %c0_i32, %c0_i32_0 : i32, i32
  }
  func.func @transform_7(%arg0: i32) -> (i32, i32) {
    %c0_i32 = arith.constant 0 : i32
    %c0_i32_0 = arith.constant 0 : i32
    return %arg0, %c0_i32 : i32, i32
  }
}

module attributes {stable_mosaic.version = 14 : i64} {
  func.func @body(%arg0: i32, %arg1: memref<2528x128xf32, #tpu.memory_space<vmem>>, %arg2: memref<2528x128xf32, #tpu.memory_space<vmem>>, %arg3: memref<2528x128xf32, #tpu.memory_space<vmem>>, %arg4: memref<2528x128xf32, #tpu.memory_space<vmem>>, %arg5: memref<2528x1xi32, #tpu.memory_space<vmem>>, %arg6: memref<8x128x128xf32, #tpu.memory_space<vmem>>, %arg7: memref<8x128xf32, #tpu.memory_space<vmem>>, %arg8: memref<2528x128xf32, #tpu.memory_space<vmem>>) attributes {dimension_semantics = [#tpu.dimension_semantics<arbitrary>], iteration_bounds = array<i64: 4>, scalar_prefetch = 0 : i64, scratch_operands = 0 : i64, tpu.core_type = #tpu.core_type<tc>, window_params = [{transform_indices = @transform_0, window_bounds = array<i64: 2528, 128>}, {transform_indices = @transform_1, window_bounds = array<i64: 2528, 128>}, {transform_indices = @transform_2, window_bounds = array<i64: 2528, 128>}, {transform_indices = @transform_3, window_bounds = array<i64: 2528, 128>}, {transform_indices = @transform_4, window_bounds = array<i64: 2528, 1>}, {pipeline_mode = #tpu.pipeline_mode<synchronous>, transform_indices = @transform_5, window_bounds = array<i64: 8, 128, 128>}, {pipeline_mode = #tpu.pipeline_mode<synchronous>, transform_indices = @transform_6, window_bounds = array<i64: 8, 128>}, {transform_indices = @transform_7, window_bounds = array<i64: 2528, 128>}]} {
    %get3A = arith.constant 0 : index
    %get3A_0 = arith.constant 0 : index
    %get3A_1 = vector.load %arg3[%get3A, %get3A_0] : memref<2528x128xf32, #tpu.memory_space<vmem>>, vector<2528x1xf32>
    %get3A_2 = arith.constant 0 : index
    %get3A_3 = arith.constant 0 : index
    %get3A_4 = vector.load %arg4[%get3A_2, %get3A_3] : memref<2528x128xf32, #tpu.memory_space<vmem>>, vector<2528x1xf32>
    %add3A = arith.addf %get3A_1, %get3A_4 : vector<2528x1xf32>
    %max3A = arith.constant 1.000000e+00 : f32
    %max3A_5 = vector.broadcast %max3A : f32 to vector<2528x1xf32>
    %max3A_6 = arith.maximumf %add3A, %max3A_5 : vector<2528x1xf32>
    %get3A_7 = arith.constant 0 : index
    %get3A_8 = arith.constant 0 : index
    %get3A_9 = vector.load %arg1[%get3A_7, %get3A_8] : memref<2528x128xf32, #tpu.memory_space<vmem>>, vector<2528x128xf32>
    %get3A_10 = arith.constant 0 : index
    %get3A_11 = arith.constant 0 : index
    %get3A_12 = vector.load %arg2[%get3A_10, %get3A_11] : memref<2528x128xf32, #tpu.memory_space<vmem>>, vector<2528x128xf32>
    %add3A_13 = arith.addf %get3A_9, %get3A_12 : vector<2528x128xf32>
    %div3A = vector.broadcast %max3A_6 : vector<2528x1xf32> to vector<2528x128xf32>
    %div3A_14 = arith.divf %add3A_13, %div3A : vector<2528x128xf32>
    %get3A_15 = arith.constant 0 : index
    %get3A_16 = arith.constant 0 : index
    %get3A_17 = vector.load %arg5[%get3A_15, %get3A_16] : memref<2528x1xi32, #tpu.memory_space<vmem>>, vector<2528x1xi32>
    %broadcast_in_dim3A = arith.constant 0.000000e+00 : f32
    %broadcast_in_dim3A_18 = vector.broadcast %broadcast_in_dim3A : f32 to vector<2528x128xf32>
    %get3A_19 = arith.constant 0 : index
    %get3A_20 = arith.constant 0 : index
    %get3A_21 = arith.constant 0 : index
    %get3A_22 = vector.load %arg6[%get3A_19, %get3A_20, %get3A_21] : memref<8x128x128xf32, #tpu.memory_space<vmem>>, vector<1x128x128xf32>
    %get3A_23 = vector.shape_cast %get3A_22 : vector<1x128x128xf32> to vector<128x128xf32>
    %dot_general3A = arith.constant dense<0.000000e+00> : vector<2528x128xf32>
    %dot_general3A_24 = tpu.matmul %div3A_14, %get3A_23, %dot_general3A {dimension_numbers = #tpu.dot_dimension_numbers<[1], [0], [0], [1], [0, 0, 1, 1], [], []>, transpose_lhs_hint = false} : vector<2528x128xf32>, vector<128x128xf32>, vector<2528x128xf32> -> vector<2528x128xf32>
    %get3A_25 = arith.constant 0 : index
    %get3A_26 = arith.constant 0 : index
    %get3A_27 = vector.load %arg7[%get3A_25, %get3A_26] : memref<8x128xf32, #tpu.memory_space<vmem>>, vector<1x128xf32>
    %get3A_28 = vector.shape_cast %get3A_27 : vector<1x128xf32> to vector<128xf32>
    %broadcast_in_dim3A_29 = vector.shape_cast %get3A_28 : vector<128xf32> to vector<1x128xf32>
    %add3A_30 = vector.broadcast %broadcast_in_dim3A_29 : vector<1x128xf32> to vector<2528x128xf32>
    %add3A_31 = arith.addf %dot_general3A_24, %add3A_30 : vector<2528x128xf32>
    %eq3A = arith.constant 0 : i32
    %eq3A_32 = vector.broadcast %eq3A : i32 to vector<2528x1xi32>
    %eq3A_33 = arith.cmpi eq, %get3A_17, %eq3A_32 : vector<2528x1xi32>
    %broadcast_in_dim3A_34 = vector.shape_cast %eq3A_33 : vector<2528x1xi1> to vector<2528x1xi1>
    %broadcast_in_dim3A_35 = vector.broadcast %broadcast_in_dim3A_34 : vector<2528x1xi1> to vector<2528x128xi1>
    %select_n3A = arith.select %broadcast_in_dim3A_35, %add3A_31, %broadcast_in_dim3A_18 : vector<2528x128xi1>, vector<2528x128xf32>
    %get3A_36 = arith.constant 1 : index
    %get3A_37 = arith.constant 0 : index
    %get3A_38 = arith.constant 0 : index
    %get3A_39 = vector.load %arg6[%get3A_36, %get3A_37, %get3A_38] : memref<8x128x128xf32, #tpu.memory_space<vmem>>, vector<1x128x128xf32>
    %get3A_40 = vector.shape_cast %get3A_39 : vector<1x128x128xf32> to vector<128x128xf32>
    %dot_general3A_41 = arith.constant dense<0.000000e+00> : vector<2528x128xf32>
    %dot_general3A_42 = tpu.matmul %div3A_14, %get3A_40, %dot_general3A_41 {dimension_numbers = #tpu.dot_dimension_numbers<[1], [0], [0], [1], [0, 0, 1, 1], [], []>, transpose_lhs_hint = false} : vector<2528x128xf32>, vector<128x128xf32>, vector<2528x128xf32> -> vector<2528x128xf32>
    %get3A_43 = arith.constant 1 : index
    %get3A_44 = arith.constant 0 : index
    %get3A_45 = vector.load %arg7[%get3A_43, %get3A_44] : memref<8x128xf32, #tpu.memory_space<vmem>>, vector<1x128xf32>
    %get3A_46 = vector.shape_cast %get3A_45 : vector<1x128xf32> to vector<128xf32>
    %broadcast_in_dim3A_47 = vector.shape_cast %get3A_46 : vector<128xf32> to vector<1x128xf32>
    %add3A_48 = vector.broadcast %broadcast_in_dim3A_47 : vector<1x128xf32> to vector<2528x128xf32>
    %add3A_49 = arith.addf %dot_general3A_42, %add3A_48 : vector<2528x128xf32>
    %eq3A_50 = arith.constant 1 : i32
    %eq3A_51 = vector.broadcast %eq3A_50 : i32 to vector<2528x1xi32>
    %eq3A_52 = arith.cmpi eq, %get3A_17, %eq3A_51 : vector<2528x1xi32>
    %broadcast_in_dim3A_53 = vector.shape_cast %eq3A_52 : vector<2528x1xi1> to vector<2528x1xi1>
    %broadcast_in_dim3A_54 = vector.broadcast %broadcast_in_dim3A_53 : vector<2528x1xi1> to vector<2528x128xi1>
    %select_n3A_55 = arith.select %broadcast_in_dim3A_54, %add3A_49, %select_n3A : vector<2528x128xi1>, vector<2528x128xf32>
    %get3A_56 = arith.constant 2 : index
    %get3A_57 = arith.constant 0 : index
    %get3A_58 = arith.constant 0 : index
    %get3A_59 = vector.load %arg6[%get3A_56, %get3A_57, %get3A_58] : memref<8x128x128xf32, #tpu.memory_space<vmem>>, vector<1x128x128xf32>
    %get3A_60 = vector.shape_cast %get3A_59 : vector<1x128x128xf32> to vector<128x128xf32>
    %dot_general3A_61 = arith.constant dense<0.000000e+00> : vector<2528x128xf32>
    %dot_general3A_62 = tpu.matmul %div3A_14, %get3A_60, %dot_general3A_61 {dimension_numbers = #tpu.dot_dimension_numbers<[1], [0], [0], [1], [0, 0, 1, 1], [], []>, transpose_lhs_hint = false} : vector<2528x128xf32>, vector<128x128xf32>, vector<2528x128xf32> -> vector<2528x128xf32>
    %get3A_63 = arith.constant 2 : index
    %get3A_64 = arith.constant 0 : index
    %get3A_65 = vector.load %arg7[%get3A_63, %get3A_64] : memref<8x128xf32, #tpu.memory_space<vmem>>, vector<1x128xf32>
    %get3A_66 = vector.shape_cast %get3A_65 : vector<1x128xf32> to vector<128xf32>
    %broadcast_in_dim3A_67 = vector.shape_cast %get3A_66 : vector<128xf32> to vector<1x128xf32>
    %add3A_68 = vector.broadcast %broadcast_in_dim3A_67 : vector<1x128xf32> to vector<2528x128xf32>
    %add3A_69 = arith.addf %dot_general3A_62, %add3A_68 : vector<2528x128xf32>
    %eq3A_70 = arith.constant 2 : i32
    %eq3A_71 = vector.broadcast %eq3A_70 : i32 to vector<2528x1xi32>
    %eq3A_72 = arith.cmpi eq, %get3A_17, %eq3A_71 : vector<2528x1xi32>
    %broadcast_in_dim3A_73 = vector.shape_cast %eq3A_72 : vector<2528x1xi1> to vector<2528x1xi1>
    %broadcast_in_dim3A_74 = vector.broadcast %broadcast_in_dim3A_73 : vector<2528x1xi1> to vector<2528x128xi1>
    %select_n3A_75 = arith.select %broadcast_in_dim3A_74, %add3A_69, %select_n3A_55 : vector<2528x128xi1>, vector<2528x128xf32>
    %get3A_76 = arith.constant 3 : index
    %get3A_77 = arith.constant 0 : index
    %get3A_78 = arith.constant 0 : index
    %get3A_79 = vector.load %arg6[%get3A_76, %get3A_77, %get3A_78] : memref<8x128x128xf32, #tpu.memory_space<vmem>>, vector<1x128x128xf32>
    %get3A_80 = vector.shape_cast %get3A_79 : vector<1x128x128xf32> to vector<128x128xf32>
    %dot_general3A_81 = arith.constant dense<0.000000e+00> : vector<2528x128xf32>
    %dot_general3A_82 = tpu.matmul %div3A_14, %get3A_80, %dot_general3A_81 {dimension_numbers = #tpu.dot_dimension_numbers<[1], [0], [0], [1], [0, 0, 1, 1], [], []>, transpose_lhs_hint = false} : vector<2528x128xf32>, vector<128x128xf32>, vector<2528x128xf32> -> vector<2528x128xf32>
    %get3A_83 = arith.constant 3 : index
    %get3A_84 = arith.constant 0 : index
    %get3A_85 = vector.load %arg7[%get3A_83, %get3A_84] : memref<8x128xf32, #tpu.memory_space<vmem>>, vector<1x128xf32>
    %get3A_86 = vector.shape_cast %get3A_85 : vector<1x128xf32> to vector<128xf32>
    %broadcast_in_dim3A_87 = vector.shape_cast %get3A_86 : vector<128xf32> to vector<1x128xf32>
    %add3A_88 = vector.broadcast %broadcast_in_dim3A_87 : vector<1x128xf32> to vector<2528x128xf32>
    %add3A_89 = arith.addf %dot_general3A_82, %add3A_88 : vector<2528x128xf32>
    %eq3A_90 = arith.constant 3 : i32
    %eq3A_91 = vector.broadcast %eq3A_90 : i32 to vector<2528x1xi32>
    %eq3A_92 = arith.cmpi eq, %get3A_17, %eq3A_91 : vector<2528x1xi32>
    %broadcast_in_dim3A_93 = vector.shape_cast %eq3A_92 : vector<2528x1xi1> to vector<2528x1xi1>
    %broadcast_in_dim3A_94 = vector.broadcast %broadcast_in_dim3A_93 : vector<2528x1xi1> to vector<2528x128xi1>
    %select_n3A_95 = arith.select %broadcast_in_dim3A_94, %add3A_89, %select_n3A_75 : vector<2528x128xi1>, vector<2528x128xf32>
    %get3A_96 = arith.constant 4 : index
    %get3A_97 = arith.constant 0 : index
    %get3A_98 = arith.constant 0 : index
    %get3A_99 = vector.load %arg6[%get3A_96, %get3A_97, %get3A_98] : memref<8x128x128xf32, #tpu.memory_space<vmem>>, vector<1x128x128xf32>
    %get3A_100 = vector.shape_cast %get3A_99 : vector<1x128x128xf32> to vector<128x128xf32>
    %dot_general3A_101 = arith.constant dense<0.000000e+00> : vector<2528x128xf32>
    %dot_general3A_102 = tpu.matmul %div3A_14, %get3A_100, %dot_general3A_101 {dimension_numbers = #tpu.dot_dimension_numbers<[1], [0], [0], [1], [0, 0, 1, 1], [], []>, transpose_lhs_hint = false} : vector<2528x128xf32>, vector<128x128xf32>, vector<2528x128xf32> -> vector<2528x128xf32>
    %get3A_103 = arith.constant 4 : index
    %get3A_104 = arith.constant 0 : index
    %get3A_105 = vector.load %arg7[%get3A_103, %get3A_104] : memref<8x128xf32, #tpu.memory_space<vmem>>, vector<1x128xf32>
    %get3A_106 = vector.shape_cast %get3A_105 : vector<1x128xf32> to vector<128xf32>
    %broadcast_in_dim3A_107 = vector.shape_cast %get3A_106 : vector<128xf32> to vector<1x128xf32>
    %add3A_108 = vector.broadcast %broadcast_in_dim3A_107 : vector<1x128xf32> to vector<2528x128xf32>
    %add3A_109 = arith.addf %dot_general3A_102, %add3A_108 : vector<2528x128xf32>
    %eq3A_110 = arith.constant 4 : i32
    %eq3A_111 = vector.broadcast %eq3A_110 : i32 to vector<2528x1xi32>
    %eq3A_112 = arith.cmpi eq, %get3A_17, %eq3A_111 : vector<2528x1xi32>
    %broadcast_in_dim3A_113 = vector.shape_cast %eq3A_112 : vector<2528x1xi1> to vector<2528x1xi1>
    %broadcast_in_dim3A_114 = vector.broadcast %broadcast_in_dim3A_113 : vector<2528x1xi1> to vector<2528x128xi1>
    %select_n3A_115 = arith.select %broadcast_in_dim3A_114, %add3A_109, %select_n3A_95 : vector<2528x128xi1>, vector<2528x128xf32>
    %get3A_116 = arith.constant 5 : index
    %get3A_117 = arith.constant 0 : index
    %get3A_118 = arith.constant 0 : index
    %get3A_119 = vector.load %arg6[%get3A_116, %get3A_117, %get3A_118] : memref<8x128x128xf32, #tpu.memory_space<vmem>>, vector<1x128x128xf32>
    %get3A_120 = vector.shape_cast %get3A_119 : vector<1x128x128xf32> to vector<128x128xf32>
    %dot_general3A_121 = arith.constant dense<0.000000e+00> : vector<2528x128xf32>
    %dot_general3A_122 = tpu.matmul %div3A_14, %get3A_120, %dot_general3A_121 {dimension_numbers = #tpu.dot_dimension_numbers<[1], [0], [0], [1], [0, 0, 1, 1], [], []>, transpose_lhs_hint = false} : vector<2528x128xf32>, vector<128x128xf32>, vector<2528x128xf32> -> vector<2528x128xf32>
    %get3A_123 = arith.constant 5 : index
    %get3A_124 = arith.constant 0 : index
    %get3A_125 = vector.load %arg7[%get3A_123, %get3A_124] : memref<8x128xf32, #tpu.memory_space<vmem>>, vector<1x128xf32>
    %get3A_126 = vector.shape_cast %get3A_125 : vector<1x128xf32> to vector<128xf32>
    %broadcast_in_dim3A_127 = vector.shape_cast %get3A_126 : vector<128xf32> to vector<1x128xf32>
    %add3A_128 = vector.broadcast %broadcast_in_dim3A_127 : vector<1x128xf32> to vector<2528x128xf32>
    %add3A_129 = arith.addf %dot_general3A_122, %add3A_128 : vector<2528x128xf32>
    %eq3A_130 = arith.constant 5 : i32
    %eq3A_131 = vector.broadcast %eq3A_130 : i32 to vector<2528x1xi32>
    %eq3A_132 = arith.cmpi eq, %get3A_17, %eq3A_131 : vector<2528x1xi32>
    %broadcast_in_dim3A_133 = vector.shape_cast %eq3A_132 : vector<2528x1xi1> to vector<2528x1xi1>
    %broadcast_in_dim3A_134 = vector.broadcast %broadcast_in_dim3A_133 : vector<2528x1xi1> to vector<2528x128xi1>
    %select_n3A_135 = arith.select %broadcast_in_dim3A_134, %add3A_129, %select_n3A_115 : vector<2528x128xi1>, vector<2528x128xf32>
    %get3A_136 = arith.constant 6 : index
    %get3A_137 = arith.constant 0 : index
    %get3A_138 = arith.constant 0 : index
    %get3A_139 = vector.load %arg6[%get3A_136, %get3A_137, %get3A_138] : memref<8x128x128xf32, #tpu.memory_space<vmem>>, vector<1x128x128xf32>
    %get3A_140 = vector.shape_cast %get3A_139 : vector<1x128x128xf32> to vector<128x128xf32>
    %dot_general3A_141 = arith.constant dense<0.000000e+00> : vector<2528x128xf32>
    %dot_general3A_142 = tpu.matmul %div3A_14, %get3A_140, %dot_general3A_141 {dimension_numbers = #tpu.dot_dimension_numbers<[1], [0], [0], [1], [0, 0, 1, 1], [], []>, transpose_lhs_hint = false} : vector<2528x128xf32>, vector<128x128xf32>, vector<2528x128xf32> -> vector<2528x128xf32>
    %get3A_143 = arith.constant 6 : index
    %get3A_144 = arith.constant 0 : index
    %get3A_145 = vector.load %arg7[%get3A_143, %get3A_144] : memref<8x128xf32, #tpu.memory_space<vmem>>, vector<1x128xf32>
    %get3A_146 = vector.shape_cast %get3A_145 : vector<1x128xf32> to vector<128xf32>
    %broadcast_in_dim3A_147 = vector.shape_cast %get3A_146 : vector<128xf32> to vector<1x128xf32>
    %add3A_148 = vector.broadcast %broadcast_in_dim3A_147 : vector<1x128xf32> to vector<2528x128xf32>
    %add3A_149 = arith.addf %dot_general3A_142, %add3A_148 : vector<2528x128xf32>
    %eq3A_150 = arith.constant 6 : i32
    %eq3A_151 = vector.broadcast %eq3A_150 : i32 to vector<2528x1xi32>
    %eq3A_152 = arith.cmpi eq, %get3A_17, %eq3A_151 : vector<2528x1xi32>
    %broadcast_in_dim3A_153 = vector.shape_cast %eq3A_152 : vector<2528x1xi1> to vector<2528x1xi1>
    %broadcast_in_dim3A_154 = vector.broadcast %broadcast_in_dim3A_153 : vector<2528x1xi1> to vector<2528x128xi1>
    %select_n3A_155 = arith.select %broadcast_in_dim3A_154, %add3A_149, %select_n3A_135 : vector<2528x128xi1>, vector<2528x128xf32>
    %get3A_156 = arith.constant 7 : index
    %get3A_157 = arith.constant 0 : index
    %get3A_158 = arith.constant 0 : index
    %get3A_159 = vector.load %arg6[%get3A_156, %get3A_157, %get3A_158] : memref<8x128x128xf32, #tpu.memory_space<vmem>>, vector<1x128x128xf32>
    %get3A_160 = vector.shape_cast %get3A_159 : vector<1x128x128xf32> to vector<128x128xf32>
    %dot_general3A_161 = arith.constant dense<0.000000e+00> : vector<2528x128xf32>
    %dot_general3A_162 = tpu.matmul %div3A_14, %get3A_160, %dot_general3A_161 {dimension_numbers = #tpu.dot_dimension_numbers<[1], [0], [0], [1], [0, 0, 1, 1], [], []>, transpose_lhs_hint = false} : vector<2528x128xf32>, vector<128x128xf32>, vector<2528x128xf32> -> vector<2528x128xf32>
    %get3A_163 = arith.constant 7 : index
    %get3A_164 = arith.constant 0 : index
    %get3A_165 = vector.load %arg7[%get3A_163, %get3A_164] : memref<8x128xf32, #tpu.memory_space<vmem>>, vector<1x128xf32>
    %get3A_166 = vector.shape_cast %get3A_165 : vector<1x128xf32> to vector<128xf32>
    %broadcast_in_dim3A_167 = vector.shape_cast %get3A_166 : vector<128xf32> to vector<1x128xf32>
    %add3A_168 = vector.broadcast %broadcast_in_dim3A_167 : vector<1x128xf32> to vector<2528x128xf32>
    %add3A_169 = arith.addf %dot_general3A_162, %add3A_168 : vector<2528x128xf32>
    %eq3A_170 = arith.constant 7 : i32
    %eq3A_171 = vector.broadcast %eq3A_170 : i32 to vector<2528x1xi32>
    %eq3A_172 = arith.cmpi eq, %get3A_17, %eq3A_171 : vector<2528x1xi32>
    %broadcast_in_dim3A_173 = vector.shape_cast %eq3A_172 : vector<2528x1xi1> to vector<2528x1xi1>
    %broadcast_in_dim3A_174 = vector.broadcast %broadcast_in_dim3A_173 : vector<2528x1xi1> to vector<2528x128xi1>
    %select_n3A_175 = arith.select %broadcast_in_dim3A_174, %add3A_169, %select_n3A_155 : vector<2528x128xi1>, vector<2528x128xf32>
    %swap3A = arith.constant 0 : index
    %swap3A_176 = arith.constant 0 : index
    %swap3A_177 = vector.load %arg8[%swap3A, %swap3A_176] : memref<2528x128xf32, #tpu.memory_space<vmem>>, vector<2528x128xf32>
    tpu.vector_store %arg8[%swap3A, %swap3A_176], %select_n3A_175 {strides = array<i32>} : memref<2528x128xf32, #tpu.memory_space<vmem>>, vector<2528x128xf32>,
    return
  }
  func.func @transform_0(%arg0: i32) -> (i32, i32) {
    %c0_i32 = arith.constant 0 : i32
    %c0_i32_0 = arith.constant 0 : i32
    return %arg0, %c0_i32 : i32, i32
  }
  func.func @transform_1(%arg0: i32) -> (i32, i32) {
    %c0_i32 = arith.constant 0 : i32
    %c0_i32_0 = arith.constant 0 : i32
    return %arg0, %c0_i32 : i32, i32
  }
  func.func @transform_2(%arg0: i32) -> (i32, i32) {
    %c0_i32 = arith.constant 0 : i32
    %c0_i32_0 = arith.constant 0 : i32
    return %arg0, %c0_i32 : i32, i32
  }
  func.func @transform_3(%arg0: i32) -> (i32, i32) {
    %c0_i32 = arith.constant 0 : i32
    %c0_i32_0 = arith.constant 0 : i32
    return %arg0, %c0_i32 : i32, i32
  }
  func.func @transform_4(%arg0: i32) -> (i32, i32) {
    %c0_i32 = arith.constant 0 : i32
    %c0_i32_0 = arith.constant 0 : i32
    return %arg0, %c0_i32 : i32, i32
  }
  func.func @transform_5(%arg0: i32) -> (i32, i32, i32) {
    %c0_i32 = arith.constant 0 : i32
    %c0_i32_0 = arith.constant 0 : i32
    %c0_i32_1 = arith.constant 0 : i32
    %c0_i32_2 = arith.constant 0 : i32
    return %c0_i32, %c0_i32_0, %c0_i32_1 : i32, i32, i32
  }
  func.func @transform_6(%arg0: i32) -> (i32, i32) {
    %c0_i32 = arith.constant 0 : i32
    %c0_i32_0 = arith.constant 0 : i32
    %c0_i32_1 = arith.constant 0 : i32
    return %c0_i32, %c0_i32_0 : i32, i32
  }
  func.func @transform_7(%arg0: i32) -> (i32, i32) {
    %c0_i32 = arith.constant 0 : i32
    %c0_i32_0 = arith.constant 0 : i32
    return %arg0, %c0_i32 : i32, i32
  }
}

</mosaic_0001>

<sc_bundles>
// kernel: kernel.10.cloned.1.call-start
scs
__scs_entry_jumppad:
0x0: {  	(pc) =	sbr.rel $0x88, $3  }
0x1: {  	(tag) =	ssettag $0x0;
	lr =	simm.s32 $0x1  }
0x2: {  	[smem:$0x3F9A] =	sst lr;
	_ =	strace $0xD0000000  }
0x3: {  	_ = 	snop  }
0x4: {  	_ = 	snop  }
0x5: {  	_ = 	snop  }
0x6: {  	_ = 	snop  }
0x7: {  	_ = 	snop  }
__scs_overlays_trampoline_lowered:
0x8: {  	[smem:$0x3FA9] =	sst s0  }
0x9: {  	[smem:$0x3FAA] =	sst s1  }
0xa: {  	[smem:$0x3FAB] =	sst s2  }
0xb: {  	[smem:$0x3FAC] =	sst s3  }
0xc: {  	[smem:$0x3FAD] =	sst s4  }
0xd: {  	[smem:$0x3FAE] =	sst s5  }
0xe: {  	[smem:$0x3FAF] =	sst s6  }
0xf: {  	[smem:$0x3FB0] =	sst s7  }
0x10: {  	[smem:$0x3FB1] =	sst s8  }
0x11: {  	[smem:$0x3FB2] =	sst s9;
	s0 =	simm.s32 @!p0 $0x0  }
0x12: {  	s1 =	sld [smem:$0x3F98];
	s0 =	simm.s32 @p0 $0x1  }
0x13: {  	[smem:$0x3FB3] =	sst s0;
	s0 =	simm.s32 @!p1 $0x0  }
0x14: {  	s2 =	sld [smem:$0x3F97];
	s0 =	simm.s32 @p1 $0x1  }
0x15: {  	[smem:$0x3FB4] =	sst s0;
	s0 =	simm.s32 @!p2 $0x0  }
0x16: {  	s3 =	sld [smem:$0x3FDB];
	s0 =	simm.s32 @p2 $0x1  }
0x17: {  	s4 =	simm.s32 $0x1BF5;
	[smem:$0x3FB6] =	sst s0  }
0x18: {  	s0 =	sld [smem:$0x3F99];
	_ =	swait.ge [sflag:s4], $0x0  }
0x19: {  	s7 =	sld [smem:$0x3F9A]  }
0x1a: {  	s8 =	sadd.s32 $0xFFFFE003, lr  }
0x1b: {  	s9 =	sadd.s32 $0xFFFFFEF7, lr;
	s5 =	simm.s32 $0xFFFFFFFF;
	p2 =	slt.u32 s8, $0xFFFFF086  }
0x1c: {  	p1 =	slt.u32 s9, $0xF7A;
	s5 =	simm.s32 @!p2 $0x0  }
0x1d: {  	s5 =	simm.s32 @p1 $0x1;
	p0 =	seq.s32 s7, s2  }
0x1e: {  	s7 =	smul.u32 @!p0 $0xF7A, s2;
	p2 =	seq.s32 @!p0 s5, $0x0  }
0x1f: {  	s9 =	smul.u32 $0xF7A, s1;
	s8 =	simm.s32 @!p0 $0x1BF5;
	p2 =	por !p2, p0  }
0x20: {  	[sflag:s8] =	ssyncset.s32 @!p0 $0xFFFFF086;
	s6 =	sadd.s32 @!p0 s3, s7;
	s7 =	simm.s32 @!p0 $0x108  }
0x21: {  	s3 =	sadd.s32 s3, s9;
	s6 =	sadd.s32 @!p0 $0x88, s6;
	s7 =	simm.s32 @p2 $0x1082  }
0x22: {  	[simem:s7], [sflag:s8] =	dma.local @!p0 [hbm:s6], $0xF7A  }
0x23: {  	s9 =	sor.u32 $0xD0000000, s2;
	s6 =	simm.s32 $0x108;
	_ =	swait.ge @!p0 [sflag:s8], $0x0  }
0x24: {  	s3 =	sadd.s32 $0x88, s3;
	s6 =	simm.s32 @!p1 $0x1082;
	[sflag:s4] =	ssyncset.s32 $0xFFFFF086  }
0x25: {  	[simem:s6], [sflag:s4] =	dma.local [hbm:s3], $0xF7A  }
0x26: {  	[smem:$0x3F9A] =	sst s1;
	(tag) =	ssettag s2;
	_ =	strace s9  }
0x27: {  	s1 =	sld [smem:$0x3FAA]  }
0x28: {  	s2 =	sld [smem:$0x3FAB]  }
0x29: {  	s4 =	sld [smem:$0x3FAD]  }
0x2a: {  	p0 =	seq.s32 s5, $0x0;
	s5 =	sld [smem:$0x3FAE]  }
0x2b: {  	s6 =	sld [smem:$0x3FAF]  }
0x2c: {  	s7 =	sld [smem:$0x3FB0]  }
0x2d: {  	s3 =	simm.s32 $0x108;
	s8 =	sld [smem:$0x3FB1]  }
0x2e: {  	s3 =	simm.s32 @!p0 $0x1082;
	s9 =	sld [smem:$0x3FB2]  }
0x2f: {  	lr =	sadd.s32 s0, s3;
	s0 =	sld [smem:$0x3FA9]  }
0x30: {  	s3 =	sld [smem:$0x3FAC]  }
0x31: {  	[smem:$0x3FB5] =	sst s10  }
0x32: {  	s10 =	sld [smem:$0x3FB3];
	_ =	sdelay $0x3  }
0x33: {  	p0 =	seq.s32 s10, $0x1;
	s10 =	sld [smem:$0x3FB5];
	_ =	sdelay $0x3  }
0x34: {  	[smem:$0x3FB5] =	sst s10  }
0x35: {  	s10 =	sld [smem:$0x3FB4];
	_ =	sdelay $0x3  }
0x36: {  	p1 =	seq.s32 s10, $0x1;
	s10 =	sld [smem:$0x3FB5];
	_ =	sdelay $0x3  }
0x37: {  	[smem:$0x3FB5] =	sst s10  }
0x38: {  	s10 =	sld [smem:$0x3FB6]  }
0x39: {  	_ = 	snop;
	(pc) =	sbr.ind lr, $3  }
0x3a: {  	_ = 	snop  }
0x3b: {  	_ = 	snop  }
0x3c: {  	p2 =	seq.s32 s10, $0x1;
	s10 =	sld [smem:$0x3FB5]  }
0x3d: {  	_ =	shalt  }
0x3e: {  	_ =	shalt  }
0x3f: {  	_ =	shalt  }
0x40: {  	_ =	shalt  }
0x41: {  	_ =	shalt  }
0x42: {  	_ =	shalt  }
0x43: {  	_ =	shalt  }
0x44: {  	_ =	shalt  }
0x45: {  	_ =	shalt  }
0x46: {  	_ =	shalt  }
0x47: {  	_ =	shalt  }
0x48: {  	_ =	shalt  }
0x49: {  	_ =	shalt  }
0x4a: {  	_ =	shalt  }
0x4b: {  	_ =	shalt  }
0x4c: {  	_ =	shalt  }
0x4d: {  	_ =	shalt  }
0x4e: {  	_ =	shalt  }
0x4f: {  	_ =	shalt  }
0x50: {  	_ =	shalt  }
0x51: {  	_ =	shalt  }
0x52: {  	_ =	shalt  }
0x53: {  	_ =	shalt  }
0x54: {  	_ =	shalt  }
0x55: {  	_ =	shalt  }
0x56: {  	_ =	shalt  }
0x57: {  	_ =	shalt  }
0x58: {  	_ =	shalt  }
0x59: {  	_ =	shalt  }
0x5a: {  	_ =	shalt  }
0x5b: {  	_ =	shalt  }
0x5c: {  	_ =	shalt  }
0x5d: {  	_ =	shalt  }
0x5e: {  	_ =	shalt  }
0x5f: {  	_ =	shalt  }
0x60: {  	_ =	shalt  }
0x61: {  	_ =	shalt  }
0x62: {  	_ =	shalt  }
0x63: {  	_ =	shalt  }
0x64: {  	_ =	shalt  }
0x65: {  	_ =	shalt  }
0x66: {  	_ =	shalt  }
0x67: {  	_ =	shalt  }
0x68: {  	_ =	shalt  }
0x69: {  	_ =	shalt  }
0x6a: {  	_ =	shalt  }
0x6b: {  	_ =	shalt  }
0x6c: {  	_ =	shalt  }
0x6d: {  	_ =	shalt  }
0x6e: {  	_ =	shalt  }
0x6f: {  	_ =	shalt  }
0x70: {  	_ =	shalt  }
0x71: {  	_ =	shalt  }
0x72: {  	_ =	shalt  }
0x73: {  	_ =	shalt  }
0x74: {  	_ =	shalt  }
0x75: {  	_ =	shalt  }
0x76: {  	_ =	shalt  }
0x77: {  	_ =	shalt  }
0x78: {  	_ =	shalt  }
0x79: {  	_ =	shalt  }
0x7a: {  	_ =	shalt  }
0x7b: {  	_ =	shalt  }
0x7c: {  	_ =	shalt  }
0x7d: {  	_ =	shalt  }
0x7e: {  	_ =	shalt  }
0x7f: {  	_ =	shalt  }
0x80: {  	_ =	shalt  }
0x81: {  	_ =	shalt  }
0x82: {  	_ =	shalt  }
0x83: {  	_ =	shalt  }
0x84: {  	_ =	shalt  }
0x85: {  	_ =	shalt  }
0x86: {  	_ =	shalt  }
0x87: {  	_ =	shalt  }
.Lfunc_end0:
.L_simem_size_0:
called_computation.1_lowered:
.L_overlay_start_0:
0x88: {  	s2 =	sld [smem:$0x3FD9]  }
0x89: {  	s3 =	sld [smem:$0x3FFE];
	_ =	sdelay $0x1  }
0x8a: {  	s1 =	srdreg.scid  }
0x8b: {  	s0 =	sand.u32 $0x1, s1  }
0x8c: {  	s17 =	sshll.u32 s0, $0xA;
	s2 =	sadd.s32 s3, s2  }
0x8d: {  	s2 =	sadd.s32 s2, s17  }
0x8e: {  	[smem:$0x3FC1] =	sst s2  }
0x8f: {  	_ = 	snop  }
0x90: {  	s2 =	sld [smem:$0x3FD0];
	(tm) =	ssettm $0x1  }
0x91: {  	s18 =	sld [smem:$0x3FFB];
	_ =	sdelay $0x3  }
0x92: {  	_ =	strace s18  }
0x93: {  	s3 =	sld [smem:$0x3FFC];
	_ =	sdelay $0x3  }
0x94: {  	_ =	strace s3  }
0x95: {  	s3 =	sld [smem:$0x3FFD];
	_ =	sdelay $0x3  }
0x96: {  	_ =	strace s3  }
0x97: {  	_ =	strace $0x8FFFFFFF  }
0x98: {  	s19 =	sld [smem:$0x3FDB];
	_ =	sdelay $0x1  }
0x99: {  	s4 =	simm.s32 $_scs_section_size  }
0x9a: {  	s5 =	simm.s32 $_size__tile_overlayer_lowered;
	s6 =	simm.s32 $_tile_overlayer_lowered  }
0x9b: {  	s22 =	simm.s32 $0x1BFF;
	s21 =	sshll.u32 s6, $0x1;
	s3 =	sadd.s32 s4, s19  }
0x9c: {  	s7 =	simm.s32 $0x0;
	s20 =	sshll.u32 s5, $0x1;
	s5 =	sadd.s32 s21, s3  }
0x9d: {  	[timem:s7], [sflag:s22] =	dma.local [hbm:s5], s20  }
0x9e: {  	_ =	swait.ge [sflag:s22], s20  }
0x9f: {  	s4 =	ssub.s32 $0x0, s20;
	[sflag:s22] =	ssyncset.done $0x0  }
0xa0: {  	[sflag:s22] =	ssyncadd.s32 s4;
	_ =	sdelay $0x1  }
0xa1: {  	s23 =	simm.s32 $0x1B8B  }
0xa2: {  	_ =	swait.ge [sflag:s23], $0x1  }
0xa3: {  	[sflag:s23] =	ssyncset.done $0x0  }
0xa4: {  	s25 =	simm.s32 $0x1B8E;
	s24 =	sld [smem:$0x3FFE];
	[sflag:s23] =	ssyncadd.s32 $0xFFFFFFFF  }
0xa5: {  	s26 =	simm.s32 $execute0_lowered;
	[smem:$0x3FD2] =	sst s25  }
0xa6: {  	s5 =	sshll.u32 s26, $0x1;
	_ =	strace $0x80000046;
	[dreg:$0x1] =	wrdreg $0xFFFFFFFF  }
0xa7: {  	s28 =	simm.s32 $_size_execute0_lowered;
	s3 =	sadd.s32 s3, s5;
	[dreg:$0x0] =	wrdreg $0x0  }
0xa8: {  	s5 =	sshll.u32 s28, $0x1;
	[dreg:$0x2] =	wrdreg s3  }
0xa9: {  	[dreg:$0x3] =	wrdreg s5  }
0xaa: {  	[dreg:$0x4] =	wrdreg $0xC0  }
0xab: {  	_ =	task [dreg:s7], $0x5FFFF  }
0xac: {  	[dreg:$0x1] =	wrdreg $0xFFFFFFFF  }
0xad: {  	[dreg:$0x0] =	wrdreg $0x60  }
0xae: {  	[dreg:$0x2] =	wrdreg s24  }
0xaf: {  	[dreg:$0x3] =	wrdreg s2  }
0xb0: {  	[dreg:$0x4] =	wrdreg $0x60000  }
0xb1: {  	[dreg:$0x5] =	wrdreg $0xA  }
0xb2: {  	_ =	task.clear_ibuf [dreg:s7], $0x6FFFF;
	_ =	strace $0x90000046  }
0xb3: {  	s29 =	simm.s32 $0xA;
	_ =	strace $0x80000048  }
0xb4: {  	_ =	swait.ge [sflag:s29], $0x1  }
0xb5: {  	[sflag:s29] =	ssyncadd.s32 $0xFFFFFFFF  }
0xb6: {  	_ =	strace $0x90000048  }
0xb7: {  	_ =	sfence  }
0xb8: {  	s30 =	sld [smem:$0x0];
	_ =	sdelay $0x2  }
0xb9: {  	s31 =	sshll.u32 s1, $0xD;
	s1 =	sshrl.u32 s1, $0x2  }
0xba: {  	s3 =	sand.u32 $0x4000, s31;
	s1 =	sadd.s32 s1, s30  }
0xbb: {  	s0 =	sor.u32 s3, s0;
	s1 =	sshll.u32 s1, $0x11  }
0xbc: {  	s0 =	sor.u32 s1, s0  }
0xbd: {  	s0 =	sadd.s32 $0x8F2B, s0  }
0xbe: {  	[sflag:s0] =	ssyncadd.remote.s32 $0x1  }
0xbf: {  	_ =	sfence.sel $0xFFFF  }
0xc0: {  	[dreg:$0x0] =	wrdreg $0xFFFFFFFF;
	(pc) =	sbr.abs _section_cstart, $3  }
0xc1: {  	[dreg:$0x1] =	wrdreg $0xFFFFFFFF  }
0xc2: {  	_ =	task.clear_ibuf [dreg:s7], $0x2FFFF;
	_ =	strace $0x9FFFFFFF  }
0xc3: {  	(tm) =	ssettm $0x7FFFFFFF  }
tec
execute0_lowered:
.L_overlay_start_1:
0x0: {  	(tag) =	ssettag $0x1  }
0x1: {  	s0 =	rddreg [dreg:$0x0]  }
0x2: {  	s1 =	rddreg [dreg:$0x1];
	s3 =	srdreg.scid  }
0x3: {  	s2 =	rddreg [dreg:$0x2];
	s20 =	stileid.u32;
	s4 =	sand.u32 $0x1, s3  }
0x4: {  	s3 =	simm.s32 $0x0;
	s6 =	smul.u32 $0x13C00, s20;
	s7 =	sadd.s32 $0x3D800, s0  }
0x5: {  	s5 =	ssub.s32 $0x2, s4;
	[smem:$0x7FF] =	sst s3;
	s12 =	smul.u32 $0x13C000, s4  }
0x6: {  	p0 =	seq.s32 s4, $0x1;
	s8 =	sshrl.u32 s5, $0x1;
	s9 =	sadd.s32 $0x4000, s6  }
0x7: {  	s10 =	sadd.s32 $0x6000, s6;
	s11 =	sadd.s32 $0x8000, s6;
	s13 =	sadd.s32 $0xA000, s6  }
0x8: {  	s14 =	sadd.s32 $0xC000, s6;
	s17 =	sadd.s32 $0xE000, s6;
	s18 =	sadd.s32 $0x10000, s6  }
0x9: {  	s19 =	sadd.s32 $0x12000, s6;
	s5 =	ssub.s32 s5, s8;
	s8 =	sadd.s32 $0x2000, s6  }
0xa: {  	s6 =	sadd.s32 s6, s12;
	s16 =	sadd.s32 s12, s9;
	s22 =	sadd.s32 s12, s10  }
0xb: {  	s24 =	sadd.s32 s12, s11;
	s29 =	sadd.s32 s13, s2;
	s28 =	sadd.s32 s19, s2  }
0xc: {  	s25 =	sshrl.u32 s6, $0x3;
	s26 =	sadd.s32 s12, s8;
	s21 =	sshrl.u32 s16, $0x3  }
0xd: {  	s23 =	sshrl.u32 s22, $0x3;
	s8 =	sadd.s32 s8, s2;
	s4 =	sadd.s32 s7, s25  }
0xe: {  	s15 =	sshrl.u32 s26, $0x3;
	s25 =	sshrl.u32 s24, $0x3;
	s26 =	sadd.s32 s12, s13  }
0xf: {  	s13 =	simm.s32 $0x1080;
	[dreg:$0x4] =	wrdreg s4;
	s4 =	sadd.s32 s7, s15  }
0x10: {  	s6 =	sshrl.u32 s26, $0x3;
	s15 =	sadd.s32 s12, s14;
	s26 =	smul.u32 $0x4F000, s20  }
0x11: {  	[dreg:$0x5] =	wrdreg s4;
	s4 =	sadd.s32 s7, s21;
	s16 =	sshrl.u32 s15, $0x3  }
0x12: {  	s21 =	sadd.s32 s12, s17;
	s15 =	sadd.s32 $0x15C00, s0;
	[dreg:$0x6] =	wrdreg s4  }
0x13: {  	s4 =	sadd.s32 s7, s23;
	s22 =	sshrl.u32 s21, $0x3;
	s23 =	sadd.s32 s12, s18  }
0x14: {  	s21 =	sadd.s32 s14, s2;
	s14 =	simm.s32 $0x4;
	[dreg:$0x7] =	wrdreg s4  }
0x15: {  	s4 =	sadd.s32 s7, s25;
	s24 =	sshrl.u32 s23, $0x3;
	s25 =	sadd.s32 s12, s19  }
0x16: {  	s12 =	sadd.s32 s9, s2;
	s23 =	sadd.s32 s18, s2;
	s19 =	smov.u32 s8  }
0x17: {  	s18 =	smax.u32 s5, $0x1;
	[dreg:$0x8] =	wrdreg s4;
	s4 =	sadd.s32 s7, s6  }
0x18: {  	s6 =	sshrl.u32 s25, $0x3;
	[dreg:$0x9] =	wrdreg s4;
	s4 =	sadd.s32 s7, s16  }
0x19: {  	s5 =	simm.s32 $0x1000;
	s6 =	sadd.s32 s7, s6;
	[dreg:$0xa] =	wrdreg s4  }
0x1a: {  	s8 =	simm.s32 $0x4000;
	s4 =	sadd.s32 s7, s22;
	[dreg:$0xd] =	wrdreg s6  }
0x1b: {  	s9 =	simm.s32 $0x2;
	[dreg:$0xb] =	wrdreg s4;
	s4 =	sadd.s32 s7, s24  }
0x1c: {  	s16 =	sadd.s32 $0x1C00, s0;
	s0 =	sadd.s32 $0x3D400, s0;
	[dreg:$0xc] =	wrdreg s4  }
0x1d: {  	s25 =	smul.u32 $0xA000, s20;
	_ =	strace $0x80000047;
	[dreg:$0xe] =	wrdreg s0  }
0x1e: {  	s20 =	smov.u32 s12;
	s12 =	simm.s32 $0x100;
	[dreg:$0x16] =	wrdreg s18  }
0x1f: {  	s22 =	sadd.s32 s17, s2;
	s31 =	sadd.s32 $0x7000, s25;
	[dreg:$0xf] =	wrdreg s29  }
0x20: {  	s7 =	sshrl.u32 s26, $0x2;
	s26 =	sadd.s32 s11, s2;
	[dreg:$0x10] =	wrdreg s21  }
.Ltmp0:
0x21: {  	s6 =	simm.s32 $0x40;
	[dreg:$0x11] =	wrdreg s26;
	(pc) =	sbr.rel .LBB2_1-.Ltmp0, $4  }
0x22: {  	s17 =	simm.s32 $0x0;
	s24 =	sadd.s32 s10, s2;
	[dreg:$0x12] =	wrdreg s22  }
0x23: {  	s11 =	simm.s32 $0x2000;
	s10 =	simm.s32 $0x3;
	[dreg:$0x13] =	wrdreg s23  }
0x24: {  	s30 =	sadd.s32 s7, s2;
	s4 =	simm.s32 $0x1;
	[dreg:$0x14] =	wrdreg s28  }
0x25: {  	s7 =	simm.s32 $0x80;
	s0 =	simm.s32 $0x5;
	[dreg:$0x15] =	wrdreg s24  }
.LBB2_10:
0x26: {  	[bflag:$0x0] =	sbarrier.arrive $0xFFFF  }
0x27: {  	[tilespmem:s11], [sflag:$0x5] =	stream.linear.gather [spmem:s24], $0x2000, $0x38;
	[tilespmem:$0x19C00] =	vst v63  }
0x28: {  	_ =	swait.ge [sflag:s0], $0x2000  }
0x29: {  	[sflag:s0] =	ssyncset.done $0x0  }
0x2a: {  	s18 =	rddreg [dreg:$0x4];
	[sflag:s0] =	ssyncadd.s32 $0xFFFFE000  }
0x2b: {  	[hbm4b:s18+s3] =	stream.linear.scatter [tilespmem:s11], [sflag:$0x1], $0x2000, $0x38;
	[tilespmem:$0x19C00] =	vst v63  }
0x2c: {  	_ = 	snop  }
0x2d: {  	[tilespmem:s8], [sflag:$0x5] =	stream.linear.gather [spmem:s22], $0x2000, $0x38;
	[tilespmem:$0x19C00] =	vst v63  }
0x2e: {  	_ =	swait.ge [sflag:s0], $0x2000  }
0x2f: {  	[sflag:s0] =	ssyncset.done $0x0  }
0x30: {  	s20 =	rddreg [dreg:$0x5];
	[sflag:s0] =	ssyncadd.s32 $0xFFFFE000  }
0x31: {  	[hbm4b:s20+s3] =	stream.linear.scatter [tilespmem:s8], [sflag:$0x2], $0x2000, $0x38;
	[tilespmem:$0x19C00] =	vst v63  }
0x32: {  	_ =	swait.ge [sflag:s4], $0x2000  }
0x33: {  	[sflag:s4] =	ssyncset.done $0x0  }
0x34: {  	[sflag:s4] =	ssyncadd.s32 $0xFFFFE000  }
0x35: {  	[tilespmem:s11], [sflag:$0x5] =	stream.linear.gather [spmem:s23], $0x2000, $0x38;
	[tilespmem:$0x19C00] =	vst v63  }
0x36: {  	_ =	swait.ge [sflag:s0], $0x2000  }
0x37: {  	[sflag:s0] =	ssyncset.done $0x0  }
0x38: {  	s21 =	rddreg [dreg:$0x6];
	[sflag:s0] =	ssyncadd.s32 $0xFFFFE000  }
0x39: {  	[hbm4b:s21+s3] =	stream.linear.scatter [tilespmem:s11], [sflag:$0x1], $0x2000, $0x38;
	[tilespmem:$0x19C00] =	vst v63  }
0x3a: {  	_ =	swait.ge [sflag:s9], $0x2000  }
0x3b: {  	[sflag:s9] =	ssyncset.done $0x0  }
0x3c: {  	s30 =	smov.u32 s24;
	s24 =	rddreg [dreg:$0x15];
	[sflag:s9] =	ssyncadd.s32 $0xFFFFE000  }
0x3d: {  	[tilespmem:s8], [sflag:$0x5] =	stream.linear.gather [spmem:s24], $0x2000, $0x38;
	[tilespmem:$0x19C00] =	vst v63  }
0x3e: {  	_ =	swait.ge [sflag:s0], $0x2000  }
0x3f: {  	[sflag:s0] =	ssyncset.done $0x0  }
0x40: {  	s19 =	smov.u32 s22;
	s22 =	rddreg [dreg:$0x7];
	[sflag:s0] =	ssyncadd.s32 $0xFFFFE000  }
0x41: {  	[hbm4b:s22+s3] =	stream.linear.scatter [tilespmem:s8], [sflag:$0x2], $0x2000, $0x38;
	[tilespmem:$0x19C00] =	vst v63  }
0x42: {  	_ =	swait.ge [sflag:s4], $0x2000  }
0x43: {  	[sflag:s4] =	ssyncset.done $0x0  }
0x44: {  	s26 =	rddreg [dreg:$0x11];
	[sflag:s4] =	ssyncadd.s32 $0xFFFFE000  }
0x45: {  	[tilespmem:s11], [sflag:$0x5] =	stream.linear.gather [spmem:s26], $0x2000, $0x38;
	[tilespmem:$0x19C00] =	vst v63  }
0x46: {  	_ =	swait.ge [sflag:s0], $0x2000  }
0x47: {  	[sflag:s0] =	ssyncset.done $0x0  }
0x48: {  	s20 =	smov.u32 s23;
	s23 =	rddreg [dreg:$0x8];
	[sflag:s0] =	ssyncadd.s32 $0xFFFFE000  }
0x49: {  	[hbm4b:s23+s3] =	stream.linear.scatter [tilespmem:s11], [sflag:$0x1], $0x2000, $0x38;
	[tilespmem:$0x19C00] =	vst v63  }
0x4a: {  	_ =	swait.ge [sflag:s9], $0x2000  }
0x4b: {  	[sflag:s9] =	ssyncset.done $0x0  }
0x4c: {  	s29 =	rddreg [dreg:$0xf];
	[sflag:s9] =	ssyncadd.s32 $0xFFFFE000  }
0x4d: {  	[tilespmem:s8], [sflag:$0x5] =	stream.linear.gather [spmem:s29], $0x2000, $0x38;
	[tilespmem:$0x19C00] =	vst v63  }
0x4e: {  	_ =	swait.ge [sflag:s0], $0x2000  }
0x4f: {  	[sflag:s0] =	ssyncset.done $0x0  }
0x50: {  	s21 =	rddreg [dreg:$0x9];
	[sflag:s0] =	ssyncadd.s32 $0xFFFFE000  }
0x51: {  	[hbm4b:s21+s3] =	stream.linear.scatter [tilespmem:s8], [sflag:$0x2], $0x2000, $0x38;
	[tilespmem:$0x19C00] =	vst v63  }
0x52: {  	_ =	swait.ge [sflag:s4], $0x2000  }
0x53: {  	[sflag:s4] =	ssyncset.done $0x0  }
0x54: {  	s21 =	rddreg [dreg:$0x10];
	[sflag:s4] =	ssyncadd.s32 $0xFFFFE000  }
0x55: {  	[tilespmem:s11], [sflag:$0x5] =	stream.linear.gather [spmem:s21], $0x2000, $0x38;
	[tilespmem:$0x19C00] =	vst v63  }
0x56: {  	_ =	swait.ge [sflag:s0], $0x2000  }
0x57: {  	[sflag:s0] =	ssyncset.done $0x0  }
0x58: {  	s22 =	rddreg [dreg:$0xa];
	[sflag:s0] =	ssyncadd.s32 $0xFFFFE000  }
0x59: {  	[hbm4b:s22+s3] =	stream.linear.scatter [tilespmem:s11], [sflag:$0x1], $0x2000, $0x38;
	[tilespmem:$0x19C00] =	vst v63  }
0x5a: {  	_ =	swait.ge [sflag:s9], $0x2000  }
0x5b: {  	[sflag:s9] =	ssyncset.done $0x0  }
0x5c: {  	s22 =	rddreg [dreg:$0x12];
	[sflag:s9] =	ssyncadd.s32 $0xFFFFE000  }
0x5d: {  	[tilespmem:s8], [sflag:$0x5] =	stream.linear.gather [spmem:s22], $0x2000, $0x38;
	[tilespmem:$0x19C00] =	vst v63  }
0x5e: {  	_ =	swait.ge [sflag:s0], $0x2000  }
0x5f: {  	[sflag:s0] =	ssyncset.done $0x0  }
0x60: {  	s23 =	rddreg [dreg:$0xb];
	[sflag:s0] =	ssyncadd.s32 $0xFFFFE000  }
0x61: {  	[hbm4b:s23+s3] =	stream.linear.scatter [tilespmem:s8], [sflag:$0x2], $0x2000, $0x38;
	[tilespmem:$0x19C00] =	vst v63  }
0x62: {  	_ =	swait.ge [sflag:s4], $0x2000  }
0x63: {  	[sflag:s4] =	ssyncset.done $0x0  }
0x64: {  	s23 =	rddreg [dreg:$0x13];
	[sflag:s4] =	ssyncadd.s32 $0xFFFFE000  }
0x65: {  	[tilespmem:s11], [sflag:$0x5] =	stream.linear.gather [spmem:s23], $0x2000, $0x38;
	[tilespmem:$0x19C00] =	vst v63  }
0x66: {  	_ =	swait.ge [sflag:s0], $0x2000  }
0x67: {  	[sflag:s0] =	ssyncset.done $0x0  }
0x68: {  	s18 =	rddreg [dreg:$0xc];
	[sflag:s0] =	ssyncadd.s32 $0xFFFFE000  }
0x69: {  	[hbm4b:s18+s3] =	stream.linear.scatter [tilespmem:s11], [sflag:$0x1], $0x2000, $0x38;
	[tilespmem:$0x19C00] =	vst v63  }
0x6a: {  	_ =	swait.ge [sflag:s9], $0x2000  }
0x6b: {  	[sflag:s9] =	ssyncset.done $0x0  }
0x6c: {  	s28 =	rddreg [dreg:$0x14];
	[sflag:s9] =	ssyncadd.s32 $0xFFFFE000  }
0x6d: {  	[tilespmem:s8], [sflag:$0x5] =	stream.linear.gather [spmem:s28], $0x1C00, $0x38;
	[tilespmem:$0x19C00] =	vst v63  }
0x6e: {  	_ =	swait.ge [sflag:s0], $0x1C00  }
0x6f: {  	[sflag:s0] =	ssyncset.done $0x0  }
0x70: {  	s18 =	rddreg [dreg:$0xd];
	[sflag:s0] =	ssyncadd.s32 $0xFFFFE400  }
0x71: {  	[hbm4b:s18+s3] =	stream.linear.scatter [tilespmem:s8], [sflag:$0x2], $0x1C00, $0x38;
	[tilespmem:$0x19C00] =	vst v63  }
0x72: {  	_ =	swait.ge [sflag:s4], $0x2000  }
0x73: {  	[sflag:s4] =	ssyncset.done $0x0  }
0x74: {  	[sflag:s4] =	ssyncadd.s32 $0xFFFFE000  }
0x75: {  	_ =	swait.ge [sflag:s9], $0x1C00  }
0x76: {  	s17 =	sadd.s32 $0x1, s17;
	s18 =	rddreg [dreg:$0x16]  }
0x77: {  	p1 =	sne.s32 s17, s18  }
.Ltmp1:
0x78: {  	_ = 	snop;
	(pc) =	sbr.rel @!p1 .LBB2_11-.Ltmp1, $3  }
0x79: {  	_ =	sdelay $0x1  }
0x7a: {  	[sflag:s9] =	ssyncset.done $0x0  }
0x7b: {  	[sflag:s9] =	ssyncadd.s32 $0xFFFFE400  }
.LBB2_1:
0x7c: {  	s18 =	rddreg [dreg:$0xe]  }
0x7d: {  	[tilespmem:s11], [sflag:$0x5] =	stream.linear.gather [hbm4b:s18+s3], $0x2000, $0x38;
	[tilespmem:$0x19C00] =	vst v63  }
0x7e: {  	_ =	swait.ge [sflag:s0], $0x2000  }
0x7f: {  	[sflag:s0] =	ssyncset.done $0x0  }
0x80: {  	[sflag:s0] =	ssyncadd.s32 $0xFFFFE000  }
0x81: {  	[spmem:s30] =	stream.linear.scatter [tilespmem:s11], [sflag:$0x1], $0x2000, $0x38;
	[tilespmem:$0x19C00] =	vst v63  }
0x82: {  	_ = 	snop  }
0x83: {  	[spmem:s19] =	stream.linear.scatter [tilespmem:s11], [sflag:$0x1], $0x2000, $0x38;
	[tilespmem:$0x19C00] =	vst v63  }
0x84: {  	_ = 	snop  }
0x85: {  	[spmem:s20] =	stream.linear.scatter [tilespmem:s11], [sflag:$0x1], $0x2000, $0x38;
	[tilespmem:$0x19C00] =	vst v63  }
0x86: {  	s18 =	smov.u32 s24  }
0x87: {  	[spmem:s18] =	stream.linear.scatter [tilespmem:s11], [sflag:$0x1], $0x2000, $0x38;
	[tilespmem:$0x19C00] =	vst v63  }
0x88: {  	_ = 	snop  }
0x89: {  	[spmem:s26] =	stream.linear.scatter [tilespmem:s11], [sflag:$0x1], $0x2000, $0x38;
	[tilespmem:$0x19C00] =	vst v63  }
0x8a: {  	_ = 	snop  }
0x8b: {  	[spmem:s29] =	stream.linear.scatter [tilespmem:s11], [sflag:$0x1], $0x2000, $0x38;
	[tilespmem:$0x19C00] =	vst v63  }
0x8c: {  	_ = 	snop  }
0x8d: {  	[spmem:s21] =	stream.linear.scatter [tilespmem:s11], [sflag:$0x1], $0x2000, $0x38;
	[tilespmem:$0x19C00] =	vst v63  }
0x8e: {  	s24 =	smov.u32 s30;
	s30 =	smov.u32 s22  }
0x8f: {  	[spmem:s30] =	stream.linear.scatter [tilespmem:s11], [sflag:$0x1], $0x2000, $0x38;
	[tilespmem:$0x19C00] =	vst v63  }
0x90: {  	s22 =	smov.u32 s19;
	s19 =	smov.u32 s23  }
0x91: {  	[spmem:s19] =	stream.linear.scatter [tilespmem:s11], [sflag:$0x1], $0x2000, $0x38;
	[tilespmem:$0x19C00] =	vst v63  }
0x92: {  	_ = 	snop  }
0x93: {  	[spmem:s28] =	stream.linear.scatter [tilespmem:s11], [sflag:$0x1], $0x1C00, $0x38;
	[tilespmem:$0x19C00] =	vst v63  }
0x94: {  	_ =	swait.ge [sflag:s4], $0x2000  }
0x95: {  	[sflag:s4] =	ssyncset.done $0x0  }
0x96: {  	[sflag:s4] =	ssyncadd.s32 $0xFFFFE000  }
0x97: {  	_ =	swait.ge [sflag:s4], $0x2000  }
0x98: {  	[sflag:s4] =	ssyncset.done $0x0  }
0x99: {  	[sflag:s4] =	ssyncadd.s32 $0xFFFFE000  }
0x9a: {  	_ =	swait.ge [sflag:s4], $0x2000  }
0x9b: {  	[sflag:s4] =	ssyncset.done $0x0  }
0x9c: {  	[sflag:s4] =	ssyncadd.s32 $0xFFFFE000  }
0x9d: {  	_ =	swait.ge [sflag:s4], $0x2000  }
0x9e: {  	[sflag:s4] =	ssyncset.done $0x0  }
0x9f: {  	[sflag:s4] =	ssyncadd.s32 $0xFFFFE000  }
0xa0: {  	_ =	swait.ge [sflag:s4], $0x2000  }
0xa1: {  	[sflag:s4] =	ssyncset.done $0x0  }
0xa2: {  	[sflag:s4] =	ssyncadd.s32 $0xFFFFE000  }
0xa3: {  	_ =	swait.ge [sflag:s4], $0x2000  }
0xa4: {  	[sflag:s4] =	ssyncset.done $0x0  }
0xa5: {  	[sflag:s4] =	ssyncadd.s32 $0xFFFFE000  }
0xa6: {  	_ =	swait.ge [sflag:s4], $0x2000  }
0xa7: {  	[sflag:s4] =	ssyncset.done $0x0  }
0xa8: {  	[sflag:s4] =	ssyncadd.s32 $0xFFFFE000  }
0xa9: {  	_ =	swait.ge [sflag:s4], $0x2000  }
0xaa: {  	[sflag:s4] =	ssyncset.done $0x0  }
0xab: {  	[sflag:s4] =	ssyncadd.s32 $0xFFFFE000  }
0xac: {  	_ =	swait.ge [sflag:s4], $0x2000  }
0xad: {  	[sflag:s4] =	ssyncset.done $0x0  }
0xae: {  	[sflag:s4] =	ssyncadd.s32 $0xFFFFE000  }
.Ltmp2:
0xaf: {  	_ =	swait.ge [sflag:s4], $0x1C00;
	(pc) =	sbr.rel @p0 .LBB2_6-.Ltmp2, $4  }
.Ltmp3:
0xb0: {  	[sflag:s4] =	ssyncset.done $0x0;
	(pc) =	sbr.rel @!p0 .LBB2_2-.Ltmp3, $4  }
0xb1: {  	[sflag:s4] =	ssyncadd.s32 $0xFFFFE400  }
0xb2: {  	[bflag:$0x0] =	sbarrier.arrive $0xFFFF  }
0xb3: {  	s23 =	smov.u32 s20;
	s18 =	simm.s32 $0x0;
	s30 =	simm.s32 $0x0  }
0xb4: {  	_ = 	snop  }
.LBB2_9:
0xb5: {  	s18 =	sadd.s32 $0x1, s18  }
0xb6: {  	p1 =	sne.s32 s18, $0x3  }
.Ltmp4:
0xb7: {  	_ = 	snop;
	(pc) =	sbr.rel @!p1 .LBB2_10-.Ltmp4, $4  }
0xb8: {  	[spmem:s2] =	stream.indirect.scatter.add.f32 [tilespmem:s8], [sflag:$0x4], $0x80, s20, s6, $0xb8;
	[tilespmem:$0x19C00] =	vst v63  }
0xb9: {  	_ =	swait.ge [sflag:s14], $0x2000  }
0xba: {  	[sflag:s14] =	ssyncset.done $0x0  }
0xbb: {  	[sflag:s14] =	ssyncadd.s32 $0xFFFFE000  }
.LBB2_6:
0xbc: {  	s19 =	sshll.u32 s18, $0xC  }
0xbd: {  	s19 =	sadd.s32 s19, s31  }
0xbe: {  	s19 =	sshrl.u32 s19, $0x3  }
0xbf: {  	s20 =	sadd.s32 s16, s19  }
0xc0: {  	[tilespmem:s3], [sflag:$0x5] =	stream.linear.gather [hbm4b:s20+s3], $0x1000, $0x38;
	[tilespmem:$0x19C00] =	vst v63  }
0xc1: {  	_ =	swait.ge [sflag:s0], $0x1000  }
0xc2: {  	[sflag:s0] =	ssyncset.done $0x0  }
0xc3: {  	s19 =	sadd.s32 s1, s19;
	[sflag:s0] =	ssyncadd.s32 $0xFFFFF000  }
0xc4: {  	[tilespmem:s5], [sflag:$0x5] =	stream.linear.gather [hbm4b:s19+s3], $0x1000, $0x38;
	[tilespmem:$0x19C00] =	vst v63  }
0xc5: {  	_ =	swait.ge [sflag:s0], $0x1000  }
0xc6: {  	[sflag:s0] =	ssyncset.done $0x0  }
0xc7: {  	[sflag:s0] =	ssyncadd.s32 $0xFFFFF000  }
0xc8: {  	[tilespmem:s11], [sflag:$0x1] =	stream.indirect.gather [hbm4b:s15+s6], $0x80, s3, s6, $0xb8;
	[tilespmem:$0x19C00] =	vst v63  }
0xc9: {  	_ =	swait.ge [sflag:s4], $0x2000  }
0xca: {  	[sflag:s4] =	ssyncset.done $0x0  }
0xcb: {  	[sflag:s4] =	ssyncadd.s32 $0xFFFFE000  }
0xcc: {  	[tilespmem:s8], [sflag:$0x2] =	stream.indirect.gather [hbm4b:s15+s6], $0x80, s7, s6, $0xb8;
	[tilespmem:$0x19C00] =	vst v63  }
0xcd: {  	_ = 	snop  }
0xce: {  	[spmem:s2] =	stream.indirect.scatter.add.f32 [tilespmem:s11], [sflag:$0x3], $0x80, s5, s6, $0xb8;
	[tilespmem:$0x19C00] =	vst v63  }
0xcf: {  	_ =	swait.ge [sflag:s9], $0x2000  }
0xd0: {  	[sflag:s9] =	ssyncset.done $0x0  }
0xd1: {  	[sflag:s9] =	ssyncadd.s32 $0xFFFFE000  }
0xd2: {  	_ =	swait.ge [sflag:s10], $0x2000  }
0xd3: {  	[sflag:s10] =	ssyncset.done $0x0  }
0xd4: {  	[sflag:s10] =	ssyncadd.s32 $0xFFFFE000  }
0xd5: {  	[tilespmem:s11], [sflag:$0x1] =	stream.indirect.gather [hbm4b:s15+s6], $0x80, s12, s6, $0xb8;
	[tilespmem:$0x19C00] =	vst v63  }
0xd6: {  	s30 =	simm.s32 $0xFFFFC800  }
0xd7: {  	[spmem:s2] =	stream.indirect.scatter.add.f32 [tilespmem:s8], [sflag:$0x4], $0x80, s13, s6, $0xb8;
	[tilespmem:$0x19C00] =	vst v63  }
.LBB2_7:
0xd8: {  	_ =	swait.ge [sflag:s14], $0x2000  }
0xd9: {  	[sflag:s14] =	ssyncset.done $0x0  }
0xda: {  	[sflag:s14] =	ssyncadd.s32 $0xFFFFE000  }
0xdb: {  	_ =	swait.ge [sflag:s4], $0x2000  }
0xdc: {  	s19 =	sshra.s32 s30, $0x2;
	[sflag:s4] =	ssyncset.done $0x0  }
0xdd: {  	s20 =	sadd.s32 $0xF80, s19;
	[sflag:s4] =	ssyncadd.s32 $0xFFFFE000  }
0xde: {  	[tilespmem:s8], [sflag:$0x2] =	stream.indirect.gather [hbm4b:s15+s6], $0x80, s20, s6, $0xb8;
	[tilespmem:$0x19C00] =	vst v63  }
0xdf: {  	s29 =	sadd.s32 $0x1F00, s19  }
0xe0: {  	[spmem:s2] =	stream.indirect.scatter.add.f32 [tilespmem:s11], [sflag:$0x3], $0x80, s29, s6, $0xb8;
	[tilespmem:$0x19C00] =	vst v63  }
0xe1: {  	p1 =	seq.s32 s30, $0x0;
	_ =	swait.ge [sflag:s9], $0x2000  }
.Ltmp5:
0xe2: {  	[sflag:s9] =	ssyncset.done $0x0;
	(pc) =	sbr.rel @p1 .LBB2_9-.Ltmp5, $4  }
0xe3: {  	[sflag:s9] =	ssyncadd.s32 $0xFFFFE000  }
0xe4: {  	_ =	swait.ge [sflag:s10], $0x2000  }
0xe5: {  	[sflag:s10] =	ssyncset.done $0x0  }
0xe6: {  	s20 =	sadd.s32 $0x1F80, s19;
	[sflag:s10] =	ssyncadd.s32 $0xFFFFE000  }
.Ltmp6:
0xe7: {  	(pc) =	sbr.rel .LBB2_7-.Ltmp6, $4  }
0xe8: {  	s19 =	sadd.s32 $0x1000, s19  }
0xe9: {  	[tilespmem:s11], [sflag:$0x1] =	stream.indirect.gather [hbm4b:s15+s6], $0x80, s19, s6, $0xb8;
	[tilespmem:$0x19C00] =	vst v63  }
0xea: {  	s30 =	sadd.s32 $0x400, s30  }
0xeb: {  	[spmem:s2] =	stream.indirect.scatter.add.f32 [tilespmem:s8], [sflag:$0x4], $0x80, s20, s6, $0xb8;
	[tilespmem:$0x19C00] =	vst v63  }
.LBB2_5:
0xec: {  	s30 =	sadd.s32 $0x1, s30  }
0xed: {  	p1 =	seq.s32 s30, $0x7  }
.Ltmp7:
0xee: {  	_ = 	snop;
	(pc) =	sbr.rel @p1 .LBB2_10-.Ltmp7, $4  }
0xef: {  	[spmem:s2] =	stream.indirect.scatter.add.f32 [tilespmem:s8], [sflag:$0x4], $0x80, s20, s6, $0xb8;
	[tilespmem:$0x19C00] =	vst v63  }
0xf0: {  	_ =	swait.ge [sflag:s14], $0x2000  }
0xf1: {  	[sflag:s14] =	ssyncset.done $0x0  }
0xf2: {  	[sflag:s14] =	ssyncadd.s32 $0xFFFFE000  }
.LBB2_2:
0xf3: {  	s18 =	sshll.u32 s30, $0xC  }
0xf4: {  	s18 =	sadd.s32 s25, s18  }
0xf5: {  	s18 =	sshrl.u32 s18, $0x3  }
0xf6: {  	s19 =	sadd.s32 s16, s18  }
0xf7: {  	[tilespmem:s3], [sflag:$0x5] =	stream.linear.gather [hbm4b:s19+s3], $0x1000, $0x38;
	[tilespmem:$0x19C00] =	vst v63  }
0xf8: {  	_ =	swait.ge [sflag:s0], $0x1000  }
0xf9: {  	[sflag:s0] =	ssyncset.done $0x0  }
0xfa: {  	s18 =	sadd.s32 s1, s18;
	[sflag:s0] =	ssyncadd.s32 $0xFFFFF000  }
0xfb: {  	[tilespmem:s5], [sflag:$0x5] =	stream.linear.gather [hbm4b:s18+s3], $0x1000, $0x38;
	[tilespmem:$0x19C00] =	vst v63  }
0xfc: {  	_ =	swait.ge [sflag:s0], $0x1000  }
0xfd: {  	[sflag:s0] =	ssyncset.done $0x0  }
0xfe: {  	[sflag:s0] =	ssyncadd.s32 $0xFFFFF000  }
0xff: {  	[tilespmem:s11], [sflag:$0x1] =	stream.indirect.gather [hbm4b:s15+s6], $0x80, s3, s6, $0xb8;
	[tilespmem:$0x19C00] =	vst v63  }
0x100: {  	_ =	swait.ge [sflag:s4], $0x2000  }
0x101: {  	[sflag:s4] =	ssyncset.done $0x0  }
0x102: {  	[sflag:s4] =	ssyncadd.s32 $0xFFFFE000  }
0x103: {  	[tilespmem:s8], [sflag:$0x2] =	stream.indirect.gather [hbm4b:s15+s6], $0x80, s7, s6, $0xb8;
	[tilespmem:$0x19C00] =	vst v63  }
0x104: {  	_ = 	snop  }
0x105: {  	[spmem:s2] =	stream.indirect.scatter.add.f32 [tilespmem:s11], [sflag:$0x3], $0x80, s5, s6, $0xb8;
	[tilespmem:$0x19C00] =	vst v63  }
0x106: {  	_ =	swait.ge [sflag:s9], $0x2000  }
0x107: {  	[sflag:s9] =	ssyncset.done $0x0  }
0x108: {  	[sflag:s9] =	ssyncadd.s32 $0xFFFFE000  }
0x109: {  	_ =	swait.ge [sflag:s10], $0x2000  }
0x10a: {  	[sflag:s10] =	ssyncset.done $0x0  }
0x10b: {  	[sflag:s10] =	ssyncadd.s32 $0xFFFFE000  }
0x10c: {  	[tilespmem:s11], [sflag:$0x1] =	stream.indirect.gather [hbm4b:s15+s6], $0x80, s12, s6, $0xb8;
	[tilespmem:$0x19C00] =	vst v63  }
0x10d: {  	s18 =	simm.s32 $0xFFFFC800  }
0x10e: {  	[spmem:s2] =	stream.indirect.scatter.add.f32 [tilespmem:s8], [sflag:$0x4], $0x80, s13, s6, $0xb8;
	[tilespmem:$0x19C00] =	vst v63  }
.LBB2_3:
0x10f: {  	_ =	swait.ge [sflag:s14], $0x2000  }
0x110: {  	[sflag:s14] =	ssyncset.done $0x0  }
0x111: {  	[sflag:s14] =	ssyncadd.s32 $0xFFFFE000  }
0x112: {  	_ =	swait.ge [sflag:s4], $0x2000  }
0x113: {  	s19 =	sshra.s32 s18, $0x2;
	[sflag:s4] =	ssyncset.done $0x0  }
0x114: {  	s20 =	sadd.s32 $0xF80, s19;
	[sflag:s4] =	ssyncadd.s32 $0xFFFFE000  }
0x115: {  	[tilespmem:s8], [sflag:$0x2] =	stream.indirect.gather [hbm4b:s15+s6], $0x80, s20, s6, $0xb8;
	[tilespmem:$0x19C00] =	vst v63  }
0x116: {  	s29 =	sadd.s32 $0x1F00, s19  }
0x117: {  	[spmem:s2] =	stream.indirect.scatter.add.f32 [tilespmem:s11], [sflag:$0x3], $0x80, s29, s6, $0xb8;
	[tilespmem:$0x19C00] =	vst v63  }
0x118: {  	p1 =	seq.s32 s18, $0x0;
	_ =	swait.ge [sflag:s9], $0x2000  }
.Ltmp8:
0x119: {  	[sflag:s9] =	ssyncset.done $0x0;
	(pc) =	sbr.rel @p1 .LBB2_5-.Ltmp8, $4  }
0x11a: {  	[sflag:s9] =	ssyncadd.s32 $0xFFFFE000  }
0x11b: {  	_ =	swait.ge [sflag:s10], $0x2000  }
0x11c: {  	[sflag:s10] =	ssyncset.done $0x0  }
0x11d: {  	s20 =	sadd.s32 $0x1F80, s19;
	[sflag:s10] =	ssyncadd.s32 $0xFFFFE000  }
.Ltmp9:
0x11e: {  	(pc) =	sbr.rel .LBB2_3-.Ltmp9, $4  }
0x11f: {  	s19 =	sadd.s32 $0x1000, s19  }
0x120: {  	[tilespmem:s11], [sflag:$0x1] =	stream.indirect.gather [hbm4b:s15+s6], $0x80, s19, s6, $0xb8;
	[tilespmem:$0x19C00] =	vst v63  }
0x121: {  	s18 =	sadd.s32 $0x400, s18  }
0x122: {  	[spmem:s2] =	stream.indirect.scatter.add.f32 [tilespmem:s8], [sflag:$0x4], $0x80, s20, s6, $0xb8;
	[tilespmem:$0x19C00] =	vst v63  }
.LBB2_11:
0x123: {  	_ =	sfence.sel $0x180000  }
0x124: {  	[bflag:$0x0] =	sbarrier.arrive $0xFFFF  }
0x125: {  	_ =	strace $0x90000047  }
0x126: {  	s0 =	stileid.u32;
	[bflag:$0x2] =	sbarrier.arrive $0xFFFF  }
0x127: {  	p0 =	sne.s32 s0, $0x0;
	s0 =	rddreg [dreg:$0x3]  }
0x128: {  	s0 =	sadd.s32 @!p0 $0x100000, s0  }
0x129: {  	[sflag:s0] =	ssyncadd.tile.s32 @!p0 $0x1;
	_ =	shalt  }
.Lfunc_end2:
_tile_overlayer_lowered:
.L_overlay_start_2:
0x12a: {  	(tag) =	ssettag $0x2  }
0x12b: {  	s0 =	rddreg [dreg:$0x0];
	s2 =	stileid.u32  }
0x12c: {  	s1 =	rddreg [dreg:$0x1];
	p0 =	sne.s32 s2, $0x0  }
0x12d: {  	s3 =	rddreg [dreg:$0x2];
	[bflag:$0x3] =	sbarrier.arrive $0xFFFF;
	s2 =	simm.s32 @!p0 $0x1C05  }
0x12e: {  	[timem:s3], [sflag:s2] =	dma.local @!p0 [hbm:s0], s1  }
0x12f: {  	s0 =	simm.s32 @!p0 $0x5  }
0x130: {  	_ =	swait.ge @!p0 [sflag:s0], s1  }
0x131: {  	s1 =	ssub.s32 @!p0 $0x0, s1;
	[sflag:s0] =	ssyncset.done @!p0 $0x0  }
0x132: {  	[sflag:s0] =	ssyncadd.s32 @!p0 s1  }
0x133: {  	[bflag:$0x3] =	sbarrier.arrive $0xFFFF  }
0x134: {  	_ =	shalt  }

// kernel: kernel.13.cloned.1.call-start
scs
__scs_entry_jumppad:
0x0: {  	(pc) =	sbr.rel $0x88, $3  }
0x1: {  	(tag) =	ssettag $0x0;
	lr =	simm.s32 $0x1  }
0x2: {  	[smem:$0x3F9A] =	sst lr;
	_ =	strace $0xD0000000  }
0x3: {  	_ = 	snop  }
0x4: {  	_ = 	snop  }
0x5: {  	_ = 	snop  }
0x6: {  	_ = 	snop  }
0x7: {  	_ = 	snop  }
__scs_overlays_trampoline_lowered:
0x8: {  	[smem:$0x3FA9] =	sst s0  }
0x9: {  	[smem:$0x3FAA] =	sst s1  }
0xa: {  	[smem:$0x3FAB] =	sst s2  }
0xb: {  	[smem:$0x3FAC] =	sst s3  }
0xc: {  	[smem:$0x3FAD] =	sst s4  }
0xd: {  	[smem:$0x3FAE] =	sst s5  }
0xe: {  	[smem:$0x3FAF] =	sst s6  }
0xf: {  	[smem:$0x3FB0] =	sst s7  }
0x10: {  	[smem:$0x3FB1] =	sst s8  }
0x11: {  	[smem:$0x3FB2] =	sst s9;
	s0 =	simm.s32 @!p0 $0x0  }
0x12: {  	s1 =	sld [smem:$0x3F98];
	s0 =	simm.s32 @p0 $0x1  }
0x13: {  	[smem:$0x3FB3] =	sst s0;
	s0 =	simm.s32 @!p1 $0x0  }
0x14: {  	s2 =	sld [smem:$0x3F97];
	s0 =	simm.s32 @p1 $0x1  }
0x15: {  	[smem:$0x3FB4] =	sst s0;
	s0 =	simm.s32 @!p2 $0x0  }
0x16: {  	s3 =	sld [smem:$0x3FDB];
	s0 =	simm.s32 @p2 $0x1  }
0x17: {  	s4 =	simm.s32 $0x1BF5;
	[smem:$0x3FB6] =	sst s0  }
0x18: {  	s0 =	sld [smem:$0x3F99];
	_ =	swait.ge [sflag:s4], $0x0  }
0x19: {  	s7 =	sld [smem:$0x3F9A]  }
0x1a: {  	s8 =	sadd.s32 $0xFFFFE003, lr  }
0x1b: {  	s9 =	sadd.s32 $0xFFFFFEF7, lr;
	s5 =	simm.s32 $0xFFFFFFFF;
	p2 =	slt.u32 s8, $0xFFFFF086  }
0x1c: {  	p1 =	slt.u32 s9, $0xF7A;
	s5 =	simm.s32 @!p2 $0x0  }
0x1d: {  	s5 =	simm.s32 @p1 $0x1;
	p0 =	seq.s32 s7, s2  }
0x1e: {  	s7 =	smul.u32 @!p0 $0xF7A, s2;
	p2 =	seq.s32 @!p0 s5, $0x0  }
0x1f: {  	s9 =	smul.u32 $0xF7A, s1;
	s8 =	simm.s32 @!p0 $0x1BF5;
	p2 =	por !p2, p0  }
0x20: {  	[sflag:s8] =	ssyncset.s32 @!p0 $0xFFFFF086;
	s6 =	sadd.s32 @!p0 s3, s7;
	s7 =	simm.s32 @!p0 $0x108  }
0x21: {  	s3 =	sadd.s32 s3, s9;
	s6 =	sadd.s32 @!p0 $0x88, s6;
	s7 =	simm.s32 @p2 $0x1082  }
0x22: {  	[simem:s7], [sflag:s8] =	dma.local @!p0 [hbm:s6], $0xF7A  }
0x23: {  	s9 =	sor.u32 $0xD0000000, s2;
	s6 =	simm.s32 $0x108;
	_ =	swait.ge @!p0 [sflag:s8], $0x0  }
0x24: {  	s3 =	sadd.s32 $0x88, s3;
	s6 =	simm.s32 @!p1 $0x1082;
	[sflag:s4] =	ssyncset.s32 $0xFFFFF086  }
0x25: {  	[simem:s6], [sflag:s4] =	dma.local [hbm:s3], $0xF7A  }
0x26: {  	[smem:$0x3F9A] =	sst s1;
	(tag) =	ssettag s2;
	_ =	strace s9  }
0x27: {  	s1 =	sld [smem:$0x3FAA]  }
0x28: {  	s2 =	sld [smem:$0x3FAB]  }
0x29: {  	s4 =	sld [smem:$0x3FAD]  }
0x2a: {  	p0 =	seq.s32 s5, $0x0;
	s5 =	sld [smem:$0x3FAE]  }
0x2b: {  	s6 =	sld [smem:$0x3FAF]  }
0x2c: {  	s7 =	sld [smem:$0x3FB0]  }
0x2d: {  	s3 =	simm.s32 $0x108;
	s8 =	sld [smem:$0x3FB1]  }
0x2e: {  	s3 =	simm.s32 @!p0 $0x1082;
	s9 =	sld [smem:$0x3FB2]  }
0x2f: {  	lr =	sadd.s32 s0, s3;
	s0 =	sld [smem:$0x3FA9]  }
0x30: {  	s3 =	sld [smem:$0x3FAC]  }
0x31: {  	[smem:$0x3FB5] =	sst s10  }
0x32: {  	s10 =	sld [smem:$0x3FB3];
	_ =	sdelay $0x3  }
0x33: {  	p0 =	seq.s32 s10, $0x1;
	s10 =	sld [smem:$0x3FB5];
	_ =	sdelay $0x3  }
0x34: {  	[smem:$0x3FB5] =	sst s10  }
0x35: {  	s10 =	sld [smem:$0x3FB4];
	_ =	sdelay $0x3  }
0x36: {  	p1 =	seq.s32 s10, $0x1;
	s10 =	sld [smem:$0x3FB5];
	_ =	sdelay $0x3  }
0x37: {  	[smem:$0x3FB5] =	sst s10  }
0x38: {  	s10 =	sld [smem:$0x3FB6]  }
0x39: {  	_ = 	snop;
	(pc) =	sbr.ind lr, $3  }
0x3a: {  	_ = 	snop  }
0x3b: {  	_ = 	snop  }
0x3c: {  	p2 =	seq.s32 s10, $0x1;
	s10 =	sld [smem:$0x3FB5]  }
0x3d: {  	_ =	shalt  }
0x3e: {  	_ =	shalt  }
0x3f: {  	_ =	shalt  }
0x40: {  	_ =	shalt  }
0x41: {  	_ =	shalt  }
0x42: {  	_ =	shalt  }
0x43: {  	_ =	shalt  }
0x44: {  	_ =	shalt  }
0x45: {  	_ =	shalt  }
0x46: {  	_ =	shalt  }
0x47: {  	_ =	shalt  }
0x48: {  	_ =	shalt  }
0x49: {  	_ =	shalt  }
0x4a: {  	_ =	shalt  }
0x4b: {  	_ =	shalt  }
0x4c: {  	_ =	shalt  }
0x4d: {  	_ =	shalt  }
0x4e: {  	_ =	shalt  }
0x4f: {  	_ =	shalt  }
0x50: {  	_ =	shalt  }
0x51: {  	_ =	shalt  }
0x52: {  	_ =	shalt  }
0x53: {  	_ =	shalt  }
0x54: {  	_ =	shalt  }
0x55: {  	_ =	shalt  }
0x56: {  	_ =	shalt  }
0x57: {  	_ =	shalt  }
0x58: {  	_ =	shalt  }
0x59: {  	_ =	shalt  }
0x5a: {  	_ =	shalt  }
0x5b: {  	_ =	shalt  }
0x5c: {  	_ =	shalt  }
0x5d: {  	_ =	shalt  }
0x5e: {  	_ =	shalt  }
0x5f: {  	_ =	shalt  }
0x60: {  	_ =	shalt  }
0x61: {  	_ =	shalt  }
0x62: {  	_ =	shalt  }
0x63: {  	_ =	shalt  }
0x64: {  	_ =	shalt  }
0x65: {  	_ =	shalt  }
0x66: {  	_ =	shalt  }
0x67: {  	_ =	shalt  }
0x68: {  	_ =	shalt  }
0x69: {  	_ =	shalt  }
0x6a: {  	_ =	shalt  }
0x6b: {  	_ =	shalt  }
0x6c: {  	_ =	shalt  }
0x6d: {  	_ =	shalt  }
0x6e: {  	_ =	shalt  }
0x6f: {  	_ =	shalt  }
0x70: {  	_ =	shalt  }
0x71: {  	_ =	shalt  }
0x72: {  	_ =	shalt  }
0x73: {  	_ =	shalt  }
0x74: {  	_ =	shalt  }
0x75: {  	_ =	shalt  }
0x76: {  	_ =	shalt  }
0x77: {  	_ =	shalt  }
0x78: {  	_ =	shalt  }
0x79: {  	_ =	shalt  }
0x7a: {  	_ =	shalt  }
0x7b: {  	_ =	shalt  }
0x7c: {  	_ =	shalt  }
0x7d: {  	_ =	shalt  }
0x7e: {  	_ =	shalt  }
0x7f: {  	_ =	shalt  }
0x80: {  	_ =	shalt  }
0x81: {  	_ =	shalt  }
0x82: {  	_ =	shalt  }
0x83: {  	_ =	shalt  }
0x84: {  	_ =	shalt  }
0x85: {  	_ =	shalt  }
0x86: {  	_ =	shalt  }
0x87: {  	_ =	shalt  }
.Lfunc_end0:
.L_simem_size_0:
called_computation.2_lowered:
.L_overlay_start_0:
0x88: {  	s2 =	sld [smem:$0x3FD9]  }
0x89: {  	s3 =	sld [smem:$0x3FFE];
	_ =	sdelay $0x1  }
0x8a: {  	s1 =	srdreg.scid  }
0x8b: {  	s0 =	sand.u32 $0x1, s1  }
0x8c: {  	s17 =	sshll.u32 s0, $0xA;
	s2 =	sadd.s32 s3, s2  }
0x8d: {  	s2 =	sadd.s32 s2, s17  }
0x8e: {  	[smem:$0x3FC1] =	sst s2  }
0x8f: {  	_ = 	snop  }
0x90: {  	s2 =	sld [smem:$0x3FD0];
	(tm) =	ssettm $0x1  }
0x91: {  	s18 =	sld [smem:$0x3FFB];
	_ =	sdelay $0x3  }
0x92: {  	_ =	strace s18  }
0x93: {  	s3 =	sld [smem:$0x3FFC];
	_ =	sdelay $0x3  }
0x94: {  	_ =	strace s3  }
0x95: {  	s3 =	sld [smem:$0x3FFD];
	_ =	sdelay $0x3  }
0x96: {  	_ =	strace s3  }
0x97: {  	_ =	strace $0x8FFFFFFF  }
0x98: {  	s19 =	sld [smem:$0x3FDB];
	_ =	sdelay $0x1  }
0x99: {  	s4 =	simm.s32 $_scs_section_size  }
0x9a: {  	s5 =	simm.s32 $_size__tile_overlayer_lowered;
	s6 =	simm.s32 $_tile_overlayer_lowered  }
0x9b: {  	s22 =	simm.s32 $0x1BFF;
	s21 =	sshll.u32 s6, $0x1;
	s3 =	sadd.s32 s4, s19  }
0x9c: {  	s7 =	simm.s32 $0x0;
	s20 =	sshll.u32 s5, $0x1;
	s5 =	sadd.s32 s21, s3  }
0x9d: {  	[timem:s7], [sflag:s22] =	dma.local [hbm:s5], s20  }
0x9e: {  	_ =	swait.ge [sflag:s22], s20  }
0x9f: {  	s4 =	ssub.s32 $0x0, s20;
	[sflag:s22] =	ssyncset.done $0x0  }
0xa0: {  	[sflag:s22] =	ssyncadd.s32 s4;
	_ =	sdelay $0x1  }
0xa1: {  	s23 =	simm.s32 $0x1B8B  }
0xa2: {  	_ =	swait.ge [sflag:s23], $0x1  }
0xa3: {  	[sflag:s23] =	ssyncset.done $0x0  }
0xa4: {  	s25 =	simm.s32 $0x1B8E;
	s24 =	sld [smem:$0x3FFE];
	[sflag:s23] =	ssyncadd.s32 $0xFFFFFFFF  }
0xa5: {  	s26 =	simm.s32 $execute0_lowered;
	[smem:$0x3FD2] =	sst s25  }
0xa6: {  	s5 =	sshll.u32 s26, $0x1;
	_ =	strace $0x8000004C;
	[dreg:$0x1] =	wrdreg $0xFFFFFFFF  }
0xa7: {  	s28 =	simm.s32 $_size_execute0_lowered;
	s3 =	sadd.s32 s3, s5;
	[dreg:$0x0] =	wrdreg $0x0  }
0xa8: {  	s5 =	sshll.u32 s28, $0x1;
	[dreg:$0x2] =	wrdreg s3  }
0xa9: {  	[dreg:$0x3] =	wrdreg s5  }
0xaa: {  	[dreg:$0x4] =	wrdreg $0xC0  }
0xab: {  	_ =	task [dreg:s7], $0x5FFFF  }
0xac: {  	[dreg:$0x1] =	wrdreg $0xFFFFFFFF  }
0xad: {  	[dreg:$0x0] =	wrdreg $0x60  }
0xae: {  	[dreg:$0x2] =	wrdreg s24  }
0xaf: {  	[dreg:$0x3] =	wrdreg s2  }
0xb0: {  	[dreg:$0x4] =	wrdreg $0x60000  }
0xb1: {  	[dreg:$0x5] =	wrdreg $0x9  }
0xb2: {  	_ =	task.clear_ibuf [dreg:s7], $0x6FFFF;
	_ =	strace $0x9000004C  }
0xb3: {  	s29 =	simm.s32 $0x9;
	_ =	strace $0x8000004E  }
0xb4: {  	_ =	swait.ge [sflag:s29], $0x1  }
0xb5: {  	[sflag:s29] =	ssyncadd.s32 $0xFFFFFFFF  }
0xb6: {  	_ =	strace $0x9000004E  }
0xb7: {  	_ =	sfence  }
0xb8: {  	s30 =	sld [smem:$0x0];
	_ =	sdelay $0x2  }
0xb9: {  	s31 =	sshll.u32 s1, $0xD;
	s1 =	sshrl.u32 s1, $0x2  }
0xba: {  	s3 =	sand.u32 $0x4000, s31;
	s1 =	sadd.s32 s1, s30  }
0xbb: {  	s0 =	sor.u32 s3, s0;
	s1 =	sshll.u32 s1, $0x11  }
0xbc: {  	s0 =	sor.u32 s1, s0  }
0xbd: {  	s0 =	sadd.s32 $0x8F2B, s0  }
0xbe: {  	[sflag:s0] =	ssyncadd.remote.s32 $0x1  }
0xbf: {  	_ =	sfence.sel $0xFFFF  }
0xc0: {  	[dreg:$0x0] =	wrdreg $0xFFFFFFFF;
	(pc) =	sbr.abs _section_cstart, $3  }
0xc1: {  	[dreg:$0x1] =	wrdreg $0xFFFFFFFF  }
0xc2: {  	_ =	task.clear_ibuf [dreg:s7], $0x2FFFF;
	_ =	strace $0x9FFFFFFF  }
0xc3: {  	(tm) =	ssettm $0x7FFFFFFF  }
tec
execute0_lowered:
.L_overlay_start_1:
0x0: {  	(tag) =	ssettag $0x1  }
0x1: {  	s0 =	rddreg [dreg:$0x0]  }
0x2: {  	s1 =	rddreg [dreg:$0x1];
	s3 =	srdreg.scid  }
0x3: {  	s2 =	rddreg [dreg:$0x2];
	s20 =	stileid.u32;
	s4 =	sand.u32 $0x1, s3  }
0x4: {  	s3 =	simm.s32 $0x0;
	s6 =	smul.u32 $0x13C00, s20;
	s7 =	sadd.s32 $0x65000, s0  }
0x5: {  	s5 =	ssub.s32 $0x2, s4;
	[smem:$0x7FF] =	sst s3;
	s12 =	smul.u32 $0x13C000, s4  }
0x6: {  	p0 =	seq.s32 s4, $0x1;
	s8 =	sshrl.u32 s5, $0x1;
	s9 =	sadd.s32 $0x4000, s6  }
0x7: {  	s10 =	sadd.s32 $0x6000, s6;
	s11 =	sadd.s32 $0x8000, s6;
	s13 =	sadd.s32 $0xA000, s6  }
0x8: {  	s14 =	sadd.s32 $0xC000, s6;
	s17 =	sadd.s32 $0xE000, s6;
	s18 =	sadd.s32 $0x10000, s6  }
0x9: {  	s19 =	sadd.s32 $0x12000, s6;
	s5 =	ssub.s32 s5, s8;
	s8 =	sadd.s32 $0x2000, s6  }
0xa: {  	s6 =	sadd.s32 s6, s12;
	s16 =	sadd.s32 s12, s9;
	s22 =	sadd.s32 s12, s10  }
0xb: {  	s24 =	sadd.s32 s12, s11;
	s29 =	sadd.s32 s13, s2;
	s28 =	sadd.s32 s19, s2  }
0xc: {  	s25 =	sshrl.u32 s6, $0x3;
	s26 =	sadd.s32 s12, s8;
	s21 =	sshrl.u32 s16, $0x3  }
0xd: {  	s23 =	sshrl.u32 s22, $0x3;
	s8 =	sadd.s32 s8, s2;
	s4 =	sadd.s32 s7, s25  }
0xe: {  	s15 =	sshrl.u32 s26, $0x3;
	s25 =	sshrl.u32 s24, $0x3;
	s26 =	sadd.s32 s12, s13  }
0xf: {  	s13 =	simm.s32 $0x1080;
	[dreg:$0x4] =	wrdreg s4;
	s4 =	sadd.s32 s7, s15  }
0x10: {  	s6 =	sshrl.u32 s26, $0x3;
	s15 =	sadd.s32 s12, s14;
	s26 =	smul.u32 $0x4F000, s20  }
0x11: {  	[dreg:$0x5] =	wrdreg s4;
	s4 =	sadd.s32 s7, s21;
	s16 =	sshrl.u32 s15, $0x3  }
0x12: {  	s21 =	sadd.s32 s12, s17;
	s15 =	sadd.s32 $0x3D800, s0;
	[dreg:$0x6] =	wrdreg s4  }
0x13: {  	s4 =	sadd.s32 s7, s23;
	s22 =	sshrl.u32 s21, $0x3;
	s23 =	sadd.s32 s12, s18  }
0x14: {  	s21 =	sadd.s32 s14, s2;
	s14 =	simm.s32 $0x4;
	[dreg:$0x7] =	wrdreg s4  }
0x15: {  	s4 =	sadd.s32 s7, s25;
	s24 =	sshrl.u32 s23, $0x3;
	s25 =	sadd.s32 s12, s19  }
0x16: {  	s12 =	sadd.s32 s9, s2;
	s23 =	sadd.s32 s18, s2;
	s19 =	smov.u32 s8  }
0x17: {  	s18 =	smax.u32 s5, $0x1;
	[dreg:$0x8] =	wrdreg s4;
	s4 =	sadd.s32 s7, s6  }
0x18: {  	s6 =	sshrl.u32 s25, $0x3;
	[dreg:$0x9] =	wrdreg s4;
	s4 =	sadd.s32 s7, s16  }
0x19: {  	s5 =	simm.s32 $0x1000;
	s6 =	sadd.s32 s7, s6;
	[dreg:$0xa] =	wrdreg s4  }
0x1a: {  	s8 =	simm.s32 $0x4000;
	s4 =	sadd.s32 s7, s22;
	[dreg:$0xd] =	wrdreg s6  }
0x1b: {  	s9 =	simm.s32 $0x2;
	[dreg:$0xb] =	wrdreg s4;
	s4 =	sadd.s32 s7, s24  }
0x1c: {  	s16 =	sadd.s32 $0x1C00, s0;
	s0 =	sadd.s32 $0x3D400, s0;
	[dreg:$0xc] =	wrdreg s4  }
0x1d: {  	s25 =	smul.u32 $0xA000, s20;
	_ =	strace $0x8000004D;
	[dreg:$0xe] =	wrdreg s0  }
0x1e: {  	s20 =	smov.u32 s12;
	s12 =	simm.s32 $0x100;
	[dreg:$0x16] =	wrdreg s18  }
0x1f: {  	s22 =	sadd.s32 s17, s2;
	s31 =	sadd.s32 $0x7000, s25;
	[dreg:$0xf] =	wrdreg s29  }
0x20: {  	s7 =	sshrl.u32 s26, $0x2;
	s26 =	sadd.s32 s11, s2;
	[dreg:$0x10] =	wrdreg s21  }
.Ltmp0:
0x21: {  	s6 =	simm.s32 $0x40;
	[dreg:$0x11] =	wrdreg s26;
	(pc) =	sbr.rel .LBB2_1-.Ltmp0, $4  }
0x22: {  	s17 =	simm.s32 $0x0;
	s24 =	sadd.s32 s10, s2;
	[dreg:$0x12] =	wrdreg s22  }
0x23: {  	s11 =	simm.s32 $0x2000;
	s10 =	simm.s32 $0x3;
	[dreg:$0x13] =	wrdreg s23  }
0x24: {  	s30 =	sadd.s32 s7, s2;
	s4 =	simm.s32 $0x1;
	[dreg:$0x14] =	wrdreg s28  }
0x25: {  	s7 =	simm.s32 $0x80;
	s0 =	simm.s32 $0x5;
	[dreg:$0x15] =	wrdreg s24  }
.LBB2_10:
0x26: {  	[bflag:$0x0] =	sbarrier.arrive $0xFFFF  }
0x27: {  	[tilespmem:s11], [sflag:$0x5] =	stream.linear.gather [spmem:s24], $0x2000, $0x38;
	[tilespmem:$0x19C00] =	vst v63  }
0x28: {  	_ =	swait.ge [sflag:s0], $0x2000  }
0x29: {  	[sflag:s0] =	ssyncset.done $0x0  }
0x2a: {  	s18 =	rddreg [dreg:$0x4];
	[sflag:s0] =	ssyncadd.s32 $0xFFFFE000  }
0x2b: {  	[hbm4b:s18+s3] =	stream.linear.scatter [tilespmem:s11], [sflag:$0x1], $0x2000, $0x38;
	[tilespmem:$0x19C00] =	vst v63  }
0x2c: {  	_ = 	snop  }
0x2d: {  	[tilespmem:s8], [sflag:$0x5] =	stream.linear.gather [spmem:s22], $0x2000, $0x38;
	[tilespmem:$0x19C00] =	vst v63  }
0x2e: {  	_ =	swait.ge [sflag:s0], $0x2000  }
0x2f: {  	[sflag:s0] =	ssyncset.done $0x0  }
0x30: {  	s20 =	rddreg [dreg:$0x5];
	[sflag:s0] =	ssyncadd.s32 $0xFFFFE000  }
0x31: {  	[hbm4b:s20+s3] =	stream.linear.scatter [tilespmem:s8], [sflag:$0x2], $0x2000, $0x38;
	[tilespmem:$0x19C00] =	vst v63  }
0x32: {  	_ =	swait.ge [sflag:s4], $0x2000  }
0x33: {  	[sflag:s4] =	ssyncset.done $0x0  }
0x34: {  	[sflag:s4] =	ssyncadd.s32 $0xFFFFE000  }
0x35: {  	[tilespmem:s11], [sflag:$0x5] =	stream.linear.gather [spmem:s23], $0x2000, $0x38;
	[tilespmem:$0x19C00] =	vst v63  }
0x36: {  	_ =	swait.ge [sflag:s0], $0x2000  }
0x37: {  	[sflag:s0] =	ssyncset.done $0x0  }
0x38: {  	s21 =	rddreg [dreg:$0x6];
	[sflag:s0] =	ssyncadd.s32 $0xFFFFE000  }
0x39: {  	[hbm4b:s21+s3] =	stream.linear.scatter [tilespmem:s11], [sflag:$0x1], $0x2000, $0x38;
	[tilespmem:$0x19C00] =	vst v63  }
0x3a: {  	_ =	swait.ge [sflag:s9], $0x2000  }
0x3b: {  	[sflag:s9] =	ssyncset.done $0x0  }
0x3c: {  	s30 =	smov.u32 s24;
	s24 =	rddreg [dreg:$0x15];
	[sflag:s9] =	ssyncadd.s32 $0xFFFFE000  }
0x3d: {  	[tilespmem:s8], [sflag:$0x5] =	stream.linear.gather [spmem:s24], $0x2000, $0x38;
	[tilespmem:$0x19C00] =	vst v63  }
0x3e: {  	_ =	swait.ge [sflag:s0], $0x2000  }
0x3f: {  	[sflag:s0] =	ssyncset.done $0x0  }
0x40: {  	s19 =	smov.u32 s22;
	s22 =	rddreg [dreg:$0x7];
	[sflag:s0] =	ssyncadd.s32 $0xFFFFE000  }
0x41: {  	[hbm4b:s22+s3] =	stream.linear.scatter [tilespmem:s8], [sflag:$0x2], $0x2000, $0x38;
	[tilespmem:$0x19C00] =	vst v63  }
0x42: {  	_ =	swait.ge [sflag:s4], $0x2000  }
0x43: {  	[sflag:s4] =	ssyncset.done $0x0  }
0x44: {  	s26 =	rddreg [dreg:$0x11];
	[sflag:s4] =	ssyncadd.s32 $0xFFFFE000  }
0x45: {  	[tilespmem:s11], [sflag:$0x5] =	stream.linear.gather [spmem:s26], $0x2000, $0x38;
	[tilespmem:$0x19C00] =	vst v63  }
0x46: {  	_ =	swait.ge [sflag:s0], $0x2000  }
0x47: {  	[sflag:s0] =	ssyncset.done $0x0  }
0x48: {  	s20 =	smov.u32 s23;
	s23 =	rddreg [dreg:$0x8];
	[sflag:s0] =	ssyncadd.s32 $0xFFFFE000  }
0x49: {  	[hbm4b:s23+s3] =	stream.linear.scatter [tilespmem:s11], [sflag:$0x1], $0x2000, $0x38;
	[tilespmem:$0x19C00] =	vst v63  }
0x4a: {  	_ =	swait.ge [sflag:s9], $0x2000  }
0x4b: {  	[sflag:s9] =	ssyncset.done $0x0  }
0x4c: {  	s29 =	rddreg [dreg:$0xf];
	[sflag:s9] =	ssyncadd.s32 $0xFFFFE000  }
0x4d: {  	[tilespmem:s8], [sflag:$0x5] =	stream.linear.gather [spmem:s29], $0x2000, $0x38;
	[tilespmem:$0x19C00] =	vst v63  }
0x4e: {  	_ =	swait.ge [sflag:s0], $0x2000  }
0x4f: {  	[sflag:s0] =	ssyncset.done $0x0  }
0x50: {  	s21 =	rddreg [dreg:$0x9];
	[sflag:s0] =	ssyncadd.s32 $0xFFFFE000  }
0x51: {  	[hbm4b:s21+s3] =	stream.linear.scatter [tilespmem:s8], [sflag:$0x2], $0x2000, $0x38;
	[tilespmem:$0x19C00] =	vst v63  }
0x52: {  	_ =	swait.ge [sflag:s4], $0x2000  }
0x53: {  	[sflag:s4] =	ssyncset.done $0x0  }
0x54: {  	s21 =	rddreg [dreg:$0x10];
	[sflag:s4] =	ssyncadd.s32 $0xFFFFE000  }
0x55: {  	[tilespmem:s11], [sflag:$0x5] =	stream.linear.gather [spmem:s21], $0x2000, $0x38;
	[tilespmem:$0x19C00] =	vst v63  }
0x56: {  	_ =	swait.ge [sflag:s0], $0x2000  }
0x57: {  	[sflag:s0] =	ssyncset.done $0x0  }
0x58: {  	s22 =	rddreg [dreg:$0xa];
	[sflag:s0] =	ssyncadd.s32 $0xFFFFE000  }
0x59: {  	[hbm4b:s22+s3] =	stream.linear.scatter [tilespmem:s11], [sflag:$0x1], $0x2000, $0x38;
	[tilespmem:$0x19C00] =	vst v63  }
0x5a: {  	_ =	swait.ge [sflag:s9], $0x2000  }
0x5b: {  	[sflag:s9] =	ssyncset.done $0x0  }
0x5c: {  	s22 =	rddreg [dreg:$0x12];
	[sflag:s9] =	ssyncadd.s32 $0xFFFFE000  }
0x5d: {  	[tilespmem:s8], [sflag:$0x5] =	stream.linear.gather [spmem:s22], $0x2000, $0x38;
	[tilespmem:$0x19C00] =	vst v63  }
0x5e: {  	_ =	swait.ge [sflag:s0], $0x2000  }
0x5f: {  	[sflag:s0] =	ssyncset.done $0x0  }
0x60: {  	s23 =	rddreg [dreg:$0xb];
	[sflag:s0] =	ssyncadd.s32 $0xFFFFE000  }
0x61: {  	[hbm4b:s23+s3] =	stream.linear.scatter [tilespmem:s8], [sflag:$0x2], $0x2000, $0x38;
	[tilespmem:$0x19C00] =	vst v63  }
0x62: {  	_ =	swait.ge [sflag:s4], $0x2000  }
0x63: {  	[sflag:s4] =	ssyncset.done $0x0  }
0x64: {  	s23 =	rddreg [dreg:$0x13];
	[sflag:s4] =	ssyncadd.s32 $0xFFFFE000  }
0x65: {  	[tilespmem:s11], [sflag:$0x5] =	stream.linear.gather [spmem:s23], $0x2000, $0x38;
	[tilespmem:$0x19C00] =	vst v63  }
0x66: {  	_ =	swait.ge [sflag:s0], $0x2000  }
0x67: {  	[sflag:s0] =	ssyncset.done $0x0  }
0x68: {  	s18 =	rddreg [dreg:$0xc];
	[sflag:s0] =	ssyncadd.s32 $0xFFFFE000  }
0x69: {  	[hbm4b:s18+s3] =	stream.linear.scatter [tilespmem:s11], [sflag:$0x1], $0x2000, $0x38;
	[tilespmem:$0x19C00] =	vst v63  }
0x6a: {  	_ =	swait.ge [sflag:s9], $0x2000  }
0x6b: {  	[sflag:s9] =	ssyncset.done $0x0  }
0x6c: {  	s28 =	rddreg [dreg:$0x14];
	[sflag:s9] =	ssyncadd.s32 $0xFFFFE000  }
0x6d: {  	[tilespmem:s8], [sflag:$0x5] =	stream.linear.gather [spmem:s28], $0x1C00, $0x38;
	[tilespmem:$0x19C00] =	vst v63  }
0x6e: {  	_ =	swait.ge [sflag:s0], $0x1C00  }
0x6f: {  	[sflag:s0] =	ssyncset.done $0x0  }
0x70: {  	s18 =	rddreg [dreg:$0xd];
	[sflag:s0] =	ssyncadd.s32 $0xFFFFE400  }
0x71: {  	[hbm4b:s18+s3] =	stream.linear.scatter [tilespmem:s8], [sflag:$0x2], $0x1C00, $0x38;
	[tilespmem:$0x19C00] =	vst v63  }
0x72: {  	_ =	swait.ge [sflag:s4], $0x2000  }
0x73: {  	[sflag:s4] =	ssyncset.done $0x0  }
0x74: {  	[sflag:s4] =	ssyncadd.s32 $0xFFFFE000  }
0x75: {  	_ =	swait.ge [sflag:s9], $0x1C00  }
0x76: {  	s17 =	sadd.s32 $0x1, s17;
	s18 =	rddreg [dreg:$0x16]  }
0x77: {  	p1 =	sne.s32 s17, s18  }
.Ltmp1:
0x78: {  	_ = 	snop;
	(pc) =	sbr.rel @!p1 .LBB2_11-.Ltmp1, $3  }
0x79: {  	_ =	sdelay $0x1  }
0x7a: {  	[sflag:s9] =	ssyncset.done $0x0  }
0x7b: {  	[sflag:s9] =	ssyncadd.s32 $0xFFFFE400  }
.LBB2_1:
0x7c: {  	s18 =	rddreg [dreg:$0xe]  }
0x7d: {  	[tilespmem:s11], [sflag:$0x5] =	stream.linear.gather [hbm4b:s18+s3], $0x2000, $0x38;
	[tilespmem:$0x19C00] =	vst v63  }
0x7e: {  	_ =	swait.ge [sflag:s0], $0x2000  }
0x7f: {  	[sflag:s0] =	ssyncset.done $0x0  }
0x80: {  	[sflag:s0] =	ssyncadd.s32 $0xFFFFE000  }
0x81: {  	[spmem:s30] =	stream.linear.scatter [tilespmem:s11], [sflag:$0x1], $0x2000, $0x38;
	[tilespmem:$0x19C00] =	vst v63  }
0x82: {  	_ = 	snop  }
0x83: {  	[spmem:s19] =	stream.linear.scatter [tilespmem:s11], [sflag:$0x1], $0x2000, $0x38;
	[tilespmem:$0x19C00] =	vst v63  }
0x84: {  	_ = 	snop  }
0x85: {  	[spmem:s20] =	stream.linear.scatter [tilespmem:s11], [sflag:$0x1], $0x2000, $0x38;
	[tilespmem:$0x19C00] =	vst v63  }
0x86: {  	s18 =	smov.u32 s24  }
0x87: {  	[spmem:s18] =	stream.linear.scatter [tilespmem:s11], [sflag:$0x1], $0x2000, $0x38;
	[tilespmem:$0x19C00] =	vst v63  }
0x88: {  	_ = 	snop  }
0x89: {  	[spmem:s26] =	stream.linear.scatter [tilespmem:s11], [sflag:$0x1], $0x2000, $0x38;
	[tilespmem:$0x19C00] =	vst v63  }
0x8a: {  	_ = 	snop  }
0x8b: {  	[spmem:s29] =	stream.linear.scatter [tilespmem:s11], [sflag:$0x1], $0x2000, $0x38;
	[tilespmem:$0x19C00] =	vst v63  }
0x8c: {  	_ = 	snop  }
0x8d: {  	[spmem:s21] =	stream.linear.scatter [tilespmem:s11], [sflag:$0x1], $0x2000, $0x38;
	[tilespmem:$0x19C00] =	vst v63  }
0x8e: {  	s24 =	smov.u32 s30;
	s30 =	smov.u32 s22  }
0x8f: {  	[spmem:s30] =	stream.linear.scatter [tilespmem:s11], [sflag:$0x1], $0x2000, $0x38;
	[tilespmem:$0x19C00] =	vst v63  }
0x90: {  	s22 =	smov.u32 s19;
	s19 =	smov.u32 s23  }
0x91: {  	[spmem:s19] =	stream.linear.scatter [tilespmem:s11], [sflag:$0x1], $0x2000, $0x38;
	[tilespmem:$0x19C00] =	vst v63  }
0x92: {  	_ = 	snop  }
0x93: {  	[spmem:s28] =	stream.linear.scatter [tilespmem:s11], [sflag:$0x1], $0x1C00, $0x38;
	[tilespmem:$0x19C00] =	vst v63  }
0x94: {  	_ =	swait.ge [sflag:s4], $0x2000  }
0x95: {  	[sflag:s4] =	ssyncset.done $0x0  }
0x96: {  	[sflag:s4] =	ssyncadd.s32 $0xFFFFE000  }
0x97: {  	_ =	swait.ge [sflag:s4], $0x2000  }
0x98: {  	[sflag:s4] =	ssyncset.done $0x0  }
0x99: {  	[sflag:s4] =	ssyncadd.s32 $0xFFFFE000  }
0x9a: {  	_ =	swait.ge [sflag:s4], $0x2000  }
0x9b: {  	[sflag:s4] =	ssyncset.done $0x0  }
0x9c: {  	[sflag:s4] =	ssyncadd.s32 $0xFFFFE000  }
0x9d: {  	_ =	swait.ge [sflag:s4], $0x2000  }
0x9e: {  	[sflag:s4] =	ssyncset.done $0x0  }
0x9f: {  	[sflag:s4] =	ssyncadd.s32 $0xFFFFE000  }
0xa0: {  	_ =	swait.ge [sflag:s4], $0x2000  }
0xa1: {  	[sflag:s4] =	ssyncset.done $0x0  }
0xa2: {  	[sflag:s4] =	ssyncadd.s32 $0xFFFFE000  }
0xa3: {  	_ =	swait.ge [sflag:s4], $0x2000  }
0xa4: {  	[sflag:s4] =	ssyncset.done $0x0  }
0xa5: {  	[sflag:s4] =	ssyncadd.s32 $0xFFFFE000  }
0xa6: {  	_ =	swait.ge [sflag:s4], $0x2000  }
0xa7: {  	[sflag:s4] =	ssyncset.done $0x0  }
0xa8: {  	[sflag:s4] =	ssyncadd.s32 $0xFFFFE000  }
0xa9: {  	_ =	swait.ge [sflag:s4], $0x2000  }
0xaa: {  	[sflag:s4] =	ssyncset.done $0x0  }
0xab: {  	[sflag:s4] =	ssyncadd.s32 $0xFFFFE000  }
0xac: {  	_ =	swait.ge [sflag:s4], $0x2000  }
0xad: {  	[sflag:s4] =	ssyncset.done $0x0  }
0xae: {  	[sflag:s4] =	ssyncadd.s32 $0xFFFFE000  }
.Ltmp2:
0xaf: {  	_ =	swait.ge [sflag:s4], $0x1C00;
	(pc) =	sbr.rel @p0 .LBB2_6-.Ltmp2, $4  }
.Ltmp3:
0xb0: {  	[sflag:s4] =	ssyncset.done $0x0;
	(pc) =	sbr.rel @!p0 .LBB2_2-.Ltmp3, $4  }
0xb1: {  	[sflag:s4] =	ssyncadd.s32 $0xFFFFE400  }
0xb2: {  	[bflag:$0x0] =	sbarrier.arrive $0xFFFF  }
0xb3: {  	s23 =	smov.u32 s20;
	s18 =	simm.s32 $0x0;
	s30 =	simm.s32 $0x0  }
0xb4: {  	_ = 	snop  }
.LBB2_9:
0xb5: {  	s18 =	sadd.s32 $0x1, s18  }
0xb6: {  	p1 =	sne.s32 s18, $0x3  }
.Ltmp4:
0xb7: {  	_ = 	snop;
	(pc) =	sbr.rel @!p1 .LBB2_10-.Ltmp4, $4  }
0xb8: {  	[spmem:s2] =	stream.indirect.scatter.add.f32 [tilespmem:s8], [sflag:$0x4], $0x80, s20, s6, $0xb8;
	[tilespmem:$0x19C00] =	vst v63  }
0xb9: {  	_ =	swait.ge [sflag:s14], $0x2000  }
0xba: {  	[sflag:s14] =	ssyncset.done $0x0  }
0xbb: {  	[sflag:s14] =	ssyncadd.s32 $0xFFFFE000  }
.LBB2_6:
0xbc: {  	s19 =	sshll.u32 s18, $0xC  }
0xbd: {  	s19 =	sadd.s32 s19, s31  }
0xbe: {  	s19 =	sshrl.u32 s19, $0x3  }
0xbf: {  	s20 =	sadd.s32 s16, s19  }
0xc0: {  	[tilespmem:s3], [sflag:$0x5] =	stream.linear.gather [hbm4b:s20+s3], $0x1000, $0x38;
	[tilespmem:$0x19C00] =	vst v63  }
0xc1: {  	_ =	swait.ge [sflag:s0], $0x1000  }
0xc2: {  	[sflag:s0] =	ssyncset.done $0x0  }
0xc3: {  	s19 =	sadd.s32 s1, s19;
	[sflag:s0] =	ssyncadd.s32 $0xFFFFF000  }
0xc4: {  	[tilespmem:s5], [sflag:$0x5] =	stream.linear.gather [hbm4b:s19+s3], $0x1000, $0x38;
	[tilespmem:$0x19C00] =	vst v63  }
0xc5: {  	_ =	swait.ge [sflag:s0], $0x1000  }
0xc6: {  	[sflag:s0] =	ssyncset.done $0x0  }
0xc7: {  	[sflag:s0] =	ssyncadd.s32 $0xFFFFF000  }
0xc8: {  	[tilespmem:s11], [sflag:$0x1] =	stream.indirect.gather [hbm4b:s15+s6], $0x80, s3, s6, $0xb8;
	[tilespmem:$0x19C00] =	vst v63  }
0xc9: {  	_ =	swait.ge [sflag:s4], $0x2000  }
0xca: {  	[sflag:s4] =	ssyncset.done $0x0  }
0xcb: {  	[sflag:s4] =	ssyncadd.s32 $0xFFFFE000  }
0xcc: {  	[tilespmem:s8], [sflag:$0x2] =	stream.indirect.gather [hbm4b:s15+s6], $0x80, s7, s6, $0xb8;
	[tilespmem:$0x19C00] =	vst v63  }
0xcd: {  	_ = 	snop  }
0xce: {  	[spmem:s2] =	stream.indirect.scatter.add.f32 [tilespmem:s11], [sflag:$0x3], $0x80, s5, s6, $0xb8;
	[tilespmem:$0x19C00] =	vst v63  }
0xcf: {  	_ =	swait.ge [sflag:s9], $0x2000  }
0xd0: {  	[sflag:s9] =	ssyncset.done $0x0  }
0xd1: {  	[sflag:s9] =	ssyncadd.s32 $0xFFFFE000  }
0xd2: {  	_ =	swait.ge [sflag:s10], $0x2000  }
0xd3: {  	[sflag:s10] =	ssyncset.done $0x0  }
0xd4: {  	[sflag:s10] =	ssyncadd.s32 $0xFFFFE000  }
0xd5: {  	[tilespmem:s11], [sflag:$0x1] =	stream.indirect.gather [hbm4b:s15+s6], $0x80, s12, s6, $0xb8;
	[tilespmem:$0x19C00] =	vst v63  }
0xd6: {  	s30 =	simm.s32 $0xFFFFC800  }
0xd7: {  	[spmem:s2] =	stream.indirect.scatter.add.f32 [tilespmem:s8], [sflag:$0x4], $0x80, s13, s6, $0xb8;
	[tilespmem:$0x19C00] =	vst v63  }
.LBB2_7:
0xd8: {  	_ =	swait.ge [sflag:s14], $0x2000  }
0xd9: {  	[sflag:s14] =	ssyncset.done $0x0  }
0xda: {  	[sflag:s14] =	ssyncadd.s32 $0xFFFFE000  }
0xdb: {  	_ =	swait.ge [sflag:s4], $0x2000  }
0xdc: {  	s19 =	sshra.s32 s30, $0x2;
	[sflag:s4] =	ssyncset.done $0x0  }
0xdd: {  	s20 =	sadd.s32 $0xF80, s19;
	[sflag:s4] =	ssyncadd.s32 $0xFFFFE000  }
0xde: {  	[tilespmem:s8], [sflag:$0x2] =	stream.indirect.gather [hbm4b:s15+s6], $0x80, s20, s6, $0xb8;
	[tilespmem:$0x19C00] =	vst v63  }
0xdf: {  	s29 =	sadd.s32 $0x1F00, s19  }
0xe0: {  	[spmem:s2] =	stream.indirect.scatter.add.f32 [tilespmem:s11], [sflag:$0x3], $0x80, s29, s6, $0xb8;
	[tilespmem:$0x19C00] =	vst v63  }
0xe1: {  	p1 =	seq.s32 s30, $0x0;
	_ =	swait.ge [sflag:s9], $0x2000  }
.Ltmp5:
0xe2: {  	[sflag:s9] =	ssyncset.done $0x0;
	(pc) =	sbr.rel @p1 .LBB2_9-.Ltmp5, $4  }
0xe3: {  	[sflag:s9] =	ssyncadd.s32 $0xFFFFE000  }
0xe4: {  	_ =	swait.ge [sflag:s10], $0x2000  }
0xe5: {  	[sflag:s10] =	ssyncset.done $0x0  }
0xe6: {  	s20 =	sadd.s32 $0x1F80, s19;
	[sflag:s10] =	ssyncadd.s32 $0xFFFFE000  }
.Ltmp6:
0xe7: {  	(pc) =	sbr.rel .LBB2_7-.Ltmp6, $4  }
0xe8: {  	s19 =	sadd.s32 $0x1000, s19  }
0xe9: {  	[tilespmem:s11], [sflag:$0x1] =	stream.indirect.gather [hbm4b:s15+s6], $0x80, s19, s6, $0xb8;
	[tilespmem:$0x19C00] =	vst v63  }
0xea: {  	s30 =	sadd.s32 $0x400, s30  }
0xeb: {  	[spmem:s2] =	stream.indirect.scatter.add.f32 [tilespmem:s8], [sflag:$0x4], $0x80, s20, s6, $0xb8;
	[tilespmem:$0x19C00] =	vst v63  }
.LBB2_5:
0xec: {  	s30 =	sadd.s32 $0x1, s30  }
0xed: {  	p1 =	seq.s32 s30, $0x7  }
.Ltmp7:
0xee: {  	_ = 	snop;
	(pc) =	sbr.rel @p1 .LBB2_10-.Ltmp7, $4  }
0xef: {  	[spmem:s2] =	stream.indirect.scatter.add.f32 [tilespmem:s8], [sflag:$0x4], $0x80, s20, s6, $0xb8;
	[tilespmem:$0x19C00] =	vst v63  }
0xf0: {  	_ =	swait.ge [sflag:s14], $0x2000  }
0xf1: {  	[sflag:s14] =	ssyncset.done $0x0  }
0xf2: {  	[sflag:s14] =	ssyncadd.s32 $0xFFFFE000  }
.LBB2_2:
0xf3: {  	s18 =	sshll.u32 s30, $0xC  }
0xf4: {  	s18 =	sadd.s32 s25, s18  }
0xf5: {  	s18 =	sshrl.u32 s18, $0x3  }
0xf6: {  	s19 =	sadd.s32 s16, s18  }
0xf7: {  	[tilespmem:s3], [sflag:$0x5] =	stream.linear.gather [hbm4b:s19+s3], $0x1000, $0x38;
	[tilespmem:$0x19C00] =	vst v63  }
0xf8: {  	_ =	swait.ge [sflag:s0], $0x1000  }
0xf9: {  	[sflag:s0] =	ssyncset.done $0x0  }
0xfa: {  	s18 =	sadd.s32 s1, s18;
	[sflag:s0] =	ssyncadd.s32 $0xFFFFF000  }
0xfb: {  	[tilespmem:s5], [sflag:$0x5] =	stream.linear.gather [hbm4b:s18+s3], $0x1000, $0x38;
	[tilespmem:$0x19C00] =	vst v63  }
0xfc: {  	_ =	swait.ge [sflag:s0], $0x1000  }
0xfd: {  	[sflag:s0] =	ssyncset.done $0x0  }
0xfe: {  	[sflag:s0] =	ssyncadd.s32 $0xFFFFF000  }
0xff: {  	[tilespmem:s11], [sflag:$0x1] =	stream.indirect.gather [hbm4b:s15+s6], $0x80, s3, s6, $0xb8;
	[tilespmem:$0x19C00] =	vst v63  }
0x100: {  	_ =	swait.ge [sflag:s4], $0x2000  }
0x101: {  	[sflag:s4] =	ssyncset.done $0x0  }
0x102: {  	[sflag:s4] =	ssyncadd.s32 $0xFFFFE000  }
0x103: {  	[tilespmem:s8], [sflag:$0x2] =	stream.indirect.gather [hbm4b:s15+s6], $0x80, s7, s6, $0xb8;
	[tilespmem:$0x19C00] =	vst v63  }
0x104: {  	_ = 	snop  }
0x105: {  	[spmem:s2] =	stream.indirect.scatter.add.f32 [tilespmem:s11], [sflag:$0x3], $0x80, s5, s6, $0xb8;
	[tilespmem:$0x19C00] =	vst v63  }
0x106: {  	_ =	swait.ge [sflag:s9], $0x2000  }
0x107: {  	[sflag:s9] =	ssyncset.done $0x0  }
0x108: {  	[sflag:s9] =	ssyncadd.s32 $0xFFFFE000  }
0x109: {  	_ =	swait.ge [sflag:s10], $0x2000  }
0x10a: {  	[sflag:s10] =	ssyncset.done $0x0  }
0x10b: {  	[sflag:s10] =	ssyncadd.s32 $0xFFFFE000  }
0x10c: {  	[tilespmem:s11], [sflag:$0x1] =	stream.indirect.gather [hbm4b:s15+s6], $0x80, s12, s6, $0xb8;
	[tilespmem:$0x19C00] =	vst v63  }
0x10d: {  	s18 =	simm.s32 $0xFFFFC800  }
0x10e: {  	[spmem:s2] =	stream.indirect.scatter.add.f32 [tilespmem:s8], [sflag:$0x4], $0x80, s13, s6, $0xb8;
	[tilespmem:$0x19C00] =	vst v63  }
.LBB2_3:
0x10f: {  	_ =	swait.ge [sflag:s14], $0x2000  }
0x110: {  	[sflag:s14] =	ssyncset.done $0x0  }
0x111: {  	[sflag:s14] =	ssyncadd.s32 $0xFFFFE000  }
0x112: {  	_ =	swait.ge [sflag:s4], $0x2000  }
0x113: {  	s19 =	sshra.s32 s18, $0x2;
	[sflag:s4] =	ssyncset.done $0x0  }
0x114: {  	s20 =	sadd.s32 $0xF80, s19;
	[sflag:s4] =	ssyncadd.s32 $0xFFFFE000  }
0x115: {  	[tilespmem:s8], [sflag:$0x2] =	stream.indirect.gather [hbm4b:s15+s6], $0x80, s20, s6, $0xb8;
	[tilespmem:$0x19C00] =	vst v63  }
0x116: {  	s29 =	sadd.s32 $0x1F00, s19  }
0x117: {  	[spmem:s2] =	stream.indirect.scatter.add.f32 [tilespmem:s11], [sflag:$0x3], $0x80, s29, s6, $0xb8;
	[tilespmem:$0x19C00] =	vst v63  }
0x118: {  	p1 =	seq.s32 s18, $0x0;
	_ =	swait.ge [sflag:s9], $0x2000  }
.Ltmp8:
0x119: {  	[sflag:s9] =	ssyncset.done $0x0;
	(pc) =	sbr.rel @p1 .LBB2_5-.Ltmp8, $4  }
0x11a: {  	[sflag:s9] =	ssyncadd.s32 $0xFFFFE000  }
0x11b: {  	_ =	swait.ge [sflag:s10], $0x2000  }
0x11c: {  	[sflag:s10] =	ssyncset.done $0x0  }
0x11d: {  	s20 =	sadd.s32 $0x1F80, s19;
	[sflag:s10] =	ssyncadd.s32 $0xFFFFE000  }
.Ltmp9:
0x11e: {  	(pc) =	sbr.rel .LBB2_3-.Ltmp9, $4  }
0x11f: {  	s19 =	sadd.s32 $0x1000, s19  }
0x120: {  	[tilespmem:s11], [sflag:$0x1] =	stream.indirect.gather [hbm4b:s15+s6], $0x80, s19, s6, $0xb8;
	[tilespmem:$0x19C00] =	vst v63  }
0x121: {  	s18 =	sadd.s32 $0x400, s18  }
0x122: {  	[spmem:s2] =	stream.indirect.scatter.add.f32 [tilespmem:s8], [sflag:$0x4], $0x80, s20, s6, $0xb8;
	[tilespmem:$0x19C00] =	vst v63  }
.LBB2_11:
0x123: {  	_ =	sfence.sel $0x180000  }
0x124: {  	[bflag:$0x0] =	sbarrier.arrive $0xFFFF  }
0x125: {  	_ =	strace $0x9000004D  }
0x126: {  	s0 =	stileid.u32;
	[bflag:$0x2] =	sbarrier.arrive $0xFFFF  }
0x127: {  	p0 =	sne.s32 s0, $0x0;
	s0 =	rddreg [dreg:$0x3]  }
0x128: {  	s0 =	sadd.s32 @!p0 $0x100000, s0  }
0x129: {  	[sflag:s0] =	ssyncadd.tile.s32 @!p0 $0x1;
	_ =	shalt  }
.Lfunc_end2:
_tile_overlayer_lowered:
.L_overlay_start_2:
0x12a: {  	(tag) =	ssettag $0x2  }
0x12b: {  	s0 =	rddreg [dreg:$0x0];
	s2 =	stileid.u32  }
0x12c: {  	s1 =	rddreg [dreg:$0x1];
	p0 =	sne.s32 s2, $0x0  }
0x12d: {  	s3 =	rddreg [dreg:$0x2];
	[bflag:$0x3] =	sbarrier.arrive $0xFFFF;
	s2 =	simm.s32 @!p0 $0x1C05  }
0x12e: {  	[timem:s3], [sflag:s2] =	dma.local @!p0 [hbm:s0], s1  }
0x12f: {  	s0 =	simm.s32 @!p0 $0x5  }
0x130: {  	_ =	swait.ge @!p0 [sflag:s0], s1  }
0x131: {  	s1 =	ssub.s32 @!p0 $0x0, s1;
	[sflag:s0] =	ssyncset.done @!p0 $0x0  }
0x132: {  	[sflag:s0] =	ssyncadd.s32 @!p0 s1  }
0x133: {  	[bflag:$0x3] =	sbarrier.arrive $0xFFFF  }
0x134: {  	_ =	shalt  }

// kernel: kernel.7.cloned.1.call-start
scs
__scs_entry_jumppad:
0x0: {  	(pc) =	sbr.rel $0x88, $3  }
0x1: {  	(tag) =	ssettag $0x0;
	lr =	simm.s32 $0x1  }
0x2: {  	[smem:$0x3F9A] =	sst lr;
	_ =	strace $0xD0000000  }
0x3: {  	_ = 	snop  }
0x4: {  	_ = 	snop  }
0x5: {  	_ = 	snop  }
0x6: {  	_ = 	snop  }
0x7: {  	_ = 	snop  }
__scs_overlays_trampoline_lowered:
0x8: {  	[smem:$0x3FA9] =	sst s0  }
0x9: {  	[smem:$0x3FAA] =	sst s1  }
0xa: {  	[smem:$0x3FAB] =	sst s2  }
0xb: {  	[smem:$0x3FAC] =	sst s3  }
0xc: {  	[smem:$0x3FAD] =	sst s4  }
0xd: {  	[smem:$0x3FAE] =	sst s5  }
0xe: {  	[smem:$0x3FAF] =	sst s6  }
0xf: {  	[smem:$0x3FB0] =	sst s7  }
0x10: {  	[smem:$0x3FB1] =	sst s8  }
0x11: {  	[smem:$0x3FB2] =	sst s9;
	s0 =	simm.s32 @!p0 $0x0  }
0x12: {  	s1 =	sld [smem:$0x3F98];
	s0 =	simm.s32 @p0 $0x1  }
0x13: {  	[smem:$0x3FB3] =	sst s0;
	s0 =	simm.s32 @!p1 $0x0  }
0x14: {  	s2 =	sld [smem:$0x3F97];
	s0 =	simm.s32 @p1 $0x1  }
0x15: {  	[smem:$0x3FB4] =	sst s0;
	s0 =	simm.s32 @!p2 $0x0  }
0x16: {  	s3 =	sld [smem:$0x3FDB];
	s0 =	simm.s32 @p2 $0x1  }
0x17: {  	s4 =	simm.s32 $0x1BF5;
	[smem:$0x3FB6] =	sst s0  }
0x18: {  	s0 =	sld [smem:$0x3F99];
	_ =	swait.ge [sflag:s4], $0x0  }
0x19: {  	s7 =	sld [smem:$0x3F9A]  }
0x1a: {  	s8 =	sadd.s32 $0xFFFFE003, lr  }
0x1b: {  	s9 =	sadd.s32 $0xFFFFFEF7, lr;
	s5 =	simm.s32 $0xFFFFFFFF;
	p2 =	slt.u32 s8, $0xFFFFF086  }
0x1c: {  	p1 =	slt.u32 s9, $0xF7A;
	s5 =	simm.s32 @!p2 $0x0  }
0x1d: {  	s5 =	simm.s32 @p1 $0x1;
	p0 =	seq.s32 s7, s2  }
0x1e: {  	s7 =	smul.u32 @!p0 $0xF7A, s2;
	p2 =	seq.s32 @!p0 s5, $0x0  }
0x1f: {  	s9 =	smul.u32 $0xF7A, s1;
	s8 =	simm.s32 @!p0 $0x1BF5;
	p2 =	por !p2, p0  }
0x20: {  	[sflag:s8] =	ssyncset.s32 @!p0 $0xFFFFF086;
	s6 =	sadd.s32 @!p0 s3, s7;
	s7 =	simm.s32 @!p0 $0x108  }
0x21: {  	s3 =	sadd.s32 s3, s9;
	s6 =	sadd.s32 @!p0 $0x88, s6;
	s7 =	simm.s32 @p2 $0x1082  }
0x22: {  	[simem:s7], [sflag:s8] =	dma.local @!p0 [hbm:s6], $0xF7A  }
0x23: {  	s9 =	sor.u32 $0xD0000000, s2;
	s6 =	simm.s32 $0x108;
	_ =	swait.ge @!p0 [sflag:s8], $0x0  }
0x24: {  	s3 =	sadd.s32 $0x88, s3;
	s6 =	simm.s32 @!p1 $0x1082;
	[sflag:s4] =	ssyncset.s32 $0xFFFFF086  }
0x25: {  	[simem:s6], [sflag:s4] =	dma.local [hbm:s3], $0xF7A  }
0x26: {  	[smem:$0x3F9A] =	sst s1;
	(tag) =	ssettag s2;
	_ =	strace s9  }
0x27: {  	s1 =	sld [smem:$0x3FAA]  }
0x28: {  	s2 =	sld [smem:$0x3FAB]  }
0x29: {  	s4 =	sld [smem:$0x3FAD]  }
0x2a: {  	p0 =	seq.s32 s5, $0x0;
	s5 =	sld [smem:$0x3FAE]  }
0x2b: {  	s6 =	sld [smem:$0x3FAF]  }
0x2c: {  	s7 =	sld [smem:$0x3FB0]  }
0x2d: {  	s3 =	simm.s32 $0x108;
	s8 =	sld [smem:$0x3FB1]  }
0x2e: {  	s3 =	simm.s32 @!p0 $0x1082;
	s9 =	sld [smem:$0x3FB2]  }
0x2f: {  	lr =	sadd.s32 s0, s3;
	s0 =	sld [smem:$0x3FA9]  }
0x30: {  	s3 =	sld [smem:$0x3FAC]  }
0x31: {  	[smem:$0x3FB5] =	sst s10  }
0x32: {  	s10 =	sld [smem:$0x3FB3];
	_ =	sdelay $0x3  }
0x33: {  	p0 =	seq.s32 s10, $0x1;
	s10 =	sld [smem:$0x3FB5];
	_ =	sdelay $0x3  }
0x34: {  	[smem:$0x3FB5] =	sst s10  }
0x35: {  	s10 =	sld [smem:$0x3FB4];
	_ =	sdelay $0x3  }
0x36: {  	p1 =	seq.s32 s10, $0x1;
	s10 =	sld [smem:$0x3FB5];
	_ =	sdelay $0x3  }
0x37: {  	[smem:$0x3FB5] =	sst s10  }
0x38: {  	s10 =	sld [smem:$0x3FB6]  }
0x39: {  	_ = 	snop;
	(pc) =	sbr.ind lr, $3  }
0x3a: {  	_ = 	snop  }
0x3b: {  	_ = 	snop  }
0x3c: {  	p2 =	seq.s32 s10, $0x1;
	s10 =	sld [smem:$0x3FB5]  }
0x3d: {  	_ =	shalt  }
0x3e: {  	_ =	shalt  }
0x3f: {  	_ =	shalt  }
0x40: {  	_ =	shalt  }
0x41: {  	_ =	shalt  }
0x42: {  	_ =	shalt  }
0x43: {  	_ =	shalt  }
0x44: {  	_ =	shalt  }
0x45: {  	_ =	shalt  }
0x46: {  	_ =	shalt  }
0x47: {  	_ =	shalt  }
0x48: {  	_ =	shalt  }
0x49: {  	_ =	shalt  }
0x4a: {  	_ =	shalt  }
0x4b: {  	_ =	shalt  }
0x4c: {  	_ =	shalt  }
0x4d: {  	_ =	shalt  }
0x4e: {  	_ =	shalt  }
0x4f: {  	_ =	shalt  }
0x50: {  	_ =	shalt  }
0x51: {  	_ =	shalt  }
0x52: {  	_ =	shalt  }
0x53: {  	_ =	shalt  }
0x54: {  	_ =	shalt  }
0x55: {  	_ =	shalt  }
0x56: {  	_ =	shalt  }
0x57: {  	_ =	shalt  }
0x58: {  	_ =	shalt  }
0x59: {  	_ =	shalt  }
0x5a: {  	_ =	shalt  }
0x5b: {  	_ =	shalt  }
0x5c: {  	_ =	shalt  }
0x5d: {  	_ =	shalt  }
0x5e: {  	_ =	shalt  }
0x5f: {  	_ =	shalt  }
0x60: {  	_ =	shalt  }
0x61: {  	_ =	shalt  }
0x62: {  	_ =	shalt  }
0x63: {  	_ =	shalt  }
0x64: {  	_ =	shalt  }
0x65: {  	_ =	shalt  }
0x66: {  	_ =	shalt  }
0x67: {  	_ =	shalt  }
0x68: {  	_ =	shalt  }
0x69: {  	_ =	shalt  }
0x6a: {  	_ =	shalt  }
0x6b: {  	_ =	shalt  }
0x6c: {  	_ =	shalt  }
0x6d: {  	_ =	shalt  }
0x6e: {  	_ =	shalt  }
0x6f: {  	_ =	shalt  }
0x70: {  	_ =	shalt  }
0x71: {  	_ =	shalt  }
0x72: {  	_ =	shalt  }
0x73: {  	_ =	shalt  }
0x74: {  	_ =	shalt  }
0x75: {  	_ =	shalt  }
0x76: {  	_ =	shalt  }
0x77: {  	_ =	shalt  }
0x78: {  	_ =	shalt  }
0x79: {  	_ =	shalt  }
0x7a: {  	_ =	shalt  }
0x7b: {  	_ =	shalt  }
0x7c: {  	_ =	shalt  }
0x7d: {  	_ =	shalt  }
0x7e: {  	_ =	shalt  }
0x7f: {  	_ =	shalt  }
0x80: {  	_ =	shalt  }
0x81: {  	_ =	shalt  }
0x82: {  	_ =	shalt  }
0x83: {  	_ =	shalt  }
0x84: {  	_ =	shalt  }
0x85: {  	_ =	shalt  }
0x86: {  	_ =	shalt  }
0x87: {  	_ =	shalt  }
.Lfunc_end0:
.L_simem_size_0:
called_computation_lowered:
.L_overlay_start_0:
0x88: {  	s2 =	sld [smem:$0x3FD9]  }
0x89: {  	s3 =	sld [smem:$0x3FFE];
	_ =	sdelay $0x1  }
0x8a: {  	s1 =	srdreg.scid  }
0x8b: {  	s0 =	sand.u32 $0x1, s1  }
0x8c: {  	s17 =	sshll.u32 s0, $0xA;
	s2 =	sadd.s32 s3, s2  }
0x8d: {  	s2 =	sadd.s32 s2, s17  }
0x8e: {  	[smem:$0x3FC1] =	sst s2  }
0x8f: {  	_ = 	snop  }
0x90: {  	s18 =	sld [smem:$0x3FD0];
	(tm) =	ssettm $0x1  }
0x91: {  	s19 =	sld [smem:$0x3FFB];
	_ =	sdelay $0x3  }
0x92: {  	_ =	strace s19  }
0x93: {  	s2 =	sld [smem:$0x3FFC];
	_ =	sdelay $0x3  }
0x94: {  	_ =	strace s2  }
0x95: {  	s2 =	sld [smem:$0x3FFD];
	_ =	sdelay $0x3  }
0x96: {  	_ =	strace s2  }
0x97: {  	_ =	strace $0x8FFFFFFF  }
0x98: {  	s20 =	sld [smem:$0x3FDB];
	_ =	sdelay $0x1  }
0x99: {  	s4 =	simm.s32 $_scs_section_size  }
0x9a: {  	s5 =	simm.s32 $_size__tile_overlayer_lowered;
	s6 =	simm.s32 $_tile_overlayer_lowered  }
0x9b: {  	s7 =	simm.s32 $0x1BFF;
	s21 =	sshll.u32 s6, $0x1;
	s4 =	sadd.s32 s4, s20  }
0x9c: {  	s22 =	simm.s32 $0x0;
	s5 =	sshll.u32 s5, $0x1;
	s6 =	sadd.s32 s21, s4  }
0x9d: {  	[timem:s22], [sflag:s7] =	dma.local [hbm:s6], s5  }
0x9e: {  	_ =	swait.ge [sflag:s7], s5  }
0x9f: {  	s5 =	ssub.s32 $0x0, s5;
	[sflag:s7] =	ssyncset.done $0x0  }
0xa0: {  	[sflag:s7] =	ssyncadd.s32 s5;
	_ =	sdelay $0x1  }
0xa1: {  	s23 =	simm.s32 $0x1B8B  }
0xa2: {  	_ =	swait.ge [sflag:s23], $0x1  }
0xa3: {  	[sflag:s23] =	ssyncset.done $0x0  }
0xa4: {  	[sflag:s23] =	ssyncadd.s32 $0xFFFFFFFF  }
0xa5: {  	s5 =	sld [smem:$0x0]  }
0xa6: {  	s6 =	sand.u32 $0xFFFFFFFE, s1  }
0xa7: {  	p0 =	sne.s32 s1, s6  }
0xa8: {  	s6 =	sshll.u32 @p0 s6, $0xE  }
0xa9: {  	s6 =	sadd.s32 @p0 $0x11B8D, s6;
	s7 =	sshll.u32 @p0 s5, $0x11  }
0xaa: {  	s6 =	sor.u32 @p0 s7, s6  }
0xab: {  	[sflag:s6] =	ssyncadd.remote.s32 @p0 $0x1;
	_ =	sdelay $0x1  }
0xac: {  	s6 =	simm.s32 @p0 $0x1B8D  }
0xad: {  	_ =	swait.eq @p0 [sflag:s6], $0x1  }
0xae: {  	[sflag:s6] =	ssyncadd.s32 @p0 $0xFFFFFFFF  }
0xaf: {  	s7 =	sshll.u32 @!p0 s1, $0xE  }
0xb0: {  	s7 =	sor.u32 @!p0 $0x4000, s7;
	s6 =	simm.s32 @!p0 $0x1B8D  }
0xb1: {  	s5 =	sshll.u32 @!p0 s5, $0x11;
	s7 =	sadd.s32 @!p0 $0x11B8D, s7;
	_ =	swait.eq @!p0 [sflag:s6], $0x1  }
0xb2: {  	s5 =	sor.u32 @!p0 s5, s7;
	[sflag:s6] =	ssyncadd.s32 @!p0 $0xFFFFFFFF  }
0xb3: {  	s25 =	simm.s32 $0x1B8E;
	s24 =	sld [smem:$0x3FFE];
	[sflag:s5] =	ssyncadd.remote.s32 @!p0 $0x1  }
0xb4: {  	s26 =	simm.s32 $execute0_lowered;
	[smem:$0x3FD2] =	sst s25  }
0xb5: {  	s6 =	sshll.u32 s26, $0x1;
	_ =	strace $0x80000049;
	[dreg:$0x1] =	wrdreg $0xFFFFFFFF  }
0xb6: {  	s28 =	simm.s32 $_size_execute0_lowered;
	s4 =	sadd.s32 s4, s6;
	[dreg:$0x0] =	wrdreg $0x0  }
0xb7: {  	s6 =	sshll.u32 s28, $0x1;
	[dreg:$0x2] =	wrdreg s4  }
0xb8: {  	[dreg:$0x3] =	wrdreg s6  }
0xb9: {  	[dreg:$0x4] =	wrdreg $0xC0  }
0xba: {  	_ =	task [dreg:s22], $0x5FFFF  }
0xbb: {  	[dreg:$0x1] =	wrdreg $0xFFFFFFFF  }
0xbc: {  	[dreg:$0x0] =	wrdreg $0x60  }
0xbd: {  	[dreg:$0x2] =	wrdreg s18  }
0xbe: {  	[dreg:$0x3] =	wrdreg s24  }
0xbf: {  	[dreg:$0x4] =	wrdreg $0x50000  }
0xc0: {  	[dreg:$0x5] =	wrdreg $0x9  }
0xc1: {  	_ =	task.clear_ibuf [dreg:s22], $0x6FFFF;
	_ =	strace $0x90000049  }
0xc2: {  	s29 =	simm.s32 $0x9;
	_ =	strace $0x8000004B  }
0xc3: {  	_ =	swait.ge [sflag:s29], $0x1  }
0xc4: {  	[sflag:s29] =	ssyncadd.s32 $0xFFFFFFFF  }
0xc5: {  	_ =	strace $0x9000004B  }
0xc6: {  	_ =	sfence  }
0xc7: {  	s30 =	sld [smem:$0x0];
	_ =	sdelay $0x2  }
0xc8: {  	s31 =	sshll.u32 s1, $0xD;
	s1 =	sshrl.u32 s1, $0x2  }
0xc9: {  	s4 =	sand.u32 $0x4000, s31;
	s1 =	sadd.s32 s1, s30  }
0xca: {  	s0 =	sor.u32 s4, s0;
	s1 =	sshll.u32 s1, $0x11  }
0xcb: {  	s0 =	sor.u32 s1, s0  }
0xcc: {  	s0 =	sadd.s32 $0x8F2B, s0  }
0xcd: {  	[sflag:s0] =	ssyncadd.remote.s32 $0x1  }
0xce: {  	_ =	sfence.sel $0xFFFF  }
0xcf: {  	[dreg:$0x0] =	wrdreg $0xFFFFFFFF;
	(pc) =	sbr.abs _section_cstart, $3  }
0xd0: {  	[dreg:$0x1] =	wrdreg $0xFFFFFFFF  }
0xd1: {  	_ =	task.clear_ibuf [dreg:s22], $0x2FFFF;
	_ =	strace $0x9FFFFFFF  }
0xd2: {  	(tm) =	ssettm $0x7FFFFFFF  }
0xd3: {  	_ =	shalt  }
tec
execute0_lowered:
.L_overlay_start_1:
0x0: {  	(tag) =	ssettag $0x1  }
0x1: {  	s14 =	rddreg [dreg:$0x0]  }
0x2: {  	s0 =	rddreg [dreg:$0x1]  }
0x3: {  	s1 =	rddreg [dreg:$0x2];
	s2 =	srdreg.scid;
	s3 =	simm.s32 $0x0  }
0x4: {  	s21 =	stileid.u32;
	s28 =	simm.s32 $0x1000;
	s29 =	simm.s32 $0x3  }
0x5: {  	s30 =	simm.s32 $0x1;
	s31 =	simm.s32 $0x40;
	s16 =	smul.u32 $0x13C00, s21  }
0x6: {  	s15 =	sand.u32 $0x1, s2;
	[smem:$0x7FF] =	sst s3;
	s17 =	smul.u32 $0xA000, s21  }
0x7: {  	s13 =	sadd.s32 $0x8CC00, s0;
	s2 =	ssub.s32 $0x2, s15;
	s18 =	smul.u32 $0x13C000, s15  }
0x8: {  	_ =	strace $0x8000004A;
	s15 =	smul.u32 $0x5000, s15;
	s4 =	sshrl.u32 s2, $0x1  }
0x9: {  	s5 =	sadd.s32 $0x4000, s16;
	s6 =	sadd.s32 $0x6000, s16;
	s7 =	sadd.s32 $0x8000, s16  }
0xa: {  	s8 =	sadd.s32 $0xA000, s16;
	s9 =	sadd.s32 $0xC000, s16;
	s10 =	sadd.s32 $0xE000, s16  }
0xb: {  	s11 =	sadd.s32 $0x10000, s16;
	s12 =	sadd.s32 $0x12000, s16;
	s2 =	ssub.s32 s2, s4  }
0xc: {  	s4 =	sadd.s32 $0x2000, s16;
	s16 =	sadd.s32 s16, s18;
	s20 =	sadd.s32 s18, s5  }
0xd: {  	s24 =	sadd.s32 s18, s6;
	s25 =	sadd.s32 s18, s7;
	s15 =	sadd.s32 s15, s17  }
0xe: {  	s19 =	sadd.s32 s18, s4;
	s16 =	sshrl.u32 s16, $0x3;
	s20 =	sshrl.u32 s20, $0x3  }
0xf: {  	s26 =	sshrl.u32 s25, $0x3;
	s15 =	sshrl.u32 s15, $0x3;
	s25 =	simm.s32 $0x200  }
0x10: {  	s19 =	sshrl.u32 s19, $0x3;
	s16 =	sadd.s32 s13, s16;
	[dreg:$0x8] =	wrdreg s25  }
0x11: {  	s23 =	sadd.s32 s13, s20;
	s17 =	sadd.s32 s13, s26;
	[dreg:$0xe] =	wrdreg s16  }
0x12: {  	s14 =	sadd.s32 s15, s14;
	s20 =	simm.s32 $0x80;
	[dreg:$0x10] =	wrdreg s23  }
0x13: {  	s26 =	simm.s32 $0x280;
	s22 =	sadd.s32 s13, s19;
	[dreg:$0x12] =	wrdreg s17  }
0x14: {  	s16 =	sshrl.u32 s24, $0x3;
	s19 =	sadd.s32 s18, s8;
	[dreg:$0x4] =	wrdreg s14  }
0x15: {  	[dreg:$0x5] =	wrdreg s20;
	s23 =	simm.s32 $0x180;
	s24 =	sadd.s32 s18, s9  }
0x16: {  	[dreg:$0x9] =	wrdreg s26;
	s17 =	sadd.s32 s18, s10;
	s20 =	simm.s32 $0x400  }
0x17: {  	s26 =	simm.s32 $0x480;
	[dreg:$0xf] =	wrdreg s22;
	s16 =	sadd.s32 s13, s16  }
0x18: {  	s15 =	sshrl.u32 s19, $0x3;
	s22 =	simm.s32 $0x100;
	[dreg:$0x7] =	wrdreg s23  }
0x19: {  	s19 =	simm.s32 $0x380;
	[dreg:$0xc] =	wrdreg s20;
	s23 =	sadd.s32 s18, s12  }
0x1a: {  	[dreg:$0xd] =	wrdreg s26;
	s20 =	sadd.s32 s8, s1;
	s26 =	smax.u32 s2, $0x1  }
0x1b: {  	s2 =	simm.s32 $0x580;
	s8 =	simm.s32 $0x800;
	[dreg:$0x11] =	wrdreg s16  }
0x1c: {  	s15 =	sadd.s32 s13, s15;
	[dreg:$0x6] =	wrdreg s22;
	s16 =	simm.s32 $0x300  }
0x1d: {  	[dreg:$0xb] =	wrdreg s19;
	s22 =	sadd.s32 s18, s11;
	s25 =	sshrl.u32 s23, $0x3  }
0x1e: {  	s18 =	sadd.s32 s6, s1;
	s19 =	sadd.s32 s7, s1;
	[dreg:$0x1f] =	wrdreg s20  }
0x1f: {  	s23 =	sadd.s32 s11, s1;
	[smem:$0x7FB] =	sst s26;
	s6 =	simm.s32 $0x700  }
0x20: {  	s7 =	simm.s32 $0x780;
	s11 =	simm.s32 $0x980;
	[dreg:$0x13] =	wrdreg s15  }
0x21: {  	s26 =	simm.s32 $0xC00;
	s20 =	simm.s32 $0xE80;
	[dreg:$0xa] =	wrdreg s16  }
0x22: {  	s15 =	sshrl.u32 s24, $0x3;
	s14 =	sshrl.u32 s22, $0x3;
	[dreg:$0x1d] =	wrdreg s18  }
0x23: {  	s24 =	smul.u32 $0x4F000, s21;
	s16 =	sadd.s32 $0x3D400, s0;
	[dreg:$0x1e] =	wrdreg s19  }
0x24: {  	s0 =	sadd.s32 $0x8C800, s0;
	s21 =	sadd.s32 s9, s1;
	[smem:$0x7FA] =	sst s23  }
0x25: {  	s22 =	sadd.s32 s10, s1;
	s23 =	sadd.s32 s12, s1;
	[dreg:$0x18] =	wrdreg s16  }
0x26: {  	s9 =	simm.s32 $0x880;
	s10 =	simm.s32 $0x900;
	[dreg:$0x19] =	wrdreg s0  }
0x27: {  	s12 =	simm.s32 $0xA00;
	s18 =	simm.s32 $0xD80;
	[smem:$0x7F8] =	sst s21  }
0x28: {  	s19 =	simm.s32 $0xE00;
	s15 =	sadd.s32 s13, s15;
	[smem:$0x7F9] =	sst s22  }
0x29: {  	s14 =	sadd.s32 s13, s14;
	s16 =	simm.s32 $0xC80;
	[smem:$0x7FD] =	sst s23  }
0x2a: {  	s21 =	simm.s32 $0xF00;
	s22 =	simm.s32 $0xF80;
	[dreg:$0x14] =	wrdreg s15  }
0x2b: {  	s0 =	simm.s32 $0x0;
	s15 =	sshrl.u32 s17, $0x3;
	[dreg:$0x16] =	wrdreg s14  }
0x2c: {  	s17 =	sadd.s32 s5, s1;
	s5 =	simm.s32 $0x680;
	[smem:$0x7FC] =	sst s0  }
0x2d: {  	s14 =	simm.s32 $0xB00;
	s15 =	sadd.s32 s13, s15;
	[dreg:$0x1c] =	wrdreg s17  }
0x2e: {  	s13 =	sadd.s32 s13, s25;
	s25 =	sadd.s32 s4, s1;
	[dreg:$0x15] =	wrdreg s15  }
0x2f: {  	s4 =	simm.s32 $0x600;
	[dreg:$0x17] =	wrdreg s13;
	s15 =	sshrl.u32 s24, $0x2  }
0x30: {  	s17 =	simm.s32 $0xD00;
	[dreg:$0x1b] =	wrdreg s25;
	s24 =	sadd.s32 s15, s1  }
0x31: {  	s13 =	simm.s32 $0xA80;
	s15 =	simm.s32 $0xB80;
	[dreg:$0x1a] =	wrdreg s24  }
.LBB2_1:
0x32: {  	s0 =	rddreg [dreg:$0x18]  }
0x33: {  	[tilespmem:s28], [sflag:$0x3] =	stream.linear.gather [hbm4b:s0+s3], $0x2000, $0x38;
	[tilespmem:$0x18C00] =	vst v63  }
0x34: {  	_ =	swait.ge [sflag:s29], $0x2000  }
0x35: {  	[sflag:s29] =	ssyncset.done $0x0  }
0x36: {  	[sflag:s29] =	ssyncadd.s32 $0xFFFFE000  }
0x37: {  	[spmem:s24] =	stream.linear.scatter [tilespmem:s28], [sflag:$0x1], $0x2000, $0x38;
	[tilespmem:$0x18C00] =	vst v63  }
0x38: {  	s24 =	rddreg [dreg:$0x1c]  }
0x39: {  	[spmem:s25] =	stream.linear.scatter [tilespmem:s28], [sflag:$0x1], $0x2000, $0x38;
	[tilespmem:$0x18C00] =	vst v63  }
0x3a: {  	s25 =	rddreg [dreg:$0x1d]  }
0x3b: {  	[spmem:s24] =	stream.linear.scatter [tilespmem:s28], [sflag:$0x1], $0x2000, $0x38;
	[tilespmem:$0x18C00] =	vst v63  }
0x3c: {  	s24 =	rddreg [dreg:$0x1e]  }
0x3d: {  	[spmem:s25] =	stream.linear.scatter [tilespmem:s28], [sflag:$0x1], $0x2000, $0x38;
	[tilespmem:$0x18C00] =	vst v63  }
0x3e: {  	s25 =	rddreg [dreg:$0x1f]  }
0x3f: {  	[spmem:s24] =	stream.linear.scatter [tilespmem:s28], [sflag:$0x1], $0x2000, $0x38;
	[tilespmem:$0x18C00] =	vst v63  }
0x40: {  	s24 =	sld [smem:$0x7F8]  }
0x41: {  	[spmem:s25] =	stream.linear.scatter [tilespmem:s28], [sflag:$0x1], $0x2000, $0x38;
	[tilespmem:$0x18C00] =	vst v63  }
0x42: {  	s25 =	sld [smem:$0x7F9]  }
0x43: {  	[spmem:s24] =	stream.linear.scatter [tilespmem:s28], [sflag:$0x1], $0x2000, $0x38;
	[tilespmem:$0x18C00] =	vst v63  }
0x44: {  	s24 =	sld [smem:$0x7FA]  }
0x45: {  	[spmem:s25] =	stream.linear.scatter [tilespmem:s28], [sflag:$0x1], $0x2000, $0x38;
	[tilespmem:$0x18C00] =	vst v63  }
0x46: {  	_ = 	snop  }
0x47: {  	[spmem:s24] =	stream.linear.scatter [tilespmem:s28], [sflag:$0x1], $0x2000, $0x38;
	[tilespmem:$0x18C00] =	vst v63  }
0x48: {  	_ = 	snop  }
0x49: {  	[spmem:s23] =	stream.linear.scatter [tilespmem:s28], [sflag:$0x1], $0x1C00, $0x38;
	[tilespmem:$0x18C00] =	vst v63  }
0x4a: {  	_ =	swait.ge [sflag:s30], $0x2000  }
0x4b: {  	[sflag:s30] =	ssyncset.done $0x0  }
0x4c: {  	[sflag:s30] =	ssyncadd.s32 $0xFFFFE000  }
0x4d: {  	_ =	swait.ge [sflag:s30], $0x2000  }
0x4e: {  	[sflag:s30] =	ssyncset.done $0x0  }
0x4f: {  	[sflag:s30] =	ssyncadd.s32 $0xFFFFE000  }
0x50: {  	_ =	swait.ge [sflag:s30], $0x2000  }
0x51: {  	[sflag:s30] =	ssyncset.done $0x0  }
0x52: {  	[sflag:s30] =	ssyncadd.s32 $0xFFFFE000  }
0x53: {  	_ =	swait.ge [sflag:s30], $0x2000  }
0x54: {  	[sflag:s30] =	ssyncset.done $0x0  }
0x55: {  	[sflag:s30] =	ssyncadd.s32 $0xFFFFE000  }
0x56: {  	_ =	swait.ge [sflag:s30], $0x2000  }
0x57: {  	[sflag:s30] =	ssyncset.done $0x0  }
0x58: {  	[sflag:s30] =	ssyncadd.s32 $0xFFFFE000  }
0x59: {  	_ =	swait.ge [sflag:s30], $0x2000  }
0x5a: {  	[sflag:s30] =	ssyncset.done $0x0  }
0x5b: {  	[sflag:s30] =	ssyncadd.s32 $0xFFFFE000  }
0x5c: {  	_ =	swait.ge [sflag:s30], $0x2000  }
0x5d: {  	[sflag:s30] =	ssyncset.done $0x0  }
0x5e: {  	[sflag:s30] =	ssyncadd.s32 $0xFFFFE000  }
0x5f: {  	_ =	swait.ge [sflag:s30], $0x2000  }
0x60: {  	[sflag:s30] =	ssyncset.done $0x0  }
0x61: {  	[sflag:s30] =	ssyncadd.s32 $0xFFFFE000  }
0x62: {  	_ =	swait.ge [sflag:s30], $0x2000  }
0x63: {  	[sflag:s30] =	ssyncset.done $0x0  }
0x64: {  	[sflag:s30] =	ssyncadd.s32 $0xFFFFE000  }
0x65: {  	_ =	swait.ge [sflag:s30], $0x1C00  }
0x66: {  	[sflag:s30] =	ssyncset.done $0x0  }
0x67: {  	[sflag:s30] =	ssyncadd.s32 $0xFFFFE400  }
0x68: {  	[bflag:$0x0] =	sbarrier.arrive $0xFFFF  }
0x69: {  	s25 =	rddreg [dreg:$0x19]  }
0x6a: {  	[tilespmem:s28], [sflag:$0x3] =	stream.linear.gather [hbm4b:s25+s3], $0x2000, $0x38;
	[tilespmem:$0x18C00] =	vst v63  }
0x6b: {  	_ =	swait.ge [sflag:s29], $0x2000  }
0x6c: {  	s0 =	rddreg [dreg:$0x4];
	[sflag:s29] =	ssyncset.done $0x0  }
0x6d: {  	[sflag:s29] =	ssyncadd.s32 $0xFFFFE000;
	s23 =	sadd.s32 $0x0, s0  }
0x6e: {  	[tilespmem:s3], [sflag:$0x3] =	stream.linear.gather [hbm4b:s23+s3], $0x1000, $0x38;
	[tilespmem:$0x18C00] =	vst v63  }
0x6f: {  	_ =	swait.ge [sflag:s29], $0x1000  }
0x70: {  	[sflag:s29] =	ssyncset.done $0x0  }
0x71: {  	[sflag:s29] =	ssyncadd.s32 $0xFFFFF000  }
0x72: {  	[spmem:s1] =	stream.indirect.scatter.add.f32 [tilespmem:s28], [sflag:$0x1], $0x80, s3, s31, $0xb8;
	[tilespmem:$0x18C00] =	vst v63  }
0x73: {  	s24 =	rddreg [dreg:$0x5]  }
0x74: {  	[spmem:s1] =	stream.indirect.scatter.add.f32 [tilespmem:s28], [sflag:$0x1], $0x80, s24, s31, $0xb8;
	[tilespmem:$0x18C00] =	vst v63  }
0x75: {  	s25 =	rddreg [dreg:$0x6]  }
0x76: {  	[spmem:s1] =	stream.indirect.scatter.add.f32 [tilespmem:s28], [sflag:$0x1], $0x80, s25, s31, $0xb8;
	[tilespmem:$0x18C00] =	vst v63  }
0x77: {  	s0 =	rddreg [dreg:$0x7]  }
0x78: {  	[spmem:s1] =	stream.indirect.scatter.add.f32 [tilespmem:s28], [sflag:$0x1], $0x80, s0, s31, $0xb8;
	[tilespmem:$0x18C00] =	vst v63  }
0x79: {  	s25 =	rddreg [dreg:$0x8]  }
0x7a: {  	[spmem:s1] =	stream.indirect.scatter.add.f32 [tilespmem:s28], [sflag:$0x1], $0x80, s25, s31, $0xb8;
	[tilespmem:$0x18C00] =	vst v63  }
0x7b: {  	s0 =	rddreg [dreg:$0x9]  }
0x7c: {  	[spmem:s1] =	stream.indirect.scatter.add.f32 [tilespmem:s28], [sflag:$0x1], $0x80, s0, s31, $0xb8;
	[tilespmem:$0x18C00] =	vst v63  }
0x7d: {  	s25 =	rddreg [dreg:$0xa]  }
0x7e: {  	[spmem:s1] =	stream.indirect.scatter.add.f32 [tilespmem:s28], [sflag:$0x1], $0x80, s25, s31, $0xb8;
	[tilespmem:$0x18C00] =	vst v63  }
0x7f: {  	s0 =	rddreg [dreg:$0xb]  }
0x80: {  	[spmem:s1] =	stream.indirect.scatter.add.f32 [tilespmem:s28], [sflag:$0x1], $0x80, s0, s31, $0xb8;
	[tilespmem:$0x18C00] =	vst v63  }
0x81: {  	_ =	swait.ge [sflag:s30], $0x2000  }
0x82: {  	[sflag:s30] =	ssyncset.done $0x0  }
0x83: {  	[sflag:s30] =	ssyncadd.s32 $0xFFFFE000  }
0x84: {  	_ =	swait.ge [sflag:s30], $0x2000  }
0x85: {  	[sflag:s30] =	ssyncset.done $0x0  }
0x86: {  	[sflag:s30] =	ssyncadd.s32 $0xFFFFE000  }
0x87: {  	_ =	swait.ge [sflag:s30], $0x2000  }
0x88: {  	[sflag:s30] =	ssyncset.done $0x0  }
0x89: {  	[sflag:s30] =	ssyncadd.s32 $0xFFFFE000  }
0x8a: {  	_ =	swait.ge [sflag:s30], $0x2000  }
0x8b: {  	[sflag:s30] =	ssyncset.done $0x0  }
0x8c: {  	[sflag:s30] =	ssyncadd.s32 $0xFFFFE000  }
0x8d: {  	_ =	swait.ge [sflag:s30], $0x2000  }
0x8e: {  	[sflag:s30] =	ssyncset.done $0x0  }
0x8f: {  	[sflag:s30] =	ssyncadd.s32 $0xFFFFE000  }
0x90: {  	_ =	swait.ge [sflag:s30], $0x2000  }
0x91: {  	[sflag:s30] =	ssyncset.done $0x0  }
0x92: {  	[sflag:s30] =	ssyncadd.s32 $0xFFFFE000  }
0x93: {  	_ =	swait.ge [sflag:s30], $0x2000  }
0x94: {  	[sflag:s30] =	ssyncset.done $0x0  }
0x95: {  	[sflag:s30] =	ssyncadd.s32 $0xFFFFE000  }
0x96: {  	_ =	swait.ge [sflag:s30], $0x2000  }
0x97: {  	[sflag:s30] =	ssyncset.done $0x0  }
0x98: {  	s25 =	rddreg [dreg:$0xc];
	[sflag:s30] =	ssyncadd.s32 $0xFFFFE000  }
0x99: {  	[spmem:s1] =	stream.indirect.scatter.add.f32 [tilespmem:s28], [sflag:$0x1], $0x80, s25, s31, $0xb8;
	[tilespmem:$0x18C00] =	vst v63  }
0x9a: {  	s0 =	rddreg [dreg:$0xd]  }
0x9b: {  	[spmem:s1] =	stream.indirect.scatter.add.f32 [tilespmem:s28], [sflag:$0x1], $0x80, s0, s31, $0xb8;
	[tilespmem:$0x18C00] =	vst v63  }
0x9c: {  	s25 =	simm.s32 $0x500  }
0x9d: {  	[spmem:s1] =	stream.indirect.scatter.add.f32 [tilespmem:s28], [sflag:$0x1], $0x80, s25, s31, $0xb8;
	[tilespmem:$0x18C00] =	vst v63  }
0x9e: {  	_ = 	snop  }
0x9f: {  	[spmem:s1] =	stream.indirect.scatter.add.f32 [tilespmem:s28], [sflag:$0x1], $0x80, s2, s31, $0xb8;
	[tilespmem:$0x18C00] =	vst v63  }
0xa0: {  	_ = 	snop  }
0xa1: {  	[spmem:s1] =	stream.indirect.scatter.add.f32 [tilespmem:s28], [sflag:$0x1], $0x80, s4, s31, $0xb8;
	[tilespmem:$0x18C00] =	vst v63  }
0xa2: {  	_ = 	snop  }
0xa3: {  	[spmem:s1] =	stream.indirect.scatter.add.f32 [tilespmem:s28], [sflag:$0x1], $0x80, s5, s31, $0xb8;
	[tilespmem:$0x18C00] =	vst v63  }
0xa4: {  	_ = 	snop  }
0xa5: {  	[spmem:s1] =	stream.indirect.scatter.add.f32 [tilespmem:s28], [sflag:$0x1], $0x80, s6, s31, $0xb8;
	[tilespmem:$0x18C00] =	vst v63  }
0xa6: {  	_ = 	snop  }
0xa7: {  	[spmem:s1] =	stream.indirect.scatter.add.f32 [tilespmem:s28], [sflag:$0x1], $0x80, s7, s31, $0xb8;
	[tilespmem:$0x18C00] =	vst v63  }
0xa8: {  	_ =	swait.ge [sflag:s30], $0x2000  }
0xa9: {  	[sflag:s30] =	ssyncset.done $0x0  }
0xaa: {  	[sflag:s30] =	ssyncadd.s32 $0xFFFFE000  }
0xab: {  	_ =	swait.ge [sflag:s30], $0x2000  }
0xac: {  	[sflag:s30] =	ssyncset.done $0x0  }
0xad: {  	[sflag:s30] =	ssyncadd.s32 $0xFFFFE000  }
0xae: {  	_ =	swait.ge [sflag:s30], $0x2000  }
0xaf: {  	[sflag:s30] =	ssyncset.done $0x0  }
0xb0: {  	[sflag:s30] =	ssyncadd.s32 $0xFFFFE000  }
0xb1: {  	_ =	swait.ge [sflag:s30], $0x2000  }
0xb2: {  	[sflag:s30] =	ssyncset.done $0x0  }
0xb3: {  	[sflag:s30] =	ssyncadd.s32 $0xFFFFE000  }
0xb4: {  	_ =	swait.ge [sflag:s30], $0x2000  }
0xb5: {  	[sflag:s30] =	ssyncset.done $0x0  }
0xb6: {  	[sflag:s30] =	ssyncadd.s32 $0xFFFFE000  }
0xb7: {  	_ =	swait.ge [sflag:s30], $0x2000  }
0xb8: {  	[sflag:s30] =	ssyncset.done $0x0  }
0xb9: {  	[sflag:s30] =	ssyncadd.s32 $0xFFFFE000  }
0xba: {  	_ =	swait.ge [sflag:s30], $0x2000  }
0xbb: {  	[sflag:s30] =	ssyncset.done $0x0  }
0xbc: {  	[sflag:s30] =	ssyncadd.s32 $0xFFFFE000  }
0xbd: {  	_ =	swait.ge [sflag:s30], $0x2000  }
0xbe: {  	[sflag:s30] =	ssyncset.done $0x0  }
0xbf: {  	[sflag:s30] =	ssyncadd.s32 $0xFFFFE000  }
0xc0: {  	[spmem:s1] =	stream.indirect.scatter.add.f32 [tilespmem:s28], [sflag:$0x1], $0x80, s8, s31, $0xb8;
	[tilespmem:$0x18C00] =	vst v63  }
0xc1: {  	_ = 	snop  }
0xc2: {  	[spmem:s1] =	stream.indirect.scatter.add.f32 [tilespmem:s28], [sflag:$0x1], $0x80, s9, s31, $0xb8;
	[tilespmem:$0x18C00] =	vst v63  }
0xc3: {  	_ = 	snop  }
0xc4: {  	[spmem:s1] =	stream.indirect.scatter.add.f32 [tilespmem:s28], [sflag:$0x1], $0x80, s10, s31, $0xb8;
	[tilespmem:$0x18C00] =	vst v63  }
0xc5: {  	_ = 	snop  }
0xc6: {  	[spmem:s1] =	stream.indirect.scatter.add.f32 [tilespmem:s28], [sflag:$0x1], $0x80, s11, s31, $0xb8;
	[tilespmem:$0x18C00] =	vst v63  }
0xc7: {  	_ = 	snop  }
0xc8: {  	[spmem:s1] =	stream.indirect.scatter.add.f32 [tilespmem:s28], [sflag:$0x1], $0x80, s12, s31, $0xb8;
	[tilespmem:$0x18C00] =	vst v63  }
0xc9: {  	_ = 	snop  }
0xca: {  	[spmem:s1] =	stream.indirect.scatter.add.f32 [tilespmem:s28], [sflag:$0x1], $0x80, s13, s31, $0xb8;
	[tilespmem:$0x18C00] =	vst v63  }
0xcb: {  	_ = 	snop  }
0xcc: {  	[spmem:s1] =	stream.indirect.scatter.add.f32 [tilespmem:s28], [sflag:$0x1], $0x80, s14, s31, $0xb8;
	[tilespmem:$0x18C00] =	vst v63  }
0xcd: {  	_ = 	snop  }
0xce: {  	[spmem:s1] =	stream.indirect.scatter.add.f32 [tilespmem:s28], [sflag:$0x1], $0x80, s15, s31, $0xb8;
	[tilespmem:$0x18C00] =	vst v63  }
0xcf: {  	_ =	swait.ge [sflag:s30], $0x2000  }
0xd0: {  	[sflag:s30] =	ssyncset.done $0x0  }
0xd1: {  	[sflag:s30] =	ssyncadd.s32 $0xFFFFE000  }
0xd2: {  	_ =	swait.ge [sflag:s30], $0x2000  }
0xd3: {  	[sflag:s30] =	ssyncset.done $0x0  }
0xd4: {  	[sflag:s30] =	ssyncadd.s32 $0xFFFFE000  }
0xd5: {  	_ =	swait.ge [sflag:s30], $0x2000  }
0xd6: {  	[sflag:s30] =	ssyncset.done $0x0  }
0xd7: {  	[sflag:s30] =	ssyncadd.s32 $0xFFFFE000  }
0xd8: {  	_ =	swait.ge [sflag:s30], $0x2000  }
0xd9: {  	[sflag:s30] =	ssyncset.done $0x0  }
0xda: {  	[sflag:s30] =	ssyncadd.s32 $0xFFFFE000  }
0xdb: {  	_ =	swait.ge [sflag:s30], $0x2000  }
0xdc: {  	[sflag:s30] =	ssyncset.done $0x0  }
0xdd: {  	[sflag:s30] =	ssyncadd.s32 $0xFFFFE000  }
0xde: {  	_ =	swait.ge [sflag:s30], $0x2000  }
0xdf: {  	[sflag:s30] =	ssyncset.done $0x0  }
0xe0: {  	[sflag:s30] =	ssyncadd.s32 $0xFFFFE000  }
0xe1: {  	_ =	swait.ge [sflag:s30], $0x2000  }
0xe2: {  	[sflag:s30] =	ssyncset.done $0x0  }
0xe3: {  	[sflag:s30] =	ssyncadd.s32 $0xFFFFE000  }
0xe4: {  	_ =	swait.ge [sflag:s30], $0x2000  }
0xe5: {  	[sflag:s30] =	ssyncset.done $0x0  }
0xe6: {  	[sflag:s30] =	ssyncadd.s32 $0xFFFFE000  }
0xe7: {  	[spmem:s1] =	stream.indirect.scatter.add.f32 [tilespmem:s28], [sflag:$0x1], $0x80, s26, s31, $0xb8;
	[tilespmem:$0x18C00] =	vst v63  }
0xe8: {  	_ = 	snop  }
0xe9: {  	[spmem:s1] =	stream.indirect.scatter.add.f32 [tilespmem:s28], [sflag:$0x1], $0x80, s16, s31, $0xb8;
	[tilespmem:$0x18C00] =	vst v63  }
0xea: {  	_ = 	snop  }
0xeb: {  	[spmem:s1] =	stream.indirect.scatter.add.f32 [tilespmem:s28], [sflag:$0x1], $0x80, s17, s31, $0xb8;
	[tilespmem:$0x18C00] =	vst v63  }
0xec: {  	_ = 	snop  }
0xed: {  	[spmem:s1] =	stream.indirect.scatter.add.f32 [tilespmem:s28], [sflag:$0x1], $0x80, s18, s31, $0xb8;
	[tilespmem:$0x18C00] =	vst v63  }
0xee: {  	_ = 	snop  }
0xef: {  	[spmem:s1] =	stream.indirect.scatter.add.f32 [tilespmem:s28], [sflag:$0x1], $0x80, s19, s31, $0xb8;
	[tilespmem:$0x18C00] =	vst v63  }
0xf0: {  	_ = 	snop  }
0xf1: {  	[spmem:s1] =	stream.indirect.scatter.add.f32 [tilespmem:s28], [sflag:$0x1], $0x80, s20, s31, $0xb8;
	[tilespmem:$0x18C00] =	vst v63  }
0xf2: {  	_ = 	snop  }
0xf3: {  	[spmem:s1] =	stream.indirect.scatter.add.f32 [tilespmem:s28], [sflag:$0x1], $0x80, s21, s31, $0xb8;
	[tilespmem:$0x18C00] =	vst v63  }
0xf4: {  	_ = 	snop  }
0xf5: {  	[spmem:s1] =	stream.indirect.scatter.add.f32 [tilespmem:s28], [sflag:$0x1], $0x80, s22, s31, $0xb8;
	[tilespmem:$0x18C00] =	vst v63  }
0xf6: {  	_ =	swait.ge [sflag:s30], $0x2000  }
0xf7: {  	[sflag:s30] =	ssyncset.done $0x0  }
0xf8: {  	[sflag:s30] =	ssyncadd.s32 $0xFFFFE000  }
0xf9: {  	_ =	swait.ge [sflag:s30], $0x2000  }
0xfa: {  	[sflag:s30] =	ssyncset.done $0x0  }
0xfb: {  	[sflag:s30] =	ssyncadd.s32 $0xFFFFE000  }
0xfc: {  	_ =	swait.ge [sflag:s30], $0x2000  }
0xfd: {  	[sflag:s30] =	ssyncset.done $0x0  }
0xfe: {  	[sflag:s30] =	ssyncadd.s32 $0xFFFFE000  }
0xff: {  	_ =	swait.ge [sflag:s30], $0x2000  }
0x100: {  	[sflag:s30] =	ssyncset.done $0x0  }
0x101: {  	[sflag:s30] =	ssyncadd.s32 $0xFFFFE000  }
0x102: {  	_ =	swait.ge [sflag:s30], $0x2000  }
0x103: {  	[sflag:s30] =	ssyncset.done $0x0  }
0x104: {  	[sflag:s30] =	ssyncadd.s32 $0xFFFFE000  }
0x105: {  	_ =	swait.ge [sflag:s30], $0x2000  }
0x106: {  	[sflag:s30] =	ssyncset.done $0x0  }
0x107: {  	[sflag:s30] =	ssyncadd.s32 $0xFFFFE000  }
0x108: {  	_ =	swait.ge [sflag:s30], $0x2000  }
0x109: {  	[sflag:s30] =	ssyncset.done $0x0  }
0x10a: {  	[sflag:s30] =	ssyncadd.s32 $0xFFFFE000  }
0x10b: {  	s23 =	simm.s32 $0x200;
	_ =	swait.ge [sflag:s30], $0x2000  }
0x10c: {  	s25 =	simm.s32 $0x400;
	s24 =	rddreg [dreg:$0x4];
	[sflag:s30] =	ssyncset.done $0x0  }
.LBB2_2:
0x10d: {  	[sflag:s30] =	ssyncadd.s32 $0xFFFFE000;
	s24 =	sadd.s32 s23, s24  }
0x10e: {  	[tilespmem:s3], [sflag:$0x3] =	stream.linear.gather [hbm4b:s24+s3], $0x1000, $0x38;
	[tilespmem:$0x18C00] =	vst v63  }
0x10f: {  	_ =	swait.ge [sflag:s29], $0x1000  }
0x110: {  	[sflag:s29] =	ssyncset.done $0x0  }
0x111: {  	s0 =	smov.u32 s25;
	[sflag:s29] =	ssyncadd.s32 $0xFFFFF000  }
0x112: {  	[spmem:s1] =	stream.indirect.scatter.add.f32 [tilespmem:s28], [sflag:$0x1], $0x80, s3, s31, $0xb8;
	[tilespmem:$0x18C00] =	vst v63  }
0x113: {  	s23 =	smov.u32 s0;
	s0 =	rddreg [dreg:$0x5]  }
0x114: {  	[spmem:s1] =	stream.indirect.scatter.add.f32 [tilespmem:s28], [sflag:$0x1], $0x80, s0, s31, $0xb8;
	[tilespmem:$0x18C00] =	vst v63  }
0x115: {  	s24 =	rddreg [dreg:$0x6]  }
0x116: {  	[spmem:s1] =	stream.indirect.scatter.add.f32 [tilespmem:s28], [sflag:$0x1], $0x80, s24, s31, $0xb8;
	[tilespmem:$0x18C00] =	vst v63  }
0x117: {  	s0 =	rddreg [dreg:$0x7]  }
0x118: {  	[spmem:s1] =	stream.indirect.scatter.add.f32 [tilespmem:s28], [sflag:$0x1], $0x80, s0, s31, $0xb8;
	[tilespmem:$0x18C00] =	vst v63  }
0x119: {  	s24 =	rddreg [dreg:$0x8]  }
0x11a: {  	[spmem:s1] =	stream.indirect.scatter.add.f32 [tilespmem:s28], [sflag:$0x1], $0x80, s24, s31, $0xb8;
	[tilespmem:$0x18C00] =	vst v63  }
0x11b: {  	s0 =	rddreg [dreg:$0x9]  }
0x11c: {  	[spmem:s1] =	stream.indirect.scatter.add.f32 [tilespmem:s28], [sflag:$0x1], $0x80, s0, s31, $0xb8;
	[tilespmem:$0x18C00] =	vst v63  }
0x11d: {  	s24 =	rddreg [dreg:$0xa]  }
0x11e: {  	[spmem:s1] =	stream.indirect.scatter.add.f32 [tilespmem:s28], [sflag:$0x1], $0x80, s24, s31, $0xb8;
	[tilespmem:$0x18C00] =	vst v63  }
0x11f: {  	s0 =	rddreg [dreg:$0xb]  }
0x120: {  	[spmem:s1] =	stream.indirect.scatter.add.f32 [tilespmem:s28], [sflag:$0x1], $0x80, s0, s31, $0xb8;
	[tilespmem:$0x18C00] =	vst v63  }
0x121: {  	_ =	swait.ge [sflag:s30], $0x2000  }
0x122: {  	[sflag:s30] =	ssyncset.done $0x0  }
0x123: {  	[sflag:s30] =	ssyncadd.s32 $0xFFFFE000  }
0x124: {  	_ =	swait.ge [sflag:s30], $0x2000  }
0x125: {  	[sflag:s30] =	ssyncset.done $0x0  }
0x126: {  	[sflag:s30] =	ssyncadd.s32 $0xFFFFE000  }
0x127: {  	_ =	swait.ge [sflag:s30], $0x2000  }
0x128: {  	[sflag:s30] =	ssyncset.done $0x0  }
0x129: {  	[sflag:s30] =	ssyncadd.s32 $0xFFFFE000  }
0x12a: {  	_ =	swait.ge [sflag:s30], $0x2000  }
0x12b: {  	[sflag:s30] =	ssyncset.done $0x0  }
0x12c: {  	[sflag:s30] =	ssyncadd.s32 $0xFFFFE000  }
0x12d: {  	_ =	swait.ge [sflag:s30], $0x2000  }
0x12e: {  	[sflag:s30] =	ssyncset.done $0x0  }
0x12f: {  	[sflag:s30] =	ssyncadd.s32 $0xFFFFE000  }
0x130: {  	_ =	swait.ge [sflag:s30], $0x2000  }
0x131: {  	[sflag:s30] =	ssyncset.done $0x0  }
0x132: {  	[sflag:s30] =	ssyncadd.s32 $0xFFFFE000  }
0x133: {  	_ =	swait.ge [sflag:s30], $0x2000  }
0x134: {  	[sflag:s30] =	ssyncset.done $0x0  }
0x135: {  	[sflag:s30] =	ssyncadd.s32 $0xFFFFE000  }
0x136: {  	_ =	swait.ge [sflag:s30], $0x2000  }
0x137: {  	[sflag:s30] =	ssyncset.done $0x0  }
0x138: {  	s0 =	rddreg [dreg:$0xc];
	[sflag:s30] =	ssyncadd.s32 $0xFFFFE000  }
0x139: {  	[spmem:s1] =	stream.indirect.scatter.add.f32 [tilespmem:s28], [sflag:$0x1], $0x80, s0, s31, $0xb8;
	[tilespmem:$0x18C00] =	vst v63  }
0x13a: {  	s24 =	rddreg [dreg:$0xd]  }
0x13b: {  	[spmem:s1] =	stream.indirect.scatter.add.f32 [tilespmem:s28], [sflag:$0x1], $0x80, s24, s31, $0xb8;
	[tilespmem:$0x18C00] =	vst v63  }
0x13c: {  	s24 =	simm.s32 $0x500  }
0x13d: {  	[spmem:s1] =	stream.indirect.scatter.add.f32 [tilespmem:s28], [sflag:$0x1], $0x80, s24, s31, $0xb8;
	[tilespmem:$0x18C00] =	vst v63  }
0x13e: {  	_ = 	snop  }
0x13f: {  	[spmem:s1] =	stream.indirect.scatter.add.f32 [tilespmem:s28], [sflag:$0x1], $0x80, s2, s31, $0xb8;
	[tilespmem:$0x18C00] =	vst v63  }
0x140: {  	_ = 	snop  }
0x141: {  	[spmem:s1] =	stream.indirect.scatter.add.f32 [tilespmem:s28], [sflag:$0x1], $0x80, s4, s31, $0xb8;
	[tilespmem:$0x18C00] =	vst v63  }
0x142: {  	_ = 	snop  }
0x143: {  	[spmem:s1] =	stream.indirect.scatter.add.f32 [tilespmem:s28], [sflag:$0x1], $0x80, s5, s31, $0xb8;
	[tilespmem:$0x18C00] =	vst v63  }
0x144: {  	_ = 	snop  }
0x145: {  	[spmem:s1] =	stream.indirect.scatter.add.f32 [tilespmem:s28], [sflag:$0x1], $0x80, s6, s31, $0xb8;
	[tilespmem:$0x18C00] =	vst v63  }
0x146: {  	_ = 	snop  }
0x147: {  	[spmem:s1] =	stream.indirect.scatter.add.f32 [tilespmem:s28], [sflag:$0x1], $0x80, s7, s31, $0xb8;
	[tilespmem:$0x18C00] =	vst v63  }
0x148: {  	_ =	swait.ge [sflag:s30], $0x2000  }
0x149: {  	[sflag:s30] =	ssyncset.done $0x0  }
0x14a: {  	[sflag:s30] =	ssyncadd.s32 $0xFFFFE000  }
0x14b: {  	_ =	swait.ge [sflag:s30], $0x2000  }
0x14c: {  	[sflag:s30] =	ssyncset.done $0x0  }
0x14d: {  	[sflag:s30] =	ssyncadd.s32 $0xFFFFE000  }
0x14e: {  	_ =	swait.ge [sflag:s30], $0x2000  }
0x14f: {  	[sflag:s30] =	ssyncset.done $0x0  }
0x150: {  	[sflag:s30] =	ssyncadd.s32 $0xFFFFE000  }
0x151: {  	_ =	swait.ge [sflag:s30], $0x2000  }
0x152: {  	[sflag:s30] =	ssyncset.done $0x0  }
0x153: {  	[sflag:s30] =	ssyncadd.s32 $0xFFFFE000  }
0x154: {  	_ =	swait.ge [sflag:s30], $0x2000  }
0x155: {  	[sflag:s30] =	ssyncset.done $0x0  }
0x156: {  	[sflag:s30] =	ssyncadd.s32 $0xFFFFE000  }
0x157: {  	_ =	swait.ge [sflag:s30], $0x2000  }
0x158: {  	[sflag:s30] =	ssyncset.done $0x0  }
0x159: {  	[sflag:s30] =	ssyncadd.s32 $0xFFFFE000  }
0x15a: {  	_ =	swait.ge [sflag:s30], $0x2000  }
0x15b: {  	[sflag:s30] =	ssyncset.done $0x0  }
0x15c: {  	[sflag:s30] =	ssyncadd.s32 $0xFFFFE000  }
0x15d: {  	_ =	swait.ge [sflag:s30], $0x2000  }
0x15e: {  	[sflag:s30] =	ssyncset.done $0x0  }
0x15f: {  	[sflag:s30] =	ssyncadd.s32 $0xFFFFE000  }
0x160: {  	[spmem:s1] =	stream.indirect.scatter.add.f32 [tilespmem:s28], [sflag:$0x1], $0x80, s8, s31, $0xb8;
	[tilespmem:$0x18C00] =	vst v63  }
0x161: {  	_ = 	snop  }
0x162: {  	[spmem:s1] =	stream.indirect.scatter.add.f32 [tilespmem:s28], [sflag:$0x1], $0x80, s9, s31, $0xb8;
	[tilespmem:$0x18C00] =	vst v63  }
0x163: {  	_ = 	snop  }
0x164: {  	[spmem:s1] =	stream.indirect.scatter.add.f32 [tilespmem:s28], [sflag:$0x1], $0x80, s10, s31, $0xb8;
	[tilespmem:$0x18C00] =	vst v63  }
0x165: {  	_ = 	snop  }
0x166: {  	[spmem:s1] =	stream.indirect.scatter.add.f32 [tilespmem:s28], [sflag:$0x1], $0x80, s11, s31, $0xb8;
	[tilespmem:$0x18C00] =	vst v63  }
0x167: {  	_ = 	snop  }
0x168: {  	[spmem:s1] =	stream.indirect.scatter.add.f32 [tilespmem:s28], [sflag:$0x1], $0x80, s12, s31, $0xb8;
	[tilespmem:$0x18C00] =	vst v63  }
0x169: {  	_ = 	snop  }
0x16a: {  	[spmem:s1] =	stream.indirect.scatter.add.f32 [tilespmem:s28], [sflag:$0x1], $0x80, s13, s31, $0xb8;
	[tilespmem:$0x18C00] =	vst v63  }
0x16b: {  	_ = 	snop  }
0x16c: {  	[spmem:s1] =	stream.indirect.scatter.add.f32 [tilespmem:s28], [sflag:$0x1], $0x80, s14, s31, $0xb8;
	[tilespmem:$0x18C00] =	vst v63  }
0x16d: {  	_ = 	snop  }
0x16e: {  	[spmem:s1] =	stream.indirect.scatter.add.f32 [tilespmem:s28], [sflag:$0x1], $0x80, s15, s31, $0xb8;
	[tilespmem:$0x18C00] =	vst v63  }
0x16f: {  	_ =	swait.ge [sflag:s30], $0x2000  }
0x170: {  	[sflag:s30] =	ssyncset.done $0x0  }
0x171: {  	[sflag:s30] =	ssyncadd.s32 $0xFFFFE000  }
0x172: {  	_ =	swait.ge [sflag:s30], $0x2000  }
0x173: {  	[sflag:s30] =	ssyncset.done $0x0  }
0x174: {  	[sflag:s30] =	ssyncadd.s32 $0xFFFFE000  }
0x175: {  	_ =	swait.ge [sflag:s30], $0x2000  }
0x176: {  	[sflag:s30] =	ssyncset.done $0x0  }
0x177: {  	[sflag:s30] =	ssyncadd.s32 $0xFFFFE000  }
0x178: {  	_ =	swait.ge [sflag:s30], $0x2000  }
0x179: {  	[sflag:s30] =	ssyncset.done $0x0  }
0x17a: {  	[sflag:s30] =	ssyncadd.s32 $0xFFFFE000  }
0x17b: {  	_ =	swait.ge [sflag:s30], $0x2000  }
0x17c: {  	[sflag:s30] =	ssyncset.done $0x0  }
0x17d: {  	[sflag:s30] =	ssyncadd.s32 $0xFFFFE000  }
0x17e: {  	_ =	swait.ge [sflag:s30], $0x2000  }
0x17f: {  	[sflag:s30] =	ssyncset.done $0x0  }
0x180: {  	[sflag:s30] =	ssyncadd.s32 $0xFFFFE000  }
0x181: {  	_ =	swait.ge [sflag:s30], $0x2000  }
0x182: {  	[sflag:s30] =	ssyncset.done $0x0  }
0x183: {  	[sflag:s30] =	ssyncadd.s32 $0xFFFFE000  }
0x184: {  	_ =	swait.ge [sflag:s30], $0x2000  }
0x185: {  	[sflag:s30] =	ssyncset.done $0x0  }
0x186: {  	[sflag:s30] =	ssyncadd.s32 $0xFFFFE000  }
0x187: {  	[spmem:s1] =	stream.indirect.scatter.add.f32 [tilespmem:s28], [sflag:$0x1], $0x80, s26, s31, $0xb8;
	[tilespmem:$0x18C00] =	vst v63  }
0x188: {  	_ = 	snop  }
0x189: {  	[spmem:s1] =	stream.indirect.scatter.add.f32 [tilespmem:s28], [sflag:$0x1], $0x80, s16, s31, $0xb8;
	[tilespmem:$0x18C00] =	vst v63  }
0x18a: {  	_ = 	snop  }
0x18b: {  	[spmem:s1] =	stream.indirect.scatter.add.f32 [tilespmem:s28], [sflag:$0x1], $0x80, s17, s31, $0xb8;
	[tilespmem:$0x18C00] =	vst v63  }
0x18c: {  	_ = 	snop  }
0x18d: {  	[spmem:s1] =	stream.indirect.scatter.add.f32 [tilespmem:s28], [sflag:$0x1], $0x80, s18, s31, $0xb8;
	[tilespmem:$0x18C00] =	vst v63  }
0x18e: {  	_ = 	snop  }
0x18f: {  	[spmem:s1] =	stream.indirect.scatter.add.f32 [tilespmem:s28], [sflag:$0x1], $0x80, s19, s31, $0xb8;
	[tilespmem:$0x18C00] =	vst v63  }
0x190: {  	_ = 	snop  }
0x191: {  	[spmem:s1] =	stream.indirect.scatter.add.f32 [tilespmem:s28], [sflag:$0x1], $0x80, s20, s31, $0xb8;
	[tilespmem:$0x18C00] =	vst v63  }
0x192: {  	_ = 	snop  }
0x193: {  	[spmem:s1] =	stream.indirect.scatter.add.f32 [tilespmem:s28], [sflag:$0x1], $0x80, s21, s31, $0xb8;
	[tilespmem:$0x18C00] =	vst v63  }
0x194: {  	_ = 	snop  }
0x195: {  	[spmem:s1] =	stream.indirect.scatter.add.f32 [tilespmem:s28], [sflag:$0x1], $0x80, s22, s31, $0xb8;
	[tilespmem:$0x18C00] =	vst v63  }
0x196: {  	_ =	swait.ge [sflag:s30], $0x2000  }
0x197: {  	[sflag:s30] =	ssyncset.done $0x0  }
0x198: {  	[sflag:s30] =	ssyncadd.s32 $0xFFFFE000  }
0x199: {  	_ =	swait.ge [sflag:s30], $0x2000  }
0x19a: {  	[sflag:s30] =	ssyncset.done $0x0  }
0x19b: {  	[sflag:s30] =	ssyncadd.s32 $0xFFFFE000  }
0x19c: {  	_ =	swait.ge [sflag:s30], $0x2000  }
0x19d: {  	[sflag:s30] =	ssyncset.done $0x0  }
0x19e: {  	[sflag:s30] =	ssyncadd.s32 $0xFFFFE000  }
0x19f: {  	_ =	swait.ge [sflag:s30], $0x2000  }
0x1a0: {  	[sflag:s30] =	ssyncset.done $0x0  }
0x1a1: {  	[sflag:s30] =	ssyncadd.s32 $0xFFFFE000  }
0x1a2: {  	_ =	swait.ge [sflag:s30], $0x2000  }
0x1a3: {  	[sflag:s30] =	ssyncset.done $0x0  }
0x1a4: {  	[sflag:s30] =	ssyncadd.s32 $0xFFFFE000  }
0x1a5: {  	_ =	swait.ge [sflag:s30], $0x2000  }
0x1a6: {  	[sflag:s30] =	ssyncset.done $0x0  }
0x1a7: {  	p0 =	sne.s32 s25, $0x800;
	[sflag:s30] =	ssyncadd.s32 $0xFFFFE000  }
.Ltmp0:
0x1a8: {  	_ =	swait.ge [sflag:s30], $0x2000;
	(pc) =	sbr.rel @p0 .LBB2_2-.Ltmp0, $4  }
0x1a9: {  	[sflag:s30] =	ssyncset.done $0x0  }
0x1aa: {  	[sflag:s30] =	ssyncadd.s32 $0xFFFFE000  }
0x1ab: {  	_ =	swait.ge [sflag:s30], $0x2000  }
0x1ac: {  	s25 =	sadd.s32 $0x200, s25;
	s24 =	rddreg [dreg:$0x4];
	[sflag:s30] =	ssyncset.done $0x0  }
0x1ad: {  	[sflag:s30] =	ssyncadd.s32 $0xFFFFE000;
	s0 =	sadd.s32 s23, s24  }
0x1ae: {  	[tilespmem:s3], [sflag:$0x3] =	stream.linear.gather [hbm4b:s0+s3], $0x1000, $0x38;
	[tilespmem:$0x18C00] =	vst v63  }
0x1af: {  	_ =	swait.ge [sflag:s29], $0x1000  }
0x1b0: {  	[sflag:s29] =	ssyncset.done $0x0  }
0x1b1: {  	[sflag:s29] =	ssyncadd.s32 $0xFFFFF000  }
0x1b2: {  	[spmem:s1] =	stream.indirect.scatter.add.f32 [tilespmem:s28], [sflag:$0x1], $0x80, s3, s31, $0xb8;
	[tilespmem:$0x18C00] =	vst v63  }
0x1b3: {  	s23 =	rddreg [dreg:$0x5]  }
0x1b4: {  	[spmem:s1] =	stream.indirect.scatter.add.f32 [tilespmem:s28], [sflag:$0x1], $0x80, s23, s31, $0xb8;
	[tilespmem:$0x18C00] =	vst v63  }
0x1b5: {  	s24 =	rddreg [dreg:$0x6]  }
0x1b6: {  	[spmem:s1] =	stream.indirect.scatter.add.f32 [tilespmem:s28], [sflag:$0x1], $0x80, s24, s31, $0xb8;
	[tilespmem:$0x18C00] =	vst v63  }
0x1b7: {  	s25 =	rddreg [dreg:$0x7]  }
0x1b8: {  	[spmem:s1] =	stream.indirect.scatter.add.f32 [tilespmem:s28], [sflag:$0x1], $0x80, s25, s31, $0xb8;
	[tilespmem:$0x18C00] =	vst v63  }
0x1b9: {  	s24 =	rddreg [dreg:$0x8]  }
0x1ba: {  	[spmem:s1] =	stream.indirect.scatter.add.f32 [tilespmem:s28], [sflag:$0x1], $0x80, s24, s31, $0xb8;
	[tilespmem:$0x18C00] =	vst v63  }
0x1bb: {  	s25 =	rddreg [dreg:$0x9]  }
0x1bc: {  	[spmem:s1] =	stream.indirect.scatter.add.f32 [tilespmem:s28], [sflag:$0x1], $0x80, s25, s31, $0xb8;
	[tilespmem:$0x18C00] =	vst v63  }
0x1bd: {  	s24 =	rddreg [dreg:$0xa]  }
0x1be: {  	[spmem:s1] =	stream.indirect.scatter.add.f32 [tilespmem:s28], [sflag:$0x1], $0x80, s24, s31, $0xb8;
	[tilespmem:$0x18C00] =	vst v63  }
0x1bf: {  	s25 =	rddreg [dreg:$0xb]  }
0x1c0: {  	[spmem:s1] =	stream.indirect.scatter.add.f32 [tilespmem:s28], [sflag:$0x1], $0x80, s25, s31, $0xb8;
	[tilespmem:$0x18C00] =	vst v63  }
0x1c1: {  	_ =	swait.ge [sflag:s30], $0x2000  }
0x1c2: {  	[sflag:s30] =	ssyncset.done $0x0  }
0x1c3: {  	[sflag:s30] =	ssyncadd.s32 $0xFFFFE000  }
0x1c4: {  	_ =	swait.ge [sflag:s30], $0x2000  }
0x1c5: {  	[sflag:s30] =	ssyncset.done $0x0  }
0x1c6: {  	[sflag:s30] =	ssyncadd.s32 $0xFFFFE000  }
0x1c7: {  	_ =	swait.ge [sflag:s30], $0x2000  }
0x1c8: {  	[sflag:s30] =	ssyncset.done $0x0  }
0x1c9: {  	[sflag:s30] =	ssyncadd.s32 $0xFFFFE000  }
0x1ca: {  	_ =	swait.ge [sflag:s30], $0x2000  }
0x1cb: {  	[sflag:s30] =	ssyncset.done $0x0  }
0x1cc: {  	[sflag:s30] =	ssyncadd.s32 $0xFFFFE000  }
0x1cd: {  	_ =	swait.ge [sflag:s30], $0x2000  }
0x1ce: {  	[sflag:s30] =	ssyncset.done $0x0  }
0x1cf: {  	[sflag:s30] =	ssyncadd.s32 $0xFFFFE000  }
0x1d0: {  	_ =	swait.ge [sflag:s30], $0x2000  }
0x1d1: {  	[sflag:s30] =	ssyncset.done $0x0  }
0x1d2: {  	[sflag:s30] =	ssyncadd.s32 $0xFFFFE000  }
0x1d3: {  	_ =	swait.ge [sflag:s30], $0x2000  }
0x1d4: {  	[sflag:s30] =	ssyncset.done $0x0  }
0x1d5: {  	[sflag:s30] =	ssyncadd.s32 $0xFFFFE000  }
0x1d6: {  	_ =	swait.ge [sflag:s30], $0x2000  }
0x1d7: {  	[sflag:s30] =	ssyncset.done $0x0  }
0x1d8: {  	s24 =	rddreg [dreg:$0xc];
	[sflag:s30] =	ssyncadd.s32 $0xFFFFE000  }
0x1d9: {  	[spmem:s1] =	stream.indirect.scatter.add.f32 [tilespmem:s28], [sflag:$0x1], $0x80, s24, s31, $0xb8;
	[tilespmem:$0x18C00] =	vst v63  }
0x1da: {  	s25 =	rddreg [dreg:$0xd]  }
0x1db: {  	[spmem:s1] =	stream.indirect.scatter.add.f32 [tilespmem:s28], [sflag:$0x1], $0x80, s25, s31, $0xb8;
	[tilespmem:$0x18C00] =	vst v63  }
0x1dc: {  	s23 =	simm.s32 $0x500  }
0x1dd: {  	[spmem:s1] =	stream.indirect.scatter.add.f32 [tilespmem:s28], [sflag:$0x1], $0x80, s23, s31, $0xb8;
	[tilespmem:$0x18C00] =	vst v63  }
0x1de: {  	_ = 	snop  }
0x1df: {  	[spmem:s1] =	stream.indirect.scatter.add.f32 [tilespmem:s28], [sflag:$0x1], $0x80, s2, s31, $0xb8;
	[tilespmem:$0x18C00] =	vst v63  }
0x1e0: {  	_ = 	snop  }
0x1e1: {  	[spmem:s1] =	stream.indirect.scatter.add.f32 [tilespmem:s28], [sflag:$0x1], $0x80, s4, s31, $0xb8;
	[tilespmem:$0x18C00] =	vst v63  }
0x1e2: {  	_ = 	snop  }
0x1e3: {  	[spmem:s1] =	stream.indirect.scatter.add.f32 [tilespmem:s28], [sflag:$0x1], $0x80, s5, s31, $0xb8;
	[tilespmem:$0x18C00] =	vst v63  }
0x1e4: {  	_ = 	snop  }
0x1e5: {  	[spmem:s1] =	stream.indirect.scatter.add.f32 [tilespmem:s28], [sflag:$0x1], $0x80, s6, s31, $0xb8;
	[tilespmem:$0x18C00] =	vst v63  }
0x1e6: {  	_ = 	snop  }
0x1e7: {  	[spmem:s1] =	stream.indirect.scatter.add.f32 [tilespmem:s28], [sflag:$0x1], $0x80, s7, s31, $0xb8;
	[tilespmem:$0x18C00] =	vst v63  }
0x1e8: {  	_ =	swait.ge [sflag:s30], $0x2000  }
0x1e9: {  	[sflag:s30] =	ssyncset.done $0x0  }
0x1ea: {  	[sflag:s30] =	ssyncadd.s32 $0xFFFFE000  }
0x1eb: {  	_ =	swait.ge [sflag:s30], $0x2000  }
0x1ec: {  	[sflag:s30] =	ssyncset.done $0x0  }
0x1ed: {  	[sflag:s30] =	ssyncadd.s32 $0xFFFFE000  }
0x1ee: {  	_ =	swait.ge [sflag:s30], $0x2000  }
0x1ef: {  	[sflag:s30] =	ssyncset.done $0x0  }
0x1f0: {  	[sflag:s30] =	ssyncadd.s32 $0xFFFFE000  }
0x1f1: {  	_ =	swait.ge [sflag:s30], $0x2000  }
0x1f2: {  	[sflag:s30] =	ssyncset.done $0x0  }
0x1f3: {  	[sflag:s30] =	ssyncadd.s32 $0xFFFFE000  }
0x1f4: {  	_ =	swait.ge [sflag:s30], $0x2000  }
0x1f5: {  	[sflag:s30] =	ssyncset.done $0x0  }
0x1f6: {  	[sflag:s30] =	ssyncadd.s32 $0xFFFFE000  }
0x1f7: {  	_ =	swait.ge [sflag:s30], $0x2000  }
0x1f8: {  	[sflag:s30] =	ssyncset.done $0x0  }
0x1f9: {  	[sflag:s30] =	ssyncadd.s32 $0xFFFFE000  }
0x1fa: {  	_ =	swait.ge [sflag:s30], $0x2000  }
0x1fb: {  	[sflag:s30] =	ssyncset.done $0x0  }
0x1fc: {  	[sflag:s30] =	ssyncadd.s32 $0xFFFFE000  }
0x1fd: {  	_ =	swait.ge [sflag:s30], $0x2000  }
0x1fe: {  	[sflag:s30] =	ssyncset.done $0x0  }
0x1ff: {  	[sflag:s30] =	ssyncadd.s32 $0xFFFFE000  }
0x200: {  	[spmem:s1] =	stream.indirect.scatter.add.f32 [tilespmem:s28], [sflag:$0x1], $0x80, s8, s31, $0xb8;
	[tilespmem:$0x18C00] =	vst v63  }
0x201: {  	_ = 	snop  }
0x202: {  	[spmem:s1] =	stream.indirect.scatter.add.f32 [tilespmem:s28], [sflag:$0x1], $0x80, s9, s31, $0xb8;
	[tilespmem:$0x18C00] =	vst v63  }
0x203: {  	_ = 	snop  }
0x204: {  	[spmem:s1] =	stream.indirect.scatter.add.f32 [tilespmem:s28], [sflag:$0x1], $0x80, s10, s31, $0xb8;
	[tilespmem:$0x18C00] =	vst v63  }
0x205: {  	_ = 	snop  }
0x206: {  	[spmem:s1] =	stream.indirect.scatter.add.f32 [tilespmem:s28], [sflag:$0x1], $0x80, s11, s31, $0xb8;
	[tilespmem:$0x18C00] =	vst v63  }
0x207: {  	_ = 	snop  }
0x208: {  	[spmem:s1] =	stream.indirect.scatter.add.f32 [tilespmem:s28], [sflag:$0x1], $0x80, s12, s31, $0xb8;
	[tilespmem:$0x18C00] =	vst v63  }
0x209: {  	_ = 	snop  }
0x20a: {  	[spmem:s1] =	stream.indirect.scatter.add.f32 [tilespmem:s28], [sflag:$0x1], $0x80, s13, s31, $0xb8;
	[tilespmem:$0x18C00] =	vst v63  }
0x20b: {  	_ = 	snop  }
0x20c: {  	[spmem:s1] =	stream.indirect.scatter.add.f32 [tilespmem:s28], [sflag:$0x1], $0x80, s14, s31, $0xb8;
	[tilespmem:$0x18C00] =	vst v63  }
0x20d: {  	_ = 	snop  }
0x20e: {  	[spmem:s1] =	stream.indirect.scatter.add.f32 [tilespmem:s28], [sflag:$0x1], $0x80, s15, s31, $0xb8;
	[tilespmem:$0x18C00] =	vst v63  }
0x20f: {  	_ =	swait.ge [sflag:s30], $0x2000  }
0x210: {  	[sflag:s30] =	ssyncset.done $0x0  }
0x211: {  	[sflag:s30] =	ssyncadd.s32 $0xFFFFE000  }
0x212: {  	_ =	swait.ge [sflag:s30], $0x2000  }
0x213: {  	[sflag:s30] =	ssyncset.done $0x0  }
0x214: {  	[sflag:s30] =	ssyncadd.s32 $0xFFFFE000  }
0x215: {  	_ =	swait.ge [sflag:s30], $0x2000  }
0x216: {  	[sflag:s30] =	ssyncset.done $0x0  }
0x217: {  	[sflag:s30] =	ssyncadd.s32 $0xFFFFE000  }
0x218: {  	_ =	swait.ge [sflag:s30], $0x2000  }
0x219: {  	[sflag:s30] =	ssyncset.done $0x0  }
0x21a: {  	[sflag:s30] =	ssyncadd.s32 $0xFFFFE000  }
0x21b: {  	_ =	swait.ge [sflag:s30], $0x2000  }
0x21c: {  	[sflag:s30] =	ssyncset.done $0x0  }
0x21d: {  	[sflag:s30] =	ssyncadd.s32 $0xFFFFE000  }
0x21e: {  	_ =	swait.ge [sflag:s30], $0x2000  }
0x21f: {  	[sflag:s30] =	ssyncset.done $0x0  }
0x220: {  	[sflag:s30] =	ssyncadd.s32 $0xFFFFE000  }
0x221: {  	_ =	swait.ge [sflag:s30], $0x2000  }
0x222: {  	[sflag:s30] =	ssyncset.done $0x0  }
0x223: {  	[sflag:s30] =	ssyncadd.s32 $0xFFFFE000  }
0x224: {  	_ =	swait.ge [sflag:s30], $0x2000  }
0x225: {  	[sflag:s30] =	ssyncset.done $0x0  }
0x226: {  	[sflag:s30] =	ssyncadd.s32 $0xFFFFE000  }
0x227: {  	[spmem:s1] =	stream.indirect.scatter.add.f32 [tilespmem:s28], [sflag:$0x1], $0x80, s26, s31, $0xb8;
	[tilespmem:$0x18C00] =	vst v63  }
0x228: {  	_ = 	snop  }
0x229: {  	[spmem:s1] =	stream.indirect.scatter.add.f32 [tilespmem:s28], [sflag:$0x1], $0x80, s16, s31, $0xb8;
	[tilespmem:$0x18C00] =	vst v63  }
0x22a: {  	_ = 	snop  }
0x22b: {  	[spmem:s1] =	stream.indirect.scatter.add.f32 [tilespmem:s28], [sflag:$0x1], $0x80, s17, s31, $0xb8;
	[tilespmem:$0x18C00] =	vst v63  }
0x22c: {  	_ = 	snop  }
0x22d: {  	[spmem:s1] =	stream.indirect.scatter.add.f32 [tilespmem:s28], [sflag:$0x1], $0x80, s18, s31, $0xb8;
	[tilespmem:$0x18C00] =	vst v63  }
0x22e: {  	_ = 	snop  }
0x22f: {  	[spmem:s1] =	stream.indirect.scatter.add.f32 [tilespmem:s28], [sflag:$0x1], $0x80, s19, s31, $0xb8;
	[tilespmem:$0x18C00] =	vst v63  }
0x230: {  	_ = 	snop  }
0x231: {  	[spmem:s1] =	stream.indirect.scatter.add.f32 [tilespmem:s28], [sflag:$0x1], $0x80, s20, s31, $0xb8;
	[tilespmem:$0x18C00] =	vst v63  }
0x232: {  	_ = 	snop  }
0x233: {  	[spmem:s1] =	stream.indirect.scatter.add.f32 [tilespmem:s28], [sflag:$0x1], $0x80, s21, s31, $0xb8;
	[tilespmem:$0x18C00] =	vst v63  }
0x234: {  	_ = 	snop  }
0x235: {  	[spmem:s1] =	stream.indirect.scatter.add.f32 [tilespmem:s28], [sflag:$0x1], $0x80, s22, s31, $0xb8;
	[tilespmem:$0x18C00] =	vst v63  }
0x236: {  	_ =	swait.ge [sflag:s30], $0x2000  }
0x237: {  	[sflag:s30] =	ssyncset.done $0x0  }
0x238: {  	[sflag:s30] =	ssyncadd.s32 $0xFFFFE000  }
0x239: {  	_ =	swait.ge [sflag:s30], $0x2000  }
0x23a: {  	[sflag:s30] =	ssyncset.done $0x0  }
0x23b: {  	[sflag:s30] =	ssyncadd.s32 $0xFFFFE000  }
0x23c: {  	_ =	swait.ge [sflag:s30], $0x2000  }
0x23d: {  	[sflag:s30] =	ssyncset.done $0x0  }
0x23e: {  	[sflag:s30] =	ssyncadd.s32 $0xFFFFE000  }
0x23f: {  	_ =	swait.ge [sflag:s30], $0x2000  }
0x240: {  	[sflag:s30] =	ssyncset.done $0x0  }
0x241: {  	[sflag:s30] =	ssyncadd.s32 $0xFFFFE000  }
0x242: {  	_ =	swait.ge [sflag:s30], $0x2000  }
0x243: {  	[sflag:s30] =	ssyncset.done $0x0  }
0x244: {  	[sflag:s30] =	ssyncadd.s32 $0xFFFFE000  }
0x245: {  	_ =	swait.ge [sflag:s30], $0x2000  }
0x246: {  	[sflag:s30] =	ssyncset.done $0x0  }
0x247: {  	[sflag:s30] =	ssyncadd.s32 $0xFFFFE000  }
0x248: {  	_ =	swait.ge [sflag:s30], $0x2000  }
0x249: {  	[sflag:s30] =	ssyncset.done $0x0  }
0x24a: {  	[sflag:s30] =	ssyncadd.s32 $0xFFFFE000  }
0x24b: {  	_ =	swait.ge [sflag:s30], $0x2000  }
0x24c: {  	[sflag:s30] =	ssyncset.done $0x0  }
0x24d: {  	[sflag:s30] =	ssyncadd.s32 $0xFFFFE000  }
0x24e: {  	[bflag:$0x0] =	sbarrier.arrive $0xFFFF  }
0x24f: {  	s24 =	rddreg [dreg:$0x1a]  }
0x250: {  	[tilespmem:s28], [sflag:$0x3] =	stream.linear.gather [spmem:s24], $0x2000, $0x38;
	[tilespmem:$0x18C00] =	vst v63  }
0x251: {  	_ =	swait.ge [sflag:s29], $0x2000  }
0x252: {  	[sflag:s29] =	ssyncset.done $0x0  }
0x253: {  	s25 =	rddreg [dreg:$0xe];
	[sflag:s29] =	ssyncadd.s32 $0xFFFFE000  }
0x254: {  	[hbm4b:s25+s3] =	stream.linear.scatter [tilespmem:s28], [sflag:$0x1], $0x2000, $0x38;
	[tilespmem:$0x18C00] =	vst v63  }
0x255: {  	s23 =	rddreg [dreg:$0x1b];
	s25 =	simm.s32 $0x3000  }
0x256: {  	[tilespmem:s25], [sflag:$0x3] =	stream.linear.gather [spmem:s23], $0x2000, $0x38;
	[tilespmem:$0x18C00] =	vst v63  }
0x257: {  	_ =	swait.ge [sflag:s29], $0x2000  }
0x258: {  	[sflag:s29] =	ssyncset.done $0x0  }
0x259: {  	s24 =	rddreg [dreg:$0xf];
	[sflag:s29] =	ssyncadd.s32 $0xFFFFE000  }
0x25a: {  	[hbm4b:s24+s3] =	stream.linear.scatter [tilespmem:s25], [sflag:$0x2], $0x2000, $0x38;
	[tilespmem:$0x18C00] =	vst v63  }
0x25b: {  	_ =	swait.ge [sflag:s30], $0x2000  }
0x25c: {  	[sflag:s30] =	ssyncset.done $0x0  }
0x25d: {  	s23 =	rddreg [dreg:$0x1c];
	[sflag:s30] =	ssyncadd.s32 $0xFFFFE000  }
0x25e: {  	[tilespmem:s28], [sflag:$0x3] =	stream.linear.gather [spmem:s23], $0x2000, $0x38;
	[tilespmem:$0x18C00] =	vst v63  }
0x25f: {  	_ =	swait.ge [sflag:s29], $0x2000  }
0x260: {  	[sflag:s29] =	ssyncset.done $0x0  }
0x261: {  	s24 =	rddreg [dreg:$0x10];
	[sflag:s29] =	ssyncadd.s32 $0xFFFFE000  }
0x262: {  	[hbm4b:s24+s3] =	stream.linear.scatter [tilespmem:s28], [sflag:$0x1], $0x2000, $0x38;
	[tilespmem:$0x18C00] =	vst v63  }
0x263: {  	s24 =	simm.s32 $0x2  }
0x264: {  	_ =	swait.ge [sflag:s24], $0x2000  }
0x265: {  	[sflag:s24] =	ssyncset.done $0x0  }
0x266: {  	s23 =	rddreg [dreg:$0x1d];
	[sflag:s24] =	ssyncadd.s32 $0xFFFFE000  }
0x267: {  	[tilespmem:s25], [sflag:$0x3] =	stream.linear.gather [spmem:s23], $0x2000, $0x38;
	[tilespmem:$0x18C00] =	vst v63  }
0x268: {  	_ =	swait.ge [sflag:s29], $0x2000  }
0x269: {  	[sflag:s29] =	ssyncset.done $0x0  }
0x26a: {  	s23 =	rddreg [dreg:$0x11];
	[sflag:s29] =	ssyncadd.s32 $0xFFFFE000  }
0x26b: {  	[hbm4b:s23+s3] =	stream.linear.scatter [tilespmem:s25], [sflag:$0x2], $0x2000, $0x38;
	[tilespmem:$0x18C00] =	vst v63  }
0x26c: {  	_ =	swait.ge [sflag:s30], $0x2000  }
0x26d: {  	[sflag:s30] =	ssyncset.done $0x0  }
0x26e: {  	s23 =	rddreg [dreg:$0x1e];
	[sflag:s30] =	ssyncadd.s32 $0xFFFFE000  }
0x26f: {  	[tilespmem:s28], [sflag:$0x3] =	stream.linear.gather [spmem:s23], $0x2000, $0x38;
	[tilespmem:$0x18C00] =	vst v63  }
0x270: {  	_ =	swait.ge [sflag:s29], $0x2000  }
0x271: {  	[sflag:s29] =	ssyncset.done $0x0  }
0x272: {  	s23 =	rddreg [dreg:$0x12];
	[sflag:s29] =	ssyncadd.s32 $0xFFFFE000  }
0x273: {  	[hbm4b:s23+s3] =	stream.linear.scatter [tilespmem:s28], [sflag:$0x1], $0x2000, $0x38;
	[tilespmem:$0x18C00] =	vst v63  }
0x274: {  	_ =	swait.ge [sflag:s24], $0x2000  }
0x275: {  	[sflag:s24] =	ssyncset.done $0x0  }
0x276: {  	s23 =	rddreg [dreg:$0x1f];
	[sflag:s24] =	ssyncadd.s32 $0xFFFFE000  }
0x277: {  	[tilespmem:s25], [sflag:$0x3] =	stream.linear.gather [spmem:s23], $0x2000, $0x38;
	[tilespmem:$0x18C00] =	vst v63  }
0x278: {  	_ =	swait.ge [sflag:s29], $0x2000  }
0x279: {  	[sflag:s29] =	ssyncset.done $0x0  }
0x27a: {  	s23 =	rddreg [dreg:$0x13];
	[sflag:s29] =	ssyncadd.s32 $0xFFFFE000  }
0x27b: {  	[hbm4b:s23+s3] =	stream.linear.scatter [tilespmem:s25], [sflag:$0x2], $0x2000, $0x38;
	[tilespmem:$0x18C00] =	vst v63  }
0x27c: {  	_ =	swait.ge [sflag:s30], $0x2000  }
0x27d: {  	s23 =	sld [smem:$0x7F8]  }
0x27e: {  	[sflag:s30] =	ssyncset.done $0x0  }
0x27f: {  	[sflag:s30] =	ssyncadd.s32 $0xFFFFE000  }
0x280: {  	[tilespmem:s28], [sflag:$0x3] =	stream.linear.gather [spmem:s23], $0x2000, $0x38;
	[tilespmem:$0x18C00] =	vst v63  }
0x281: {  	_ =	swait.ge [sflag:s29], $0x2000  }
0x282: {  	[sflag:s29] =	ssyncset.done $0x0  }
0x283: {  	s23 =	rddreg [dreg:$0x14];
	[sflag:s29] =	ssyncadd.s32 $0xFFFFE000  }
0x284: {  	[hbm4b:s23+s3] =	stream.linear.scatter [tilespmem:s28], [sflag:$0x1], $0x2000, $0x38;
	[tilespmem:$0x18C00] =	vst v63  }
0x285: {  	_ =	swait.ge [sflag:s24], $0x2000  }
0x286: {  	s23 =	sld [smem:$0x7F9]  }
0x287: {  	[sflag:s24] =	ssyncset.done $0x0  }
0x288: {  	[sflag:s24] =	ssyncadd.s32 $0xFFFFE000  }
0x289: {  	[tilespmem:s25], [sflag:$0x3] =	stream.linear.gather [spmem:s23], $0x2000, $0x38;
	[tilespmem:$0x18C00] =	vst v63  }
0x28a: {  	_ =	swait.ge [sflag:s29], $0x2000  }
0x28b: {  	[sflag:s29] =	ssyncset.done $0x0  }
0x28c: {  	s23 =	rddreg [dreg:$0x15];
	[sflag:s29] =	ssyncadd.s32 $0xFFFFE000  }
0x28d: {  	[hbm4b:s23+s3] =	stream.linear.scatter [tilespmem:s25], [sflag:$0x2], $0x2000, $0x38;
	[tilespmem:$0x18C00] =	vst v63  }
0x28e: {  	_ =	swait.ge [sflag:s30], $0x2000  }
0x28f: {  	s23 =	sld [smem:$0x7FA]  }
0x290: {  	[sflag:s30] =	ssyncset.done $0x0  }
0x291: {  	[sflag:s30] =	ssyncadd.s32 $0xFFFFE000  }
0x292: {  	[tilespmem:s28], [sflag:$0x3] =	stream.linear.gather [spmem:s23], $0x2000, $0x38;
	[tilespmem:$0x18C00] =	vst v63  }
0x293: {  	_ =	swait.ge [sflag:s29], $0x2000  }
0x294: {  	[sflag:s29] =	ssyncset.done $0x0  }
0x295: {  	s23 =	rddreg [dreg:$0x16];
	[sflag:s29] =	ssyncadd.s32 $0xFFFFE000  }
0x296: {  	[hbm4b:s23+s3] =	stream.linear.scatter [tilespmem:s28], [sflag:$0x1], $0x2000, $0x38;
	[tilespmem:$0x18C00] =	vst v63  }
0x297: {  	_ =	swait.ge [sflag:s24], $0x2000  }
0x298: {  	s23 =	sld [smem:$0x7FD]  }
0x299: {  	[sflag:s24] =	ssyncset.done $0x0  }
0x29a: {  	[sflag:s24] =	ssyncadd.s32 $0xFFFFE000  }
0x29b: {  	[tilespmem:s25], [sflag:$0x3] =	stream.linear.gather [spmem:s23], $0x1C00, $0x38;
	[tilespmem:$0x18C00] =	vst v63  }
0x29c: {  	_ =	swait.ge [sflag:s29], $0x1C00  }
0x29d: {  	[sflag:s29] =	ssyncset.done $0x0  }
0x29e: {  	s0 =	rddreg [dreg:$0x17];
	[sflag:s29] =	ssyncadd.s32 $0xFFFFE400  }
0x29f: {  	[hbm4b:s0+s3] =	stream.linear.scatter [tilespmem:s25], [sflag:$0x2], $0x1C00, $0x38;
	[tilespmem:$0x18C00] =	vst v63  }
0x2a0: {  	_ =	swait.ge [sflag:s30], $0x2000  }
0x2a1: {  	[sflag:s30] =	ssyncset.done $0x0  }
0x2a2: {  	[sflag:s30] =	ssyncadd.s32 $0xFFFFE000  }
0x2a3: {  	_ =	swait.ge [sflag:s24], $0x1C00  }
0x2a4: {  	s0 =	sld [smem:$0x7FC];
	_ =	sdelay $0x2  }
0x2a5: {  	s25 =	sadd.s32 $0x1, s0;
	s0 =	sld [smem:$0x7FB];
	_ =	sdelay $0x2  }
0x2a6: {  	p0 =	sne.s32 s25, s0  }
.Ltmp1:
0x2a7: {  	_ = 	snop;
	(pc) =	sbr.rel @p0 .LBB2_1-.Ltmp1, $4  }
0x2a8: {  	[sflag:s24] =	ssyncset.done $0x0  }
0x2a9: {  	[sflag:s24] =	ssyncadd.s32 $0xFFFFE400;
	s24 =	rddreg [dreg:$0x1a]  }
0x2aa: {  	[smem:$0x7FC] =	sst s25  }
0x2ab: {  	s25 =	rddreg [dreg:$0x1b]  }
0x2ac: {  	_ =	sfence.sel $0x180000  }
0x2ad: {  	[bflag:$0x0] =	sbarrier.arrive $0xFFFF  }
0x2ae: {  	_ =	strace $0x9000004A  }
0x2af: {  	s0 =	stileid.u32;
	[bflag:$0x2] =	sbarrier.arrive $0xFFFF  }
0x2b0: {  	p0 =	sne.s32 s0, $0x0;
	s0 =	rddreg [dreg:$0x3]  }
0x2b1: {  	s0 =	sadd.s32 @!p0 $0x100000, s0  }
0x2b2: {  	[sflag:s0] =	ssyncadd.tile.s32 @!p0 $0x1;
	_ =	shalt  }
.Lfunc_end2:
_tile_overlayer_lowered:
.L_overlay_start_2:
0x2b3: {  	(tag) =	ssettag $0x2  }
0x2b4: {  	s0 =	rddreg [dreg:$0x0];
	s2 =	stileid.u32  }
0x2b5: {  	s1 =	rddreg [dreg:$0x1];
	p0 =	sne.s32 s2, $0x0  }
0x2b6: {  	s3 =	rddreg [dreg:$0x2];
	[bflag:$0x3] =	sbarrier.arrive $0xFFFF;
	s2 =	simm.s32 @!p0 $0x1C03  }
0x2b7: {  	[timem:s3], [sflag:s2] =	dma.local @!p0 [hbm:s0], s1  }
0x2b8: {  	s0 =	simm.s32 @!p0 $0x3  }
0x2b9: {  	_ =	swait.ge @!p0 [sflag:s0], s1  }
0x2ba: {  	s1 =	ssub.s32 @!p0 $0x0, s1;
	[sflag:s0] =	ssyncset.done @!p0 $0x0  }
0x2bb: {  	[sflag:s0] =	ssyncadd.s32 @!p0 s1  }
0x2bc: {  	[bflag:$0x3] =	sbarrier.arrive $0xFFFF  }
0x2bd: {  	_ =	shalt  }

</sc_bundles>
